<compile_context>
chip_gen: v7x
topology: tpu7x:2x2x1
jax: 0.10.2.dev20260603
libtpu: 0.0.44.dev20260713+nightly
codegen_flags: <defaults>
</compile_context>

<pallas_src>
import jax
import jax.numpy as jnp
from jax import lax
from jax.experimental import pallas as pl
from jax.experimental.pallas import tpu as pltpu
from jax.experimental.pallas import tpu_sc as plsc

_NUM_EXPERTS = 64
_TOP_K = 2
_D = 768
_B = 4
_S = 8192

_NC = 2
_NS = 16
_NW = _NC * _NS
_ROWS_W = _B * _S // _NW
_CHUNK = 64
_NCHUNK = _ROWS_W // _CHUNK
_NPANEL = _D // 128
_UNROLL = 4


def _accumulate(buf, accv):
    for g in range(_NPANEL):
        base = g * 128
        acc = tuple(accv[pl.ds(base + j * 16, 16)] for j in range(8))

        def rbody(i, a, buf=buf, base=base):
            a = list(a)
            for u in range(_UNROLL):
                r = i * _UNROLL + u
                for j in range(8):
                    a[j] = a[j] + buf[r, pl.ds(base + j * 16, 16)]
            return tuple(a)

        acc = lax.fori_loop(0, _CHUNK // _UNROLL, rbody, acc)
        for j in range(8):
            accv[pl.ds(base + j * 16, 16)] = acc[j]


def _rowsum_body(x_hbm, out_hbm, buf0, buf1, accv, sem0, sem1):
    wid = lax.axis_index("s") * _NC + lax.axis_index("c")
    row0 = wid * _ROWS_W

    def start(k, buf, sem):
        return pltpu.async_copy(
            x_hbm.at[pl.ds(row0 + k * _CHUNK, _CHUNK)], buf, sem)

    zero = jnp.zeros((16,), jnp.float32)
    for j in range(_D // 16):
        accv[pl.ds(j * 16, 16)] = zero

    start(0, buf0, sem0)

    def pair(kp, carry):
        k0 = 2 * kp
        start(k0 + 1, buf1, sem1)
        pltpu.make_async_copy(
            x_hbm.at[pl.ds(row0 + k0 * _CHUNK, _CHUNK)], buf0, sem0).wait()
        _accumulate(buf0, accv)

        @pl.when(k0 + 2 < _NCHUNK)
        def _():
            start(k0 + 2, buf0, sem0)

        pltpu.make_async_copy(
            x_hbm.at[pl.ds(row0 + (k0 + 1) * _CHUNK, _CHUNK)],
            buf1, sem1).wait()
        _accumulate(buf1, accv)
        return carry

    lax.fori_loop(0, _NCHUNK // 2, pair, 0)
    pltpu.sync_copy(accv, out_hbm.at[wid])


_rowsum_cache = []


def _get_rowsum():
    if not _rowsum_cache:
        _rowsum_cache.append(pl.kernel(
            _rowsum_body,
            out_type=jax.ShapeDtypeStruct((_NW, _D), jnp.float32),
            mesh=plsc.VectorSubcoreMesh(core_axis_name="c",
                                        subcore_axis_name="s"),
            scratch_types=[
                pltpu.VMEM((_CHUNK, _D), jnp.float32),
                pltpu.VMEM((_CHUNK, _D), jnp.float32),
                pltpu.VMEM((_D,), jnp.float32),
                pltpu.SemaphoreType.DMA,
                pltpu.SemaphoreType.DMA,
            ],
        ))
    return _rowsum_cache[0]


def _gate_body(part_ref, w_ref, gain_ref, comb_ref, idx_ref, top_ref):
    parts = part_ref[...]
    r4 = lax.broadcasted_iota(jnp.int32, (_B, _NW), 0)
    c32 = lax.broadcasted_iota(jnp.int32, (_B, _NW), 1)
    sel = jnp.where(c32 // (_NW // _B) == r4, 1.0, 0.0)
    sums = lax.dot_general(sel, parts, (((1,), (0,)), ((), ())),
                           preferred_element_type=jnp.float32)
    s = sums * (1.0 / _S)
    w = w_ref[...]
    g = gain_ref[...]
    weff = (w - jnp.mean(w, axis=1, keepdims=True)) * g
    scores = lax.dot_general(
        s, weff, (((1,), (1,)), ((), ())),
        preferred_element_type=jnp.float32)
    m = jnp.max(scores, axis=1, keepdims=True)
    e = jnp.exp(scores - m)
    p = e / jnp.sum(e, axis=1, keepdims=True)
    eidx = lax.broadcasted_iota(jnp.int32, p.shape, 1)
    big = jnp.int32(2 ** 30)
    p1 = jnp.max(p, axis=1, keepdims=True)
    i1 = jnp.min(jnp.where(p == p1, eidx, big), axis=1, keepdims=True)
    pm = jnp.where(eidx == i1, -jnp.inf, p)
    p2 = jnp.max(pm, axis=1, keepdims=True)
    i2 = jnp.min(jnp.where(pm == p2, eidx, big), axis=1, keepdims=True)
    den = p1 + p2 + 1e-9
    comb_ref[...] = (jnp.where(eidx == i1, p1 / den, 0.0)
                     + jnp.where(eidx == i2, p2 / den, 0.0))
    kidx = lax.broadcasted_iota(jnp.int32, (_B, _TOP_K), 1)
    idx_ref[...] = jnp.where(kidx == 0,
                             jnp.broadcast_to(i1, (_B, _TOP_K)),
                             jnp.broadcast_to(i2, (_B, _TOP_K)))
    top_ref[...] = jnp.where(kidx == 0,
                             jnp.broadcast_to(p1, (_B, _TOP_K)),
                             jnp.broadcast_to(p2, (_B, _TOP_K)))


_gate = pl.pallas_call(
    _gate_body,
    out_shape=(
        jax.ShapeDtypeStruct((_B, _NUM_EXPERTS), jnp.float32),
        jax.ShapeDtypeStruct((_B, _TOP_K), jnp.int32),
        jax.ShapeDtypeStruct((_B, _TOP_K), jnp.float32),
    ),
)


def kernel(x, W, gain):
    parts = _get_rowsum()(x.reshape(_B * _S, _D))
    return _gate(parts, W, gain.reshape(_NUM_EXPERTS, 1))

# --- scband reference (transcript-rebuilt; emitter-appended) ---
"""Pipeline reference for scband-router-48653389529536 (READ-ONLY COPY).

The authoritative reference and input builder live on the scoring server;
editing this copy changes nothing except your own understanding.
"""

import jax, jax.numpy as jnp
import numpy as np

NUM_EXPERTS = 64
TOP_K = 2
D_MODEL = 768
BATCH = 4
SEQ = 8192


def setup_inputs(seed: int = 0) -> dict:
    key = jax.random.key(seed)
    k1, k2 = jax.random.split(key, 2)
    x = jax.random.normal(k1, (BATCH, SEQ, D_MODEL), dtype=jnp.float32)
    # WSLinear weight (kaiming-uniform-ish init like torch.nn.Linear)
    bound = 1.0 / np.sqrt(D_MODEL)
    W = jax.random.uniform(k2, (NUM_EXPERTS, D_MODEL), dtype=jnp.float32, minval=-bound, maxval=bound)
    gain = jnp.ones((NUM_EXPERTS,), dtype=jnp.float32)
    return {"x": x, "W": W, "gain": gain}


def _ws_linear(x, W, gain):
    # Weight-standardized linear (WSLinear, bias=False, keep_init=True).
    # On the FIRST forward init_std is copied from std, so scale = init_std/std = 1.
    mean = W.mean(axis=1, keepdims=True)
    Wc = W - mean
    std = jnp.std(Wc, axis=1, keepdims=True, ddof=1) + 1e-05  # torch unbiased std
    init_std = std  # buffer captured on first forward
    scale = (init_std / std) * gain[:, None]
    Weff = scale * Wc
    return jnp.einsum('bsd,ed->bse', x, Weff)


def _gate_compute(scores):
    # Standard noisy top-k gate; perturbation is disabled (zero noise) for determinism.
    probs = jax.nn.softmax(scores, axis=-1)
    topk_gate_scores, indices = jax.lax.top_k(probs, TOP_K)
    denom = topk_gate_scores.sum(axis=-1, keepdims=True) + 1e-9
    gates = topk_gate_scores / denom
    onehot = jax.nn.one_hot(indices, NUM_EXPERTS, dtype=scores.dtype)  # [B, k, E]
    combine_tensor = jnp.einsum('bk,bke->be', gates, onehot)
    return combine_tensor, indices, topk_gate_scores


def reference(x, W, gain):
    out = _ws_linear(x, W, gain)          # [B, S, E]
    expert_scores = out.mean(axis=1)       # [B, E]  (Router._forward: out.mean(dim=1))
    perturbation = jnp.zeros_like(expert_scores)  # noise disabled for reproducibility
    combine_tensor, indices, topk_gate_scores = _gate_compute(expert_scores + perturbation)
    return combine_tensor, indices, topk_gate_scores

if __name__ == "__main__":
    import jax
    _d = setup_inputs()
    print(jax.jit(kernel)(*tuple(_d.values())))

</pallas_src>

<mosaic_0001>
#map = affine_map<(d0, d1) -> (0, 0)>
module attributes {stable_mosaic.version = 14 : i64} {
  func.func @_rowsum_body(%arg0: i32, %arg1: i32, %arg2: memref<32768x768xf32, #tpu.memory_space<hbm>>, %arg3: memref<32x768xf32, #tpu.memory_space<hbm>>, %arg4: memref<64x768xf32, #tpu.memory_space<vmem>>, %arg5: memref<64x768xf32, #tpu.memory_space<vmem>>, %arg6: memref<768xf32, #tpu.memory_space<vmem>>, %arg7: memref<!tpu.dma_semaphore, #tpu.memory_space<semaphore_mem>>, %arg8: memref<!tpu.dma_semaphore, #tpu.memory_space<semaphore_mem>>) attributes {dimension_semantics = [#tpu.dimension_semantics<core_parallel>, #tpu.dimension_semantics<subcore_parallel>], iteration_bounds = array<i64: 2, 16>, scalar_prefetch = 0 : i64, scratch_operands = 5 : i64, tpu.core_type = #tpu.core_type<sc_vector_subcore>, window_params = [{transform_indices = #map}, {transform_indices = #map}]} {
    %mul3A = arith.constant 2 : i32
    %mul3A_0 = arith.muli %arg1, %mul3A : i32
    %add3A = arith.addi %mul3A_0, %arg0 : i32
    %mul3A_1 = arith.constant 1024 : i32
    %mul3A_2 = arith.muli %add3A, %mul3A_1 : i32
    %broadcast_in_dim3A = arith.constant 0.000000e+00 : f32
    %broadcast_in_dim3A_3 = vector.broadcast %broadcast_in_dim3A : f32 to vector<16xf32>
    %swap3A = arith.constant 0 : index
    %swap3A_4 = tpu.vector_load %arg6[%swap3A] {strides = array<i32>} : memref<768xf32, #tpu.memory_space<vmem>>, vector<16xf32>,
    %swap3A_5 = vector.shape_cast %swap3A_4 : vector<16xf32> to vector<16xf32>
    %swap3A_6 = vector.shape_cast %broadcast_in_dim3A_3 : vector<16xf32> to vector<16xf32>
    tpu.vector_store %arg6[%swap3A], %swap3A_6 {strides = array<i32>} : memref<768xf32, #tpu.memory_space<vmem>>, vector<16xf32>,
    %swap3A_7 = arith.constant 16 : index
    %swap3A_8 = tpu.vector_load %arg6[%swap3A_7] {strides = array<i32>} : memref<768xf32, #tpu.memory_space<vmem>>, vector<16xf32>,
    %swap3A_9 = vector.shape_cast %swap3A_8 : vector<16xf32> to vector<16xf32>
    %swap3A_10 = vector.shape_cast %broadcast_in_dim3A_3 : vector<16xf32> to vector<16xf32>
    tpu.vector_store %arg6[%swap3A_7], %swap3A_10 {strides = array<i32>} : memref<768xf32, #tpu.memory_space<vmem>>, vector<16xf32>,
    %swap3A_11 = arith.constant 32 : index
    %swap3A_12 = tpu.vector_load %arg6[%swap3A_11] {strides = array<i32>} : memref<768xf32, #tpu.memory_space<vmem>>, vector<16xf32>,
    %swap3A_13 = vector.shape_cast %swap3A_12 : vector<16xf32> to vector<16xf32>
    %swap3A_14 = vector.shape_cast %broadcast_in_dim3A_3 : vector<16xf32> to vector<16xf32>
    tpu.vector_store %arg6[%swap3A_11], %swap3A_14 {strides = array<i32>} : memref<768xf32, #tpu.memory_space<vmem>>, vector<16xf32>,
    %swap3A_15 = arith.constant 48 : index
    %swap3A_16 = tpu.vector_load %arg6[%swap3A_15] {strides = array<i32>} : memref<768xf32, #tpu.memory_space<vmem>>, vector<16xf32>,
    %swap3A_17 = vector.shape_cast %swap3A_16 : vector<16xf32> to vector<16xf32>
    %swap3A_18 = vector.shape_cast %broadcast_in_dim3A_3 : vector<16xf32> to vector<16xf32>
    tpu.vector_store %arg6[%swap3A_15], %swap3A_18 {strides = array<i32>} : memref<768xf32, #tpu.memory_space<vmem>>, vector<16xf32>,
    %swap3A_19 = arith.constant 64 : index
    %swap3A_20 = tpu.vector_load %arg6[%swap3A_19] {strides = array<i32>} : memref<768xf32, #tpu.memory_space<vmem>>, vector<16xf32>,
    %swap3A_21 = vector.shape_cast %swap3A_20 : vector<16xf32> to vector<16xf32>
    %swap3A_22 = vector.shape_cast %broadcast_in_dim3A_3 : vector<16xf32> to vector<16xf32>
    tpu.vector_store %arg6[%swap3A_19], %swap3A_22 {strides = array<i32>} : memref<768xf32, #tpu.memory_space<vmem>>, vector<16xf32>,
    %swap3A_23 = arith.constant 80 : index
    %swap3A_24 = tpu.vector_load %arg6[%swap3A_23] {strides = array<i32>} : memref<768xf32, #tpu.memory_space<vmem>>, vector<16xf32>,
    %swap3A_25 = vector.shape_cast %swap3A_24 : vector<16xf32> to vector<16xf32>
    %swap3A_26 = vector.shape_cast %broadcast_in_dim3A_3 : vector<16xf32> to vector<16xf32>
    tpu.vector_store %arg6[%swap3A_23], %swap3A_26 {strides = array<i32>} : memref<768xf32, #tpu.memory_space<vmem>>, vector<16xf32>,
    %swap3A_27 = arith.constant 96 : index
    %swap3A_28 = tpu.vector_load %arg6[%swap3A_27] {strides = array<i32>} : memref<768xf32, #tpu.memory_space<vmem>>, vector<16xf32>,
    %swap3A_29 = vector.shape_cast %swap3A_28 : vector<16xf32> to vector<16xf32>
    %swap3A_30 = vector.shape_cast %broadcast_in_dim3A_3 : vector<16xf32> to vector<16xf32>
    tpu.vector_store %arg6[%swap3A_27], %swap3A_30 {strides = array<i32>} : memref<768xf32, #tpu.memory_space<vmem>>, vector<16xf32>,
    %swap3A_31 = arith.constant 112 : index
    %swap3A_32 = tpu.vector_load %arg6[%swap3A_31] {strides = array<i32>} : memref<768xf32, #tpu.memory_space<vmem>>, vector<16xf32>,
    %swap3A_33 = vector.shape_cast %swap3A_32 : vector<16xf32> to vector<16xf32>
    %swap3A_34 = vector.shape_cast %broadcast_in_dim3A_3 : vector<16xf32> to vector<16xf32>
    tpu.vector_store %arg6[%swap3A_31], %swap3A_34 {strides = array<i32>} : memref<768xf32, #tpu.memory_space<vmem>>, vector<16xf32>,
    %swap3A_35 = arith.constant 128 : index
    %swap3A_36 = tpu.vector_load %arg6[%swap3A_35] {strides = array<i32>} : memref<768xf32, #tpu.memory_space<vmem>>, vector<16xf32>,
    %swap3A_37 = vector.shape_cast %swap3A_36 : vector<16xf32> to vector<16xf32>
    %swap3A_38 = vector.shape_cast %broadcast_in_dim3A_3 : vector<16xf32> to vector<16xf32>
    tpu.vector_store %arg6[%swap3A_35], %swap3A_38 {strides = array<i32>} : memref<768xf32, #tpu.memory_space<vmem>>, vector<16xf32>,
    %swap3A_39 = arith.constant 144 : index
    %swap3A_40 = tpu.vector_load %arg6[%swap3A_39] {strides = array<i32>} : memref<768xf32, #tpu.memory_space<vmem>>, vector<16xf32>,
    %swap3A_41 = vector.shape_cast %swap3A_40 : vector<16xf32> to vector<16xf32>
    %swap3A_42 = vector.shape_cast %broadcast_in_dim3A_3 : vector<16xf32> to vector<16xf32>
    tpu.vector_store %arg6[%swap3A_39], %swap3A_42 {strides = array<i32>} : memref<768xf32, #tpu.memory_space<vmem>>, vector<16xf32>,
    %swap3A_43 = arith.constant 160 : index
    %swap3A_44 = tpu.vector_load %arg6[%swap3A_43] {strides = array<i32>} : memref<768xf32, #tpu.memory_space<vmem>>, vector<16xf32>,
    %swap3A_45 = vector.shape_cast %swap3A_44 : vector<16xf32> to vector<16xf32>
    %swap3A_46 = vector.shape_cast %broadcast_in_dim3A_3 : vector<16xf32> to vector<16xf32>
    tpu.vector_store %arg6[%swap3A_43], %swap3A_46 {strides = array<i32>} : memref<768xf32, #tpu.memory_space<vmem>>, vector<16xf32>,
    %swap3A_47 = arith.constant 176 : index
    %swap3A_48 = tpu.vector_load %arg6[%swap3A_47] {strides = array<i32>} : memref<768xf32, #tpu.memory_space<vmem>>, vector<16xf32>,
    %swap3A_49 = vector.shape_cast %swap3A_48 : vector<16xf32> to vector<16xf32>
    %swap3A_50 = vector.shape_cast %broadcast_in_dim3A_3 : vector<16xf32> to vector<16xf32>
    tpu.vector_store %arg6[%swap3A_47], %swap3A_50 {strides = array<i32>} : memref<768xf32, #tpu.memory_space<vmem>>, vector<16xf32>,
    %swap3A_51 = arith.constant 192 : index
    %swap3A_52 = tpu.vector_load %arg6[%swap3A_51] {strides = array<i32>} : memref<768xf32, #tpu.memory_space<vmem>>, vector<16xf32>,
    %swap3A_53 = vector.shape_cast %swap3A_52 : vector<16xf32> to vector<16xf32>
    %swap3A_54 = vector.shape_cast %broadcast_in_dim3A_3 : vector<16xf32> to vector<16xf32>
    tpu.vector_store %arg6[%swap3A_51], %swap3A_54 {strides = array<i32>} : memref<768xf32, #tpu.memory_space<vmem>>, vector<16xf32>,
    %swap3A_55 = arith.constant 208 : index
    %swap3A_56 = tpu.vector_load %arg6[%swap3A_55] {strides = array<i32>} : memref<768xf32, #tpu.memory_space<vmem>>, vector<16xf32>,
    %swap3A_57 = vector.shape_cast %swap3A_56 : vector<16xf32> to vector<16xf32>
    %swap3A_58 = vector.shape_cast %broadcast_in_dim3A_3 : vector<16xf32> to vector<16xf32>
    tpu.vector_store %arg6[%swap3A_55], %swap3A_58 {strides = array<i32>} : memref<768xf32, #tpu.memory_space<vmem>>, vector<16xf32>,
    %swap3A_59 = arith.constant 224 : index
    %swap3A_60 = tpu.vector_load %arg6[%swap3A_59] {strides = array<i32>} : memref<768xf32, #tpu.memory_space<vmem>>, vector<16xf32>,
    %swap3A_61 = vector.shape_cast %swap3A_60 : vector<16xf32> to vector<16xf32>
    %swap3A_62 = vector.shape_cast %broadcast_in_dim3A_3 : vector<16xf32> to vector<16xf32>
    tpu.vector_store %arg6[%swap3A_59], %swap3A_62 {strides = array<i32>} : memref<768xf32, #tpu.memory_space<vmem>>, vector<16xf32>,
    %swap3A_63 = arith.constant 240 : index
    %swap3A_64 = tpu.vector_load %arg6[%swap3A_63] {strides = array<i32>} : memref<768xf32, #tpu.memory_space<vmem>>, vector<16xf32>,
    %swap3A_65 = vector.shape_cast %swap3A_64 : vector<16xf32> to vector<16xf32>
    %swap3A_66 = vector.shape_cast %broadcast_in_dim3A_3 : vector<16xf32> to vector<16xf32>
    tpu.vector_store %arg6[%swap3A_63], %swap3A_66 {strides = array<i32>} : memref<768xf32, #tpu.memory_space<vmem>>, vector<16xf32>,
    %swap3A_67 = arith.constant 256 : index
    %swap3A_68 = tpu.vector_load %arg6[%swap3A_67] {strides = array<i32>} : memref<768xf32, #tpu.memory_space<vmem>>, vector<16xf32>,
    %swap3A_69 = vector.shape_cast %swap3A_68 : vector<16xf32> to vector<16xf32>
    %swap3A_70 = vector.shape_cast %broadcast_in_dim3A_3 : vector<16xf32> to vector<16xf32>
    tpu.vector_store %arg6[%swap3A_67], %swap3A_70 {strides = array<i32>} : memref<768xf32, #tpu.memory_space<vmem>>, vector<16xf32>,
    %swap3A_71 = arith.constant 272 : index
    %swap3A_72 = tpu.vector_load %arg6[%swap3A_71] {strides = array<i32>} : memref<768xf32, #tpu.memory_space<vmem>>, vector<16xf32>,
    %swap3A_73 = vector.shape_cast %swap3A_72 : vector<16xf32> to vector<16xf32>
    %swap3A_74 = vector.shape_cast %broadcast_in_dim3A_3 : vector<16xf32> to vector<16xf32>
    tpu.vector_store %arg6[%swap3A_71], %swap3A_74 {strides = array<i32>} : memref<768xf32, #tpu.memory_space<vmem>>, vector<16xf32>,
    %swap3A_75 = arith.constant 288 : index
    %swap3A_76 = tpu.vector_load %arg6[%swap3A_75] {strides = array<i32>} : memref<768xf32, #tpu.memory_space<vmem>>, vector<16xf32>,
    %swap3A_77 = vector.shape_cast %swap3A_76 : vector<16xf32> to vector<16xf32>
    %swap3A_78 = vector.shape_cast %broadcast_in_dim3A_3 : vector<16xf32> to vector<16xf32>
    tpu.vector_store %arg6[%swap3A_75], %swap3A_78 {strides = array<i32>} : memref<768xf32, #tpu.memory_space<vmem>>, vector<16xf32>,
    %swap3A_79 = arith.constant 304 : index
    %swap3A_80 = tpu.vector_load %arg6[%swap3A_79] {strides = array<i32>} : memref<768xf32, #tpu.memory_space<vmem>>, vector<16xf32>,
    %swap3A_81 = vector.shape_cast %swap3A_80 : vector<16xf32> to vector<16xf32>
    %swap3A_82 = vector.shape_cast %broadcast_in_dim3A_3 : vector<16xf32> to vector<16xf32>
    tpu.vector_store %arg6[%swap3A_79], %swap3A_82 {strides = array<i32>} : memref<768xf32, #tpu.memory_space<vmem>>, vector<16xf32>,
    %swap3A_83 = arith.constant 320 : index
    %swap3A_84 = tpu.vector_load %arg6[%swap3A_83] {strides = array<i32>} : memref<768xf32, #tpu.memory_space<vmem>>, vector<16xf32>,
    %swap3A_85 = vector.shape_cast %swap3A_84 : vector<16xf32> to vector<16xf32>
    %swap3A_86 = vector.shape_cast %broadcast_in_dim3A_3 : vector<16xf32> to vector<16xf32>
    tpu.vector_store %arg6[%swap3A_83], %swap3A_86 {strides = array<i32>} : memref<768xf32, #tpu.memory_space<vmem>>, vector<16xf32>,
    %swap3A_87 = arith.constant 336 : index
    %swap3A_88 = tpu.vector_load %arg6[%swap3A_87] {strides = array<i32>} : memref<768xf32, #tpu.memory_space<vmem>>, vector<16xf32>,
    %swap3A_89 = vector.shape_cast %swap3A_88 : vector<16xf32> to vector<16xf32>
    %swap3A_90 = vector.shape_cast %broadcast_in_dim3A_3 : vector<16xf32> to vector<16xf32>
    tpu.vector_store %arg6[%swap3A_87], %swap3A_90 {strides = array<i32>} : memref<768xf32, #tpu.memory_space<vmem>>, vector<16xf32>,
    %swap3A_91 = arith.constant 352 : index
    %swap3A_92 = tpu.vector_load %arg6[%swap3A_91] {strides = array<i32>} : memref<768xf32, #tpu.memory_space<vmem>>, vector<16xf32>,
    %swap3A_93 = vector.shape_cast %swap3A_92 : vector<16xf32> to vector<16xf32>
    %swap3A_94 = vector.shape_cast %broadcast_in_dim3A_3 : vector<16xf32> to vector<16xf32>
    tpu.vector_store %arg6[%swap3A_91], %swap3A_94 {strides = array<i32>} : memref<768xf32, #tpu.memory_space<vmem>>, vector<16xf32>,
    %swap3A_95 = arith.constant 368 : index
    %swap3A_96 = tpu.vector_load %arg6[%swap3A_95] {strides = array<i32>} : memref<768xf32, #tpu.memory_space<vmem>>, vector<16xf32>,
    %swap3A_97 = vector.shape_cast %swap3A_96 : vector<16xf32> to vector<16xf32>
    %swap3A_98 = vector.shape_cast %broadcast_in_dim3A_3 : vector<16xf32> to vector<16xf32>
    tpu.vector_store %arg6[%swap3A_95], %swap3A_98 {strides = array<i32>} : memref<768xf32, #tpu.memory_space<vmem>>, vector<16xf32>,
    %swap3A_99 = arith.constant 384 : index
    %swap3A_100 = tpu.vector_load %arg6[%swap3A_99] {strides = array<i32>} : memref<768xf32, #tpu.memory_space<vmem>>, vector<16xf32>,
    %swap3A_101 = vector.shape_cast %swap3A_100 : vector<16xf32> to vector<16xf32>
    %swap3A_102 = vector.shape_cast %broadcast_in_dim3A_3 : vector<16xf32> to vector<16xf32>
    tpu.vector_store %arg6[%swap3A_99], %swap3A_102 {strides = array<i32>} : memref<768xf32, #tpu.memory_space<vmem>>, vector<16xf32>,
    %swap3A_103 = arith.constant 400 : index
    %swap3A_104 = tpu.vector_load %arg6[%swap3A_103] {strides = array<i32>} : memref<768xf32, #tpu.memory_space<vmem>>, vector<16xf32>,
    %swap3A_105 = vector.shape_cast %swap3A_104 : vector<16xf32> to vector<16xf32>
    %swap3A_106 = vector.shape_cast %broadcast_in_dim3A_3 : vector<16xf32> to vector<16xf32>
    tpu.vector_store %arg6[%swap3A_103], %swap3A_106 {strides = array<i32>} : memref<768xf32, #tpu.memory_space<vmem>>, vector<16xf32>,
    %swap3A_107 = arith.constant 416 : index
    %swap3A_108 = tpu.vector_load %arg6[%swap3A_107] {strides = array<i32>} : memref<768xf32, #tpu.memory_space<vmem>>, vector<16xf32>,
    %swap3A_109 = vector.shape_cast %swap3A_108 : vector<16xf32> to vector<16xf32>
    %swap3A_110 = vector.shape_cast %broadcast_in_dim3A_3 : vector<16xf32> to vector<16xf32>
    tpu.vector_store %arg6[%swap3A_107], %swap3A_110 {strides = array<i32>} : memref<768xf32, #tpu.memory_space<vmem>>, vector<16xf32>,
    %swap3A_111 = arith.constant 432 : index
    %swap3A_112 = tpu.vector_load %arg6[%swap3A_111] {strides = array<i32>} : memref<768xf32, #tpu.memory_space<vmem>>, vector<16xf32>,
    %swap3A_113 = vector.shape_cast %swap3A_112 : vector<16xf32> to vector<16xf32>
    %swap3A_114 = vector.shape_cast %broadcast_in_dim3A_3 : vector<16xf32> to vector<16xf32>
    tpu.vector_store %arg6[%swap3A_111], %swap3A_114 {strides = array<i32>} : memref<768xf32, #tpu.memory_space<vmem>>, vector<16xf32>,
    %swap3A_115 = arith.constant 448 : index
    %swap3A_116 = tpu.vector_load %arg6[%swap3A_115] {strides = array<i32>} : memref<768xf32, #tpu.memory_space<vmem>>, vector<16xf32>,
    %swap3A_117 = vector.shape_cast %swap3A_116 : vector<16xf32> to vector<16xf32>
    %swap3A_118 = vector.shape_cast %broadcast_in_dim3A_3 : vector<16xf32> to vector<16xf32>
    tpu.vector_store %arg6[%swap3A_115], %swap3A_118 {strides = array<i32>} : memref<768xf32, #tpu.memory_space<vmem>>, vector<16xf32>,
    %swap3A_119 = arith.constant 464 : index
    %swap3A_120 = tpu.vector_load %arg6[%swap3A_119] {strides = array<i32>} : memref<768xf32, #tpu.memory_space<vmem>>, vector<16xf32>,
    %swap3A_121 = vector.shape_cast %swap3A_120 : vector<16xf32> to vector<16xf32>
    %swap3A_122 = vector.shape_cast %broadcast_in_dim3A_3 : vector<16xf32> to vector<16xf32>
    tpu.vector_store %arg6[%swap3A_119], %swap3A_122 {strides = array<i32>} : memref<768xf32, #tpu.memory_space<vmem>>, vector<16xf32>,
    %swap3A_123 = arith.constant 480 : index
    %swap3A_124 = tpu.vector_load %arg6[%swap3A_123] {strides = array<i32>} : memref<768xf32, #tpu.memory_space<vmem>>, vector<16xf32>,
    %swap3A_125 = vector.shape_cast %swap3A_124 : vector<16xf32> to vector<16xf32>
    %swap3A_126 = vector.shape_cast %broadcast_in_dim3A_3 : vector<16xf32> to vector<16xf32>
    tpu.vector_store %arg6[%swap3A_123], %swap3A_126 {strides = array<i32>} : memref<768xf32, #tpu.memory_space<vmem>>, vector<16xf32>,
    %swap3A_127 = arith.constant 496 : index
    %swap3A_128 = tpu.vector_load %arg6[%swap3A_127] {strides = array<i32>} : memref<768xf32, #tpu.memory_space<vmem>>, vector<16xf32>,
    %swap3A_129 = vector.shape_cast %swap3A_128 : vector<16xf32> to vector<16xf32>
    %swap3A_130 = vector.shape_cast %broadcast_in_dim3A_3 : vector<16xf32> to vector<16xf32>
    tpu.vector_store %arg6[%swap3A_127], %swap3A_130 {strides = array<i32>} : memref<768xf32, #tpu.memory_space<vmem>>, vector<16xf32>,
    %swap3A_131 = arith.constant 512 : index
    %swap3A_132 = tpu.vector_load %arg6[%swap3A_131] {strides = array<i32>} : memref<768xf32, #tpu.memory_space<vmem>>, vector<16xf32>,
    %swap3A_133 = vector.shape_cast %swap3A_132 : vector<16xf32> to vector<16xf32>
    %swap3A_134 = vector.shape_cast %broadcast_in_dim3A_3 : vector<16xf32> to vector<16xf32>
    tpu.vector_store %arg6[%swap3A_131], %swap3A_134 {strides = array<i32>} : memref<768xf32, #tpu.memory_space<vmem>>, vector<16xf32>,
    %swap3A_135 = arith.constant 528 : index
    %swap3A_136 = tpu.vector_load %arg6[%swap3A_135] {strides = array<i32>} : memref<768xf32, #tpu.memory_space<vmem>>, vector<16xf32>,
    %swap3A_137 = vector.shape_cast %swap3A_136 : vector<16xf32> to vector<16xf32>
    %swap3A_138 = vector.shape_cast %broadcast_in_dim3A_3 : vector<16xf32> to vector<16xf32>
    tpu.vector_store %arg6[%swap3A_135], %swap3A_138 {strides = array<i32>} : memref<768xf32, #tpu.memory_space<vmem>>, vector<16xf32>,
    %swap3A_139 = arith.constant 544 : index
    %swap3A_140 = tpu.vector_load %arg6[%swap3A_139] {strides = array<i32>} : memref<768xf32, #tpu.memory_space<vmem>>, vector<16xf32>,
    %swap3A_141 = vector.shape_cast %swap3A_140 : vector<16xf32> to vector<16xf32>
    %swap3A_142 = vector.shape_cast %broadcast_in_dim3A_3 : vector<16xf32> to vector<16xf32>
    tpu.vector_store %arg6[%swap3A_139], %swap3A_142 {strides = array<i32>} : memref<768xf32, #tpu.memory_space<vmem>>, vector<16xf32>,
    %swap3A_143 = arith.constant 560 : index
    %swap3A_144 = tpu.vector_load %arg6[%swap3A_143] {strides = array<i32>} : memref<768xf32, #tpu.memory_space<vmem>>, vector<16xf32>,
    %swap3A_145 = vector.shape_cast %swap3A_144 : vector<16xf32> to vector<16xf32>
    %swap3A_146 = vector.shape_cast %broadcast_in_dim3A_3 : vector<16xf32> to vector<16xf32>
    tpu.vector_store %arg6[%swap3A_143], %swap3A_146 {strides = array<i32>} : memref<768xf32, #tpu.memory_space<vmem>>, vector<16xf32>,
    %swap3A_147 = arith.constant 576 : index
    %swap3A_148 = tpu.vector_load %arg6[%swap3A_147] {strides = array<i32>} : memref<768xf32, #tpu.memory_space<vmem>>, vector<16xf32>,
    %swap3A_149 = vector.shape_cast %swap3A_148 : vector<16xf32> to vector<16xf32>
    %swap3A_150 = vector.shape_cast %broadcast_in_dim3A_3 : vector<16xf32> to vector<16xf32>
    tpu.vector_store %arg6[%swap3A_147], %swap3A_150 {strides = array<i32>} : memref<768xf32, #tpu.memory_space<vmem>>, vector<16xf32>,
    %swap3A_151 = arith.constant 592 : index
    %swap3A_152 = tpu.vector_load %arg6[%swap3A_151] {strides = array<i32>} : memref<768xf32, #tpu.memory_space<vmem>>, vector<16xf32>,
    %swap3A_153 = vector.shape_cast %swap3A_152 : vector<16xf32> to vector<16xf32>
    %swap3A_154 = vector.shape_cast %broadcast_in_dim3A_3 : vector<16xf32> to vector<16xf32>
    tpu.vector_store %arg6[%swap3A_151], %swap3A_154 {strides = array<i32>} : memref<768xf32, #tpu.memory_space<vmem>>, vector<16xf32>,
    %swap3A_155 = arith.constant 608 : index
    %swap3A_156 = tpu.vector_load %arg6[%swap3A_155] {strides = array<i32>} : memref<768xf32, #tpu.memory_space<vmem>>, vector<16xf32>,
    %swap3A_157 = vector.shape_cast %swap3A_156 : vector<16xf32> to vector<16xf32>
    %swap3A_158 = vector.shape_cast %broadcast_in_dim3A_3 : vector<16xf32> to vector<16xf32>
    tpu.vector_store %arg6[%swap3A_155], %swap3A_158 {strides = array<i32>} : memref<768xf32, #tpu.memory_space<vmem>>, vector<16xf32>,
    %swap3A_159 = arith.constant 624 : index
    %swap3A_160 = tpu.vector_load %arg6[%swap3A_159] {strides = array<i32>} : memref<768xf32, #tpu.memory_space<vmem>>, vector<16xf32>,
    %swap3A_161 = vector.shape_cast %swap3A_160 : vector<16xf32> to vector<16xf32>
    %swap3A_162 = vector.shape_cast %broadcast_in_dim3A_3 : vector<16xf32> to vector<16xf32>
    tpu.vector_store %arg6[%swap3A_159], %swap3A_162 {strides = array<i32>} : memref<768xf32, #tpu.memory_space<vmem>>, vector<16xf32>,
    %swap3A_163 = arith.constant 640 : index
    %swap3A_164 = tpu.vector_load %arg6[%swap3A_163] {strides = array<i32>} : memref<768xf32, #tpu.memory_space<vmem>>, vector<16xf32>,
    %swap3A_165 = vector.shape_cast %swap3A_164 : vector<16xf32> to vector<16xf32>
    %swap3A_166 = vector.shape_cast %broadcast_in_dim3A_3 : vector<16xf32> to vector<16xf32>
    tpu.vector_store %arg6[%swap3A_163], %swap3A_166 {strides = array<i32>} : memref<768xf32, #tpu.memory_space<vmem>>, vector<16xf32>,
    %swap3A_167 = arith.constant 656 : index
    %swap3A_168 = tpu.vector_load %arg6[%swap3A_167] {strides = array<i32>} : memref<768xf32, #tpu.memory_space<vmem>>, vector<16xf32>,
    %swap3A_169 = vector.shape_cast %swap3A_168 : vector<16xf32> to vector<16xf32>
    %swap3A_170 = vector.shape_cast %broadcast_in_dim3A_3 : vector<16xf32> to vector<16xf32>
    tpu.vector_store %arg6[%swap3A_167], %swap3A_170 {strides = array<i32>} : memref<768xf32, #tpu.memory_space<vmem>>, vector<16xf32>,
    %swap3A_171 = arith.constant 672 : index
    %swap3A_172 = tpu.vector_load %arg6[%swap3A_171] {strides = array<i32>} : memref<768xf32, #tpu.memory_space<vmem>>, vector<16xf32>,
    %swap3A_173 = vector.shape_cast %swap3A_172 : vector<16xf32> to vector<16xf32>
    %swap3A_174 = vector.shape_cast %broadcast_in_dim3A_3 : vector<16xf32> to vector<16xf32>
    tpu.vector_store %arg6[%swap3A_171], %swap3A_174 {strides = array<i32>} : memref<768xf32, #tpu.memory_space<vmem>>, vector<16xf32>,
    %swap3A_175 = arith.constant 688 : index
    %swap3A_176 = tpu.vector_load %arg6[%swap3A_175] {strides = array<i32>} : memref<768xf32, #tpu.memory_space<vmem>>, vector<16xf32>,
    %swap3A_177 = vector.shape_cast %swap3A_176 : vector<16xf32> to vector<16xf32>
    %swap3A_178 = vector.shape_cast %broadcast_in_dim3A_3 : vector<16xf32> to vector<16xf32>
    tpu.vector_store %arg6[%swap3A_175], %swap3A_178 {strides = array<i32>} : memref<768xf32, #tpu.memory_space<vmem>>, vector<16xf32>,
    %swap3A_179 = arith.constant 704 : index
    %swap3A_180 = tpu.vector_load %arg6[%swap3A_179] {strides = array<i32>} : memref<768xf32, #tpu.memory_space<vmem>>, vector<16xf32>,
    %swap3A_181 = vector.shape_cast %swap3A_180 : vector<16xf32> to vector<16xf32>
    %swap3A_182 = vector.shape_cast %broadcast_in_dim3A_3 : vector<16xf32> to vector<16xf32>
    tpu.vector_store %arg6[%swap3A_179], %swap3A_182 {strides = array<i32>} : memref<768xf32, #tpu.memory_space<vmem>>, vector<16xf32>,
    %swap3A_183 = arith.constant 720 : index
    %swap3A_184 = tpu.vector_load %arg6[%swap3A_183] {strides = array<i32>} : memref<768xf32, #tpu.memory_space<vmem>>, vector<16xf32>,
    %swap3A_185 = vector.shape_cast %swap3A_184 : vector<16xf32> to vector<16xf32>
    %swap3A_186 = vector.shape_cast %broadcast_in_dim3A_3 : vector<16xf32> to vector<16xf32>
    tpu.vector_store %arg6[%swap3A_183], %swap3A_186 {strides = array<i32>} : memref<768xf32, #tpu.memory_space<vmem>>, vector<16xf32>,
    %swap3A_187 = arith.constant 736 : index
    %swap3A_188 = tpu.vector_load %arg6[%swap3A_187] {strides = array<i32>} : memref<768xf32, #tpu.memory_space<vmem>>, vector<16xf32>,
    %swap3A_189 = vector.shape_cast %swap3A_188 : vector<16xf32> to vector<16xf32>
    %swap3A_190 = vector.shape_cast %broadcast_in_dim3A_3 : vector<16xf32> to vector<16xf32>
    tpu.vector_store %arg6[%swap3A_187], %swap3A_190 {strides = array<i32>} : memref<768xf32, #tpu.memory_space<vmem>>, vector<16xf32>,
    %swap3A_191 = arith.constant 752 : index
    %swap3A_192 = tpu.vector_load %arg6[%swap3A_191] {strides = array<i32>} : memref<768xf32, #tpu.memory_space<vmem>>, vector<16xf32>,
    %swap3A_193 = vector.shape_cast %swap3A_192 : vector<16xf32> to vector<16xf32>
    %swap3A_194 = vector.shape_cast %broadcast_in_dim3A_3 : vector<16xf32> to vector<16xf32>
    tpu.vector_store %arg6[%swap3A_191], %swap3A_194 {strides = array<i32>} : memref<768xf32, #tpu.memory_space<vmem>>, vector<16xf32>,
    %add3A_195 = arith.constant 0 : i32
    %add3A_196 = arith.addi %mul3A_2, %add3A_195 : i32
    %dma_start3A = arith.constant 0 : i32
    %dma_start3A_197 = tpu.memref_slice %arg2[%add3A_196, %dma_start3A] : memref<32768x768xf32, #tpu.memory_space<hbm>> -> memref<64x768xf32, #tpu.memory_space<hbm>>
    %dma_start3A_198 = arith.constant 0 : i32
    %dma_start3A_199 = tpu.memref_slice %arg2[%add3A_196, %dma_start3A_198] : memref<32768x768xf32, #tpu.memory_space<hbm>> -> memref<64x768xf32, #tpu.memory_space<hbm>>
    tpu.enqueue_dma source(%dma_start3A_199 : memref<64x768xf32, #tpu.memory_space<hbm>>) target(%arg4 : memref<64x768xf32, #tpu.memory_space<vmem>>) target_semaphore(%arg7 : memref<!tpu.dma_semaphore, #tpu.memory_space<semaphore_mem>>)
    %scan3A = arith.constant 0 : i32
    %scan3A_200 = arith.constant 0 : i32
    %scan3A_201 = arith.constant 8 : i32
    %scan3A_202 = arith.addi %scan3A_200, %scan3A_201 : i32
    %scan3A_203 = arith.constant 1 : i32
    scf.for %scan3A_205 = %scan3A_200 to %scan3A_202 step %scan3A_203  : i32 {
      %mul3A_206 = arith.constant 2 : i32
      %mul3A_207 = arith.muli %mul3A_206, %scan3A_205 : i32
      %add3A_208 = arith.constant 1 : i32
      %add3A_209 = arith.addi %mul3A_207, %add3A_208 : i32
      %mul3A_210 = arith.constant 64 : i32
      %mul3A_211 = arith.muli %add3A_209, %mul3A_210 : i32
      %add3A_212 = arith.addi %mul3A_2, %mul3A_211 : i32
      %dma_start3A_213 = arith.constant 0 : i32
      %dma_start3A_214 = tpu.memref_slice %arg2[%add3A_212, %dma_start3A_213] : memref<32768x768xf32, #tpu.memory_space<hbm>> -> memref<64x768xf32, #tpu.memory_space<hbm>>
      %dma_start3A_215 = arith.constant 0 : i32
      %dma_start3A_216 = tpu.memref_slice %arg2[%add3A_212, %dma_start3A_215] : memref<32768x768xf32, #tpu.memory_space<hbm>> -> memref<64x768xf32, #tpu.memory_space<hbm>>
      tpu.enqueue_dma source(%dma_start3A_216 : memref<64x768xf32, #tpu.memory_space<hbm>>) target(%arg5 : memref<64x768xf32, #tpu.memory_space<vmem>>) target_semaphore(%arg8 : memref<!tpu.dma_semaphore, #tpu.memory_space<semaphore_mem>>)
      %mul3A_217 = arith.constant 64 : i32
      %mul3A_218 = arith.muli %mul3A_207, %mul3A_217 : i32
      %add3A_219 = arith.addi %mul3A_2, %mul3A_218 : i32
      %dma_wait3A = arith.constant 0 : i32
      %dma_wait3A_220 = tpu.memref_slice %arg2[%add3A_219, %dma_wait3A] : memref<32768x768xf32, #tpu.memory_space<hbm>> -> memref<64x768xf32, #tpu.memory_space<hbm>>
      %dma_wait3A_221 = arith.constant 0 : i32
      %dma_wait3A_222 = tpu.memref_slice %arg2[%add3A_219, %dma_wait3A_221] : memref<32768x768xf32, #tpu.memory_space<hbm>> -> memref<64x768xf32, #tpu.memory_space<hbm>>
      tpu.wait_dma2 semaphore(%arg7 : memref<!tpu.dma_semaphore, #tpu.memory_space<semaphore_mem>>) src(%dma_wait3A_222 : memref<64x768xf32, #tpu.memory_space<hbm>>) dst(%arg4 : memref<64x768xf32, #tpu.memory_space<vmem>>)
      %get3A = arith.constant 0 : index
      %get3A_223 = tpu.vector_load %arg6[%get3A] {strides = array<i32>} : memref<768xf32, #tpu.memory_space<vmem>>, vector<16xf32>,
      %get3A_224 = vector.shape_cast %get3A_223 : vector<16xf32> to vector<16xf32>
      %get3A_225 = arith.constant 16 : index
      %get3A_226 = tpu.vector_load %arg6[%get3A_225] {strides = array<i32>} : memref<768xf32, #tpu.memory_space<vmem>>, vector<16xf32>,
      %get3A_227 = vector.shape_cast %get3A_226 : vector<16xf32> to vector<16xf32>
      %get3A_228 = arith.constant 32 : index
      %get3A_229 = tpu.vector_load %arg6[%get3A_228] {strides = array<i32>} : memref<768xf32, #tpu.memory_space<vmem>>, vector<16xf32>,
      %get3A_230 = vector.shape_cast %get3A_229 : vector<16xf32> to vector<16xf32>
      %get3A_231 = arith.constant 48 : index
      %get3A_232 = tpu.vector_load %arg6[%get3A_231] {strides = array<i32>} : memref<768xf32, #tpu.memory_space<vmem>>, vector<16xf32>,
      %get3A_233 = vector.shape_cast %get3A_232 : vector<16xf32> to vector<16xf32>
      %get3A_234 = arith.constant 64 : index
      %get3A_235 = tpu.vector_load %arg6[%get3A_234] {strides = array<i32>} : memref<768xf32, #tpu.memory_space<vmem>>, vector<16xf32>,
      %get3A_236 = vector.shape_cast %get3A_235 : vector<16xf32> to vector<16xf32>
      %get3A_237 = arith.constant 80 : index
      %get3A_238 = tpu.vector_load %arg6[%get3A_237] {strides = array<i32>} : memref<768xf32, #tpu.memory_space<vmem>>, vector<16xf32>,
      %get3A_239 = vector.shape_cast %get3A_238 : vector<16xf32> to vector<16xf32>
      %get3A_240 = arith.constant 96 : index
      %get3A_241 = tpu.vector_load %arg6[%get3A_240] {strides = array<i32>} : memref<768xf32, #tpu.memory_space<vmem>>, vector<16xf32>,
      %get3A_242 = vector.shape_cast %get3A_241 : vector<16xf32> to vector<16xf32>
      %get3A_243 = arith.constant 112 : index
      %get3A_244 = tpu.vector_load %arg6[%get3A_243] {strides = array<i32>} : memref<768xf32, #tpu.memory_space<vmem>>, vector<16xf32>,
      %get3A_245 = vector.shape_cast %get3A_244 : vector<16xf32> to vector<16xf32>
      %scan3A_246 = arith.constant 0 : i32
      %scan3A_247 = arith.constant 16 : i32
      %scan3A_248 = arith.addi %scan3A_246, %scan3A_247 : i32
      %scan3A_249 = arith.constant 1 : i32
      %scan3A_250:8 = scf.for %scan3A_979 = %scan3A_246 to %scan3A_248 step %scan3A_249 iter_args(%scan3A_980 = %get3A_224, %scan3A_981 = %get3A_227, %scan3A_982 = %get3A_230, %scan3A_983 = %get3A_233, %scan3A_984 = %get3A_236, %scan3A_985 = %get3A_239, %scan3A_986 = %get3A_242, %scan3A_987 = %get3A_245) -> (vector<16xf32>, vector<16xf32>, vector<16xf32>, vector<16xf32>, vector<16xf32>, vector<16xf32>, vector<16xf32>, vector<16xf32>)  : i32 {
        %mul3A_988 = arith.constant 4 : i32
        %mul3A_989 = arith.muli %scan3A_979, %mul3A_988 : i32
        %add3A_990 = arith.constant 0 : i32
        %add3A_991 = arith.addi %mul3A_989, %add3A_990 : i32
        %get3A_992 = arith.index_cast %add3A_991 : i32 to index
        %get3A_993 = arith.constant 0 : index
        %get3A_994 = tpu.vector_load %arg4[%get3A_992, %get3A_993] {strides = array<i32>} : memref<64x768xf32, #tpu.memory_space<vmem>>, vector<1x16xf32>,
        %get3A_995 = vector.shape_cast %get3A_994 : vector<1x16xf32> to vector<16xf32>
        %add3A_996 = arith.addf %scan3A_980, %get3A_995 : vector<16xf32>
        %get3A_997 = arith.index_cast %add3A_991 : i32 to index
        %get3A_998 = arith.constant 16 : index
        %get3A_999 = tpu.vector_load %arg4[%get3A_997, %get3A_998] {strides = array<i32>} : memref<64x768xf32, #tpu.memory_space<vmem>>, vector<1x16xf32>,
        %get3A_1000 = vector.shape_cast %get3A_999 : vector<1x16xf32> to vector<16xf32>
        %add3A_1001 = arith.addf %scan3A_981, %get3A_1000 : vector<16xf32>
        %get3A_1002 = arith.index_cast %add3A_991 : i32 to index
        %get3A_1003 = arith.constant 32 : index
        %get3A_1004 = tpu.vector_load %arg4[%get3A_1002, %get3A_1003] {strides = array<i32>} : memref<64x768xf32, #tpu.memory_space<vmem>>, vector<1x16xf32>,
        %get3A_1005 = vector.shape_cast %get3A_1004 : vector<1x16xf32> to vector<16xf32>
        %add3A_1006 = arith.addf %scan3A_982, %get3A_1005 : vector<16xf32>
        %get3A_1007 = arith.index_cast %add3A_991 : i32 to index
        %get3A_1008 = arith.constant 48 : index
        %get3A_1009 = tpu.vector_load %arg4[%get3A_1007, %get3A_1008] {strides = array<i32>} : memref<64x768xf32, #tpu.memory_space<vmem>>, vector<1x16xf32>,
        %get3A_1010 = vector.shape_cast %get3A_1009 : vector<1x16xf32> to vector<16xf32>
        %add3A_1011 = arith.addf %scan3A_983, %get3A_1010 : vector<16xf32>
        %get3A_1012 = arith.index_cast %add3A_991 : i32 to index
        %get3A_1013 = arith.constant 64 : index
        %get3A_1014 = tpu.vector_load %arg4[%get3A_1012, %get3A_1013] {strides = array<i32>} : memref<64x768xf32, #tpu.memory_space<vmem>>, vector<1x16xf32>,
        %get3A_1015 = vector.shape_cast %get3A_1014 : vector<1x16xf32> to vector<16xf32>
        %add3A_1016 = arith.addf %scan3A_984, %get3A_1015 : vector<16xf32>
        %get3A_1017 = arith.index_cast %add3A_991 : i32 to index
        %get3A_1018 = arith.constant 80 : index
        %get3A_1019 = tpu.vector_load %arg4[%get3A_1017, %get3A_1018] {strides = array<i32>} : memref<64x768xf32, #tpu.memory_space<vmem>>, vector<1x16xf32>,
        %get3A_1020 = vector.shape_cast %get3A_1019 : vector<1x16xf32> to vector<16xf32>
        %add3A_1021 = arith.addf %scan3A_985, %get3A_1020 : vector<16xf32>
        %get3A_1022 = arith.index_cast %add3A_991 : i32 to index
        %get3A_1023 = arith.constant 96 : index
        %get3A_1024 = tpu.vector_load %arg4[%get3A_1022, %get3A_1023] {strides = array<i32>} : memref<64x768xf32, #tpu.memory_space<vmem>>, vector<1x16xf32>,
        %get3A_1025 = vector.shape_cast %get3A_1024 : vector<1x16xf32> to vector<16xf32>
        %add3A_1026 = arith.addf %scan3A_986, %get3A_1025 : vector<16xf32>
        %get3A_1027 = arith.index_cast %add3A_991 : i32 to index
        %get3A_1028 = arith.constant 112 : index
        %get3A_1029 = tpu.vector_load %arg4[%get3A_1027, %get3A_1028] {strides = array<i32>} : memref<64x768xf32, #tpu.memory_space<vmem>>, vector<1x16xf32>,
        %get3A_1030 = vector.shape_cast %get3A_1029 : vector<1x16xf32> to vector<16xf32>
        %add3A_1031 = arith.addf %scan3A_987, %get3A_1030 : vector<16xf32>
        %mul3A_1032 = arith.constant 4 : i32
        %mul3A_1033 = arith.muli %scan3A_979, %mul3A_1032 : i32
        %add3A_1034 = arith.constant 1 : i32
        %add3A_1035 = arith.addi %mul3A_1033, %add3A_1034 : i32
        %get3A_1036 = arith.index_cast %add3A_1035 : i32 to index
        %get3A_1037 = arith.constant 0 : index
        %get3A_1038 = tpu.vector_load %arg4[%get3A_1036, %get3A_1037] {strides = array<i32>} : memref<64x768xf32, #tpu.memory_space<vmem>>, vector<1x16xf32>,
        %get3A_1039 = vector.shape_cast %get3A_1038 : vector<1x16xf32> to vector<16xf32>
        %add3A_1040 = arith.addf %add3A_996, %get3A_1039 : vector<16xf32>
        %get3A_1041 = arith.index_cast %add3A_1035 : i32 to index
        %get3A_1042 = arith.constant 16 : index
        %get3A_1043 = tpu.vector_load %arg4[%get3A_1041, %get3A_1042] {strides = array<i32>} : memref<64x768xf32, #tpu.memory_space<vmem>>, vector<1x16xf32>,
        %get3A_1044 = vector.shape_cast %get3A_1043 : vector<1x16xf32> to vector<16xf32>
        %add3A_1045 = arith.addf %add3A_1001, %get3A_1044 : vector<16xf32>
        %get3A_1046 = arith.index_cast %add3A_1035 : i32 to index
        %get3A_1047 = arith.constant 32 : index
        %get3A_1048 = tpu.vector_load %arg4[%get3A_1046, %get3A_1047] {strides = array<i32>} : memref<64x768xf32, #tpu.memory_space<vmem>>, vector<1x16xf32>,
        %get3A_1049 = vector.shape_cast %get3A_1048 : vector<1x16xf32> to vector<16xf32>
        %add3A_1050 = arith.addf %add3A_1006, %get3A_1049 : vector<16xf32>
        %get3A_1051 = arith.index_cast %add3A_1035 : i32 to index
        %get3A_1052 = arith.constant 48 : index
        %get3A_1053 = tpu.vector_load %arg4[%get3A_1051, %get3A_1052] {strides = array<i32>} : memref<64x768xf32, #tpu.memory_space<vmem>>, vector<1x16xf32>,
        %get3A_1054 = vector.shape_cast %get3A_1053 : vector<1x16xf32> to vector<16xf32>
        %add3A_1055 = arith.addf %add3A_1011, %get3A_1054 : vector<16xf32>
        %get3A_1056 = arith.index_cast %add3A_1035 : i32 to index
        %get3A_1057 = arith.constant 64 : index
        %get3A_1058 = tpu.vector_load %arg4[%get3A_1056, %get3A_1057] {strides = array<i32>} : memref<64x768xf32, #tpu.memory_space<vmem>>, vector<1x16xf32>,
        %get3A_1059 = vector.shape_cast %get3A_1058 : vector<1x16xf32> to vector<16xf32>
        %add3A_1060 = arith.addf %add3A_1016, %get3A_1059 : vector<16xf32>
        %get3A_1061 = arith.index_cast %add3A_1035 : i32 to index
        %get3A_1062 = arith.constant 80 : index
        %get3A_1063 = tpu.vector_load %arg4[%get3A_1061, %get3A_1062] {strides = array<i32>} : memref<64x768xf32, #tpu.memory_space<vmem>>, vector<1x16xf32>,
        %get3A_1064 = vector.shape_cast %get3A_1063 : vector<1x16xf32> to vector<16xf32>
        %add3A_1065 = arith.addf %add3A_1021, %get3A_1064 : vector<16xf32>
        %get3A_1066 = arith.index_cast %add3A_1035 : i32 to index
        %get3A_1067 = arith.constant 96 : index
        %get3A_1068 = tpu.vector_load %arg4[%get3A_1066, %get3A_1067] {strides = array<i32>} : memref<64x768xf32, #tpu.memory_space<vmem>>, vector<1x16xf32>,
        %get3A_1069 = vector.shape_cast %get3A_1068 : vector<1x16xf32> to vector<16xf32>
        %add3A_1070 = arith.addf %add3A_1026, %get3A_1069 : vector<16xf32>
        %get3A_1071 = arith.index_cast %add3A_1035 : i32 to index
        %get3A_1072 = arith.constant 112 : index
        %get3A_1073 = tpu.vector_load %arg4[%get3A_1071, %get3A_1072] {strides = array<i32>} : memref<64x768xf32, #tpu.memory_space<vmem>>, vector<1x16xf32>,
        %get3A_1074 = vector.shape_cast %get3A_1073 : vector<1x16xf32> to vector<16xf32>
        %add3A_1075 = arith.addf %add3A_1031, %get3A_1074 : vector<16xf32>
        %mul3A_1076 = arith.constant 4 : i32
        %mul3A_1077 = arith.muli %scan3A_979, %mul3A_1076 : i32
        %add3A_1078 = arith.constant 2 : i32
        %add3A_1079 = arith.addi %mul3A_1077, %add3A_1078 : i32
        %get3A_1080 = arith.index_cast %add3A_1079 : i32 to index
        %get3A_1081 = arith.constant 0 : index
        %get3A_1082 = tpu.vector_load %arg4[%get3A_1080, %get3A_1081] {strides = array<i32>} : memref<64x768xf32, #tpu.memory_space<vmem>>, vector<1x16xf32>,
        %get3A_1083 = vector.shape_cast %get3A_1082 : vector<1x16xf32> to vector<16xf32>
        %add3A_1084 = arith.addf %add3A_1040, %get3A_1083 : vector<16xf32>
        %get3A_1085 = arith.index_cast %add3A_1079 : i32 to index
        %get3A_1086 = arith.constant 16 : index
        %get3A_1087 = tpu.vector_load %arg4[%get3A_1085, %get3A_1086] {strides = array<i32>} : memref<64x768xf32, #tpu.memory_space<vmem>>, vector<1x16xf32>,
        %get3A_1088 = vector.shape_cast %get3A_1087 : vector<1x16xf32> to vector<16xf32>
        %add3A_1089 = arith.addf %add3A_1045, %get3A_1088 : vector<16xf32>
        %get3A_1090 = arith.index_cast %add3A_1079 : i32 to index
        %get3A_1091 = arith.constant 32 : index
        %get3A_1092 = tpu.vector_load %arg4[%get3A_1090, %get3A_1091] {strides = array<i32>} : memref<64x768xf32, #tpu.memory_space<vmem>>, vector<1x16xf32>,
        %get3A_1093 = vector.shape_cast %get3A_1092 : vector<1x16xf32> to vector<16xf32>
        %add3A_1094 = arith.addf %add3A_1050, %get3A_1093 : vector<16xf32>
        %get3A_1095 = arith.index_cast %add3A_1079 : i32 to index
        %get3A_1096 = arith.constant 48 : index
        %get3A_1097 = tpu.vector_load %arg4[%get3A_1095, %get3A_1096] {strides = array<i32>} : memref<64x768xf32, #tpu.memory_space<vmem>>, vector<1x16xf32>,
        %get3A_1098 = vector.shape_cast %get3A_1097 : vector<1x16xf32> to vector<16xf32>
        %add3A_1099 = arith.addf %add3A_1055, %get3A_1098 : vector<16xf32>
        %get3A_1100 = arith.index_cast %add3A_1079 : i32 to index
        %get3A_1101 = arith.constant 64 : index
        %get3A_1102 = tpu.vector_load %arg4[%get3A_1100, %get3A_1101] {strides = array<i32>} : memref<64x768xf32, #tpu.memory_space<vmem>>, vector<1x16xf32>,
        %get3A_1103 = vector.shape_cast %get3A_1102 : vector<1x16xf32> to vector<16xf32>
        %add3A_1104 = arith.addf %add3A_1060, %get3A_1103 : vector<16xf32>
        %get3A_1105 = arith.index_cast %add3A_1079 : i32 to index
        %get3A_1106 = arith.constant 80 : index
        %get3A_1107 = tpu.vector_load %arg4[%get3A_1105, %get3A_1106] {strides = array<i32>} : memref<64x768xf32, #tpu.memory_space<vmem>>, vector<1x16xf32>,
        %get3A_1108 = vector.shape_cast %get3A_1107 : vector<1x16xf32> to vector<16xf32>
        %add3A_1109 = arith.addf %add3A_1065, %get3A_1108 : vector<16xf32>
        %get3A_1110 = arith.index_cast %add3A_1079 : i32 to index
        %get3A_1111 = arith.constant 96 : index
        %get3A_1112 = tpu.vector_load %arg4[%get3A_1110, %get3A_1111] {strides = array<i32>} : memref<64x768xf32, #tpu.memory_space<vmem>>, vector<1x16xf32>,
        %get3A_1113 = vector.shape_cast %get3A_1112 : vector<1x16xf32> to vector<16xf32>
        %add3A_1114 = arith.addf %add3A_1070, %get3A_1113 : vector<16xf32>
        %get3A_1115 = arith.index_cast %add3A_1079 : i32 to index
        %get3A_1116 = arith.constant 112 : index
        %get3A_1117 = tpu.vector_load %arg4[%get3A_1115, %get3A_1116] {strides = array<i32>} : memref<64x768xf32, #tpu.memory_space<vmem>>, vector<1x16xf32>,
        %get3A_1118 = vector.shape_cast %get3A_1117 : vector<1x16xf32> to vector<16xf32>
        %add3A_1119 = arith.addf %add3A_1075, %get3A_1118 : vector<16xf32>
        %mul3A_1120 = arith.constant 4 : i32
        %mul3A_1121 = arith.muli %scan3A_979, %mul3A_1120 : i32
        %add3A_1122 = arith.constant 3 : i32
        %add3A_1123 = arith.addi %mul3A_1121, %add3A_1122 : i32
        %get3A_1124 = arith.index_cast %add3A_1123 : i32 to index
        %get3A_1125 = arith.constant 0 : index
        %get3A_1126 = tpu.vector_load %arg4[%get3A_1124, %get3A_1125] {strides = array<i32>} : memref<64x768xf32, #tpu.memory_space<vmem>>, vector<1x16xf32>,
        %get3A_1127 = vector.shape_cast %get3A_1126 : vector<1x16xf32> to vector<16xf32>
        %add3A_1128 = arith.addf %add3A_1084, %get3A_1127 : vector<16xf32>
        %get3A_1129 = arith.index_cast %add3A_1123 : i32 to index
        %get3A_1130 = arith.constant 16 : index
        %get3A_1131 = tpu.vector_load %arg4[%get3A_1129, %get3A_1130] {strides = array<i32>} : memref<64x768xf32, #tpu.memory_space<vmem>>, vector<1x16xf32>,
        %get3A_1132 = vector.shape_cast %get3A_1131 : vector<1x16xf32> to vector<16xf32>
        %add3A_1133 = arith.addf %add3A_1089, %get3A_1132 : vector<16xf32>
        %get3A_1134 = arith.index_cast %add3A_1123 : i32 to index
        %get3A_1135 = arith.constant 32 : index
        %get3A_1136 = tpu.vector_load %arg4[%get3A_1134, %get3A_1135] {strides = array<i32>} : memref<64x768xf32, #tpu.memory_space<vmem>>, vector<1x16xf32>,
        %get3A_1137 = vector.shape_cast %get3A_1136 : vector<1x16xf32> to vector<16xf32>
        %add3A_1138 = arith.addf %add3A_1094, %get3A_1137 : vector<16xf32>
        %get3A_1139 = arith.index_cast %add3A_1123 : i32 to index
        %get3A_1140 = arith.constant 48 : index
        %get3A_1141 = tpu.vector_load %arg4[%get3A_1139, %get3A_1140] {strides = array<i32>} : memref<64x768xf32, #tpu.memory_space<vmem>>, vector<1x16xf32>,
        %get3A_1142 = vector.shape_cast %get3A_1141 : vector<1x16xf32> to vector<16xf32>
        %add3A_1143 = arith.addf %add3A_1099, %get3A_1142 : vector<16xf32>
        %get3A_1144 = arith.index_cast %add3A_1123 : i32 to index
        %get3A_1145 = arith.constant 64 : index
        %get3A_1146 = tpu.vector_load %arg4[%get3A_1144, %get3A_1145] {strides = array<i32>} : memref<64x768xf32, #tpu.memory_space<vmem>>, vector<1x16xf32>,
        %get3A_1147 = vector.shape_cast %get3A_1146 : vector<1x16xf32> to vector<16xf32>
        %add3A_1148 = arith.addf %add3A_1104, %get3A_1147 : vector<16xf32>
        %get3A_1149 = arith.index_cast %add3A_1123 : i32 to index
        %get3A_1150 = arith.constant 80 : index
        %get3A_1151 = tpu.vector_load %arg4[%get3A_1149, %get3A_1150] {strides = array<i32>} : memref<64x768xf32, #tpu.memory_space<vmem>>, vector<1x16xf32>,
        %get3A_1152 = vector.shape_cast %get3A_1151 : vector<1x16xf32> to vector<16xf32>
        %add3A_1153 = arith.addf %add3A_1109, %get3A_1152 : vector<16xf32>
        %get3A_1154 = arith.index_cast %add3A_1123 : i32 to index
        %get3A_1155 = arith.constant 96 : index
        %get3A_1156 = tpu.vector_load %arg4[%get3A_1154, %get3A_1155] {strides = array<i32>} : memref<64x768xf32, #tpu.memory_space<vmem>>, vector<1x16xf32>,
        %get3A_1157 = vector.shape_cast %get3A_1156 : vector<1x16xf32> to vector<16xf32>
        %add3A_1158 = arith.addf %add3A_1114, %get3A_1157 : vector<16xf32>
        %get3A_1159 = arith.index_cast %add3A_1123 : i32 to index
        %get3A_1160 = arith.constant 112 : index
        %get3A_1161 = tpu.vector_load %arg4[%get3A_1159, %get3A_1160] {strides = array<i32>} : memref<64x768xf32, #tpu.memory_space<vmem>>, vector<1x16xf32>,
        %get3A_1162 = vector.shape_cast %get3A_1161 : vector<1x16xf32> to vector<16xf32>
        %add3A_1163 = arith.addf %add3A_1119, %get3A_1162 : vector<16xf32>
        scf.yield %add3A_1128, %add3A_1133, %add3A_1138, %add3A_1143, %add3A_1148, %add3A_1153, %add3A_1158, %add3A_1163 : vector<16xf32>, vector<16xf32>, vector<16xf32>, vector<16xf32>, vector<16xf32>, vector<16xf32>, vector<16xf32>, vector<16xf32>
      }
      %scan3A_251 = arith.constant 16 : i32
      %swap3A_252 = arith.constant 0 : index
      %swap3A_253 = tpu.vector_load %arg6[%swap3A_252] {strides = array<i32>} : memref<768xf32, #tpu.memory_space<vmem>>, vector<16xf32>,
      %swap3A_254 = vector.shape_cast %swap3A_253 : vector<16xf32> to vector<16xf32>
      %swap3A_255 = vector.shape_cast %scan3A_250#0 : vector<16xf32> to vector<16xf32>
      tpu.vector_store %arg6[%swap3A_252], %swap3A_255 {strides = array<i32>} : memref<768xf32, #tpu.memory_space<vmem>>, vector<16xf32>,
      %swap3A_256 = arith.constant 16 : index
      %swap3A_257 = tpu.vector_load %arg6[%swap3A_256] {strides = array<i32>} : memref<768xf32, #tpu.memory_space<vmem>>, vector<16xf32>,
      %swap3A_258 = vector.shape_cast %swap3A_257 : vector<16xf32> to vector<16xf32>
      %swap3A_259 = vector.shape_cast %scan3A_250#1 : vector<16xf32> to vector<16xf32>
      tpu.vector_store %arg6[%swap3A_256], %swap3A_259 {strides = array<i32>} : memref<768xf32, #tpu.memory_space<vmem>>, vector<16xf32>,
      %swap3A_260 = arith.constant 32 : index
      %swap3A_261 = tpu.vector_load %arg6[%swap3A_260] {strides = array<i32>} : memref<768xf32, #tpu.memory_space<vmem>>, vector<16xf32>,
      %swap3A_262 = vector.shape_cast %swap3A_261 : vector<16xf32> to vector<16xf32>
      %swap3A_263 = vector.shape_cast %scan3A_250#2 : vector<16xf32> to vector<16xf32>
      tpu.vector_store %arg6[%swap3A_260], %swap3A_263 {strides = array<i32>} : memref<768xf32, #tpu.memory_space<vmem>>, vector<16xf32>,
      %swap3A_264 = arith.constant 48 : index
      %swap3A_265 = tpu.vector_load %arg6[%swap3A_264] {strides = array<i32>} : memref<768xf32, #tpu.memory_space<vmem>>, vector<16xf32>,
      %swap3A_266 = vector.shape_cast %swap3A_265 : vector<16xf32> to vector<16xf32>
      %swap3A_267 = vector.shape_cast %scan3A_250#3 : vector<16xf32> to vector<16xf32>
      tpu.vector_store %arg6[%swap3A_264], %swap3A_267 {strides = array<i32>} : memref<768xf32, #tpu.memory_space<vmem>>, vector<16xf32>,
      %swap3A_268 = arith.constant 64 : index
      %swap3A_269 = tpu.vector_load %arg6[%swap3A_268] {strides = array<i32>} : memref<768xf32, #tpu.memory_space<vmem>>, vector<16xf32>,
      %swap3A_270 = vector.shape_cast %swap3A_269 : vector<16xf32> to vector<16xf32>
      %swap3A_271 = vector.shape_cast %scan3A_250#4 : vector<16xf32> to vector<16xf32>
      tpu.vector_store %arg6[%swap3A_268], %swap3A_271 {strides = array<i32>} : memref<768xf32, #tpu.memory_space<vmem>>, vector<16xf32>,
      %swap3A_272 = arith.constant 80 : index
      %swap3A_273 = tpu.vector_load %arg6[%swap3A_272] {strides = array<i32>} : memref<768xf32, #tpu.memory_space<vmem>>, vector<16xf32>,
      %swap3A_274 = vector.shape_cast %swap3A_273 : vector<16xf32> to vector<16xf32>
      %swap3A_275 = vector.shape_cast %scan3A_250#5 : vector<16xf32> to vector<16xf32>
      tpu.vector_store %arg6[%swap3A_272], %swap3A_275 {strides = array<i32>} : memref<768xf32, #tpu.memory_space<vmem>>, vector<16xf32>,
      %swap3A_276 = arith.constant 96 : index
      %swap3A_277 = tpu.vector_load %arg6[%swap3A_276] {strides = array<i32>} : memref<768xf32, #tpu.memory_space<vmem>>, vector<16xf32>,
      %swap3A_278 = vector.shape_cast %swap3A_277 : vector<16xf32> to vector<16xf32>
      %swap3A_279 = vector.shape_cast %scan3A_250#6 : vector<16xf32> to vector<16xf32>
      tpu.vector_store %arg6[%swap3A_276], %swap3A_279 {strides = array<i32>} : memref<768xf32, #tpu.memory_space<vmem>>, vector<16xf32>,
      %swap3A_280 = arith.constant 112 : index
      %swap3A_281 = tpu.vector_load %arg6[%swap3A_280] {strides = array<i32>} : memref<768xf32, #tpu.memory_space<vmem>>, vector<16xf32>,
      %swap3A_282 = vector.shape_cast %swap3A_281 : vector<16xf32> to vector<16xf32>
      %swap3A_283 = vector.shape_cast %scan3A_250#7 : vector<16xf32> to vector<16xf32>
      tpu.vector_store %arg6[%swap3A_280], %swap3A_283 {strides = array<i32>} : memref<768xf32, #tpu.memory_space<vmem>>, vector<16xf32>,
      %get3A_284 = arith.constant 128 : index
      %get3A_285 = tpu.vector_load %arg6[%get3A_284] {strides = array<i32>} : memref<768xf32, #tpu.memory_space<vmem>>, vector<16xf32>,
      %get3A_286 = vector.shape_cast %get3A_285 : vector<16xf32> to vector<16xf32>
      %get3A_287 = arith.constant 144 : index
      %get3A_288 = tpu.vector_load %arg6[%get3A_287] {strides = array<i32>} : memref<768xf32, #tpu.memory_space<vmem>>, vector<16xf32>,
      %get3A_289 = vector.shape_cast %get3A_288 : vector<16xf32> to vector<16xf32>
      %get3A_290 = arith.constant 160 : index
      %get3A_291 = tpu.vector_load %arg6[%get3A_290] {strides = array<i32>} : memref<768xf32, #tpu.memory_space<vmem>>, vector<16xf32>,
      %get3A_292 = vector.shape_cast %get3A_291 : vector<16xf32> to vector<16xf32>
      %get3A_293 = arith.constant 176 : index
      %get3A_294 = tpu.vector_load %arg6[%get3A_293] {strides = array<i32>} : memref<768xf32, #tpu.memory_space<vmem>>, vector<16xf32>,
      %get3A_295 = vector.shape_cast %get3A_294 : vector<16xf32> to vector<16xf32>
      %get3A_296 = arith.constant 192 : index
      %get3A_297 = tpu.vector_load %arg6[%get3A_296] {strides = array<i32>} : memref<768xf32, #tpu.memory_space<vmem>>, vector<16xf32>,
      %get3A_298 = vector.shape_cast %get3A_297 : vector<16xf32> to vector<16xf32>
      %get3A_299 = arith.constant 208 : index
      %get3A_300 = tpu.vector_load %arg6[%get3A_299] {strides = array<i32>} : memref<768xf32, #tpu.memory_space<vmem>>, vector<16xf32>,
      %get3A_301 = vector.shape_cast %get3A_300 : vector<16xf32> to vector<16xf32>
      %get3A_302 = arith.constant 224 : index
      %get3A_303 = tpu.vector_load %arg6[%get3A_302] {strides = array<i32>} : memref<768xf32, #tpu.memory_space<vmem>>, vector<16xf32>,
      %get3A_304 = vector.shape_cast %get3A_303 : vector<16xf32> to vector<16xf32>
      %get3A_305 = arith.constant 240 : index
      %get3A_306 = tpu.vector_load %arg6[%get3A_305] {strides = array<i32>} : memref<768xf32, #tpu.memory_space<vmem>>, vector<16xf32>,
      %get3A_307 = vector.shape_cast %get3A_306 : vector<16xf32> to vector<16xf32>
      %scan3A_308 = arith.constant 0 : i32
      %scan3A_309 = arith.constant 16 : i32
      %scan3A_310 = arith.addi %scan3A_308, %scan3A_309 : i32
      %scan3A_311 = arith.constant 1 : i32
      %scan3A_312:8 = scf.for %scan3A_979 = %scan3A_308 to %scan3A_310 step %scan3A_311 iter_args(%scan3A_980 = %get3A_286, %scan3A_981 = %get3A_289, %scan3A_982 = %get3A_292, %scan3A_983 = %get3A_295, %scan3A_984 = %get3A_298, %scan3A_985 = %get3A_301, %scan3A_986 = %get3A_304, %scan3A_987 = %get3A_307) -> (vector<16xf32>, vector<16xf32>, vector<16xf32>, vector<16xf32>, vector<16xf32>, vector<16xf32>, vector<16xf32>, vector<16xf32>)  : i32 {
        %mul3A_988 = arith.constant 4 : i32
        %mul3A_989 = arith.muli %scan3A_979, %mul3A_988 : i32
        %add3A_990 = arith.constant 0 : i32
        %add3A_991 = arith.addi %mul3A_989, %add3A_990 : i32
        %get3A_992 = arith.index_cast %add3A_991 : i32 to index
        %get3A_993 = arith.constant 128 : index
        %get3A_994 = tpu.vector_load %arg4[%get3A_992, %get3A_993] {strides = array<i32>} : memref<64x768xf32, #tpu.memory_space<vmem>>, vector<1x16xf32>,
        %get3A_995 = vector.shape_cast %get3A_994 : vector<1x16xf32> to vector<16xf32>
        %add3A_996 = arith.addf %scan3A_980, %get3A_995 : vector<16xf32>
        %get3A_997 = arith.index_cast %add3A_991 : i32 to index
        %get3A_998 = arith.constant 144 : index
        %get3A_999 = tpu.vector_load %arg4[%get3A_997, %get3A_998] {strides = array<i32>} : memref<64x768xf32, #tpu.memory_space<vmem>>, vector<1x16xf32>,
        %get3A_1000 = vector.shape_cast %get3A_999 : vector<1x16xf32> to vector<16xf32>
        %add3A_1001 = arith.addf %scan3A_981, %get3A_1000 : vector<16xf32>
        %get3A_1002 = arith.index_cast %add3A_991 : i32 to index
        %get3A_1003 = arith.constant 160 : index
        %get3A_1004 = tpu.vector_load %arg4[%get3A_1002, %get3A_1003] {strides = array<i32>} : memref<64x768xf32, #tpu.memory_space<vmem>>, vector<1x16xf32>,
        %get3A_1005 = vector.shape_cast %get3A_1004 : vector<1x16xf32> to vector<16xf32>
        %add3A_1006 = arith.addf %scan3A_982, %get3A_1005 : vector<16xf32>
        %get3A_1007 = arith.index_cast %add3A_991 : i32 to index
        %get3A_1008 = arith.constant 176 : index
        %get3A_1009 = tpu.vector_load %arg4[%get3A_1007, %get3A_1008] {strides = array<i32>} : memref<64x768xf32, #tpu.memory_space<vmem>>, vector<1x16xf32>,
        %get3A_1010 = vector.shape_cast %get3A_1009 : vector<1x16xf32> to vector<16xf32>
        %add3A_1011 = arith.addf %scan3A_983, %get3A_1010 : vector<16xf32>
        %get3A_1012 = arith.index_cast %add3A_991 : i32 to index
        %get3A_1013 = arith.constant 192 : index
        %get3A_1014 = tpu.vector_load %arg4[%get3A_1012, %get3A_1013] {strides = array<i32>} : memref<64x768xf32, #tpu.memory_space<vmem>>, vector<1x16xf32>,
        %get3A_1015 = vector.shape_cast %get3A_1014 : vector<1x16xf32> to vector<16xf32>
        %add3A_1016 = arith.addf %scan3A_984, %get3A_1015 : vector<16xf32>
        %get3A_1017 = arith.index_cast %add3A_991 : i32 to index
        %get3A_1018 = arith.constant 208 : index
        %get3A_1019 = tpu.vector_load %arg4[%get3A_1017, %get3A_1018] {strides = array<i32>} : memref<64x768xf32, #tpu.memory_space<vmem>>, vector<1x16xf32>,
        %get3A_1020 = vector.shape_cast %get3A_1019 : vector<1x16xf32> to vector<16xf32>
        %add3A_1021 = arith.addf %scan3A_985, %get3A_1020 : vector<16xf32>
        %get3A_1022 = arith.index_cast %add3A_991 : i32 to index
        %get3A_1023 = arith.constant 224 : index
        %get3A_1024 = tpu.vector_load %arg4[%get3A_1022, %get3A_1023] {strides = array<i32>} : memref<64x768xf32, #tpu.memory_space<vmem>>, vector<1x16xf32>,
        %get3A_1025 = vector.shape_cast %get3A_1024 : vector<1x16xf32> to vector<16xf32>
        %add3A_1026 = arith.addf %scan3A_986, %get3A_1025 : vector<16xf32>
        %get3A_1027 = arith.index_cast %add3A_991 : i32 to index
        %get3A_1028 = arith.constant 240 : index
        %get3A_1029 = tpu.vector_load %arg4[%get3A_1027, %get3A_1028] {strides = array<i32>} : memref<64x768xf32, #tpu.memory_space<vmem>>, vector<1x16xf32>,
        %get3A_1030 = vector.shape_cast %get3A_1029 : vector<1x16xf32> to vector<16xf32>
        %add3A_1031 = arith.addf %scan3A_987, %get3A_1030 : vector<16xf32>
        %mul3A_1032 = arith.constant 4 : i32
        %mul3A_1033 = arith.muli %scan3A_979, %mul3A_1032 : i32
        %add3A_1034 = arith.constant 1 : i32
        %add3A_1035 = arith.addi %mul3A_1033, %add3A_1034 : i32
        %get3A_1036 = arith.index_cast %add3A_1035 : i32 to index
        %get3A_1037 = arith.constant 128 : index
        %get3A_1038 = tpu.vector_load %arg4[%get3A_1036, %get3A_1037] {strides = array<i32>} : memref<64x768xf32, #tpu.memory_space<vmem>>, vector<1x16xf32>,
        %get3A_1039 = vector.shape_cast %get3A_1038 : vector<1x16xf32> to vector<16xf32>
        %add3A_1040 = arith.addf %add3A_996, %get3A_1039 : vector<16xf32>
        %get3A_1041 = arith.index_cast %add3A_1035 : i32 to index
        %get3A_1042 = arith.constant 144 : index
        %get3A_1043 = tpu.vector_load %arg4[%get3A_1041, %get3A_1042] {strides = array<i32>} : memref<64x768xf32, #tpu.memory_space<vmem>>, vector<1x16xf32>,
        %get3A_1044 = vector.shape_cast %get3A_1043 : vector<1x16xf32> to vector<16xf32>
        %add3A_1045 = arith.addf %add3A_1001, %get3A_1044 : vector<16xf32>
        %get3A_1046 = arith.index_cast %add3A_1035 : i32 to index
        %get3A_1047 = arith.constant 160 : index
        %get3A_1048 = tpu.vector_load %arg4[%get3A_1046, %get3A_1047] {strides = array<i32>} : memref<64x768xf32, #tpu.memory_space<vmem>>, vector<1x16xf32>,
        %get3A_1049 = vector.shape_cast %get3A_1048 : vector<1x16xf32> to vector<16xf32>
        %add3A_1050 = arith.addf %add3A_1006, %get3A_1049 : vector<16xf32>
        %get3A_1051 = arith.index_cast %add3A_1035 : i32 to index
        %get3A_1052 = arith.constant 176 : index
        %get3A_1053 = tpu.vector_load %arg4[%get3A_1051, %get3A_1052] {strides = array<i32>} : memref<64x768xf32, #tpu.memory_space<vmem>>, vector<1x16xf32>,
        %get3A_1054 = vector.shape_cast %get3A_1053 : vector<1x16xf32> to vector<16xf32>
        %add3A_1055 = arith.addf %add3A_1011, %get3A_1054 : vector<16xf32>
        %get3A_1056 = arith.index_cast %add3A_1035 : i32 to index
        %get3A_1057 = arith.constant 192 : index
        %get3A_1058 = tpu.vector_load %arg4[%get3A_1056, %get3A_1057] {strides = array<i32>} : memref<64x768xf32, #tpu.memory_space<vmem>>, vector<1x16xf32>,
        %get3A_1059 = vector.shape_cast %get3A_1058 : vector<1x16xf32> to vector<16xf32>
        %add3A_1060 = arith.addf %add3A_1016, %get3A_1059 : vector<16xf32>
        %get3A_1061 = arith.index_cast %add3A_1035 : i32 to index
        %get3A_1062 = arith.constant 208 : index
        %get3A_1063 = tpu.vector_load %arg4[%get3A_1061, %get3A_1062] {strides = array<i32>} : memref<64x768xf32, #tpu.memory_space<vmem>>, vector<1x16xf32>,
        %get3A_1064 = vector.shape_cast %get3A_1063 : vector<1x16xf32> to vector<16xf32>
        %add3A_1065 = arith.addf %add3A_1021, %get3A_1064 : vector<16xf32>
        %get3A_1066 = arith.index_cast %add3A_1035 : i32 to index
        %get3A_1067 = arith.constant 224 : index
        %get3A_1068 = tpu.vector_load %arg4[%get3A_1066, %get3A_1067] {strides = array<i32>} : memref<64x768xf32, #tpu.memory_space<vmem>>, vector<1x16xf32>,
        %get3A_1069 = vector.shape_cast %get3A_1068 : vector<1x16xf32> to vector<16xf32>
        %add3A_1070 = arith.addf %add3A_1026, %get3A_1069 : vector<16xf32>
        %get3A_1071 = arith.index_cast %add3A_1035 : i32 to index
        %get3A_1072 = arith.constant 240 : index
        %get3A_1073 = tpu.vector_load %arg4[%get3A_1071, %get3A_1072] {strides = array<i32>} : memref<64x768xf32, #tpu.memory_space<vmem>>, vector<1x16xf32>,
        %get3A_1074 = vector.shape_cast %get3A_1073 : vector<1x16xf32> to vector<16xf32>
        %add3A_1075 = arith.addf %add3A_1031, %get3A_1074 : vector<16xf32>
        %mul3A_1076 = arith.constant 4 : i32
        %mul3A_1077 = arith.muli %scan3A_979, %mul3A_1076 : i32
        %add3A_1078 = arith.constant 2 : i32
        %add3A_1079 = arith.addi %mul3A_1077, %add3A_1078 : i32
        %get3A_1080 = arith.index_cast %add3A_1079 : i32 to index
        %get3A_1081 = arith.constant 128 : index
        %get3A_1082 = tpu.vector_load %arg4[%get3A_1080, %get3A_1081] {strides = array<i32>} : memref<64x768xf32, #tpu.memory_space<vmem>>, vector<1x16xf32>,
        %get3A_1083 = vector.shape_cast %get3A_1082 : vector<1x16xf32> to vector<16xf32>
        %add3A_1084 = arith.addf %add3A_1040, %get3A_1083 : vector<16xf32>
        %get3A_1085 = arith.index_cast %add3A_1079 : i32 to index
        %get3A_1086 = arith.constant 144 : index
        %get3A_1087 = tpu.vector_load %arg4[%get3A_1085, %get3A_1086] {strides = array<i32>} : memref<64x768xf32, #tpu.memory_space<vmem>>, vector<1x16xf32>,
        %get3A_1088 = vector.shape_cast %get3A_1087 : vector<1x16xf32> to vector<16xf32>
        %add3A_1089 = arith.addf %add3A_1045, %get3A_1088 : vector<16xf32>
        %get3A_1090 = arith.index_cast %add3A_1079 : i32 to index
        %get3A_1091 = arith.constant 160 : index
        %get3A_1092 = tpu.vector_load %arg4[%get3A_1090, %get3A_1091] {strides = array<i32>} : memref<64x768xf32, #tpu.memory_space<vmem>>, vector<1x16xf32>,
        %get3A_1093 = vector.shape_cast %get3A_1092 : vector<1x16xf32> to vector<16xf32>
        %add3A_1094 = arith.addf %add3A_1050, %get3A_1093 : vector<16xf32>
        %get3A_1095 = arith.index_cast %add3A_1079 : i32 to index
        %get3A_1096 = arith.constant 176 : index
        %get3A_1097 = tpu.vector_load %arg4[%get3A_1095, %get3A_1096] {strides = array<i32>} : memref<64x768xf32, #tpu.memory_space<vmem>>, vector<1x16xf32>,
        %get3A_1098 = vector.shape_cast %get3A_1097 : vector<1x16xf32> to vector<16xf32>
        %add3A_1099 = arith.addf %add3A_1055, %get3A_1098 : vector<16xf32>
        %get3A_1100 = arith.index_cast %add3A_1079 : i32 to index
        %get3A_1101 = arith.constant 192 : index
        %get3A_1102 = tpu.vector_load %arg4[%get3A_1100, %get3A_1101] {strides = array<i32>} : memref<64x768xf32, #tpu.memory_space<vmem>>, vector<1x16xf32>,
        %get3A_1103 = vector.shape_cast %get3A_1102 : vector<1x16xf32> to vector<16xf32>
        %add3A_1104 = arith.addf %add3A_1060, %get3A_1103 : vector<16xf32>
        %get3A_1105 = arith.index_cast %add3A_1079 : i32 to index
        %get3A_1106 = arith.constant 208 : index
        %get3A_1107 = tpu.vector_load %arg4[%get3A_1105, %get3A_1106] {strides = array<i32>} : memref<64x768xf32, #tpu.memory_space<vmem>>, vector<1x16xf32>,
        %get3A_1108 = vector.shape_cast %get3A_1107 : vector<1x16xf32> to vector<16xf32>
        %add3A_1109 = arith.addf %add3A_1065, %get3A_1108 : vector<16xf32>
        %get3A_1110 = arith.index_cast %add3A_1079 : i32 to index
        %get3A_1111 = arith.constant 224 : index
        %get3A_1112 = tpu.vector_load %arg4[%get3A_1110, %get3A_1111] {strides = array<i32>} : memref<64x768xf32, #tpu.memory_space<vmem>>, vector<1x16xf32>,
        %get3A_1113 = vector.shape_cast %get3A_1112 : vector<1x16xf32> to vector<16xf32>
        %add3A_1114 = arith.addf %add3A_1070, %get3A_1113 : vector<16xf32>
        %get3A_1115 = arith.index_cast %add3A_1079 : i32 to index
        %get3A_1116 = arith.constant 240 : index
        %get3A_1117 = tpu.vector_load %arg4[%get3A_1115, %get3A_1116] {strides = array<i32>} : memref<64x768xf32, #tpu.memory_space<vmem>>, vector<1x16xf32>,
        %get3A_1118 = vector.shape_cast %get3A_1117 : vector<1x16xf32> to vector<16xf32>
        %add3A_1119 = arith.addf %add3A_1075, %get3A_1118 : vector<16xf32>
        %mul3A_1120 = arith.constant 4 : i32
        %mul3A_1121 = arith.muli %scan3A_979, %mul3A_1120 : i32
        %add3A_1122 = arith.constant 3 : i32
        %add3A_1123 = arith.addi %mul3A_1121, %add3A_1122 : i32
        %get3A_1124 = arith.index_cast %add3A_1123 : i32 to index
        %get3A_1125 = arith.constant 128 : index
        %get3A_1126 = tpu.vector_load %arg4[%get3A_1124, %get3A_1125] {strides = array<i32>} : memref<64x768xf32, #tpu.memory_space<vmem>>, vector<1x16xf32>,
        %get3A_1127 = vector.shape_cast %get3A_1126 : vector<1x16xf32> to vector<16xf32>
        %add3A_1128 = arith.addf %add3A_1084, %get3A_1127 : vector<16xf32>
        %get3A_1129 = arith.index_cast %add3A_1123 : i32 to index
        %get3A_1130 = arith.constant 144 : index
        %get3A_1131 = tpu.vector_load %arg4[%get3A_1129, %get3A_1130] {strides = array<i32>} : memref<64x768xf32, #tpu.memory_space<vmem>>, vector<1x16xf32>,
        %get3A_1132 = vector.shape_cast %get3A_1131 : vector<1x16xf32> to vector<16xf32>
        %add3A_1133 = arith.addf %add3A_1089, %get3A_1132 : vector<16xf32>
        %get3A_1134 = arith.index_cast %add3A_1123 : i32 to index
        %get3A_1135 = arith.constant 160 : index
        %get3A_1136 = tpu.vector_load %arg4[%get3A_1134, %get3A_1135] {strides = array<i32>} : memref<64x768xf32, #tpu.memory_space<vmem>>, vector<1x16xf32>,
        %get3A_1137 = vector.shape_cast %get3A_1136 : vector<1x16xf32> to vector<16xf32>
        %add3A_1138 = arith.addf %add3A_1094, %get3A_1137 : vector<16xf32>
        %get3A_1139 = arith.index_cast %add3A_1123 : i32 to index
        %get3A_1140 = arith.constant 176 : index
        %get3A_1141 = tpu.vector_load %arg4[%get3A_1139, %get3A_1140] {strides = array<i32>} : memref<64x768xf32, #tpu.memory_space<vmem>>, vector<1x16xf32>,
        %get3A_1142 = vector.shape_cast %get3A_1141 : vector<1x16xf32> to vector<16xf32>
        %add3A_1143 = arith.addf %add3A_1099, %get3A_1142 : vector<16xf32>
        %get3A_1144 = arith.index_cast %add3A_1123 : i32 to index
        %get3A_1145 = arith.constant 192 : index
        %get3A_1146 = tpu.vector_load %arg4[%get3A_1144, %get3A_1145] {strides = array<i32>} : memref<64x768xf32, #tpu.memory_space<vmem>>, vector<1x16xf32>,
        %get3A_1147 = vector.shape_cast %get3A_1146 : vector<1x16xf32> to vector<16xf32>
        %add3A_1148 = arith.addf %add3A_1104, %get3A_1147 : vector<16xf32>
        %get3A_1149 = arith.index_cast %add3A_1123 : i32 to index
        %get3A_1150 = arith.constant 208 : index
        %get3A_1151 = tpu.vector_load %arg4[%get3A_1149, %get3A_1150] {strides = array<i32>} : memref<64x768xf32, #tpu.memory_space<vmem>>, vector<1x16xf32>,
        %get3A_1152 = vector.shape_cast %get3A_1151 : vector<1x16xf32> to vector<16xf32>
        %add3A_1153 = arith.addf %add3A_1109, %get3A_1152 : vector<16xf32>
        %get3A_1154 = arith.index_cast %add3A_1123 : i32 to index
        %get3A_1155 = arith.constant 224 : index
        %get3A_1156 = tpu.vector_load %arg4[%get3A_1154, %get3A_1155] {strides = array<i32>} : memref<64x768xf32, #tpu.memory_space<vmem>>, vector<1x16xf32>,
        %get3A_1157 = vector.shape_cast %get3A_1156 : vector<1x16xf32> to vector<16xf32>
        %add3A_1158 = arith.addf %add3A_1114, %get3A_1157 : vector<16xf32>
        %get3A_1159 = arith.index_cast %add3A_1123 : i32 to index
        %get3A_1160 = arith.constant 240 : index
        %get3A_1161 = tpu.vector_load %arg4[%get3A_1159, %get3A_1160] {strides = array<i32>} : memref<64x768xf32, #tpu.memory_space<vmem>>, vector<1x16xf32>,
        %get3A_1162 = vector.shape_cast %get3A_1161 : vector<1x16xf32> to vector<16xf32>
        %add3A_1163 = arith.addf %add3A_1119, %get3A_1162 : vector<16xf32>
        scf.yield %add3A_1128, %add3A_1133, %add3A_1138, %add3A_1143, %add3A_1148, %add3A_1153, %add3A_1158, %add3A_1163 : vector<16xf32>, vector<16xf32>, vector<16xf32>, vector<16xf32>, vector<16xf32>, vector<16xf32>, vector<16xf32>, vector<16xf32>
      }
      %scan3A_313 = arith.constant 16 : i32
      %swap3A_314 = arith.constant 128 : index
      %swap3A_315 = tpu.vector_load %arg6[%swap3A_314] {strides = array<i32>} : memref<768xf32, #tpu.memory_space<vmem>>, vector<16xf32>,
      %swap3A_316 = vector.shape_cast %swap3A_315 : vector<16xf32> to vector<16xf32>
      %swap3A_317 = vector.shape_cast %scan3A_312#0 : vector<16xf32> to vector<16xf32>
      tpu.vector_store %arg6[%swap3A_314], %swap3A_317 {strides = array<i32>} : memref<768xf32, #tpu.memory_space<vmem>>, vector<16xf32>,
      %swap3A_318 = arith.constant 144 : index
      %swap3A_319 = tpu.vector_load %arg6[%swap3A_318] {strides = array<i32>} : memref<768xf32, #tpu.memory_space<vmem>>, vector<16xf32>,
      %swap3A_320 = vector.shape_cast %swap3A_319 : vector<16xf32> to vector<16xf32>
      %swap3A_321 = vector.shape_cast %scan3A_312#1 : vector<16xf32> to vector<16xf32>
      tpu.vector_store %arg6[%swap3A_318], %swap3A_321 {strides = array<i32>} : memref<768xf32, #tpu.memory_space<vmem>>, vector<16xf32>,
      %swap3A_322 = arith.constant 160 : index
      %swap3A_323 = tpu.vector_load %arg6[%swap3A_322] {strides = array<i32>} : memref<768xf32, #tpu.memory_space<vmem>>, vector<16xf32>,
      %swap3A_324 = vector.shape_cast %swap3A_323 : vector<16xf32> to vector<16xf32>
      %swap3A_325 = vector.shape_cast %scan3A_312#2 : vector<16xf32> to vector<16xf32>
      tpu.vector_store %arg6[%swap3A_322], %swap3A_325 {strides = array<i32>} : memref<768xf32, #tpu.memory_space<vmem>>, vector<16xf32>,
      %swap3A_326 = arith.constant 176 : index
      %swap3A_327 = tpu.vector_load %arg6[%swap3A_326] {strides = array<i32>} : memref<768xf32, #tpu.memory_space<vmem>>, vector<16xf32>,
      %swap3A_328 = vector.shape_cast %swap3A_327 : vector<16xf32> to vector<16xf32>
      %swap3A_329 = vector.shape_cast %scan3A_312#3 : vector<16xf32> to vector<16xf32>
      tpu.vector_store %arg6[%swap3A_326], %swap3A_329 {strides = array<i32>} : memref<768xf32, #tpu.memory_space<vmem>>, vector<16xf32>,
      %swap3A_330 = arith.constant 192 : index
      %swap3A_331 = tpu.vector_load %arg6[%swap3A_330] {strides = array<i32>} : memref<768xf32, #tpu.memory_space<vmem>>, vector<16xf32>,
      %swap3A_332 = vector.shape_cast %swap3A_331 : vector<16xf32> to vector<16xf32>
      %swap3A_333 = vector.shape_cast %scan3A_312#4 : vector<16xf32> to vector<16xf32>
      tpu.vector_store %arg6[%swap3A_330], %swap3A_333 {strides = array<i32>} : memref<768xf32, #tpu.memory_space<vmem>>, vector<16xf32>,
      %swap3A_334 = arith.constant 208 : index
      %swap3A_335 = tpu.vector_load %arg6[%swap3A_334] {strides = array<i32>} : memref<768xf32, #tpu.memory_space<vmem>>, vector<16xf32>,
      %swap3A_336 = vector.shape_cast %swap3A_335 : vector<16xf32> to vector<16xf32>
      %swap3A_337 = vector.shape_cast %scan3A_312#5 : vector<16xf32> to vector<16xf32>
      tpu.vector_store %arg6[%swap3A_334], %swap3A_337 {strides = array<i32>} : memref<768xf32, #tpu.memory_space<vmem>>, vector<16xf32>,
      %swap3A_338 = arith.constant 224 : index
      %swap3A_339 = tpu.vector_load %arg6[%swap3A_338] {strides = array<i32>} : memref<768xf32, #tpu.memory_space<vmem>>, vector<16xf32>,
      %swap3A_340 = vector.shape_cast %swap3A_339 : vector<16xf32> to vector<16xf32>
      %swap3A_341 = vector.shape_cast %scan3A_312#6 : vector<16xf32> to vector<16xf32>
      tpu.vector_store %arg6[%swap3A_338], %swap3A_341 {strides = array<i32>} : memref<768xf32, #tpu.memory_space<vmem>>, vector<16xf32>,
      %swap3A_342 = arith.constant 240 : index
      %swap3A_343 = tpu.vector_load %arg6[%swap3A_342] {strides = array<i32>} : memref<768xf32, #tpu.memory_space<vmem>>, vector<16xf32>,
      %swap3A_344 = vector.shape_cast %swap3A_343 : vector<16xf32> to vector<16xf32>
      %swap3A_345 = vector.shape_cast %scan3A_312#7 : vector<16xf32> to vector<16xf32>
      tpu.vector_store %arg6[%swap3A_342], %swap3A_345 {strides = array<i32>} : memref<768xf32, #tpu.memory_space<vmem>>, vector<16xf32>,
      %get3A_346 = arith.constant 256 : index
      %get3A_347 = tpu.vector_load %arg6[%get3A_346] {strides = array<i32>} : memref<768xf32, #tpu.memory_space<vmem>>, vector<16xf32>,
      %get3A_348 = vector.shape_cast %get3A_347 : vector<16xf32> to vector<16xf32>
      %get3A_349 = arith.constant 272 : index
      %get3A_350 = tpu.vector_load %arg6[%get3A_349] {strides = array<i32>} : memref<768xf32, #tpu.memory_space<vmem>>, vector<16xf32>,
      %get3A_351 = vector.shape_cast %get3A_350 : vector<16xf32> to vector<16xf32>
      %get3A_352 = arith.constant 288 : index
      %get3A_353 = tpu.vector_load %arg6[%get3A_352] {strides = array<i32>} : memref<768xf32, #tpu.memory_space<vmem>>, vector<16xf32>,
      %get3A_354 = vector.shape_cast %get3A_353 : vector<16xf32> to vector<16xf32>
      %get3A_355 = arith.constant 304 : index
      %get3A_356 = tpu.vector_load %arg6[%get3A_355] {strides = array<i32>} : memref<768xf32, #tpu.memory_space<vmem>>, vector<16xf32>,
      %get3A_357 = vector.shape_cast %get3A_356 : vector<16xf32> to vector<16xf32>
      %get3A_358 = arith.constant 320 : index
      %get3A_359 = tpu.vector_load %arg6[%get3A_358] {strides = array<i32>} : memref<768xf32, #tpu.memory_space<vmem>>, vector<16xf32>,
      %get3A_360 = vector.shape_cast %get3A_359 : vector<16xf32> to vector<16xf32>
      %get3A_361 = arith.constant 336 : index
      %get3A_362 = tpu.vector_load %arg6[%get3A_361] {strides = array<i32>} : memref<768xf32, #tpu.memory_space<vmem>>, vector<16xf32>,
      %get3A_363 = vector.shape_cast %get3A_362 : vector<16xf32> to vector<16xf32>
      %get3A_364 = arith.constant 352 : index
      %get3A_365 = tpu.vector_load %arg6[%get3A_364] {strides = array<i32>} : memref<768xf32, #tpu.memory_space<vmem>>, vector<16xf32>,
      %get3A_366 = vector.shape_cast %get3A_365 : vector<16xf32> to vector<16xf32>
      %get3A_367 = arith.constant 368 : index
      %get3A_368 = tpu.vector_load %arg6[%get3A_367] {strides = array<i32>} : memref<768xf32, #tpu.memory_space<vmem>>, vector<16xf32>,
      %get3A_369 = vector.shape_cast %get3A_368 : vector<16xf32> to vector<16xf32>
      %scan3A_370 = arith.constant 0 : i32
      %scan3A_371 = arith.constant 16 : i32
      %scan3A_372 = arith.addi %scan3A_370, %scan3A_371 : i32
      %scan3A_373 = arith.constant 1 : i32
      %scan3A_374:8 = scf.for %scan3A_979 = %scan3A_370 to %scan3A_372 step %scan3A_373 iter_args(%scan3A_980 = %get3A_348, %scan3A_981 = %get3A_351, %scan3A_982 = %get3A_354, %scan3A_983 = %get3A_357, %scan3A_984 = %get3A_360, %scan3A_985 = %get3A_363, %scan3A_986 = %get3A_366, %scan3A_987 = %get3A_369) -> (vector<16xf32>, vector<16xf32>, vector<16xf32>, vector<16xf32>, vector<16xf32>, vector<16xf32>, vector<16xf32>, vector<16xf32>)  : i32 {
        %mul3A_988 = arith.constant 4 : i32
        %mul3A_989 = arith.muli %scan3A_979, %mul3A_988 : i32
        %add3A_990 = arith.constant 0 : i32
        %add3A_991 = arith.addi %mul3A_989, %add3A_990 : i32
        %get3A_992 = arith.index_cast %add3A_991 : i32 to index
        %get3A_993 = arith.constant 256 : index
        %get3A_994 = tpu.vector_load %arg4[%get3A_992, %get3A_993] {strides = array<i32>} : memref<64x768xf32, #tpu.memory_space<vmem>>, vector<1x16xf32>,
        %get3A_995 = vector.shape_cast %get3A_994 : vector<1x16xf32> to vector<16xf32>
        %add3A_996 = arith.addf %scan3A_980, %get3A_995 : vector<16xf32>
        %get3A_997 = arith.index_cast %add3A_991 : i32 to index
        %get3A_998 = arith.constant 272 : index
        %get3A_999 = tpu.vector_load %arg4[%get3A_997, %get3A_998] {strides = array<i32>} : memref<64x768xf32, #tpu.memory_space<vmem>>, vector<1x16xf32>,
        %get3A_1000 = vector.shape_cast %get3A_999 : vector<1x16xf32> to vector<16xf32>
        %add3A_1001 = arith.addf %scan3A_981, %get3A_1000 : vector<16xf32>
        %get3A_1002 = arith.index_cast %add3A_991 : i32 to index
        %get3A_1003 = arith.constant 288 : index
        %get3A_1004 = tpu.vector_load %arg4[%get3A_1002, %get3A_1003] {strides = array<i32>} : memref<64x768xf32, #tpu.memory_space<vmem>>, vector<1x16xf32>,
        %get3A_1005 = vector.shape_cast %get3A_1004 : vector<1x16xf32> to vector<16xf32>
        %add3A_1006 = arith.addf %scan3A_982, %get3A_1005 : vector<16xf32>
        %get3A_1007 = arith.index_cast %add3A_991 : i32 to index
        %get3A_1008 = arith.constant 304 : index
        %get3A_1009 = tpu.vector_load %arg4[%get3A_1007, %get3A_1008] {strides = array<i32>} : memref<64x768xf32, #tpu.memory_space<vmem>>, vector<1x16xf32>,
        %get3A_1010 = vector.shape_cast %get3A_1009 : vector<1x16xf32> to vector<16xf32>
        %add3A_1011 = arith.addf %scan3A_983, %get3A_1010 : vector<16xf32>
        %get3A_1012 = arith.index_cast %add3A_991 : i32 to index
        %get3A_1013 = arith.constant 320 : index
        %get3A_1014 = tpu.vector_load %arg4[%get3A_1012, %get3A_1013] {strides = array<i32>} : memref<64x768xf32, #tpu.memory_space<vmem>>, vector<1x16xf32>,
        %get3A_1015 = vector.shape_cast %get3A_1014 : vector<1x16xf32> to vector<16xf32>
        %add3A_1016 = arith.addf %scan3A_984, %get3A_1015 : vector<16xf32>
        %get3A_1017 = arith.index_cast %add3A_991 : i32 to index
        %get3A_1018 = arith.constant 336 : index
        %get3A_1019 = tpu.vector_load %arg4[%get3A_1017, %get3A_1018] {strides = array<i32>} : memref<64x768xf32, #tpu.memory_space<vmem>>, vector<1x16xf32>,
        %get3A_1020 = vector.shape_cast %get3A_1019 : vector<1x16xf32> to vector<16xf32>
        %add3A_1021 = arith.addf %scan3A_985, %get3A_1020 : vector<16xf32>
        %get3A_1022 = arith.index_cast %add3A_991 : i32 to index
        %get3A_1023 = arith.constant 352 : index
        %get3A_1024 = tpu.vector_load %arg4[%get3A_1022, %get3A_1023] {strides = array<i32>} : memref<64x768xf32, #tpu.memory_space<vmem>>, vector<1x16xf32>,
        %get3A_1025 = vector.shape_cast %get3A_1024 : vector<1x16xf32> to vector<16xf32>
        %add3A_1026 = arith.addf %scan3A_986, %get3A_1025 : vector<16xf32>
        %get3A_1027 = arith.index_cast %add3A_991 : i32 to index
        %get3A_1028 = arith.constant 368 : index
        %get3A_1029 = tpu.vector_load %arg4[%get3A_1027, %get3A_1028] {strides = array<i32>} : memref<64x768xf32, #tpu.memory_space<vmem>>, vector<1x16xf32>,
        %get3A_1030 = vector.shape_cast %get3A_1029 : vector<1x16xf32> to vector<16xf32>
        %add3A_1031 = arith.addf %scan3A_987, %get3A_1030 : vector<16xf32>
        %mul3A_1032 = arith.constant 4 : i32
        %mul3A_1033 = arith.muli %scan3A_979, %mul3A_1032 : i32
        %add3A_1034 = arith.constant 1 : i32
        %add3A_1035 = arith.addi %mul3A_1033, %add3A_1034 : i32
        %get3A_1036 = arith.index_cast %add3A_1035 : i32 to index
        %get3A_1037 = arith.constant 256 : index
        %get3A_1038 = tpu.vector_load %arg4[%get3A_1036, %get3A_1037] {strides = array<i32>} : memref<64x768xf32, #tpu.memory_space<vmem>>, vector<1x16xf32>,
        %get3A_1039 = vector.shape_cast %get3A_1038 : vector<1x16xf32> to vector<16xf32>
        %add3A_1040 = arith.addf %add3A_996, %get3A_1039 : vector<16xf32>
        %get3A_1041 = arith.index_cast %add3A_1035 : i32 to index
        %get3A_1042 = arith.constant 272 : index
        %get3A_1043 = tpu.vector_load %arg4[%get3A_1041, %get3A_1042] {strides = array<i32>} : memref<64x768xf32, #tpu.memory_space<vmem>>, vector<1x16xf32>,
        %get3A_1044 = vector.shape_cast %get3A_1043 : vector<1x16xf32> to vector<16xf32>
        %add3A_1045 = arith.addf %add3A_1001, %get3A_1044 : vector<16xf32>
        %get3A_1046 = arith.index_cast %add3A_1035 : i32 to index
        %get3A_1047 = arith.constant 288 : index
        %get3A_1048 = tpu.vector_load %arg4[%get3A_1046, %get3A_1047] {strides = array<i32>} : memref<64x768xf32, #tpu.memory_space<vmem>>, vector<1x16xf32>,
        %get3A_1049 = vector.shape_cast %get3A_1048 : vector<1x16xf32> to vector<16xf32>
        %add3A_1050 = arith.addf %add3A_1006, %get3A_1049 : vector<16xf32>
        %get3A_1051 = arith.index_cast %add3A_1035 : i32 to index
        %get3A_1052 = arith.constant 304 : index
        %get3A_1053 = tpu.vector_load %arg4[%get3A_1051, %get3A_1052] {strides = array<i32>} : memref<64x768xf32, #tpu.memory_space<vmem>>, vector<1x16xf32>,
        %get3A_1054 = vector.shape_cast %get3A_1053 : vector<1x16xf32> to vector<16xf32>
        %add3A_1055 = arith.addf %add3A_1011, %get3A_1054 : vector<16xf32>
        %get3A_1056 = arith.index_cast %add3A_1035 : i32 to index
        %get3A_1057 = arith.constant 320 : index
        %get3A_1058 = tpu.vector_load %arg4[%get3A_1056, %get3A_1057] {strides = array<i32>} : memref<64x768xf32, #tpu.memory_space<vmem>>, vector<1x16xf32>,
        %get3A_1059 = vector.shape_cast %get3A_1058 : vector<1x16xf32> to vector<16xf32>
        %add3A_1060 = arith.addf %add3A_1016, %get3A_1059 : vector<16xf32>
        %get3A_1061 = arith.index_cast %add3A_1035 : i32 to index
        %get3A_1062 = arith.constant 336 : index
        %get3A_1063 = tpu.vector_load %arg4[%get3A_1061, %get3A_1062] {strides = array<i32>} : memref<64x768xf32, #tpu.memory_space<vmem>>, vector<1x16xf32>,
        %get3A_1064 = vector.shape_cast %get3A_1063 : vector<1x16xf32> to vector<16xf32>
        %add3A_1065 = arith.addf %add3A_1021, %get3A_1064 : vector<16xf32>
        %get3A_1066 = arith.index_cast %add3A_1035 : i32 to index
        %get3A_1067 = arith.constant 352 : index
        %get3A_1068 = tpu.vector_load %arg4[%get3A_1066, %get3A_1067] {strides = array<i32>} : memref<64x768xf32, #tpu.memory_space<vmem>>, vector<1x16xf32>,
        %get3A_1069 = vector.shape_cast %get3A_1068 : vector<1x16xf32> to vector<16xf32>
        %add3A_1070 = arith.addf %add3A_1026, %get3A_1069 : vector<16xf32>
        %get3A_1071 = arith.index_cast %add3A_1035 : i32 to index
        %get3A_1072 = arith.constant 368 : index
        %get3A_1073 = tpu.vector_load %arg4[%get3A_1071, %get3A_1072] {strides = array<i32>} : memref<64x768xf32, #tpu.memory_space<vmem>>, vector<1x16xf32>,
        %get3A_1074 = vector.shape_cast %get3A_1073 : vector<1x16xf32> to vector<16xf32>
        %add3A_1075 = arith.addf %add3A_1031, %get3A_1074 : vector<16xf32>
        %mul3A_1076 = arith.constant 4 : i32
        %mul3A_1077 = arith.muli %scan3A_979, %mul3A_1076 : i32
        %add3A_1078 = arith.constant 2 : i32
        %add3A_1079 = arith.addi %mul3A_1077, %add3A_1078 : i32
        %get3A_1080 = arith.index_cast %add3A_1079 : i32 to index
        %get3A_1081 = arith.constant 256 : index
        %get3A_1082 = tpu.vector_load %arg4[%get3A_1080, %get3A_1081] {strides = array<i32>} : memref<64x768xf32, #tpu.memory_space<vmem>>, vector<1x16xf32>,
        %get3A_1083 = vector.shape_cast %get3A_1082 : vector<1x16xf32> to vector<16xf32>
        %add3A_1084 = arith.addf %add3A_1040, %get3A_1083 : vector<16xf32>
        %get3A_1085 = arith.index_cast %add3A_1079 : i32 to index
        %get3A_1086 = arith.constant 272 : index
        %get3A_1087 = tpu.vector_load %arg4[%get3A_1085, %get3A_1086] {strides = array<i32>} : memref<64x768xf32, #tpu.memory_space<vmem>>, vector<1x16xf32>,
        %get3A_1088 = vector.shape_cast %get3A_1087 : vector<1x16xf32> to vector<16xf32>
        %add3A_1089 = arith.addf %add3A_1045, %get3A_1088 : vector<16xf32>
        %get3A_1090 = arith.index_cast %add3A_1079 : i32 to index
        %get3A_1091 = arith.constant 288 : index
        %get3A_1092 = tpu.vector_load %arg4[%get3A_1090, %get3A_1091] {strides = array<i32>} : memref<64x768xf32, #tpu.memory_space<vmem>>, vector<1x16xf32>,
        %get3A_1093 = vector.shape_cast %get3A_1092 : vector<1x16xf32> to vector<16xf32>
        %add3A_1094 = arith.addf %add3A_1050, %get3A_1093 : vector<16xf32>
        %get3A_1095 = arith.index_cast %add3A_1079 : i32 to index
        %get3A_1096 = arith.constant 304 : index
        %get3A_1097 = tpu.vector_load %arg4[%get3A_1095, %get3A_1096] {strides = array<i32>} : memref<64x768xf32, #tpu.memory_space<vmem>>, vector<1x16xf32>,
        %get3A_1098 = vector.shape_cast %get3A_1097 : vector<1x16xf32> to vector<16xf32>
        %add3A_1099 = arith.addf %add3A_1055, %get3A_1098 : vector<16xf32>
        %get3A_1100 = arith.index_cast %add3A_1079 : i32 to index
        %get3A_1101 = arith.constant 320 : index
        %get3A_1102 = tpu.vector_load %arg4[%get3A_1100, %get3A_1101] {strides = array<i32>} : memref<64x768xf32, #tpu.memory_space<vmem>>, vector<1x16xf32>,
        %get3A_1103 = vector.shape_cast %get3A_1102 : vector<1x16xf32> to vector<16xf32>
        %add3A_1104 = arith.addf %add3A_1060, %get3A_1103 : vector<16xf32>
        %get3A_1105 = arith.index_cast %add3A_1079 : i32 to index
        %get3A_1106 = arith.constant 336 : index
        %get3A_1107 = tpu.vector_load %arg4[%get3A_1105, %get3A_1106] {strides = array<i32>} : memref<64x768xf32, #tpu.memory_space<vmem>>, vector<1x16xf32>,
        %get3A_1108 = vector.shape_cast %get3A_1107 : vector<1x16xf32> to vector<16xf32>
        %add3A_1109 = arith.addf %add3A_1065, %get3A_1108 : vector<16xf32>
        %get3A_1110 = arith.index_cast %add3A_1079 : i32 to index
        %get3A_1111 = arith.constant 352 : index
        %get3A_1112 = tpu.vector_load %arg4[%get3A_1110, %get3A_1111] {strides = array<i32>} : memref<64x768xf32, #tpu.memory_space<vmem>>, vector<1x16xf32>,
        %get3A_1113 = vector.shape_cast %get3A_1112 : vector<1x16xf32> to vector<16xf32>
        %add3A_1114 = arith.addf %add3A_1070, %get3A_1113 : vector<16xf32>
        %get3A_1115 = arith.index_cast %add3A_1079 : i32 to index
        %get3A_1116 = arith.constant 368 : index
        %get3A_1117 = tpu.vector_load %arg4[%get3A_1115, %get3A_1116] {strides = array<i32>} : memref<64x768xf32, #tpu.memory_space<vmem>>, vector<1x16xf32>,
        %get3A_1118 = vector.shape_cast %get3A_1117 : vector<1x16xf32> to vector<16xf32>
        %add3A_1119 = arith.addf %add3A_1075, %get3A_1118 : vector<16xf32>
        %mul3A_1120 = arith.constant 4 : i32
        %mul3A_1121 = arith.muli %scan3A_979, %mul3A_1120 : i32
        %add3A_1122 = arith.constant 3 : i32
        %add3A_1123 = arith.addi %mul3A_1121, %add3A_1122 : i32
        %get3A_1124 = arith.index_cast %add3A_1123 : i32 to index
        %get3A_1125 = arith.constant 256 : index
        %get3A_1126 = tpu.vector_load %arg4[%get3A_1124, %get3A_1125] {strides = array<i32>} : memref<64x768xf32, #tpu.memory_space<vmem>>, vector<1x16xf32>,
        %get3A_1127 = vector.shape_cast %get3A_1126 : vector<1x16xf32> to vector<16xf32>
        %add3A_1128 = arith.addf %add3A_1084, %get3A_1127 : vector<16xf32>
        %get3A_1129 = arith.index_cast %add3A_1123 : i32 to index
        %get3A_1130 = arith.constant 272 : index
        %get3A_1131 = tpu.vector_load %arg4[%get3A_1129, %get3A_1130] {strides = array<i32>} : memref<64x768xf32, #tpu.memory_space<vmem>>, vector<1x16xf32>,
        %get3A_1132 = vector.shape_cast %get3A_1131 : vector<1x16xf32> to vector<16xf32>
        %add3A_1133 = arith.addf %add3A_1089, %get3A_1132 : vector<16xf32>
        %get3A_1134 = arith.index_cast %add3A_1123 : i32 to index
        %get3A_1135 = arith.constant 288 : index
        %get3A_1136 = tpu.vector_load %arg4[%get3A_1134, %get3A_1135] {strides = array<i32>} : memref<64x768xf32, #tpu.memory_space<vmem>>, vector<1x16xf32>,
        %get3A_1137 = vector.shape_cast %get3A_1136 : vector<1x16xf32> to vector<16xf32>
        %add3A_1138 = arith.addf %add3A_1094, %get3A_1137 : vector<16xf32>
        %get3A_1139 = arith.index_cast %add3A_1123 : i32 to index
        %get3A_1140 = arith.constant 304 : index
        %get3A_1141 = tpu.vector_load %arg4[%get3A_1139, %get3A_1140] {strides = array<i32>} : memref<64x768xf32, #tpu.memory_space<vmem>>, vector<1x16xf32>,
        %get3A_1142 = vector.shape_cast %get3A_1141 : vector<1x16xf32> to vector<16xf32>
        %add3A_1143 = arith.addf %add3A_1099, %get3A_1142 : vector<16xf32>
        %get3A_1144 = arith.index_cast %add3A_1123 : i32 to index
        %get3A_1145 = arith.constant 320 : index
        %get3A_1146 = tpu.vector_load %arg4[%get3A_1144, %get3A_1145] {strides = array<i32>} : memref<64x768xf32, #tpu.memory_space<vmem>>, vector<1x16xf32>,
        %get3A_1147 = vector.shape_cast %get3A_1146 : vector<1x16xf32> to vector<16xf32>
        %add3A_1148 = arith.addf %add3A_1104, %get3A_1147 : vector<16xf32>
        %get3A_1149 = arith.index_cast %add3A_1123 : i32 to index
        %get3A_1150 = arith.constant 336 : index
        %get3A_1151 = tpu.vector_load %arg4[%get3A_1149, %get3A_1150] {strides = array<i32>} : memref<64x768xf32, #tpu.memory_space<vmem>>, vector<1x16xf32>,
        %get3A_1152 = vector.shape_cast %get3A_1151 : vector<1x16xf32> to vector<16xf32>
        %add3A_1153 = arith.addf %add3A_1109, %get3A_1152 : vector<16xf32>
        %get3A_1154 = arith.index_cast %add3A_1123 : i32 to index
        %get3A_1155 = arith.constant 352 : index
        %get3A_1156 = tpu.vector_load %arg4[%get3A_1154, %get3A_1155] {strides = array<i32>} : memref<64x768xf32, #tpu.memory_space<vmem>>, vector<1x16xf32>,
        %get3A_1157 = vector.shape_cast %get3A_1156 : vector<1x16xf32> to vector<16xf32>
        %add3A_1158 = arith.addf %add3A_1114, %get3A_1157 : vector<16xf32>
        %get3A_1159 = arith.index_cast %add3A_1123 : i32 to index
        %get3A_1160 = arith.constant 368 : index
        %get3A_1161 = tpu.vector_load %arg4[%get3A_1159, %get3A_1160] {strides = array<i32>} : memref<64x768xf32, #tpu.memory_space<vmem>>, vector<1x16xf32>,
        %get3A_1162 = vector.shape_cast %get3A_1161 : vector<1x16xf32> to vector<16xf32>
        %add3A_1163 = arith.addf %add3A_1119, %get3A_1162 : vector<16xf32>
        scf.yield %add3A_1128, %add3A_1133, %add3A_1138, %add3A_1143, %add3A_1148, %add3A_1153, %add3A_1158, %add3A_1163 : vector<16xf32>, vector<16xf32>, vector<16xf32>, vector<16xf32>, vector<16xf32>, vector<16xf32>, vector<16xf32>, vector<16xf32>
      }
      %scan3A_375 = arith.constant 16 : i32
      %swap3A_376 = arith.constant 256 : index
      %swap3A_377 = tpu.vector_load %arg6[%swap3A_376] {strides = array<i32>} : memref<768xf32, #tpu.memory_space<vmem>>, vector<16xf32>,
      %swap3A_378 = vector.shape_cast %swap3A_377 : vector<16xf32> to vector<16xf32>
      %swap3A_379 = vector.shape_cast %scan3A_374#0 : vector<16xf32> to vector<16xf32>
      tpu.vector_store %arg6[%swap3A_376], %swap3A_379 {strides = array<i32>} : memref<768xf32, #tpu.memory_space<vmem>>, vector<16xf32>,
      %swap3A_380 = arith.constant 272 : index
      %swap3A_381 = tpu.vector_load %arg6[%swap3A_380] {strides = array<i32>} : memref<768xf32, #tpu.memory_space<vmem>>, vector<16xf32>,
      %swap3A_382 = vector.shape_cast %swap3A_381 : vector<16xf32> to vector<16xf32>
      %swap3A_383 = vector.shape_cast %scan3A_374#1 : vector<16xf32> to vector<16xf32>
      tpu.vector_store %arg6[%swap3A_380], %swap3A_383 {strides = array<i32>} : memref<768xf32, #tpu.memory_space<vmem>>, vector<16xf32>,
      %swap3A_384 = arith.constant 288 : index
      %swap3A_385 = tpu.vector_load %arg6[%swap3A_384] {strides = array<i32>} : memref<768xf32, #tpu.memory_space<vmem>>, vector<16xf32>,
      %swap3A_386 = vector.shape_cast %swap3A_385 : vector<16xf32> to vector<16xf32>
      %swap3A_387 = vector.shape_cast %scan3A_374#2 : vector<16xf32> to vector<16xf32>
      tpu.vector_store %arg6[%swap3A_384], %swap3A_387 {strides = array<i32>} : memref<768xf32, #tpu.memory_space<vmem>>, vector<16xf32>,
      %swap3A_388 = arith.constant 304 : index
      %swap3A_389 = tpu.vector_load %arg6[%swap3A_388] {strides = array<i32>} : memref<768xf32, #tpu.memory_space<vmem>>, vector<16xf32>,
      %swap3A_390 = vector.shape_cast %swap3A_389 : vector<16xf32> to vector<16xf32>
      %swap3A_391 = vector.shape_cast %scan3A_374#3 : vector<16xf32> to vector<16xf32>
      tpu.vector_store %arg6[%swap3A_388], %swap3A_391 {strides = array<i32>} : memref<768xf32, #tpu.memory_space<vmem>>, vector<16xf32>,
      %swap3A_392 = arith.constant 320 : index
      %swap3A_393 = tpu.vector_load %arg6[%swap3A_392] {strides = array<i32>} : memref<768xf32, #tpu.memory_space<vmem>>, vector<16xf32>,
      %swap3A_394 = vector.shape_cast %swap3A_393 : vector<16xf32> to vector<16xf32>
      %swap3A_395 = vector.shape_cast %scan3A_374#4 : vector<16xf32> to vector<16xf32>
      tpu.vector_store %arg6[%swap3A_392], %swap3A_395 {strides = array<i32>} : memref<768xf32, #tpu.memory_space<vmem>>, vector<16xf32>,
      %swap3A_396 = arith.constant 336 : index
      %swap3A_397 = tpu.vector_load %arg6[%swap3A_396] {strides = array<i32>} : memref<768xf32, #tpu.memory_space<vmem>>, vector<16xf32>,
      %swap3A_398 = vector.shape_cast %swap3A_397 : vector<16xf32> to vector<16xf32>
      %swap3A_399 = vector.shape_cast %scan3A_374#5 : vector<16xf32> to vector<16xf32>
      tpu.vector_store %arg6[%swap3A_396], %swap3A_399 {strides = array<i32>} : memref<768xf32, #tpu.memory_space<vmem>>, vector<16xf32>,
      %swap3A_400 = arith.constant 352 : index
      %swap3A_401 = tpu.vector_load %arg6[%swap3A_400] {strides = array<i32>} : memref<768xf32, #tpu.memory_space<vmem>>, vector<16xf32>,
      %swap3A_402 = vector.shape_cast %swap3A_401 : vector<16xf32> to vector<16xf32>
      %swap3A_403 = vector.shape_cast %scan3A_374#6 : vector<16xf32> to vector<16xf32>
      tpu.vector_store %arg6[%swap3A_400], %swap3A_403 {strides = array<i32>} : memref<768xf32, #tpu.memory_space<vmem>>, vector<16xf32>,
      %swap3A_404 = arith.constant 368 : index
      %swap3A_405 = tpu.vector_load %arg6[%swap3A_404] {strides = array<i32>} : memref<768xf32, #tpu.memory_space<vmem>>, vector<16xf32>,
      %swap3A_406 = vector.shape_cast %swap3A_405 : vector<16xf32> to vector<16xf32>
      %swap3A_407 = vector.shape_cast %scan3A_374#7 : vector<16xf32> to vector<16xf32>
      tpu.vector_store %arg6[%swap3A_404], %swap3A_407 {strides = array<i32>} : memref<768xf32, #tpu.memory_space<vmem>>, vector<16xf32>,
      %get3A_408 = arith.constant 384 : index
      %get3A_409 = tpu.vector_load %arg6[%get3A_408] {strides = array<i32>} : memref<768xf32, #tpu.memory_space<vmem>>, vector<16xf32>,
      %get3A_410 = vector.shape_cast %get3A_409 : vector<16xf32> to vector<16xf32>
      %get3A_411 = arith.constant 400 : index
      %get3A_412 = tpu.vector_load %arg6[%get3A_411] {strides = array<i32>} : memref<768xf32, #tpu.memory_space<vmem>>, vector<16xf32>,
      %get3A_413 = vector.shape_cast %get3A_412 : vector<16xf32> to vector<16xf32>
      %get3A_414 = arith.constant 416 : index
      %get3A_415 = tpu.vector_load %arg6[%get3A_414] {strides = array<i32>} : memref<768xf32, #tpu.memory_space<vmem>>, vector<16xf32>,
      %get3A_416 = vector.shape_cast %get3A_415 : vector<16xf32> to vector<16xf32>
      %get3A_417 = arith.constant 432 : index
      %get3A_418 = tpu.vector_load %arg6[%get3A_417] {strides = array<i32>} : memref<768xf32, #tpu.memory_space<vmem>>, vector<16xf32>,
      %get3A_419 = vector.shape_cast %get3A_418 : vector<16xf32> to vector<16xf32>
      %get3A_420 = arith.constant 448 : index
      %get3A_421 = tpu.vector_load %arg6[%get3A_420] {strides = array<i32>} : memref<768xf32, #tpu.memory_space<vmem>>, vector<16xf32>,
      %get3A_422 = vector.shape_cast %get3A_421 : vector<16xf32> to vector<16xf32>
      %get3A_423 = arith.constant 464 : index
      %get3A_424 = tpu.vector_load %arg6[%get3A_423] {strides = array<i32>} : memref<768xf32, #tpu.memory_space<vmem>>, vector<16xf32>,
      %get3A_425 = vector.shape_cast %get3A_424 : vector<16xf32> to vector<16xf32>
      %get3A_426 = arith.constant 480 : index
      %get3A_427 = tpu.vector_load %arg6[%get3A_426] {strides = array<i32>} : memref<768xf32, #tpu.memory_space<vmem>>, vector<16xf32>,
      %get3A_428 = vector.shape_cast %get3A_427 : vector<16xf32> to vector<16xf32>
      %get3A_429 = arith.constant 496 : index
      %get3A_430 = tpu.vector_load %arg6[%get3A_429] {strides = array<i32>} : memref<768xf32, #tpu.memory_space<vmem>>, vector<16xf32>,
      %get3A_431 = vector.shape_cast %get3A_430 : vector<16xf32> to vector<16xf32>
      %scan3A_432 = arith.constant 0 : i32
      %scan3A_433 = arith.constant 16 : i32
      %scan3A_434 = arith.addi %scan3A_432, %scan3A_433 : i32
      %scan3A_435 = arith.constant 1 : i32
      %scan3A_436:8 = scf.for %scan3A_979 = %scan3A_432 to %scan3A_434 step %scan3A_435 iter_args(%scan3A_980 = %get3A_410, %scan3A_981 = %get3A_413, %scan3A_982 = %get3A_416, %scan3A_983 = %get3A_419, %scan3A_984 = %get3A_422, %scan3A_985 = %get3A_425, %scan3A_986 = %get3A_428, %scan3A_987 = %get3A_431) -> (vector<16xf32>, vector<16xf32>, vector<16xf32>, vector<16xf32>, vector<16xf32>, vector<16xf32>, vector<16xf32>, vector<16xf32>)  : i32 {
        %mul3A_988 = arith.constant 4 : i32
        %mul3A_989 = arith.muli %scan3A_979, %mul3A_988 : i32
        %add3A_990 = arith.constant 0 : i32
        %add3A_991 = arith.addi %mul3A_989, %add3A_990 : i32
        %get3A_992 = arith.index_cast %add3A_991 : i32 to index
        %get3A_993 = arith.constant 384 : index
        %get3A_994 = tpu.vector_load %arg4[%get3A_992, %get3A_993] {strides = array<i32>} : memref<64x768xf32, #tpu.memory_space<vmem>>, vector<1x16xf32>,
        %get3A_995 = vector.shape_cast %get3A_994 : vector<1x16xf32> to vector<16xf32>
        %add3A_996 = arith.addf %scan3A_980, %get3A_995 : vector<16xf32>
        %get3A_997 = arith.index_cast %add3A_991 : i32 to index
        %get3A_998 = arith.constant 400 : index
        %get3A_999 = tpu.vector_load %arg4[%get3A_997, %get3A_998] {strides = array<i32>} : memref<64x768xf32, #tpu.memory_space<vmem>>, vector<1x16xf32>,
        %get3A_1000 = vector.shape_cast %get3A_999 : vector<1x16xf32> to vector<16xf32>
        %add3A_1001 = arith.addf %scan3A_981, %get3A_1000 : vector<16xf32>
        %get3A_1002 = arith.index_cast %add3A_991 : i32 to index
        %get3A_1003 = arith.constant 416 : index
        %get3A_1004 = tpu.vector_load %arg4[%get3A_1002, %get3A_1003] {strides = array<i32>} : memref<64x768xf32, #tpu.memory_space<vmem>>, vector<1x16xf32>,
        %get3A_1005 = vector.shape_cast %get3A_1004 : vector<1x16xf32> to vector<16xf32>
        %add3A_1006 = arith.addf %scan3A_982, %get3A_1005 : vector<16xf32>
        %get3A_1007 = arith.index_cast %add3A_991 : i32 to index
        %get3A_1008 = arith.constant 432 : index
        %get3A_1009 = tpu.vector_load %arg4[%get3A_1007, %get3A_1008] {strides = array<i32>} : memref<64x768xf32, #tpu.memory_space<vmem>>, vector<1x16xf32>,
        %get3A_1010 = vector.shape_cast %get3A_1009 : vector<1x16xf32> to vector<16xf32>
        %add3A_1011 = arith.addf %scan3A_983, %get3A_1010 : vector<16xf32>
        %get3A_1012 = arith.index_cast %add3A_991 : i32 to index
        %get3A_1013 = arith.constant 448 : index
        %get3A_1014 = tpu.vector_load %arg4[%get3A_1012, %get3A_1013] {strides = array<i32>} : memref<64x768xf32, #tpu.memory_space<vmem>>, vector<1x16xf32>,
        %get3A_1015 = vector.shape_cast %get3A_1014 : vector<1x16xf32> to vector<16xf32>
        %add3A_1016 = arith.addf %scan3A_984, %get3A_1015 : vector<16xf32>
        %get3A_1017 = arith.index_cast %add3A_991 : i32 to index
        %get3A_1018 = arith.constant 464 : index
        %get3A_1019 = tpu.vector_load %arg4[%get3A_1017, %get3A_1018] {strides = array<i32>} : memref<64x768xf32, #tpu.memory_space<vmem>>, vector<1x16xf32>,
        %get3A_1020 = vector.shape_cast %get3A_1019 : vector<1x16xf32> to vector<16xf32>
        %add3A_1021 = arith.addf %scan3A_985, %get3A_1020 : vector<16xf32>
        %get3A_1022 = arith.index_cast %add3A_991 : i32 to index
        %get3A_1023 = arith.constant 480 : index
        %get3A_1024 = tpu.vector_load %arg4[%get3A_1022, %get3A_1023] {strides = array<i32>} : memref<64x768xf32, #tpu.memory_space<vmem>>, vector<1x16xf32>,
        %get3A_1025 = vector.shape_cast %get3A_1024 : vector<1x16xf32> to vector<16xf32>
        %add3A_1026 = arith.addf %scan3A_986, %get3A_1025 : vector<16xf32>
        %get3A_1027 = arith.index_cast %add3A_991 : i32 to index
        %get3A_1028 = arith.constant 496 : index
        %get3A_1029 = tpu.vector_load %arg4[%get3A_1027, %get3A_1028] {strides = array<i32>} : memref<64x768xf32, #tpu.memory_space<vmem>>, vector<1x16xf32>,
        %get3A_1030 = vector.shape_cast %get3A_1029 : vector<1x16xf32> to vector<16xf32>
        %add3A_1031 = arith.addf %scan3A_987, %get3A_1030 : vector<16xf32>
        %mul3A_1032 = arith.constant 4 : i32
        %mul3A_1033 = arith.muli %scan3A_979, %mul3A_1032 : i32
        %add3A_1034 = arith.constant 1 : i32
        %add3A_1035 = arith.addi %mul3A_1033, %add3A_1034 : i32
        %get3A_1036 = arith.index_cast %add3A_1035 : i32 to index
        %get3A_1037 = arith.constant 384 : index
        %get3A_1038 = tpu.vector_load %arg4[%get3A_1036, %get3A_1037] {strides = array<i32>} : memref<64x768xf32, #tpu.memory_space<vmem>>, vector<1x16xf32>,
        %get3A_1039 = vector.shape_cast %get3A_1038 : vector<1x16xf32> to vector<16xf32>
        %add3A_1040 = arith.addf %add3A_996, %get3A_1039 : vector<16xf32>
        %get3A_1041 = arith.index_cast %add3A_1035 : i32 to index
        %get3A_1042 = arith.constant 400 : index
        %get3A_1043 = tpu.vector_load %arg4[%get3A_1041, %get3A_1042] {strides = array<i32>} : memref<64x768xf32, #tpu.memory_space<vmem>>, vector<1x16xf32>,
        %get3A_1044 = vector.shape_cast %get3A_1043 : vector<1x16xf32> to vector<16xf32>
        %add3A_1045 = arith.addf %add3A_1001, %get3A_1044 : vector<16xf32>
        %get3A_1046 = arith.index_cast %add3A_1035 : i32 to index
        %get3A_1047 = arith.constant 416 : index
        %get3A_1048 = tpu.vector_load %arg4[%get3A_1046, %get3A_1047] {strides = array<i32>} : memref<64x768xf32, #tpu.memory_space<vmem>>, vector<1x16xf32>,
        %get3A_1049 = vector.shape_cast %get3A_1048 : vector<1x16xf32> to vector<16xf32>
        %add3A_1050 = arith.addf %add3A_1006, %get3A_1049 : vector<16xf32>
        %get3A_1051 = arith.index_cast %add3A_1035 : i32 to index
        %get3A_1052 = arith.constant 432 : index
        %get3A_1053 = tpu.vector_load %arg4[%get3A_1051, %get3A_1052] {strides = array<i32>} : memref<64x768xf32, #tpu.memory_space<vmem>>, vector<1x16xf32>,
        %get3A_1054 = vector.shape_cast %get3A_1053 : vector<1x16xf32> to vector<16xf32>
        %add3A_1055 = arith.addf %add3A_1011, %get3A_1054 : vector<16xf32>
        %get3A_1056 = arith.index_cast %add3A_1035 : i32 to index
        %get3A_1057 = arith.constant 448 : index
        %get3A_1058 = tpu.vector_load %arg4[%get3A_1056, %get3A_1057] {strides = array<i32>} : memref<64x768xf32, #tpu.memory_space<vmem>>, vector<1x16xf32>,
        %get3A_1059 = vector.shape_cast %get3A_1058 : vector<1x16xf32> to vector<16xf32>
        %add3A_1060 = arith.addf %add3A_1016, %get3A_1059 : vector<16xf32>
        %get3A_1061 = arith.index_cast %add3A_1035 : i32 to index
        %get3A_1062 = arith.constant 464 : index
        %get3A_1063 = tpu.vector_load %arg4[%get3A_1061, %get3A_1062] {strides = array<i32>} : memref<64x768xf32, #tpu.memory_space<vmem>>, vector<1x16xf32>,
        %get3A_1064 = vector.shape_cast %get3A_1063 : vector<1x16xf32> to vector<16xf32>
        %add3A_1065 = arith.addf %add3A_1021, %get3A_1064 : vector<16xf32>
        %get3A_1066 = arith.index_cast %add3A_1035 : i32 to index
        %get3A_1067 = arith.constant 480 : index
        %get3A_1068 = tpu.vector_load %arg4[%get3A_1066, %get3A_1067] {strides = array<i32>} : memref<64x768xf32, #tpu.memory_space<vmem>>, vector<1x16xf32>,
        %get3A_1069 = vector.shape_cast %get3A_1068 : vector<1x16xf32> to vector<16xf32>
        %add3A_1070 = arith.addf %add3A_1026, %get3A_1069 : vector<16xf32>
        %get3A_1071 = arith.index_cast %add3A_1035 : i32 to index
        %get3A_1072 = arith.constant 496 : index
        %get3A_1073 = tpu.vector_load %arg4[%get3A_1071, %get3A_1072] {strides = array<i32>} : memref<64x768xf32, #tpu.memory_space<vmem>>, vector<1x16xf32>,
        %get3A_1074 = vector.shape_cast %get3A_1073 : vector<1x16xf32> to vector<16xf32>
        %add3A_1075 = arith.addf %add3A_1031, %get3A_1074 : vector<16xf32>
        %mul3A_1076 = arith.constant 4 : i32
        %mul3A_1077 = arith.muli %scan3A_979, %mul3A_1076 : i32
        %add3A_1078 = arith.constant 2 : i32
        %add3A_1079 = arith.addi %mul3A_1077, %add3A_1078 : i32
        %get3A_1080 = arith.index_cast %add3A_1079 : i32 to index
        %get3A_1081 = arith.constant 384 : index
        %get3A_1082 = tpu.vector_load %arg4[%get3A_1080, %get3A_1081] {strides = array<i32>} : memref<64x768xf32, #tpu.memory_space<vmem>>, vector<1x16xf32>,
        %get3A_1083 = vector.shape_cast %get3A_1082 : vector<1x16xf32> to vector<16xf32>
        %add3A_1084 = arith.addf %add3A_1040, %get3A_1083 : vector<16xf32>
        %get3A_1085 = arith.index_cast %add3A_1079 : i32 to index
        %get3A_1086 = arith.constant 400 : index
        %get3A_1087 = tpu.vector_load %arg4[%get3A_1085, %get3A_1086] {strides = array<i32>} : memref<64x768xf32, #tpu.memory_space<vmem>>, vector<1x16xf32>,
        %get3A_1088 = vector.shape_cast %get3A_1087 : vector<1x16xf32> to vector<16xf32>
        %add3A_1089 = arith.addf %add3A_1045, %get3A_1088 : vector<16xf32>
        %get3A_1090 = arith.index_cast %add3A_1079 : i32 to index
        %get3A_1091 = arith.constant 416 : index
        %get3A_1092 = tpu.vector_load %arg4[%get3A_1090, %get3A_1091] {strides = array<i32>} : memref<64x768xf32, #tpu.memory_space<vmem>>, vector<1x16xf32>,
        %get3A_1093 = vector.shape_cast %get3A_1092 : vector<1x16xf32> to vector<16xf32>
        %add3A_1094 = arith.addf %add3A_1050, %get3A_1093 : vector<16xf32>
        %get3A_1095 = arith.index_cast %add3A_1079 : i32 to index
        %get3A_1096 = arith.constant 432 : index
        %get3A_1097 = tpu.vector_load %arg4[%get3A_1095, %get3A_1096] {strides = array<i32>} : memref<64x768xf32, #tpu.memory_space<vmem>>, vector<1x16xf32>,
        %get3A_1098 = vector.shape_cast %get3A_1097 : vector<1x16xf32> to vector<16xf32>
        %add3A_1099 = arith.addf %add3A_1055, %get3A_1098 : vector<16xf32>
        %get3A_1100 = arith.index_cast %add3A_1079 : i32 to index
        %get3A_1101 = arith.constant 448 : index
        %get3A_1102 = tpu.vector_load %arg4[%get3A_1100, %get3A_1101] {strides = array<i32>} : memref<64x768xf32, #tpu.memory_space<vmem>>, vector<1x16xf32>,
        %get3A_1103 = vector.shape_cast %get3A_1102 : vector<1x16xf32> to vector<16xf32>
        %add3A_1104 = arith.addf %add3A_1060, %get3A_1103 : vector<16xf32>
        %get3A_1105 = arith.index_cast %add3A_1079 : i32 to index
        %get3A_1106 = arith.constant 464 : index
        %get3A_1107 = tpu.vector_load %arg4[%get3A_1105, %get3A_1106] {strides = array<i32>} : memref<64x768xf32, #tpu.memory_space<vmem>>, vector<1x16xf32>,
        %get3A_1108 = vector.shape_cast %get3A_1107 : vector<1x16xf32> to vector<16xf32>
        %add3A_1109 = arith.addf %add3A_1065, %get3A_1108 : vector<16xf32>
        %get3A_1110 = arith.index_cast %add3A_1079 : i32 to index
        %get3A_1111 = arith.constant 480 : index
        %get3A_1112 = tpu.vector_load %arg4[%get3A_1110, %get3A_1111] {strides = array<i32>} : memref<64x768xf32, #tpu.memory_space<vmem>>, vector<1x16xf32>,
        %get3A_1113 = vector.shape_cast %get3A_1112 : vector<1x16xf32> to vector<16xf32>
        %add3A_1114 = arith.addf %add3A_1070, %get3A_1113 : vector<16xf32>
        %get3A_1115 = arith.index_cast %add3A_1079 : i32 to index
        %get3A_1116 = arith.constant 496 : index
        %get3A_1117 = tpu.vector_load %arg4[%get3A_1115, %get3A_1116] {strides = array<i32>} : memref<64x768xf32, #tpu.memory_space<vmem>>, vector<1x16xf32>,
        %get3A_1118 = vector.shape_cast %get3A_1117 : vector<1x16xf32> to vector<16xf32>
        %add3A_1119 = arith.addf %add3A_1075, %get3A_1118 : vector<16xf32>
        %mul3A_1120 = arith.constant 4 : i32
        %mul3A_1121 = arith.muli %scan3A_979, %mul3A_1120 : i32
        %add3A_1122 = arith.constant 3 : i32
        %add3A_1123 = arith.addi %mul3A_1121, %add3A_1122 : i32
        %get3A_1124 = arith.index_cast %add3A_1123 : i32 to index
        %get3A_1125 = arith.constant 384 : index
        %get3A_1126 = tpu.vector_load %arg4[%get3A_1124, %get3A_1125] {strides = array<i32>} : memref<64x768xf32, #tpu.memory_space<vmem>>, vector<1x16xf32>,
        %get3A_1127 = vector.shape_cast %get3A_1126 : vector<1x16xf32> to vector<16xf32>
        %add3A_1128 = arith.addf %add3A_1084, %get3A_1127 : vector<16xf32>
        %get3A_1129 = arith.index_cast %add3A_1123 : i32 to index
        %get3A_1130 = arith.constant 400 : index
        %get3A_1131 = tpu.vector_load %arg4[%get3A_1129, %get3A_1130] {strides = array<i32>} : memref<64x768xf32, #tpu.memory_space<vmem>>, vector<1x16xf32>,
        %get3A_1132 = vector.shape_cast %get3A_1131 : vector<1x16xf32> to vector<16xf32>
        %add3A_1133 = arith.addf %add3A_1089, %get3A_1132 : vector<16xf32>
        %get3A_1134 = arith.index_cast %add3A_1123 : i32 to index
        %get3A_1135 = arith.constant 416 : index
        %get3A_1136 = tpu.vector_load %arg4[%get3A_1134, %get3A_1135] {strides = array<i32>} : memref<64x768xf32, #tpu.memory_space<vmem>>, vector<1x16xf32>,
        %get3A_1137 = vector.shape_cast %get3A_1136 : vector<1x16xf32> to vector<16xf32>
        %add3A_1138 = arith.addf %add3A_1094, %get3A_1137 : vector<16xf32>
        %get3A_1139 = arith.index_cast %add3A_1123 : i32 to index
        %get3A_1140 = arith.constant 432 : index
        %get3A_1141 = tpu.vector_load %arg4[%get3A_1139, %get3A_1140] {strides = array<i32>} : memref<64x768xf32, #tpu.memory_space<vmem>>, vector<1x16xf32>,
        %get3A_1142 = vector.shape_cast %get3A_1141 : vector<1x16xf32> to vector<16xf32>
        %add3A_1143 = arith.addf %add3A_1099, %get3A_1142 : vector<16xf32>
        %get3A_1144 = arith.index_cast %add3A_1123 : i32 to index
        %get3A_1145 = arith.constant 448 : index
        %get3A_1146 = tpu.vector_load %arg4[%get3A_1144, %get3A_1145] {strides = array<i32>} : memref<64x768xf32, #tpu.memory_space<vmem>>, vector<1x16xf32>,
        %get3A_1147 = vector.shape_cast %get3A_1146 : vector<1x16xf32> to vector<16xf32>
        %add3A_1148 = arith.addf %add3A_1104, %get3A_1147 : vector<16xf32>
        %get3A_1149 = arith.index_cast %add3A_1123 : i32 to index
        %get3A_1150 = arith.constant 464 : index
        %get3A_1151 = tpu.vector_load %arg4[%get3A_1149, %get3A_1150] {strides = array<i32>} : memref<64x768xf32, #tpu.memory_space<vmem>>, vector<1x16xf32>,
        %get3A_1152 = vector.shape_cast %get3A_1151 : vector<1x16xf32> to vector<16xf32>
        %add3A_1153 = arith.addf %add3A_1109, %get3A_1152 : vector<16xf32>
        %get3A_1154 = arith.index_cast %add3A_1123 : i32 to index
        %get3A_1155 = arith.constant 480 : index
        %get3A_1156 = tpu.vector_load %arg4[%get3A_1154, %get3A_1155] {strides = array<i32>} : memref<64x768xf32, #tpu.memory_space<vmem>>, vector<1x16xf32>,
        %get3A_1157 = vector.shape_cast %get3A_1156 : vector<1x16xf32> to vector<16xf32>
        %add3A_1158 = arith.addf %add3A_1114, %get3A_1157 : vector<16xf32>
        %get3A_1159 = arith.index_cast %add3A_1123 : i32 to index
        %get3A_1160 = arith.constant 496 : index
        %get3A_1161 = tpu.vector_load %arg4[%get3A_1159, %get3A_1160] {strides = array<i32>} : memref<64x768xf32, #tpu.memory_space<vmem>>, vector<1x16xf32>,
        %get3A_1162 = vector.shape_cast %get3A_1161 : vector<1x16xf32> to vector<16xf32>
        %add3A_1163 = arith.addf %add3A_1119, %get3A_1162 : vector<16xf32>
        scf.yield %add3A_1128, %add3A_1133, %add3A_1138, %add3A_1143, %add3A_1148, %add3A_1153, %add3A_1158, %add3A_1163 : vector<16xf32>, vector<16xf32>, vector<16xf32>, vector<16xf32>, vector<16xf32>, vector<16xf32>, vector<16xf32>, vector<16xf32>
      }
      %scan3A_437 = arith.constant 16 : i32
      %swap3A_438 = arith.constant 384 : index
      %swap3A_439 = tpu.vector_load %arg6[%swap3A_438] {strides = array<i32>} : memref<768xf32, #tpu.memory_space<vmem>>, vector<16xf32>,
      %swap3A_440 = vector.shape_cast %swap3A_439 : vector<16xf32> to vector<16xf32>
      %swap3A_441 = vector.shape_cast %scan3A_436#0 : vector<16xf32> to vector<16xf32>
      tpu.vector_store %arg6[%swap3A_438], %swap3A_441 {strides = array<i32>} : memref<768xf32, #tpu.memory_space<vmem>>, vector<16xf32>,
      %swap3A_442 = arith.constant 400 : index
      %swap3A_443 = tpu.vector_load %arg6[%swap3A_442] {strides = array<i32>} : memref<768xf32, #tpu.memory_space<vmem>>, vector<16xf32>,
      %swap3A_444 = vector.shape_cast %swap3A_443 : vector<16xf32> to vector<16xf32>
      %swap3A_445 = vector.shape_cast %scan3A_436#1 : vector<16xf32> to vector<16xf32>
      tpu.vector_store %arg6[%swap3A_442], %swap3A_445 {strides = array<i32>} : memref<768xf32, #tpu.memory_space<vmem>>, vector<16xf32>,
      %swap3A_446 = arith.constant 416 : index
      %swap3A_447 = tpu.vector_load %arg6[%swap3A_446] {strides = array<i32>} : memref<768xf32, #tpu.memory_space<vmem>>, vector<16xf32>,
      %swap3A_448 = vector.shape_cast %swap3A_447 : vector<16xf32> to vector<16xf32>
      %swap3A_449 = vector.shape_cast %scan3A_436#2 : vector<16xf32> to vector<16xf32>
      tpu.vector_store %arg6[%swap3A_446], %swap3A_449 {strides = array<i32>} : memref<768xf32, #tpu.memory_space<vmem>>, vector<16xf32>,
      %swap3A_450 = arith.constant 432 : index
      %swap3A_451 = tpu.vector_load %arg6[%swap3A_450] {strides = array<i32>} : memref<768xf32, #tpu.memory_space<vmem>>, vector<16xf32>,
      %swap3A_452 = vector.shape_cast %swap3A_451 : vector<16xf32> to vector<16xf32>
      %swap3A_453 = vector.shape_cast %scan3A_436#3 : vector<16xf32> to vector<16xf32>
      tpu.vector_store %arg6[%swap3A_450], %swap3A_453 {strides = array<i32>} : memref<768xf32, #tpu.memory_space<vmem>>, vector<16xf32>,
      %swap3A_454 = arith.constant 448 : index
      %swap3A_455 = tpu.vector_load %arg6[%swap3A_454] {strides = array<i32>} : memref<768xf32, #tpu.memory_space<vmem>>, vector<16xf32>,
      %swap3A_456 = vector.shape_cast %swap3A_455 : vector<16xf32> to vector<16xf32>
      %swap3A_457 = vector.shape_cast %scan3A_436#4 : vector<16xf32> to vector<16xf32>
      tpu.vector_store %arg6[%swap3A_454], %swap3A_457 {strides = array<i32>} : memref<768xf32, #tpu.memory_space<vmem>>, vector<16xf32>,
      %swap3A_458 = arith.constant 464 : index
      %swap3A_459 = tpu.vector_load %arg6[%swap3A_458] {strides = array<i32>} : memref<768xf32, #tpu.memory_space<vmem>>, vector<16xf32>,
      %swap3A_460 = vector.shape_cast %swap3A_459 : vector<16xf32> to vector<16xf32>
      %swap3A_461 = vector.shape_cast %scan3A_436#5 : vector<16xf32> to vector<16xf32>
      tpu.vector_store %arg6[%swap3A_458], %swap3A_461 {strides = array<i32>} : memref<768xf32, #tpu.memory_space<vmem>>, vector<16xf32>,
      %swap3A_462 = arith.constant 480 : index
      %swap3A_463 = tpu.vector_load %arg6[%swap3A_462] {strides = array<i32>} : memref<768xf32, #tpu.memory_space<vmem>>, vector<16xf32>,
      %swap3A_464 = vector.shape_cast %swap3A_463 : vector<16xf32> to vector<16xf32>
      %swap3A_465 = vector.shape_cast %scan3A_436#6 : vector<16xf32> to vector<16xf32>
      tpu.vector_store %arg6[%swap3A_462], %swap3A_465 {strides = array<i32>} : memref<768xf32, #tpu.memory_space<vmem>>, vector<16xf32>,
      %swap3A_466 = arith.constant 496 : index
      %swap3A_467 = tpu.vector_load %arg6[%swap3A_466] {strides = array<i32>} : memref<768xf32, #tpu.memory_space<vmem>>, vector<16xf32>,
      %swap3A_468 = vector.shape_cast %swap3A_467 : vector<16xf32> to vector<16xf32>
      %swap3A_469 = vector.shape_cast %scan3A_436#7 : vector<16xf32> to vector<16xf32>
      tpu.vector_store %arg6[%swap3A_466], %swap3A_469 {strides = array<i32>} : memref<768xf32, #tpu.memory_space<vmem>>, vector<16xf32>,
      %get3A_470 = arith.constant 512 : index
      %get3A_471 = tpu.vector_load %arg6[%get3A_470] {strides = array<i32>} : memref<768xf32, #tpu.memory_space<vmem>>, vector<16xf32>,
      %get3A_472 = vector.shape_cast %get3A_471 : vector<16xf32> to vector<16xf32>
      %get3A_473 = arith.constant 528 : index
      %get3A_474 = tpu.vector_load %arg6[%get3A_473] {strides = array<i32>} : memref<768xf32, #tpu.memory_space<vmem>>, vector<16xf32>,
      %get3A_475 = vector.shape_cast %get3A_474 : vector<16xf32> to vector<16xf32>
      %get3A_476 = arith.constant 544 : index
      %get3A_477 = tpu.vector_load %arg6[%get3A_476] {strides = array<i32>} : memref<768xf32, #tpu.memory_space<vmem>>, vector<16xf32>,
      %get3A_478 = vector.shape_cast %get3A_477 : vector<16xf32> to vector<16xf32>
      %get3A_479 = arith.constant 560 : index
      %get3A_480 = tpu.vector_load %arg6[%get3A_479] {strides = array<i32>} : memref<768xf32, #tpu.memory_space<vmem>>, vector<16xf32>,
      %get3A_481 = vector.shape_cast %get3A_480 : vector<16xf32> to vector<16xf32>
      %get3A_482 = arith.constant 576 : index
      %get3A_483 = tpu.vector_load %arg6[%get3A_482] {strides = array<i32>} : memref<768xf32, #tpu.memory_space<vmem>>, vector<16xf32>,
      %get3A_484 = vector.shape_cast %get3A_483 : vector<16xf32> to vector<16xf32>
      %get3A_485 = arith.constant 592 : index
      %get3A_486 = tpu.vector_load %arg6[%get3A_485] {strides = array<i32>} : memref<768xf32, #tpu.memory_space<vmem>>, vector<16xf32>,
      %get3A_487 = vector.shape_cast %get3A_486 : vector<16xf32> to vector<16xf32>
      %get3A_488 = arith.constant 608 : index
      %get3A_489 = tpu.vector_load %arg6[%get3A_488] {strides = array<i32>} : memref<768xf32, #tpu.memory_space<vmem>>, vector<16xf32>,
      %get3A_490 = vector.shape_cast %get3A_489 : vector<16xf32> to vector<16xf32>
      %get3A_491 = arith.constant 624 : index
      %get3A_492 = tpu.vector_load %arg6[%get3A_491] {strides = array<i32>} : memref<768xf32, #tpu.memory_space<vmem>>, vector<16xf32>,
      %get3A_493 = vector.shape_cast %get3A_492 : vector<16xf32> to vector<16xf32>
      %scan3A_494 = arith.constant 0 : i32
      %scan3A_495 = arith.constant 16 : i32
      %scan3A_496 = arith.addi %scan3A_494, %scan3A_495 : i32
      %scan3A_497 = arith.constant 1 : i32
      %scan3A_498:8 = scf.for %scan3A_979 = %scan3A_494 to %scan3A_496 step %scan3A_497 iter_args(%scan3A_980 = %get3A_472, %scan3A_981 = %get3A_475, %scan3A_982 = %get3A_478, %scan3A_983 = %get3A_481, %scan3A_984 = %get3A_484, %scan3A_985 = %get3A_487, %scan3A_986 = %get3A_490, %scan3A_987 = %get3A_493) -> (vector<16xf32>, vector<16xf32>, vector<16xf32>, vector<16xf32>, vector<16xf32>, vector<16xf32>, vector<16xf32>, vector<16xf32>)  : i32 {
        %mul3A_988 = arith.constant 4 : i32
        %mul3A_989 = arith.muli %scan3A_979, %mul3A_988 : i32
        %add3A_990 = arith.constant 0 : i32
        %add3A_991 = arith.addi %mul3A_989, %add3A_990 : i32
        %get3A_992 = arith.index_cast %add3A_991 : i32 to index
        %get3A_993 = arith.constant 512 : index
        %get3A_994 = tpu.vector_load %arg4[%get3A_992, %get3A_993] {strides = array<i32>} : memref<64x768xf32, #tpu.memory_space<vmem>>, vector<1x16xf32>,
        %get3A_995 = vector.shape_cast %get3A_994 : vector<1x16xf32> to vector<16xf32>
        %add3A_996 = arith.addf %scan3A_980, %get3A_995 : vector<16xf32>
        %get3A_997 = arith.index_cast %add3A_991 : i32 to index
        %get3A_998 = arith.constant 528 : index
        %get3A_999 = tpu.vector_load %arg4[%get3A_997, %get3A_998] {strides = array<i32>} : memref<64x768xf32, #tpu.memory_space<vmem>>, vector<1x16xf32>,
        %get3A_1000 = vector.shape_cast %get3A_999 : vector<1x16xf32> to vector<16xf32>
        %add3A_1001 = arith.addf %scan3A_981, %get3A_1000 : vector<16xf32>
        %get3A_1002 = arith.index_cast %add3A_991 : i32 to index
        %get3A_1003 = arith.constant 544 : index
        %get3A_1004 = tpu.vector_load %arg4[%get3A_1002, %get3A_1003] {strides = array<i32>} : memref<64x768xf32, #tpu.memory_space<vmem>>, vector<1x16xf32>,
        %get3A_1005 = vector.shape_cast %get3A_1004 : vector<1x16xf32> to vector<16xf32>
        %add3A_1006 = arith.addf %scan3A_982, %get3A_1005 : vector<16xf32>
        %get3A_1007 = arith.index_cast %add3A_991 : i32 to index
        %get3A_1008 = arith.constant 560 : index
        %get3A_1009 = tpu.vector_load %arg4[%get3A_1007, %get3A_1008] {strides = array<i32>} : memref<64x768xf32, #tpu.memory_space<vmem>>, vector<1x16xf32>,
        %get3A_1010 = vector.shape_cast %get3A_1009 : vector<1x16xf32> to vector<16xf32>
        %add3A_1011 = arith.addf %scan3A_983, %get3A_1010 : vector<16xf32>
        %get3A_1012 = arith.index_cast %add3A_991 : i32 to index
        %get3A_1013 = arith.constant 576 : index
        %get3A_1014 = tpu.vector_load %arg4[%get3A_1012, %get3A_1013] {strides = array<i32>} : memref<64x768xf32, #tpu.memory_space<vmem>>, vector<1x16xf32>,
        %get3A_1015 = vector.shape_cast %get3A_1014 : vector<1x16xf32> to vector<16xf32>
        %add3A_1016 = arith.addf %scan3A_984, %get3A_1015 : vector<16xf32>
        %get3A_1017 = arith.index_cast %add3A_991 : i32 to index
        %get3A_1018 = arith.constant 592 : index
        %get3A_1019 = tpu.vector_load %arg4[%get3A_1017, %get3A_1018] {strides = array<i32>} : memref<64x768xf32, #tpu.memory_space<vmem>>, vector<1x16xf32>,
        %get3A_1020 = vector.shape_cast %get3A_1019 : vector<1x16xf32> to vector<16xf32>
        %add3A_1021 = arith.addf %scan3A_985, %get3A_1020 : vector<16xf32>
        %get3A_1022 = arith.index_cast %add3A_991 : i32 to index
        %get3A_1023 = arith.constant 608 : index
        %get3A_1024 = tpu.vector_load %arg4[%get3A_1022, %get3A_1023] {strides = array<i32>} : memref<64x768xf32, #tpu.memory_space<vmem>>, vector<1x16xf32>,
        %get3A_1025 = vector.shape_cast %get3A_1024 : vector<1x16xf32> to vector<16xf32>
        %add3A_1026 = arith.addf %scan3A_986, %get3A_1025 : vector<16xf32>
        %get3A_1027 = arith.index_cast %add3A_991 : i32 to index
        %get3A_1028 = arith.constant 624 : index
        %get3A_1029 = tpu.vector_load %arg4[%get3A_1027, %get3A_1028] {strides = array<i32>} : memref<64x768xf32, #tpu.memory_space<vmem>>, vector<1x16xf32>,
        %get3A_1030 = vector.shape_cast %get3A_1029 : vector<1x16xf32> to vector<16xf32>
        %add3A_1031 = arith.addf %scan3A_987, %get3A_1030 : vector<16xf32>
        %mul3A_1032 = arith.constant 4 : i32
        %mul3A_1033 = arith.muli %scan3A_979, %mul3A_1032 : i32
        %add3A_1034 = arith.constant 1 : i32
        %add3A_1035 = arith.addi %mul3A_1033, %add3A_1034 : i32
        %get3A_1036 = arith.index_cast %add3A_1035 : i32 to index
        %get3A_1037 = arith.constant 512 : index
        %get3A_1038 = tpu.vector_load %arg4[%get3A_1036, %get3A_1037] {strides = array<i32>} : memref<64x768xf32, #tpu.memory_space<vmem>>, vector<1x16xf32>,
        %get3A_1039 = vector.shape_cast %get3A_1038 : vector<1x16xf32> to vector<16xf32>
        %add3A_1040 = arith.addf %add3A_996, %get3A_1039 : vector<16xf32>
        %get3A_1041 = arith.index_cast %add3A_1035 : i32 to index
        %get3A_1042 = arith.constant 528 : index
        %get3A_1043 = tpu.vector_load %arg4[%get3A_1041, %get3A_1042] {strides = array<i32>} : memref<64x768xf32, #tpu.memory_space<vmem>>, vector<1x16xf32>,
        %get3A_1044 = vector.shape_cast %get3A_1043 : vector<1x16xf32> to vector<16xf32>
        %add3A_1045 = arith.addf %add3A_1001, %get3A_1044 : vector<16xf32>
        %get3A_1046 = arith.index_cast %add3A_1035 : i32 to index
        %get3A_1047 = arith.constant 544 : index
        %get3A_1048 = tpu.vector_load %arg4[%get3A_1046, %get3A_1047] {strides = array<i32>} : memref<64x768xf32, #tpu.memory_space<vmem>>, vector<1x16xf32>,
        %get3A_1049 = vector.shape_cast %get3A_1048 : vector<1x16xf32> to vector<16xf32>
        %add3A_1050 = arith.addf %add3A_1006, %get3A_1049 : vector<16xf32>
        %get3A_1051 = arith.index_cast %add3A_1035 : i32 to index
        %get3A_1052 = arith.constant 560 : index
        %get3A_1053 = tpu.vector_load %arg4[%get3A_1051, %get3A_1052] {strides = array<i32>} : memref<64x768xf32, #tpu.memory_space<vmem>>, vector<1x16xf32>,
        %get3A_1054 = vector.shape_cast %get3A_1053 : vector<1x16xf32> to vector<16xf32>
        %add3A_1055 = arith.addf %add3A_1011, %get3A_1054 : vector<16xf32>
        %get3A_1056 = arith.index_cast %add3A_1035 : i32 to index
        %get3A_1057 = arith.constant 576 : index
        %get3A_1058 = tpu.vector_load %arg4[%get3A_1056, %get3A_1057] {strides = array<i32>} : memref<64x768xf32, #tpu.memory_space<vmem>>, vector<1x16xf32>,
        %get3A_1059 = vector.shape_cast %get3A_1058 : vector<1x16xf32> to vector<16xf32>
        %add3A_1060 = arith.addf %add3A_1016, %get3A_1059 : vector<16xf32>
        %get3A_1061 = arith.index_cast %add3A_1035 : i32 to index
        %get3A_1062 = arith.constant 592 : index
        %get3A_1063 = tpu.vector_load %arg4[%get3A_1061, %get3A_1062] {strides = array<i32>} : memref<64x768xf32, #tpu.memory_space<vmem>>, vector<1x16xf32>,
        %get3A_1064 = vector.shape_cast %get3A_1063 : vector<1x16xf32> to vector<16xf32>
        %add3A_1065 = arith.addf %add3A_1021, %get3A_1064 : vector<16xf32>
        %get3A_1066 = arith.index_cast %add3A_1035 : i32 to index
        %get3A_1067 = arith.constant 608 : index
        %get3A_1068 = tpu.vector_load %arg4[%get3A_1066, %get3A_1067] {strides = array<i32>} : memref<64x768xf32, #tpu.memory_space<vmem>>, vector<1x16xf32>,
        %get3A_1069 = vector.shape_cast %get3A_1068 : vector<1x16xf32> to vector<16xf32>
        %add3A_1070 = arith.addf %add3A_1026, %get3A_1069 : vector<16xf32>
        %get3A_1071 = arith.index_cast %add3A_1035 : i32 to index
        %get3A_1072 = arith.constant 624 : index
        %get3A_1073 = tpu.vector_load %arg4[%get3A_1071, %get3A_1072] {strides = array<i32>} : memref<64x768xf32, #tpu.memory_space<vmem>>, vector<1x16xf32>,
        %get3A_1074 = vector.shape_cast %get3A_1073 : vector<1x16xf32> to vector<16xf32>
        %add3A_1075 = arith.addf %add3A_1031, %get3A_1074 : vector<16xf32>
        %mul3A_1076 = arith.constant 4 : i32
        %mul3A_1077 = arith.muli %scan3A_979, %mul3A_1076 : i32
        %add3A_1078 = arith.constant 2 : i32
        %add3A_1079 = arith.addi %mul3A_1077, %add3A_1078 : i32
        %get3A_1080 = arith.index_cast %add3A_1079 : i32 to index
        %get3A_1081 = arith.constant 512 : index
        %get3A_1082 = tpu.vector_load %arg4[%get3A_1080, %get3A_1081] {strides = array<i32>} : memref<64x768xf32, #tpu.memory_space<vmem>>, vector<1x16xf32>,
        %get3A_1083 = vector.shape_cast %get3A_1082 : vector<1x16xf32> to vector<16xf32>
        %add3A_1084 = arith.addf %add3A_1040, %get3A_1083 : vector<16xf32>
        %get3A_1085 = arith.index_cast %add3A_1079 : i32 to index
        %get3A_1086 = arith.constant 528 : index
        %get3A_1087 = tpu.vector_load %arg4[%get3A_1085, %get3A_1086] {strides = array<i32>} : memref<64x768xf32, #tpu.memory_space<vmem>>, vector<1x16xf32>,
        %get3A_1088 = vector.shape_cast %get3A_1087 : vector<1x16xf32> to vector<16xf32>
        %add3A_1089 = arith.addf %add3A_1045, %get3A_1088 : vector<16xf32>
        %get3A_1090 = arith.index_cast %add3A_1079 : i32 to index
        %get3A_1091 = arith.constant 544 : index
        %get3A_1092 = tpu.vector_load %arg4[%get3A_1090, %get3A_1091] {strides = array<i32>} : memref<64x768xf32, #tpu.memory_space<vmem>>, vector<1x16xf32>,
        %get3A_1093 = vector.shape_cast %get3A_1092 : vector<1x16xf32> to vector<16xf32>
        %add3A_1094 = arith.addf %add3A_1050, %get3A_1093 : vector<16xf32>
        %get3A_1095 = arith.index_cast %add3A_1079 : i32 to index
        %get3A_1096 = arith.constant 560 : index
        %get3A_1097 = tpu.vector_load %arg4[%get3A_1095, %get3A_1096] {strides = array<i32>} : memref<64x768xf32, #tpu.memory_space<vmem>>, vector<1x16xf32>,
        %get3A_1098 = vector.shape_cast %get3A_1097 : vector<1x16xf32> to vector<16xf32>
        %add3A_1099 = arith.addf %add3A_1055, %get3A_1098 : vector<16xf32>
        %get3A_1100 = arith.index_cast %add3A_1079 : i32 to index
        %get3A_1101 = arith.constant 576 : index
        %get3A_1102 = tpu.vector_load %arg4[%get3A_1100, %get3A_1101] {strides = array<i32>} : memref<64x768xf32, #tpu.memory_space<vmem>>, vector<1x16xf32>,
        %get3A_1103 = vector.shape_cast %get3A_1102 : vector<1x16xf32> to vector<16xf32>
        %add3A_1104 = arith.addf %add3A_1060, %get3A_1103 : vector<16xf32>
        %get3A_1105 = arith.index_cast %add3A_1079 : i32 to index
        %get3A_1106 = arith.constant 592 : index
        %get3A_1107 = tpu.vector_load %arg4[%get3A_1105, %get3A_1106] {strides = array<i32>} : memref<64x768xf32, #tpu.memory_space<vmem>>, vector<1x16xf32>,
        %get3A_1108 = vector.shape_cast %get3A_1107 : vector<1x16xf32> to vector<16xf32>
        %add3A_1109 = arith.addf %add3A_1065, %get3A_1108 : vector<16xf32>
        %get3A_1110 = arith.index_cast %add3A_1079 : i32 to index
        %get3A_1111 = arith.constant 608 : index
        %get3A_1112 = tpu.vector_load %arg4[%get3A_1110, %get3A_1111] {strides = array<i32>} : memref<64x768xf32, #tpu.memory_space<vmem>>, vector<1x16xf32>,
        %get3A_1113 = vector.shape_cast %get3A_1112 : vector<1x16xf32> to vector<16xf32>
        %add3A_1114 = arith.addf %add3A_1070, %get3A_1113 : vector<16xf32>
        %get3A_1115 = arith.index_cast %add3A_1079 : i32 to index
        %get3A_1116 = arith.constant 624 : index
        %get3A_1117 = tpu.vector_load %arg4[%get3A_1115, %get3A_1116] {strides = array<i32>} : memref<64x768xf32, #tpu.memory_space<vmem>>, vector<1x16xf32>,
        %get3A_1118 = vector.shape_cast %get3A_1117 : vector<1x16xf32> to vector<16xf32>
        %add3A_1119 = arith.addf %add3A_1075, %get3A_1118 : vector<16xf32>
        %mul3A_1120 = arith.constant 4 : i32
        %mul3A_1121 = arith.muli %scan3A_979, %mul3A_1120 : i32
        %add3A_1122 = arith.constant 3 : i32
        %add3A_1123 = arith.addi %mul3A_1121, %add3A_1122 : i32
        %get3A_1124 = arith.index_cast %add3A_1123 : i32 to index
        %get3A_1125 = arith.constant 512 : index
        %get3A_1126 = tpu.vector_load %arg4[%get3A_1124, %get3A_1125] {strides = array<i32>} : memref<64x768xf32, #tpu.memory_space<vmem>>, vector<1x16xf32>,
        %get3A_1127 = vector.shape_cast %get3A_1126 : vector<1x16xf32> to vector<16xf32>
        %add3A_1128 = arith.addf %add3A_1084, %get3A_1127 : vector<16xf32>
        %get3A_1129 = arith.index_cast %add3A_1123 : i32 to index
        %get3A_1130 = arith.constant 528 : index
        %get3A_1131 = tpu.vector_load %arg4[%get3A_1129, %get3A_1130] {strides = array<i32>} : memref<64x768xf32, #tpu.memory_space<vmem>>, vector<1x16xf32>,
        %get3A_1132 = vector.shape_cast %get3A_1131 : vector<1x16xf32> to vector<16xf32>
        %add3A_1133 = arith.addf %add3A_1089, %get3A_1132 : vector<16xf32>
        %get3A_1134 = arith.index_cast %add3A_1123 : i32 to index
        %get3A_1135 = arith.constant 544 : index
        %get3A_1136 = tpu.vector_load %arg4[%get3A_1134, %get3A_1135] {strides = array<i32>} : memref<64x768xf32, #tpu.memory_space<vmem>>, vector<1x16xf32>,
        %get3A_1137 = vector.shape_cast %get3A_1136 : vector<1x16xf32> to vector<16xf32>
        %add3A_1138 = arith.addf %add3A_1094, %get3A_1137 : vector<16xf32>
        %get3A_1139 = arith.index_cast %add3A_1123 : i32 to index
        %get3A_1140 = arith.constant 560 : index
        %get3A_1141 = tpu.vector_load %arg4[%get3A_1139, %get3A_1140] {strides = array<i32>} : memref<64x768xf32, #tpu.memory_space<vmem>>, vector<1x16xf32>,
        %get3A_1142 = vector.shape_cast %get3A_1141 : vector<1x16xf32> to vector<16xf32>
        %add3A_1143 = arith.addf %add3A_1099, %get3A_1142 : vector<16xf32>
        %get3A_1144 = arith.index_cast %add3A_1123 : i32 to index
        %get3A_1145 = arith.constant 576 : index
        %get3A_1146 = tpu.vector_load %arg4[%get3A_1144, %get3A_1145] {strides = array<i32>} : memref<64x768xf32, #tpu.memory_space<vmem>>, vector<1x16xf32>,
        %get3A_1147 = vector.shape_cast %get3A_1146 : vector<1x16xf32> to vector<16xf32>
        %add3A_1148 = arith.addf %add3A_1104, %get3A_1147 : vector<16xf32>
        %get3A_1149 = arith.index_cast %add3A_1123 : i32 to index
        %get3A_1150 = arith.constant 592 : index
        %get3A_1151 = tpu.vector_load %arg4[%get3A_1149, %get3A_1150] {strides = array<i32>} : memref<64x768xf32, #tpu.memory_space<vmem>>, vector<1x16xf32>,
        %get3A_1152 = vector.shape_cast %get3A_1151 : vector<1x16xf32> to vector<16xf32>
        %add3A_1153 = arith.addf %add3A_1109, %get3A_1152 : vector<16xf32>
        %get3A_1154 = arith.index_cast %add3A_1123 : i32 to index
        %get3A_1155 = arith.constant 608 : index
        %get3A_1156 = tpu.vector_load %arg4[%get3A_1154, %get3A_1155] {strides = array<i32>} : memref<64x768xf32, #tpu.memory_space<vmem>>, vector<1x16xf32>,
        %get3A_1157 = vector.shape_cast %get3A_1156 : vector<1x16xf32> to vector<16xf32>
        %add3A_1158 = arith.addf %add3A_1114, %get3A_1157 : vector<16xf32>
        %get3A_1159 = arith.index_cast %add3A_1123 : i32 to index
        %get3A_1160 = arith.constant 624 : index
        %get3A_1161 = tpu.vector_load %arg4[%get3A_1159, %get3A_1160] {strides = array<i32>} : memref<64x768xf32, #tpu.memory_space<vmem>>, vector<1x16xf32>,
        %get3A_1162 = vector.shape_cast %get3A_1161 : vector<1x16xf32> to vector<16xf32>
        %add3A_1163 = arith.addf %add3A_1119, %get3A_1162 : vector<16xf32>
        scf.yield %add3A_1128, %add3A_1133, %add3A_1138, %add3A_1143, %add3A_1148, %add3A_1153, %add3A_1158, %add3A_1163 : vector<16xf32>, vector<16xf32>, vector<16xf32>, vector<16xf32>, vector<16xf32>, vector<16xf32>, vector<16xf32>, vector<16xf32>
      }
      %scan3A_499 = arith.constant 16 : i32
      %swap3A_500 = arith.constant 512 : index
      %swap3A_501 = tpu.vector_load %arg6[%swap3A_500] {strides = array<i32>} : memref<768xf32, #tpu.memory_space<vmem>>, vector<16xf32>,
      %swap3A_502 = vector.shape_cast %swap3A_501 : vector<16xf32> to vector<16xf32>
      %swap3A_503 = vector.shape_cast %scan3A_498#0 : vector<16xf32> to vector<16xf32>
      tpu.vector_store %arg6[%swap3A_500], %swap3A_503 {strides = array<i32>} : memref<768xf32, #tpu.memory_space<vmem>>, vector<16xf32>,
      %swap3A_504 = arith.constant 528 : index
      %swap3A_505 = tpu.vector_load %arg6[%swap3A_504] {strides = array<i32>} : memref<768xf32, #tpu.memory_space<vmem>>, vector<16xf32>,
      %swap3A_506 = vector.shape_cast %swap3A_505 : vector<16xf32> to vector<16xf32>
      %swap3A_507 = vector.shape_cast %scan3A_498#1 : vector<16xf32> to vector<16xf32>
      tpu.vector_store %arg6[%swap3A_504], %swap3A_507 {strides = array<i32>} : memref<768xf32, #tpu.memory_space<vmem>>, vector<16xf32>,
      %swap3A_508 = arith.constant 544 : index
      %swap3A_509 = tpu.vector_load %arg6[%swap3A_508] {strides = array<i32>} : memref<768xf32, #tpu.memory_space<vmem>>, vector<16xf32>,
      %swap3A_510 = vector.shape_cast %swap3A_509 : vector<16xf32> to vector<16xf32>
      %swap3A_511 = vector.shape_cast %scan3A_498#2 : vector<16xf32> to vector<16xf32>
      tpu.vector_store %arg6[%swap3A_508], %swap3A_511 {strides = array<i32>} : memref<768xf32, #tpu.memory_space<vmem>>, vector<16xf32>,
      %swap3A_512 = arith.constant 560 : index
      %swap3A_513 = tpu.vector_load %arg6[%swap3A_512] {strides = array<i32>} : memref<768xf32, #tpu.memory_space<vmem>>, vector<16xf32>,
      %swap3A_514 = vector.shape_cast %swap3A_513 : vector<16xf32> to vector<16xf32>
      %swap3A_515 = vector.shape_cast %scan3A_498#3 : vector<16xf32> to vector<16xf32>
      tpu.vector_store %arg6[%swap3A_512], %swap3A_515 {strides = array<i32>} : memref<768xf32, #tpu.memory_space<vmem>>, vector<16xf32>,
      %swap3A_516 = arith.constant 576 : index
      %swap3A_517 = tpu.vector_load %arg6[%swap3A_516] {strides = array<i32>} : memref<768xf32, #tpu.memory_space<vmem>>, vector<16xf32>,
      %swap3A_518 = vector.shape_cast %swap3A_517 : vector<16xf32> to vector<16xf32>
      %swap3A_519 = vector.shape_cast %scan3A_498#4 : vector<16xf32> to vector<16xf32>
      tpu.vector_store %arg6[%swap3A_516], %swap3A_519 {strides = array<i32>} : memref<768xf32, #tpu.memory_space<vmem>>, vector<16xf32>,
      %swap3A_520 = arith.constant 592 : index
      %swap3A_521 = tpu.vector_load %arg6[%swap3A_520] {strides = array<i32>} : memref<768xf32, #tpu.memory_space<vmem>>, vector<16xf32>,
      %swap3A_522 = vector.shape_cast %swap3A_521 : vector<16xf32> to vector<16xf32>
      %swap3A_523 = vector.shape_cast %scan3A_498#5 : vector<16xf32> to vector<16xf32>
      tpu.vector_store %arg6[%swap3A_520], %swap3A_523 {strides = array<i32>} : memref<768xf32, #tpu.memory_space<vmem>>, vector<16xf32>,
      %swap3A_524 = arith.constant 608 : index
      %swap3A_525 = tpu.vector_load %arg6[%swap3A_524] {strides = array<i32>} : memref<768xf32, #tpu.memory_space<vmem>>, vector<16xf32>,
      %swap3A_526 = vector.shape_cast %swap3A_525 : vector<16xf32> to vector<16xf32>
      %swap3A_527 = vector.shape_cast %scan3A_498#6 : vector<16xf32> to vector<16xf32>
      tpu.vector_store %arg6[%swap3A_524], %swap3A_527 {strides = array<i32>} : memref<768xf32, #tpu.memory_space<vmem>>, vector<16xf32>,
      %swap3A_528 = arith.constant 624 : index
      %swap3A_529 = tpu.vector_load %arg6[%swap3A_528] {strides = array<i32>} : memref<768xf32, #tpu.memory_space<vmem>>, vector<16xf32>,
      %swap3A_530 = vector.shape_cast %swap3A_529 : vector<16xf32> to vector<16xf32>
      %swap3A_531 = vector.shape_cast %scan3A_498#7 : vector<16xf32> to vector<16xf32>
      tpu.vector_store %arg6[%swap3A_528], %swap3A_531 {strides = array<i32>} : memref<768xf32, #tpu.memory_space<vmem>>, vector<16xf32>,
      %get3A_532 = arith.constant 640 : index
      %get3A_533 = tpu.vector_load %arg6[%get3A_532] {strides = array<i32>} : memref<768xf32, #tpu.memory_space<vmem>>, vector<16xf32>,
      %get3A_534 = vector.shape_cast %get3A_533 : vector<16xf32> to vector<16xf32>
      %get3A_535 = arith.constant 656 : index
      %get3A_536 = tpu.vector_load %arg6[%get3A_535] {strides = array<i32>} : memref<768xf32, #tpu.memory_space<vmem>>, vector<16xf32>,
      %get3A_537 = vector.shape_cast %get3A_536 : vector<16xf32> to vector<16xf32>
      %get3A_538 = arith.constant 672 : index
      %get3A_539 = tpu.vector_load %arg6[%get3A_538] {strides = array<i32>} : memref<768xf32, #tpu.memory_space<vmem>>, vector<16xf32>,
      %get3A_540 = vector.shape_cast %get3A_539 : vector<16xf32> to vector<16xf32>
      %get3A_541 = arith.constant 688 : index
      %get3A_542 = tpu.vector_load %arg6[%get3A_541] {strides = array<i32>} : memref<768xf32, #tpu.memory_space<vmem>>, vector<16xf32>,
      %get3A_543 = vector.shape_cast %get3A_542 : vector<16xf32> to vector<16xf32>
      %get3A_544 = arith.constant 704 : index
      %get3A_545 = tpu.vector_load %arg6[%get3A_544] {strides = array<i32>} : memref<768xf32, #tpu.memory_space<vmem>>, vector<16xf32>,
      %get3A_546 = vector.shape_cast %get3A_545 : vector<16xf32> to vector<16xf32>
      %get3A_547 = arith.constant 720 : index
      %get3A_548 = tpu.vector_load %arg6[%get3A_547] {strides = array<i32>} : memref<768xf32, #tpu.memory_space<vmem>>, vector<16xf32>,
      %get3A_549 = vector.shape_cast %get3A_548 : vector<16xf32> to vector<16xf32>
      %get3A_550 = arith.constant 736 : index
      %get3A_551 = tpu.vector_load %arg6[%get3A_550] {strides = array<i32>} : memref<768xf32, #tpu.memory_space<vmem>>, vector<16xf32>,
      %get3A_552 = vector.shape_cast %get3A_551 : vector<16xf32> to vector<16xf32>
      %get3A_553 = arith.constant 752 : index
      %get3A_554 = tpu.vector_load %arg6[%get3A_553] {strides = array<i32>} : memref<768xf32, #tpu.memory_space<vmem>>, vector<16xf32>,
      %get3A_555 = vector.shape_cast %get3A_554 : vector<16xf32> to vector<16xf32>
      %scan3A_556 = arith.constant 0 : i32
      %scan3A_557 = arith.constant 16 : i32
      %scan3A_558 = arith.addi %scan3A_556, %scan3A_557 : i32
      %scan3A_559 = arith.constant 1 : i32
      %scan3A_560:8 = scf.for %scan3A_979 = %scan3A_556 to %scan3A_558 step %scan3A_559 iter_args(%scan3A_980 = %get3A_534, %scan3A_981 = %get3A_537, %scan3A_982 = %get3A_540, %scan3A_983 = %get3A_543, %scan3A_984 = %get3A_546, %scan3A_985 = %get3A_549, %scan3A_986 = %get3A_552, %scan3A_987 = %get3A_555) -> (vector<16xf32>, vector<16xf32>, vector<16xf32>, vector<16xf32>, vector<16xf32>, vector<16xf32>, vector<16xf32>, vector<16xf32>)  : i32 {
        %mul3A_988 = arith.constant 4 : i32
        %mul3A_989 = arith.muli %scan3A_979, %mul3A_988 : i32
        %add3A_990 = arith.constant 0 : i32
        %add3A_991 = arith.addi %mul3A_989, %add3A_990 : i32
        %get3A_992 = arith.index_cast %add3A_991 : i32 to index
        %get3A_993 = arith.constant 640 : index
        %get3A_994 = tpu.vector_load %arg4[%get3A_992, %get3A_993] {strides = array<i32>} : memref<64x768xf32, #tpu.memory_space<vmem>>, vector<1x16xf32>,
        %get3A_995 = vector.shape_cast %get3A_994 : vector<1x16xf32> to vector<16xf32>
        %add3A_996 = arith.addf %scan3A_980, %get3A_995 : vector<16xf32>
        %get3A_997 = arith.index_cast %add3A_991 : i32 to index
        %get3A_998 = arith.constant 656 : index
        %get3A_999 = tpu.vector_load %arg4[%get3A_997, %get3A_998] {strides = array<i32>} : memref<64x768xf32, #tpu.memory_space<vmem>>, vector<1x16xf32>,
        %get3A_1000 = vector.shape_cast %get3A_999 : vector<1x16xf32> to vector<16xf32>
        %add3A_1001 = arith.addf %scan3A_981, %get3A_1000 : vector<16xf32>
        %get3A_1002 = arith.index_cast %add3A_991 : i32 to index
        %get3A_1003 = arith.constant 672 : index
        %get3A_1004 = tpu.vector_load %arg4[%get3A_1002, %get3A_1003] {strides = array<i32>} : memref<64x768xf32, #tpu.memory_space<vmem>>, vector<1x16xf32>,
        %get3A_1005 = vector.shape_cast %get3A_1004 : vector<1x16xf32> to vector<16xf32>
        %add3A_1006 = arith.addf %scan3A_982, %get3A_1005 : vector<16xf32>
        %get3A_1007 = arith.index_cast %add3A_991 : i32 to index
        %get3A_1008 = arith.constant 688 : index
        %get3A_1009 = tpu.vector_load %arg4[%get3A_1007, %get3A_1008] {strides = array<i32>} : memref<64x768xf32, #tpu.memory_space<vmem>>, vector<1x16xf32>,
        %get3A_1010 = vector.shape_cast %get3A_1009 : vector<1x16xf32> to vector<16xf32>
        %add3A_1011 = arith.addf %scan3A_983, %get3A_1010 : vector<16xf32>
        %get3A_1012 = arith.index_cast %add3A_991 : i32 to index
        %get3A_1013 = arith.constant 704 : index
        %get3A_1014 = tpu.vector_load %arg4[%get3A_1012, %get3A_1013] {strides = array<i32>} : memref<64x768xf32, #tpu.memory_space<vmem>>, vector<1x16xf32>,
        %get3A_1015 = vector.shape_cast %get3A_1014 : vector<1x16xf32> to vector<16xf32>
        %add3A_1016 = arith.addf %scan3A_984, %get3A_1015 : vector<16xf32>
        %get3A_1017 = arith.index_cast %add3A_991 : i32 to index
        %get3A_1018 = arith.constant 720 : index
        %get3A_1019 = tpu.vector_load %arg4[%get3A_1017, %get3A_1018] {strides = array<i32>} : memref<64x768xf32, #tpu.memory_space<vmem>>, vector<1x16xf32>,
        %get3A_1020 = vector.shape_cast %get3A_1019 : vector<1x16xf32> to vector<16xf32>
        %add3A_1021 = arith.addf %scan3A_985, %get3A_1020 : vector<16xf32>
        %get3A_1022 = arith.index_cast %add3A_991 : i32 to index
        %get3A_1023 = arith.constant 736 : index
        %get3A_1024 = tpu.vector_load %arg4[%get3A_1022, %get3A_1023] {strides = array<i32>} : memref<64x768xf32, #tpu.memory_space<vmem>>, vector<1x16xf32>,
        %get3A_1025 = vector.shape_cast %get3A_1024 : vector<1x16xf32> to vector<16xf32>
        %add3A_1026 = arith.addf %scan3A_986, %get3A_1025 : vector<16xf32>
        %get3A_1027 = arith.index_cast %add3A_991 : i32 to index
        %get3A_1028 = arith.constant 752 : index
        %get3A_1029 = tpu.vector_load %arg4[%get3A_1027, %get3A_1028] {strides = array<i32>} : memref<64x768xf32, #tpu.memory_space<vmem>>, vector<1x16xf32>,
        %get3A_1030 = vector.shape_cast %get3A_1029 : vector<1x16xf32> to vector<16xf32>
        %add3A_1031 = arith.addf %scan3A_987, %get3A_1030 : vector<16xf32>
        %mul3A_1032 = arith.constant 4 : i32
        %mul3A_1033 = arith.muli %scan3A_979, %mul3A_1032 : i32
        %add3A_1034 = arith.constant 1 : i32
        %add3A_1035 = arith.addi %mul3A_1033, %add3A_1034 : i32
        %get3A_1036 = arith.index_cast %add3A_1035 : i32 to index
        %get3A_1037 = arith.constant 640 : index
        %get3A_1038 = tpu.vector_load %arg4[%get3A_1036, %get3A_1037] {strides = array<i32>} : memref<64x768xf32, #tpu.memory_space<vmem>>, vector<1x16xf32>,
        %get3A_1039 = vector.shape_cast %get3A_1038 : vector<1x16xf32> to vector<16xf32>
        %add3A_1040 = arith.addf %add3A_996, %get3A_1039 : vector<16xf32>
        %get3A_1041 = arith.index_cast %add3A_1035 : i32 to index
        %get3A_1042 = arith.constant 656 : index
        %get3A_1043 = tpu.vector_load %arg4[%get3A_1041, %get3A_1042] {strides = array<i32>} : memref<64x768xf32, #tpu.memory_space<vmem>>, vector<1x16xf32>,
        %get3A_1044 = vector.shape_cast %get3A_1043 : vector<1x16xf32> to vector<16xf32>
        %add3A_1045 = arith.addf %add3A_1001, %get3A_1044 : vector<16xf32>
        %get3A_1046 = arith.index_cast %add3A_1035 : i32 to index
        %get3A_1047 = arith.constant 672 : index
        %get3A_1048 = tpu.vector_load %arg4[%get3A_1046, %get3A_1047] {strides = array<i32>} : memref<64x768xf32, #tpu.memory_space<vmem>>, vector<1x16xf32>,
        %get3A_1049 = vector.shape_cast %get3A_1048 : vector<1x16xf32> to vector<16xf32>
        %add3A_1050 = arith.addf %add3A_1006, %get3A_1049 : vector<16xf32>
        %get3A_1051 = arith.index_cast %add3A_1035 : i32 to index
        %get3A_1052 = arith.constant 688 : index
        %get3A_1053 = tpu.vector_load %arg4[%get3A_1051, %get3A_1052] {strides = array<i32>} : memref<64x768xf32, #tpu.memory_space<vmem>>, vector<1x16xf32>,
        %get3A_1054 = vector.shape_cast %get3A_1053 : vector<1x16xf32> to vector<16xf32>
        %add3A_1055 = arith.addf %add3A_1011, %get3A_1054 : vector<16xf32>
        %get3A_1056 = arith.index_cast %add3A_1035 : i32 to index
        %get3A_1057 = arith.constant 704 : index
        %get3A_1058 = tpu.vector_load %arg4[%get3A_1056, %get3A_1057] {strides = array<i32>} : memref<64x768xf32, #tpu.memory_space<vmem>>, vector<1x16xf32>,
        %get3A_1059 = vector.shape_cast %get3A_1058 : vector<1x16xf32> to vector<16xf32>
        %add3A_1060 = arith.addf %add3A_1016, %get3A_1059 : vector<16xf32>
        %get3A_1061 = arith.index_cast %add3A_1035 : i32 to index
        %get3A_1062 = arith.constant 720 : index
        %get3A_1063 = tpu.vector_load %arg4[%get3A_1061, %get3A_1062] {strides = array<i32>} : memref<64x768xf32, #tpu.memory_space<vmem>>, vector<1x16xf32>,
        %get3A_1064 = vector.shape_cast %get3A_1063 : vector<1x16xf32> to vector<16xf32>
        %add3A_1065 = arith.addf %add3A_1021, %get3A_1064 : vector<16xf32>
        %get3A_1066 = arith.index_cast %add3A_1035 : i32 to index
        %get3A_1067 = arith.constant 736 : index
        %get3A_1068 = tpu.vector_load %arg4[%get3A_1066, %get3A_1067] {strides = array<i32>} : memref<64x768xf32, #tpu.memory_space<vmem>>, vector<1x16xf32>,
        %get3A_1069 = vector.shape_cast %get3A_1068 : vector<1x16xf32> to vector<16xf32>
        %add3A_1070 = arith.addf %add3A_1026, %get3A_1069 : vector<16xf32>
        %get3A_1071 = arith.index_cast %add3A_1035 : i32 to index
        %get3A_1072 = arith.constant 752 : index
        %get3A_1073 = tpu.vector_load %arg4[%get3A_1071, %get3A_1072] {strides = array<i32>} : memref<64x768xf32, #tpu.memory_space<vmem>>, vector<1x16xf32>,
        %get3A_1074 = vector.shape_cast %get3A_1073 : vector<1x16xf32> to vector<16xf32>
        %add3A_1075 = arith.addf %add3A_1031, %get3A_1074 : vector<16xf32>
        %mul3A_1076 = arith.constant 4 : i32
        %mul3A_1077 = arith.muli %scan3A_979, %mul3A_1076 : i32
        %add3A_1078 = arith.constant 2 : i32
        %add3A_1079 = arith.addi %mul3A_1077, %add3A_1078 : i32
        %get3A_1080 = arith.index_cast %add3A_1079 : i32 to index
        %get3A_1081 = arith.constant 640 : index
        %get3A_1082 = tpu.vector_load %arg4[%get3A_1080, %get3A_1081] {strides = array<i32>} : memref<64x768xf32, #tpu.memory_space<vmem>>, vector<1x16xf32>,
        %get3A_1083 = vector.shape_cast %get3A_1082 : vector<1x16xf32> to vector<16xf32>
        %add3A_1084 = arith.addf %add3A_1040, %get3A_1083 : vector<16xf32>
        %get3A_1085 = arith.index_cast %add3A_1079 : i32 to index
        %get3A_1086 = arith.constant 656 : index
        %get3A_1087 = tpu.vector_load %arg4[%get3A_1085, %get3A_1086] {strides = array<i32>} : memref<64x768xf32, #tpu.memory_space<vmem>>, vector<1x16xf32>,
        %get3A_1088 = vector.shape_cast %get3A_1087 : vector<1x16xf32> to vector<16xf32>
        %add3A_1089 = arith.addf %add3A_1045, %get3A_1088 : vector<16xf32>
        %get3A_1090 = arith.index_cast %add3A_1079 : i32 to index
        %get3A_1091 = arith.constant 672 : index
        %get3A_1092 = tpu.vector_load %arg4[%get3A_1090, %get3A_1091] {strides = array<i32>} : memref<64x768xf32, #tpu.memory_space<vmem>>, vector<1x16xf32>,
        %get3A_1093 = vector.shape_cast %get3A_1092 : vector<1x16xf32> to vector<16xf32>
        %add3A_1094 = arith.addf %add3A_1050, %get3A_1093 : vector<16xf32>
        %get3A_1095 = arith.index_cast %add3A_1079 : i32 to index
        %get3A_1096 = arith.constant 688 : index
        %get3A_1097 = tpu.vector_load %arg4[%get3A_1095, %get3A_1096] {strides = array<i32>} : memref<64x768xf32, #tpu.memory_space<vmem>>, vector<1x16xf32>,
        %get3A_1098 = vector.shape_cast %get3A_1097 : vector<1x16xf32> to vector<16xf32>
        %add3A_1099 = arith.addf %add3A_1055, %get3A_1098 : vector<16xf32>
        %get3A_1100 = arith.index_cast %add3A_1079 : i32 to index
        %get3A_1101 = arith.constant 704 : index
        %get3A_1102 = tpu.vector_load %arg4[%get3A_1100, %get3A_1101] {strides = array<i32>} : memref<64x768xf32, #tpu.memory_space<vmem>>, vector<1x16xf32>,
        %get3A_1103 = vector.shape_cast %get3A_1102 : vector<1x16xf32> to vector<16xf32>
        %add3A_1104 = arith.addf %add3A_1060, %get3A_1103 : vector<16xf32>
        %get3A_1105 = arith.index_cast %add3A_1079 : i32 to index
        %get3A_1106 = arith.constant 720 : index
        %get3A_1107 = tpu.vector_load %arg4[%get3A_1105, %get3A_1106] {strides = array<i32>} : memref<64x768xf32, #tpu.memory_space<vmem>>, vector<1x16xf32>,
        %get3A_1108 = vector.shape_cast %get3A_1107 : vector<1x16xf32> to vector<16xf32>
        %add3A_1109 = arith.addf %add3A_1065, %get3A_1108 : vector<16xf32>
        %get3A_1110 = arith.index_cast %add3A_1079 : i32 to index
        %get3A_1111 = arith.constant 736 : index
        %get3A_1112 = tpu.vector_load %arg4[%get3A_1110, %get3A_1111] {strides = array<i32>} : memref<64x768xf32, #tpu.memory_space<vmem>>, vector<1x16xf32>,
        %get3A_1113 = vector.shape_cast %get3A_1112 : vector<1x16xf32> to vector<16xf32>
        %add3A_1114 = arith.addf %add3A_1070, %get3A_1113 : vector<16xf32>
        %get3A_1115 = arith.index_cast %add3A_1079 : i32 to index
        %get3A_1116 = arith.constant 752 : index
        %get3A_1117 = tpu.vector_load %arg4[%get3A_1115, %get3A_1116] {strides = array<i32>} : memref<64x768xf32, #tpu.memory_space<vmem>>, vector<1x16xf32>,
        %get3A_1118 = vector.shape_cast %get3A_1117 : vector<1x16xf32> to vector<16xf32>
        %add3A_1119 = arith.addf %add3A_1075, %get3A_1118 : vector<16xf32>
        %mul3A_1120 = arith.constant 4 : i32
        %mul3A_1121 = arith.muli %scan3A_979, %mul3A_1120 : i32
        %add3A_1122 = arith.constant 3 : i32
        %add3A_1123 = arith.addi %mul3A_1121, %add3A_1122 : i32
        %get3A_1124 = arith.index_cast %add3A_1123 : i32 to index
        %get3A_1125 = arith.constant 640 : index
        %get3A_1126 = tpu.vector_load %arg4[%get3A_1124, %get3A_1125] {strides = array<i32>} : memref<64x768xf32, #tpu.memory_space<vmem>>, vector<1x16xf32>,
        %get3A_1127 = vector.shape_cast %get3A_1126 : vector<1x16xf32> to vector<16xf32>
        %add3A_1128 = arith.addf %add3A_1084, %get3A_1127 : vector<16xf32>
        %get3A_1129 = arith.index_cast %add3A_1123 : i32 to index
        %get3A_1130 = arith.constant 656 : index
        %get3A_1131 = tpu.vector_load %arg4[%get3A_1129, %get3A_1130] {strides = array<i32>} : memref<64x768xf32, #tpu.memory_space<vmem>>, vector<1x16xf32>,
        %get3A_1132 = vector.shape_cast %get3A_1131 : vector<1x16xf32> to vector<16xf32>
        %add3A_1133 = arith.addf %add3A_1089, %get3A_1132 : vector<16xf32>
        %get3A_1134 = arith.index_cast %add3A_1123 : i32 to index
        %get3A_1135 = arith.constant 672 : index
        %get3A_1136 = tpu.vector_load %arg4[%get3A_1134, %get3A_1135] {strides = array<i32>} : memref<64x768xf32, #tpu.memory_space<vmem>>, vector<1x16xf32>,
        %get3A_1137 = vector.shape_cast %get3A_1136 : vector<1x16xf32> to vector<16xf32>
        %add3A_1138 = arith.addf %add3A_1094, %get3A_1137 : vector<16xf32>
        %get3A_1139 = arith.index_cast %add3A_1123 : i32 to index
        %get3A_1140 = arith.constant 688 : index
        %get3A_1141 = tpu.vector_load %arg4[%get3A_1139, %get3A_1140] {strides = array<i32>} : memref<64x768xf32, #tpu.memory_space<vmem>>, vector<1x16xf32>,
        %get3A_1142 = vector.shape_cast %get3A_1141 : vector<1x16xf32> to vector<16xf32>
        %add3A_1143 = arith.addf %add3A_1099, %get3A_1142 : vector<16xf32>
        %get3A_1144 = arith.index_cast %add3A_1123 : i32 to index
        %get3A_1145 = arith.constant 704 : index
        %get3A_1146 = tpu.vector_load %arg4[%get3A_1144, %get3A_1145] {strides = array<i32>} : memref<64x768xf32, #tpu.memory_space<vmem>>, vector<1x16xf32>,
        %get3A_1147 = vector.shape_cast %get3A_1146 : vector<1x16xf32> to vector<16xf32>
        %add3A_1148 = arith.addf %add3A_1104, %get3A_1147 : vector<16xf32>
        %get3A_1149 = arith.index_cast %add3A_1123 : i32 to index
        %get3A_1150 = arith.constant 720 : index
        %get3A_1151 = tpu.vector_load %arg4[%get3A_1149, %get3A_1150] {strides = array<i32>} : memref<64x768xf32, #tpu.memory_space<vmem>>, vector<1x16xf32>,
        %get3A_1152 = vector.shape_cast %get3A_1151 : vector<1x16xf32> to vector<16xf32>
        %add3A_1153 = arith.addf %add3A_1109, %get3A_1152 : vector<16xf32>
        %get3A_1154 = arith.index_cast %add3A_1123 : i32 to index
        %get3A_1155 = arith.constant 736 : index
        %get3A_1156 = tpu.vector_load %arg4[%get3A_1154, %get3A_1155] {strides = array<i32>} : memref<64x768xf32, #tpu.memory_space<vmem>>, vector<1x16xf32>,
        %get3A_1157 = vector.shape_cast %get3A_1156 : vector<1x16xf32> to vector<16xf32>
        %add3A_1158 = arith.addf %add3A_1114, %get3A_1157 : vector<16xf32>
        %get3A_1159 = arith.index_cast %add3A_1123 : i32 to index
        %get3A_1160 = arith.constant 752 : index
        %get3A_1161 = tpu.vector_load %arg4[%get3A_1159, %get3A_1160] {strides = array<i32>} : memref<64x768xf32, #tpu.memory_space<vmem>>, vector<1x16xf32>,
        %get3A_1162 = vector.shape_cast %get3A_1161 : vector<1x16xf32> to vector<16xf32>
        %add3A_1163 = arith.addf %add3A_1119, %get3A_1162 : vector<16xf32>
        scf.yield %add3A_1128, %add3A_1133, %add3A_1138, %add3A_1143, %add3A_1148, %add3A_1153, %add3A_1158, %add3A_1163 : vector<16xf32>, vector<16xf32>, vector<16xf32>, vector<16xf32>, vector<16xf32>, vector<16xf32>, vector<16xf32>, vector<16xf32>
      }
      %scan3A_561 = arith.constant 16 : i32
      %swap3A_562 = arith.constant 640 : index
      %swap3A_563 = tpu.vector_load %arg6[%swap3A_562] {strides = array<i32>} : memref<768xf32, #tpu.memory_space<vmem>>, vector<16xf32>,
      %swap3A_564 = vector.shape_cast %swap3A_563 : vector<16xf32> to vector<16xf32>
      %swap3A_565 = vector.shape_cast %scan3A_560#0 : vector<16xf32> to vector<16xf32>
      tpu.vector_store %arg6[%swap3A_562], %swap3A_565 {strides = array<i32>} : memref<768xf32, #tpu.memory_space<vmem>>, vector<16xf32>,
      %swap3A_566 = arith.constant 656 : index
      %swap3A_567 = tpu.vector_load %arg6[%swap3A_566] {strides = array<i32>} : memref<768xf32, #tpu.memory_space<vmem>>, vector<16xf32>,
      %swap3A_568 = vector.shape_cast %swap3A_567 : vector<16xf32> to vector<16xf32>
      %swap3A_569 = vector.shape_cast %scan3A_560#1 : vector<16xf32> to vector<16xf32>
      tpu.vector_store %arg6[%swap3A_566], %swap3A_569 {strides = array<i32>} : memref<768xf32, #tpu.memory_space<vmem>>, vector<16xf32>,
      %swap3A_570 = arith.constant 672 : index
      %swap3A_571 = tpu.vector_load %arg6[%swap3A_570] {strides = array<i32>} : memref<768xf32, #tpu.memory_space<vmem>>, vector<16xf32>,
      %swap3A_572 = vector.shape_cast %swap3A_571 : vector<16xf32> to vector<16xf32>
      %swap3A_573 = vector.shape_cast %scan3A_560#2 : vector<16xf32> to vector<16xf32>
      tpu.vector_store %arg6[%swap3A_570], %swap3A_573 {strides = array<i32>} : memref<768xf32, #tpu.memory_space<vmem>>, vector<16xf32>,
      %swap3A_574 = arith.constant 688 : index
      %swap3A_575 = tpu.vector_load %arg6[%swap3A_574] {strides = array<i32>} : memref<768xf32, #tpu.memory_space<vmem>>, vector<16xf32>,
      %swap3A_576 = vector.shape_cast %swap3A_575 : vector<16xf32> to vector<16xf32>
      %swap3A_577 = vector.shape_cast %scan3A_560#3 : vector<16xf32> to vector<16xf32>
      tpu.vector_store %arg6[%swap3A_574], %swap3A_577 {strides = array<i32>} : memref<768xf32, #tpu.memory_space<vmem>>, vector<16xf32>,
      %swap3A_578 = arith.constant 704 : index
      %swap3A_579 = tpu.vector_load %arg6[%swap3A_578] {strides = array<i32>} : memref<768xf32, #tpu.memory_space<vmem>>, vector<16xf32>,
      %swap3A_580 = vector.shape_cast %swap3A_579 : vector<16xf32> to vector<16xf32>
      %swap3A_581 = vector.shape_cast %scan3A_560#4 : vector<16xf32> to vector<16xf32>
      tpu.vector_store %arg6[%swap3A_578], %swap3A_581 {strides = array<i32>} : memref<768xf32, #tpu.memory_space<vmem>>, vector<16xf32>,
      %swap3A_582 = arith.constant 720 : index
      %swap3A_583 = tpu.vector_load %arg6[%swap3A_582] {strides = array<i32>} : memref<768xf32, #tpu.memory_space<vmem>>, vector<16xf32>,
      %swap3A_584 = vector.shape_cast %swap3A_583 : vector<16xf32> to vector<16xf32>
      %swap3A_585 = vector.shape_cast %scan3A_560#5 : vector<16xf32> to vector<16xf32>
      tpu.vector_store %arg6[%swap3A_582], %swap3A_585 {strides = array<i32>} : memref<768xf32, #tpu.memory_space<vmem>>, vector<16xf32>,
      %swap3A_586 = arith.constant 736 : index
      %swap3A_587 = tpu.vector_load %arg6[%swap3A_586] {strides = array<i32>} : memref<768xf32, #tpu.memory_space<vmem>>, vector<16xf32>,
      %swap3A_588 = vector.shape_cast %swap3A_587 : vector<16xf32> to vector<16xf32>
      %swap3A_589 = vector.shape_cast %scan3A_560#6 : vector<16xf32> to vector<16xf32>
      tpu.vector_store %arg6[%swap3A_586], %swap3A_589 {strides = array<i32>} : memref<768xf32, #tpu.memory_space<vmem>>, vector<16xf32>,
      %swap3A_590 = arith.constant 752 : index
      %swap3A_591 = tpu.vector_load %arg6[%swap3A_590] {strides = array<i32>} : memref<768xf32, #tpu.memory_space<vmem>>, vector<16xf32>,
      %swap3A_592 = vector.shape_cast %swap3A_591 : vector<16xf32> to vector<16xf32>
      %swap3A_593 = vector.shape_cast %scan3A_560#7 : vector<16xf32> to vector<16xf32>
      tpu.vector_store %arg6[%swap3A_590], %swap3A_593 {strides = array<i32>} : memref<768xf32, #tpu.memory_space<vmem>>, vector<16xf32>,
      %add3A_594 = arith.constant 2 : i32
      %add3A_595 = arith.addi %mul3A_207, %add3A_594 : i32
      %lt3A = arith.constant 16 : i32
      %lt3A_596 = arith.cmpi slt, %add3A_595, %lt3A : i32
      %convert_element_type3A = arith.extui %lt3A_596 : i1 to i32
      %cond3A = arith.constant 0 : i32
      %cond3A_597 = arith.cmpi ne, %convert_element_type3A, %cond3A : i32
      scf.if %cond3A_597 {
        %add3A_979 = arith.constant 2 : i32
        %add3A_980 = arith.addi %mul3A_207, %add3A_979 : i32
        %mul3A_981 = arith.constant 64 : i32
        %mul3A_982 = arith.muli %add3A_980, %mul3A_981 : i32
        %add3A_983 = arith.addi %mul3A_2, %mul3A_982 : i32
        %dma_start3A_984 = arith.constant 0 : i32
        %dma_start3A_985 = tpu.memref_slice %arg2[%add3A_983, %dma_start3A_984] : memref<32768x768xf32, #tpu.memory_space<hbm>> -> memref<64x768xf32, #tpu.memory_space<hbm>>
        %dma_start3A_986 = arith.constant 0 : i32
        %dma_start3A_987 = tpu.memref_slice %arg2[%add3A_983, %dma_start3A_986] : memref<32768x768xf32, #tpu.memory_space<hbm>> -> memref<64x768xf32, #tpu.memory_space<hbm>>
        tpu.enqueue_dma source(%dma_start3A_987 : memref<64x768xf32, #tpu.memory_space<hbm>>) target(%arg4 : memref<64x768xf32, #tpu.memory_space<vmem>>) target_semaphore(%arg7 : memref<!tpu.dma_semaphore, #tpu.memory_space<semaphore_mem>>)
      } else {
      }
      %add3A_598 = arith.constant 1 : i32
      %add3A_599 = arith.addi %mul3A_207, %add3A_598 : i32
      %mul3A_600 = arith.constant 64 : i32
      %mul3A_601 = arith.muli %add3A_599, %mul3A_600 : i32
      %add3A_602 = arith.addi %mul3A_2, %mul3A_601 : i32
      %dma_wait3A_603 = arith.constant 0 : i32
      %dma_wait3A_604 = tpu.memref_slice %arg2[%add3A_602, %dma_wait3A_603] : memref<32768x768xf32, #tpu.memory_space<hbm>> -> memref<64x768xf32, #tpu.memory_space<hbm>>
      %dma_wait3A_605 = arith.constant 0 : i32
      %dma_wait3A_606 = tpu.memref_slice %arg2[%add3A_602, %dma_wait3A_605] : memref<32768x768xf32, #tpu.memory_space<hbm>> -> memref<64x768xf32, #tpu.memory_space<hbm>>
      tpu.wait_dma2 semaphore(%arg8 : memref<!tpu.dma_semaphore, #tpu.memory_space<semaphore_mem>>) src(%dma_wait3A_606 : memref<64x768xf32, #tpu.memory_space<hbm>>) dst(%arg5 : memref<64x768xf32, #tpu.memory_space<vmem>>)
      %get3A_607 = arith.constant 0 : index
      %get3A_608 = tpu.vector_load %arg6[%get3A_607] {strides = array<i32>} : memref<768xf32, #tpu.memory_space<vmem>>, vector<16xf32>,
      %get3A_609 = vector.shape_cast %get3A_608 : vector<16xf32> to vector<16xf32>
      %get3A_610 = arith.constant 16 : index
      %get3A_611 = tpu.vector_load %arg6[%get3A_610] {strides = array<i32>} : memref<768xf32, #tpu.memory_space<vmem>>, vector<16xf32>,
      %get3A_612 = vector.shape_cast %get3A_611 : vector<16xf32> to vector<16xf32>
      %get3A_613 = arith.constant 32 : index
      %get3A_614 = tpu.vector_load %arg6[%get3A_613] {strides = array<i32>} : memref<768xf32, #tpu.memory_space<vmem>>, vector<16xf32>,
      %get3A_615 = vector.shape_cast %get3A_614 : vector<16xf32> to vector<16xf32>
      %get3A_616 = arith.constant 48 : index
      %get3A_617 = tpu.vector_load %arg6[%get3A_616] {strides = array<i32>} : memref<768xf32, #tpu.memory_space<vmem>>, vector<16xf32>,
      %get3A_618 = vector.shape_cast %get3A_617 : vector<16xf32> to vector<16xf32>
      %get3A_619 = arith.constant 64 : index
      %get3A_620 = tpu.vector_load %arg6[%get3A_619] {strides = array<i32>} : memref<768xf32, #tpu.memory_space<vmem>>, vector<16xf32>,
      %get3A_621 = vector.shape_cast %get3A_620 : vector<16xf32> to vector<16xf32>
      %get3A_622 = arith.constant 80 : index
      %get3A_623 = tpu.vector_load %arg6[%get3A_622] {strides = array<i32>} : memref<768xf32, #tpu.memory_space<vmem>>, vector<16xf32>,
      %get3A_624 = vector.shape_cast %get3A_623 : vector<16xf32> to vector<16xf32>
      %get3A_625 = arith.constant 96 : index
      %get3A_626 = tpu.vector_load %arg6[%get3A_625] {strides = array<i32>} : memref<768xf32, #tpu.memory_space<vmem>>, vector<16xf32>,
      %get3A_627 = vector.shape_cast %get3A_626 : vector<16xf32> to vector<16xf32>
      %get3A_628 = arith.constant 112 : index
      %get3A_629 = tpu.vector_load %arg6[%get3A_628] {strides = array<i32>} : memref<768xf32, #tpu.memory_space<vmem>>, vector<16xf32>,
      %get3A_630 = vector.shape_cast %get3A_629 : vector<16xf32> to vector<16xf32>
      %scan3A_631 = arith.constant 0 : i32
      %scan3A_632 = arith.constant 16 : i32
      %scan3A_633 = arith.addi %scan3A_631, %scan3A_632 : i32
      %scan3A_634 = arith.constant 1 : i32
      %scan3A_635:8 = scf.for %scan3A_979 = %scan3A_631 to %scan3A_633 step %scan3A_634 iter_args(%scan3A_980 = %get3A_609, %scan3A_981 = %get3A_612, %scan3A_982 = %get3A_615, %scan3A_983 = %get3A_618, %scan3A_984 = %get3A_621, %scan3A_985 = %get3A_624, %scan3A_986 = %get3A_627, %scan3A_987 = %get3A_630) -> (vector<16xf32>, vector<16xf32>, vector<16xf32>, vector<16xf32>, vector<16xf32>, vector<16xf32>, vector<16xf32>, vector<16xf32>)  : i32 {
        %mul3A_988 = arith.constant 4 : i32
        %mul3A_989 = arith.muli %scan3A_979, %mul3A_988 : i32
        %add3A_990 = arith.constant 0 : i32
        %add3A_991 = arith.addi %mul3A_989, %add3A_990 : i32
        %get3A_992 = arith.index_cast %add3A_991 : i32 to index
        %get3A_993 = arith.constant 0 : index
        %get3A_994 = tpu.vector_load %arg5[%get3A_992, %get3A_993] {strides = array<i32>} : memref<64x768xf32, #tpu.memory_space<vmem>>, vector<1x16xf32>,
        %get3A_995 = vector.shape_cast %get3A_994 : vector<1x16xf32> to vector<16xf32>
        %add3A_996 = arith.addf %scan3A_980, %get3A_995 : vector<16xf32>
        %get3A_997 = arith.index_cast %add3A_991 : i32 to index
        %get3A_998 = arith.constant 16 : index
        %get3A_999 = tpu.vector_load %arg5[%get3A_997, %get3A_998] {strides = array<i32>} : memref<64x768xf32, #tpu.memory_space<vmem>>, vector<1x16xf32>,
        %get3A_1000 = vector.shape_cast %get3A_999 : vector<1x16xf32> to vector<16xf32>
        %add3A_1001 = arith.addf %scan3A_981, %get3A_1000 : vector<16xf32>
        %get3A_1002 = arith.index_cast %add3A_991 : i32 to index
        %get3A_1003 = arith.constant 32 : index
        %get3A_1004 = tpu.vector_load %arg5[%get3A_1002, %get3A_1003] {strides = array<i32>} : memref<64x768xf32, #tpu.memory_space<vmem>>, vector<1x16xf32>,
        %get3A_1005 = vector.shape_cast %get3A_1004 : vector<1x16xf32> to vector<16xf32>
        %add3A_1006 = arith.addf %scan3A_982, %get3A_1005 : vector<16xf32>
        %get3A_1007 = arith.index_cast %add3A_991 : i32 to index
        %get3A_1008 = arith.constant 48 : index
        %get3A_1009 = tpu.vector_load %arg5[%get3A_1007, %get3A_1008] {strides = array<i32>} : memref<64x768xf32, #tpu.memory_space<vmem>>, vector<1x16xf32>,
        %get3A_1010 = vector.shape_cast %get3A_1009 : vector<1x16xf32> to vector<16xf32>
        %add3A_1011 = arith.addf %scan3A_983, %get3A_1010 : vector<16xf32>
        %get3A_1012 = arith.index_cast %add3A_991 : i32 to index
        %get3A_1013 = arith.constant 64 : index
        %get3A_1014 = tpu.vector_load %arg5[%get3A_1012, %get3A_1013] {strides = array<i32>} : memref<64x768xf32, #tpu.memory_space<vmem>>, vector<1x16xf32>,
        %get3A_1015 = vector.shape_cast %get3A_1014 : vector<1x16xf32> to vector<16xf32>
        %add3A_1016 = arith.addf %scan3A_984, %get3A_1015 : vector<16xf32>
        %get3A_1017 = arith.index_cast %add3A_991 : i32 to index
        %get3A_1018 = arith.constant 80 : index
        %get3A_1019 = tpu.vector_load %arg5[%get3A_1017, %get3A_1018] {strides = array<i32>} : memref<64x768xf32, #tpu.memory_space<vmem>>, vector<1x16xf32>,
        %get3A_1020 = vector.shape_cast %get3A_1019 : vector<1x16xf32> to vector<16xf32>
        %add3A_1021 = arith.addf %scan3A_985, %get3A_1020 : vector<16xf32>
        %get3A_1022 = arith.index_cast %add3A_991 : i32 to index
        %get3A_1023 = arith.constant 96 : index
        %get3A_1024 = tpu.vector_load %arg5[%get3A_1022, %get3A_1023] {strides = array<i32>} : memref<64x768xf32, #tpu.memory_space<vmem>>, vector<1x16xf32>,
        %get3A_1025 = vector.shape_cast %get3A_1024 : vector<1x16xf32> to vector<16xf32>
        %add3A_1026 = arith.addf %scan3A_986, %get3A_1025 : vector<16xf32>
        %get3A_1027 = arith.index_cast %add3A_991 : i32 to index
        %get3A_1028 = arith.constant 112 : index
        %get3A_1029 = tpu.vector_load %arg5[%get3A_1027, %get3A_1028] {strides = array<i32>} : memref<64x768xf32, #tpu.memory_space<vmem>>, vector<1x16xf32>,
        %get3A_1030 = vector.shape_cast %get3A_1029 : vector<1x16xf32> to vector<16xf32>
        %add3A_1031 = arith.addf %scan3A_987, %get3A_1030 : vector<16xf32>
        %mul3A_1032 = arith.constant 4 : i32
        %mul3A_1033 = arith.muli %scan3A_979, %mul3A_1032 : i32
        %add3A_1034 = arith.constant 1 : i32
        %add3A_1035 = arith.addi %mul3A_1033, %add3A_1034 : i32
        %get3A_1036 = arith.index_cast %add3A_1035 : i32 to index
        %get3A_1037 = arith.constant 0 : index
        %get3A_1038 = tpu.vector_load %arg5[%get3A_1036, %get3A_1037] {strides = array<i32>} : memref<64x768xf32, #tpu.memory_space<vmem>>, vector<1x16xf32>,
        %get3A_1039 = vector.shape_cast %get3A_1038 : vector<1x16xf32> to vector<16xf32>
        %add3A_1040 = arith.addf %add3A_996, %get3A_1039 : vector<16xf32>
        %get3A_1041 = arith.index_cast %add3A_1035 : i32 to index
        %get3A_1042 = arith.constant 16 : index
        %get3A_1043 = tpu.vector_load %arg5[%get3A_1041, %get3A_1042] {strides = array<i32>} : memref<64x768xf32, #tpu.memory_space<vmem>>, vector<1x16xf32>,
        %get3A_1044 = vector.shape_cast %get3A_1043 : vector<1x16xf32> to vector<16xf32>
        %add3A_1045 = arith.addf %add3A_1001, %get3A_1044 : vector<16xf32>
        %get3A_1046 = arith.index_cast %add3A_1035 : i32 to index
        %get3A_1047 = arith.constant 32 : index
        %get3A_1048 = tpu.vector_load %arg5[%get3A_1046, %get3A_1047] {strides = array<i32>} : memref<64x768xf32, #tpu.memory_space<vmem>>, vector<1x16xf32>,
        %get3A_1049 = vector.shape_cast %get3A_1048 : vector<1x16xf32> to vector<16xf32>
        %add3A_1050 = arith.addf %add3A_1006, %get3A_1049 : vector<16xf32>
        %get3A_1051 = arith.index_cast %add3A_1035 : i32 to index
        %get3A_1052 = arith.constant 48 : index
        %get3A_1053 = tpu.vector_load %arg5[%get3A_1051, %get3A_1052] {strides = array<i32>} : memref<64x768xf32, #tpu.memory_space<vmem>>, vector<1x16xf32>,
        %get3A_1054 = vector.shape_cast %get3A_1053 : vector<1x16xf32> to vector<16xf32>
        %add3A_1055 = arith.addf %add3A_1011, %get3A_1054 : vector<16xf32>
        %get3A_1056 = arith.index_cast %add3A_1035 : i32 to index
        %get3A_1057 = arith.constant 64 : index
        %get3A_1058 = tpu.vector_load %arg5[%get3A_1056, %get3A_1057] {strides = array<i32>} : memref<64x768xf32, #tpu.memory_space<vmem>>, vector<1x16xf32>,
        %get3A_1059 = vector.shape_cast %get3A_1058 : vector<1x16xf32> to vector<16xf32>
        %add3A_1060 = arith.addf %add3A_1016, %get3A_1059 : vector<16xf32>
        %get3A_1061 = arith.index_cast %add3A_1035 : i32 to index
        %get3A_1062 = arith.constant 80 : index
        %get3A_1063 = tpu.vector_load %arg5[%get3A_1061, %get3A_1062] {strides = array<i32>} : memref<64x768xf32, #tpu.memory_space<vmem>>, vector<1x16xf32>,
        %get3A_1064 = vector.shape_cast %get3A_1063 : vector<1x16xf32> to vector<16xf32>
        %add3A_1065 = arith.addf %add3A_1021, %get3A_1064 : vector<16xf32>
        %get3A_1066 = arith.index_cast %add3A_1035 : i32 to index
        %get3A_1067 = arith.constant 96 : index
        %get3A_1068 = tpu.vector_load %arg5[%get3A_1066, %get3A_1067] {strides = array<i32>} : memref<64x768xf32, #tpu.memory_space<vmem>>, vector<1x16xf32>,
        %get3A_1069 = vector.shape_cast %get3A_1068 : vector<1x16xf32> to vector<16xf32>
        %add3A_1070 = arith.addf %add3A_1026, %get3A_1069 : vector<16xf32>
        %get3A_1071 = arith.index_cast %add3A_1035 : i32 to index
        %get3A_1072 = arith.constant 112 : index
        %get3A_1073 = tpu.vector_load %arg5[%get3A_1071, %get3A_1072] {strides = array<i32>} : memref<64x768xf32, #tpu.memory_space<vmem>>, vector<1x16xf32>,
        %get3A_1074 = vector.shape_cast %get3A_1073 : vector<1x16xf32> to vector<16xf32>
        %add3A_1075 = arith.addf %add3A_1031, %get3A_1074 : vector<16xf32>
        %mul3A_1076 = arith.constant 4 : i32
        %mul3A_1077 = arith.muli %scan3A_979, %mul3A_1076 : i32
        %add3A_1078 = arith.constant 2 : i32
        %add3A_1079 = arith.addi %mul3A_1077, %add3A_1078 : i32
        %get3A_1080 = arith.index_cast %add3A_1079 : i32 to index
        %get3A_1081 = arith.constant 0 : index
        %get3A_1082 = tpu.vector_load %arg5[%get3A_1080, %get3A_1081] {strides = array<i32>} : memref<64x768xf32, #tpu.memory_space<vmem>>, vector<1x16xf32>,
        %get3A_1083 = vector.shape_cast %get3A_1082 : vector<1x16xf32> to vector<16xf32>
        %add3A_1084 = arith.addf %add3A_1040, %get3A_1083 : vector<16xf32>
        %get3A_1085 = arith.index_cast %add3A_1079 : i32 to index
        %get3A_1086 = arith.constant 16 : index
        %get3A_1087 = tpu.vector_load %arg5[%get3A_1085, %get3A_1086] {strides = array<i32>} : memref<64x768xf32, #tpu.memory_space<vmem>>, vector<1x16xf32>,
        %get3A_1088 = vector.shape_cast %get3A_1087 : vector<1x16xf32> to vector<16xf32>
        %add3A_1089 = arith.addf %add3A_1045, %get3A_1088 : vector<16xf32>
        %get3A_1090 = arith.index_cast %add3A_1079 : i32 to index
        %get3A_1091 = arith.constant 32 : index
        %get3A_1092 = tpu.vector_load %arg5[%get3A_1090, %get3A_1091] {strides = array<i32>} : memref<64x768xf32, #tpu.memory_space<vmem>>, vector<1x16xf32>,
        %get3A_1093 = vector.shape_cast %get3A_1092 : vector<1x16xf32> to vector<16xf32>
        %add3A_1094 = arith.addf %add3A_1050, %get3A_1093 : vector<16xf32>
        %get3A_1095 = arith.index_cast %add3A_1079 : i32 to index
        %get3A_1096 = arith.constant 48 : index
        %get3A_1097 = tpu.vector_load %arg5[%get3A_1095, %get3A_1096] {strides = array<i32>} : memref<64x768xf32, #tpu.memory_space<vmem>>, vector<1x16xf32>,
        %get3A_1098 = vector.shape_cast %get3A_1097 : vector<1x16xf32> to vector<16xf32>
        %add3A_1099 = arith.addf %add3A_1055, %get3A_1098 : vector<16xf32>
        %get3A_1100 = arith.index_cast %add3A_1079 : i32 to index
        %get3A_1101 = arith.constant 64 : index
        %get3A_1102 = tpu.vector_load %arg5[%get3A_1100, %get3A_1101] {strides = array<i32>} : memref<64x768xf32, #tpu.memory_space<vmem>>, vector<1x16xf32>,
        %get3A_1103 = vector.shape_cast %get3A_1102 : vector<1x16xf32> to vector<16xf32>
        %add3A_1104 = arith.addf %add3A_1060, %get3A_1103 : vector<16xf32>
        %get3A_1105 = arith.index_cast %add3A_1079 : i32 to index
        %get3A_1106 = arith.constant 80 : index
        %get3A_1107 = tpu.vector_load %arg5[%get3A_1105, %get3A_1106] {strides = array<i32>} : memref<64x768xf32, #tpu.memory_space<vmem>>, vector<1x16xf32>,
        %get3A_1108 = vector.shape_cast %get3A_1107 : vector<1x16xf32> to vector<16xf32>
        %add3A_1109 = arith.addf %add3A_1065, %get3A_1108 : vector<16xf32>
        %get3A_1110 = arith.index_cast %add3A_1079 : i32 to index
        %get3A_1111 = arith.constant 96 : index
        %get3A_1112 = tpu.vector_load %arg5[%get3A_1110, %get3A_1111] {strides = array<i32>} : memref<64x768xf32, #tpu.memory_space<vmem>>, vector<1x16xf32>,
        %get3A_1113 = vector.shape_cast %get3A_1112 : vector<1x16xf32> to vector<16xf32>
        %add3A_1114 = arith.addf %add3A_1070, %get3A_1113 : vector<16xf32>
        %get3A_1115 = arith.index_cast %add3A_1079 : i32 to index
        %get3A_1116 = arith.constant 112 : index
        %get3A_1117 = tpu.vector_load %arg5[%get3A_1115, %get3A_1116] {strides = array<i32>} : memref<64x768xf32, #tpu.memory_space<vmem>>, vector<1x16xf32>,
        %get3A_1118 = vector.shape_cast %get3A_1117 : vector<1x16xf32> to vector<16xf32>
        %add3A_1119 = arith.addf %add3A_1075, %get3A_1118 : vector<16xf32>
        %mul3A_1120 = arith.constant 4 : i32
        %mul3A_1121 = arith.muli %scan3A_979, %mul3A_1120 : i32
        %add3A_1122 = arith.constant 3 : i32
        %add3A_1123 = arith.addi %mul3A_1121, %add3A_1122 : i32
        %get3A_1124 = arith.index_cast %add3A_1123 : i32 to index
        %get3A_1125 = arith.constant 0 : index
        %get3A_1126 = tpu.vector_load %arg5[%get3A_1124, %get3A_1125] {strides = array<i32>} : memref<64x768xf32, #tpu.memory_space<vmem>>, vector<1x16xf32>,
        %get3A_1127 = vector.shape_cast %get3A_1126 : vector<1x16xf32> to vector<16xf32>
        %add3A_1128 = arith.addf %add3A_1084, %get3A_1127 : vector<16xf32>
        %get3A_1129 = arith.index_cast %add3A_1123 : i32 to index
        %get3A_1130 = arith.constant 16 : index
        %get3A_1131 = tpu.vector_load %arg5[%get3A_1129, %get3A_1130] {strides = array<i32>} : memref<64x768xf32, #tpu.memory_space<vmem>>, vector<1x16xf32>,
        %get3A_1132 = vector.shape_cast %get3A_1131 : vector<1x16xf32> to vector<16xf32>
        %add3A_1133 = arith.addf %add3A_1089, %get3A_1132 : vector<16xf32>
        %get3A_1134 = arith.index_cast %add3A_1123 : i32 to index
        %get3A_1135 = arith.constant 32 : index
        %get3A_1136 = tpu.vector_load %arg5[%get3A_1134, %get3A_1135] {strides = array<i32>} : memref<64x768xf32, #tpu.memory_space<vmem>>, vector<1x16xf32>,
        %get3A_1137 = vector.shape_cast %get3A_1136 : vector<1x16xf32> to vector<16xf32>
        %add3A_1138 = arith.addf %add3A_1094, %get3A_1137 : vector<16xf32>
        %get3A_1139 = arith.index_cast %add3A_1123 : i32 to index
        %get3A_1140 = arith.constant 48 : index
        %get3A_1141 = tpu.vector_load %arg5[%get3A_1139, %get3A_1140] {strides = array<i32>} : memref<64x768xf32, #tpu.memory_space<vmem>>, vector<1x16xf32>,
        %get3A_1142 = vector.shape_cast %get3A_1141 : vector<1x16xf32> to vector<16xf32>
        %add3A_1143 = arith.addf %add3A_1099, %get3A_1142 : vector<16xf32>
        %get3A_1144 = arith.index_cast %add3A_1123 : i32 to index
        %get3A_1145 = arith.constant 64 : index
        %get3A_1146 = tpu.vector_load %arg5[%get3A_1144, %get3A_1145] {strides = array<i32>} : memref<64x768xf32, #tpu.memory_space<vmem>>, vector<1x16xf32>,
        %get3A_1147 = vector.shape_cast %get3A_1146 : vector<1x16xf32> to vector<16xf32>
        %add3A_1148 = arith.addf %add3A_1104, %get3A_1147 : vector<16xf32>
        %get3A_1149 = arith.index_cast %add3A_1123 : i32 to index
        %get3A_1150 = arith.constant 80 : index
        %get3A_1151 = tpu.vector_load %arg5[%get3A_1149, %get3A_1150] {strides = array<i32>} : memref<64x768xf32, #tpu.memory_space<vmem>>, vector<1x16xf32>,
        %get3A_1152 = vector.shape_cast %get3A_1151 : vector<1x16xf32> to vector<16xf32>
        %add3A_1153 = arith.addf %add3A_1109, %get3A_1152 : vector<16xf32>
        %get3A_1154 = arith.index_cast %add3A_1123 : i32 to index
        %get3A_1155 = arith.constant 96 : index
        %get3A_1156 = tpu.vector_load %arg5[%get3A_1154, %get3A_1155] {strides = array<i32>} : memref<64x768xf32, #tpu.memory_space<vmem>>, vector<1x16xf32>,
        %get3A_1157 = vector.shape_cast %get3A_1156 : vector<1x16xf32> to vector<16xf32>
        %add3A_1158 = arith.addf %add3A_1114, %get3A_1157 : vector<16xf32>
        %get3A_1159 = arith.index_cast %add3A_1123 : i32 to index
        %get3A_1160 = arith.constant 112 : index
        %get3A_1161 = tpu.vector_load %arg5[%get3A_1159, %get3A_1160] {strides = array<i32>} : memref<64x768xf32, #tpu.memory_space<vmem>>, vector<1x16xf32>,
        %get3A_1162 = vector.shape_cast %get3A_1161 : vector<1x16xf32> to vector<16xf32>
        %add3A_1163 = arith.addf %add3A_1119, %get3A_1162 : vector<16xf32>
        scf.yield %add3A_1128, %add3A_1133, %add3A_1138, %add3A_1143, %add3A_1148, %add3A_1153, %add3A_1158, %add3A_1163 : vector<16xf32>, vector<16xf32>, vector<16xf32>, vector<16xf32>, vector<16xf32>, vector<16xf32>, vector<16xf32>, vector<16xf32>
      }
      %scan3A_636 = arith.constant 16 : i32
      %swap3A_637 = arith.constant 0 : index
      %swap3A_638 = tpu.vector_load %arg6[%swap3A_637] {strides = array<i32>} : memref<768xf32, #tpu.memory_space<vmem>>, vector<16xf32>,
      %swap3A_639 = vector.shape_cast %swap3A_638 : vector<16xf32> to vector<16xf32>
      %swap3A_640 = vector.shape_cast %scan3A_635#0 : vector<16xf32> to vector<16xf32>
      tpu.vector_store %arg6[%swap3A_637], %swap3A_640 {strides = array<i32>} : memref<768xf32, #tpu.memory_space<vmem>>, vector<16xf32>,
      %swap3A_641 = arith.constant 16 : index
      %swap3A_642 = tpu.vector_load %arg6[%swap3A_641] {strides = array<i32>} : memref<768xf32, #tpu.memory_space<vmem>>, vector<16xf32>,
      %swap3A_643 = vector.shape_cast %swap3A_642 : vector<16xf32> to vector<16xf32>
      %swap3A_644 = vector.shape_cast %scan3A_635#1 : vector<16xf32> to vector<16xf32>
      tpu.vector_store %arg6[%swap3A_641], %swap3A_644 {strides = array<i32>} : memref<768xf32, #tpu.memory_space<vmem>>, vector<16xf32>,
      %swap3A_645 = arith.constant 32 : index
      %swap3A_646 = tpu.vector_load %arg6[%swap3A_645] {strides = array<i32>} : memref<768xf32, #tpu.memory_space<vmem>>, vector<16xf32>,
      %swap3A_647 = vector.shape_cast %swap3A_646 : vector<16xf32> to vector<16xf32>
      %swap3A_648 = vector.shape_cast %scan3A_635#2 : vector<16xf32> to vector<16xf32>
      tpu.vector_store %arg6[%swap3A_645], %swap3A_648 {strides = array<i32>} : memref<768xf32, #tpu.memory_space<vmem>>, vector<16xf32>,
      %swap3A_649 = arith.constant 48 : index
      %swap3A_650 = tpu.vector_load %arg6[%swap3A_649] {strides = array<i32>} : memref<768xf32, #tpu.memory_space<vmem>>, vector<16xf32>,
      %swap3A_651 = vector.shape_cast %swap3A_650 : vector<16xf32> to vector<16xf32>
      %swap3A_652 = vector.shape_cast %scan3A_635#3 : vector<16xf32> to vector<16xf32>
      tpu.vector_store %arg6[%swap3A_649], %swap3A_652 {strides = array<i32>} : memref<768xf32, #tpu.memory_space<vmem>>, vector<16xf32>,
      %swap3A_653 = arith.constant 64 : index
      %swap3A_654 = tpu.vector_load %arg6[%swap3A_653] {strides = array<i32>} : memref<768xf32, #tpu.memory_space<vmem>>, vector<16xf32>,
      %swap3A_655 = vector.shape_cast %swap3A_654 : vector<16xf32> to vector<16xf32>
      %swap3A_656 = vector.shape_cast %scan3A_635#4 : vector<16xf32> to vector<16xf32>
      tpu.vector_store %arg6[%swap3A_653], %swap3A_656 {strides = array<i32>} : memref<768xf32, #tpu.memory_space<vmem>>, vector<16xf32>,
      %swap3A_657 = arith.constant 80 : index
      %swap3A_658 = tpu.vector_load %arg6[%swap3A_657] {strides = array<i32>} : memref<768xf32, #tpu.memory_space<vmem>>, vector<16xf32>,
      %swap3A_659 = vector.shape_cast %swap3A_658 : vector<16xf32> to vector<16xf32>
      %swap3A_660 = vector.shape_cast %scan3A_635#5 : vector<16xf32> to vector<16xf32>
      tpu.vector_store %arg6[%swap3A_657], %swap3A_660 {strides = array<i32>} : memref<768xf32, #tpu.memory_space<vmem>>, vector<16xf32>,
      %swap3A_661 = arith.constant 96 : index
      %swap3A_662 = tpu.vector_load %arg6[%swap3A_661] {strides = array<i32>} : memref<768xf32, #tpu.memory_space<vmem>>, vector<16xf32>,
      %swap3A_663 = vector.shape_cast %swap3A_662 : vector<16xf32> to vector<16xf32>
      %swap3A_664 = vector.shape_cast %scan3A_635#6 : vector<16xf32> to vector<16xf32>
      tpu.vector_store %arg6[%swap3A_661], %swap3A_664 {strides = array<i32>} : memref<768xf32, #tpu.memory_space<vmem>>, vector<16xf32>,
      %swap3A_665 = arith.constant 112 : index
      %swap3A_666 = tpu.vector_load %arg6[%swap3A_665] {strides = array<i32>} : memref<768xf32, #tpu.memory_space<vmem>>, vector<16xf32>,
      %swap3A_667 = vector.shape_cast %swap3A_666 : vector<16xf32> to vector<16xf32>
      %swap3A_668 = vector.shape_cast %scan3A_635#7 : vector<16xf32> to vector<16xf32>
      tpu.vector_store %arg6[%swap3A_665], %swap3A_668 {strides = array<i32>} : memref<768xf32, #tpu.memory_space<vmem>>, vector<16xf32>,
      %get3A_669 = arith.constant 128 : index
      %get3A_670 = tpu.vector_load %arg6[%get3A_669] {strides = array<i32>} : memref<768xf32, #tpu.memory_space<vmem>>, vector<16xf32>,
      %get3A_671 = vector.shape_cast %get3A_670 : vector<16xf32> to vector<16xf32>
      %get3A_672 = arith.constant 144 : index
      %get3A_673 = tpu.vector_load %arg6[%get3A_672] {strides = array<i32>} : memref<768xf32, #tpu.memory_space<vmem>>, vector<16xf32>,
      %get3A_674 = vector.shape_cast %get3A_673 : vector<16xf32> to vector<16xf32>
      %get3A_675 = arith.constant 160 : index
      %get3A_676 = tpu.vector_load %arg6[%get3A_675] {strides = array<i32>} : memref<768xf32, #tpu.memory_space<vmem>>, vector<16xf32>,
      %get3A_677 = vector.shape_cast %get3A_676 : vector<16xf32> to vector<16xf32>
      %get3A_678 = arith.constant 176 : index
      %get3A_679 = tpu.vector_load %arg6[%get3A_678] {strides = array<i32>} : memref<768xf32, #tpu.memory_space<vmem>>, vector<16xf32>,
      %get3A_680 = vector.shape_cast %get3A_679 : vector<16xf32> to vector<16xf32>
      %get3A_681 = arith.constant 192 : index
      %get3A_682 = tpu.vector_load %arg6[%get3A_681] {strides = array<i32>} : memref<768xf32, #tpu.memory_space<vmem>>, vector<16xf32>,
      %get3A_683 = vector.shape_cast %get3A_682 : vector<16xf32> to vector<16xf32>
      %get3A_684 = arith.constant 208 : index
      %get3A_685 = tpu.vector_load %arg6[%get3A_684] {strides = array<i32>} : memref<768xf32, #tpu.memory_space<vmem>>, vector<16xf32>,
      %get3A_686 = vector.shape_cast %get3A_685 : vector<16xf32> to vector<16xf32>
      %get3A_687 = arith.constant 224 : index
      %get3A_688 = tpu.vector_load %arg6[%get3A_687] {strides = array<i32>} : memref<768xf32, #tpu.memory_space<vmem>>, vector<16xf32>,
      %get3A_689 = vector.shape_cast %get3A_688 : vector<16xf32> to vector<16xf32>
      %get3A_690 = arith.constant 240 : index
      %get3A_691 = tpu.vector_load %arg6[%get3A_690] {strides = array<i32>} : memref<768xf32, #tpu.memory_space<vmem>>, vector<16xf32>,
      %get3A_692 = vector.shape_cast %get3A_691 : vector<16xf32> to vector<16xf32>
      %scan3A_693 = arith.constant 0 : i32
      %scan3A_694 = arith.constant 16 : i32
      %scan3A_695 = arith.addi %scan3A_693, %scan3A_694 : i32
      %scan3A_696 = arith.constant 1 : i32
      %scan3A_697:8 = scf.for %scan3A_979 = %scan3A_693 to %scan3A_695 step %scan3A_696 iter_args(%scan3A_980 = %get3A_671, %scan3A_981 = %get3A_674, %scan3A_982 = %get3A_677, %scan3A_983 = %get3A_680, %scan3A_984 = %get3A_683, %scan3A_985 = %get3A_686, %scan3A_986 = %get3A_689, %scan3A_987 = %get3A_692) -> (vector<16xf32>, vector<16xf32>, vector<16xf32>, vector<16xf32>, vector<16xf32>, vector<16xf32>, vector<16xf32>, vector<16xf32>)  : i32 {
        %mul3A_988 = arith.constant 4 : i32
        %mul3A_989 = arith.muli %scan3A_979, %mul3A_988 : i32
        %add3A_990 = arith.constant 0 : i32
        %add3A_991 = arith.addi %mul3A_989, %add3A_990 : i32
        %get3A_992 = arith.index_cast %add3A_991 : i32 to index
        %get3A_993 = arith.constant 128 : index
        %get3A_994 = tpu.vector_load %arg5[%get3A_992, %get3A_993] {strides = array<i32>} : memref<64x768xf32, #tpu.memory_space<vmem>>, vector<1x16xf32>,
        %get3A_995 = vector.shape_cast %get3A_994 : vector<1x16xf32> to vector<16xf32>
        %add3A_996 = arith.addf %scan3A_980, %get3A_995 : vector<16xf32>
        %get3A_997 = arith.index_cast %add3A_991 : i32 to index
        %get3A_998 = arith.constant 144 : index
        %get3A_999 = tpu.vector_load %arg5[%get3A_997, %get3A_998] {strides = array<i32>} : memref<64x768xf32, #tpu.memory_space<vmem>>, vector<1x16xf32>,
        %get3A_1000 = vector.shape_cast %get3A_999 : vector<1x16xf32> to vector<16xf32>
        %add3A_1001 = arith.addf %scan3A_981, %get3A_1000 : vector<16xf32>
        %get3A_1002 = arith.index_cast %add3A_991 : i32 to index
        %get3A_1003 = arith.constant 160 : index
        %get3A_1004 = tpu.vector_load %arg5[%get3A_1002, %get3A_1003] {strides = array<i32>} : memref<64x768xf32, #tpu.memory_space<vmem>>, vector<1x16xf32>,
        %get3A_1005 = vector.shape_cast %get3A_1004 : vector<1x16xf32> to vector<16xf32>
        %add3A_1006 = arith.addf %scan3A_982, %get3A_1005 : vector<16xf32>
        %get3A_1007 = arith.index_cast %add3A_991 : i32 to index
        %get3A_1008 = arith.constant 176 : index
        %get3A_1009 = tpu.vector_load %arg5[%get3A_1007, %get3A_1008] {strides = array<i32>} : memref<64x768xf32, #tpu.memory_space<vmem>>, vector<1x16xf32>,
        %get3A_1010 = vector.shape_cast %get3A_1009 : vector<1x16xf32> to vector<16xf32>
        %add3A_1011 = arith.addf %scan3A_983, %get3A_1010 : vector<16xf32>
        %get3A_1012 = arith.index_cast %add3A_991 : i32 to index
        %get3A_1013 = arith.constant 192 : index
        %get3A_1014 = tpu.vector_load %arg5[%get3A_1012, %get3A_1013] {strides = array<i32>} : memref<64x768xf32, #tpu.memory_space<vmem>>, vector<1x16xf32>,
        %get3A_1015 = vector.shape_cast %get3A_1014 : vector<1x16xf32> to vector<16xf32>
        %add3A_1016 = arith.addf %scan3A_984, %get3A_1015 : vector<16xf32>
        %get3A_1017 = arith.index_cast %add3A_991 : i32 to index
        %get3A_1018 = arith.constant 208 : index
        %get3A_1019 = tpu.vector_load %arg5[%get3A_1017, %get3A_1018] {strides = array<i32>} : memref<64x768xf32, #tpu.memory_space<vmem>>, vector<1x16xf32>,
        %get3A_1020 = vector.shape_cast %get3A_1019 : vector<1x16xf32> to vector<16xf32>
        %add3A_1021 = arith.addf %scan3A_985, %get3A_1020 : vector<16xf32>
        %get3A_1022 = arith.index_cast %add3A_991 : i32 to index
        %get3A_1023 = arith.constant 224 : index
        %get3A_1024 = tpu.vector_load %arg5[%get3A_1022, %get3A_1023] {strides = array<i32>} : memref<64x768xf32, #tpu.memory_space<vmem>>, vector<1x16xf32>,
        %get3A_1025 = vector.shape_cast %get3A_1024 : vector<1x16xf32> to vector<16xf32>
        %add3A_1026 = arith.addf %scan3A_986, %get3A_1025 : vector<16xf32>
        %get3A_1027 = arith.index_cast %add3A_991 : i32 to index
        %get3A_1028 = arith.constant 240 : index
        %get3A_1029 = tpu.vector_load %arg5[%get3A_1027, %get3A_1028] {strides = array<i32>} : memref<64x768xf32, #tpu.memory_space<vmem>>, vector<1x16xf32>,
        %get3A_1030 = vector.shape_cast %get3A_1029 : vector<1x16xf32> to vector<16xf32>
        %add3A_1031 = arith.addf %scan3A_987, %get3A_1030 : vector<16xf32>
        %mul3A_1032 = arith.constant 4 : i32
        %mul3A_1033 = arith.muli %scan3A_979, %mul3A_1032 : i32
        %add3A_1034 = arith.constant 1 : i32
        %add3A_1035 = arith.addi %mul3A_1033, %add3A_1034 : i32
        %get3A_1036 = arith.index_cast %add3A_1035 : i32 to index
        %get3A_1037 = arith.constant 128 : index
        %get3A_1038 = tpu.vector_load %arg5[%get3A_1036, %get3A_1037] {strides = array<i32>} : memref<64x768xf32, #tpu.memory_space<vmem>>, vector<1x16xf32>,
        %get3A_1039 = vector.shape_cast %get3A_1038 : vector<1x16xf32> to vector<16xf32>
        %add3A_1040 = arith.addf %add3A_996, %get3A_1039 : vector<16xf32>
        %get3A_1041 = arith.index_cast %add3A_1035 : i32 to index
        %get3A_1042 = arith.constant 144 : index
        %get3A_1043 = tpu.vector_load %arg5[%get3A_1041, %get3A_1042] {strides = array<i32>} : memref<64x768xf32, #tpu.memory_space<vmem>>, vector<1x16xf32>,
        %get3A_1044 = vector.shape_cast %get3A_1043 : vector<1x16xf32> to vector<16xf32>
        %add3A_1045 = arith.addf %add3A_1001, %get3A_1044 : vector<16xf32>
        %get3A_1046 = arith.index_cast %add3A_1035 : i32 to index
        %get3A_1047 = arith.constant 160 : index
        %get3A_1048 = tpu.vector_load %arg5[%get3A_1046, %get3A_1047] {strides = array<i32>} : memref<64x768xf32, #tpu.memory_space<vmem>>, vector<1x16xf32>,
        %get3A_1049 = vector.shape_cast %get3A_1048 : vector<1x16xf32> to vector<16xf32>
        %add3A_1050 = arith.addf %add3A_1006, %get3A_1049 : vector<16xf32>
        %get3A_1051 = arith.index_cast %add3A_1035 : i32 to index
        %get3A_1052 = arith.constant 176 : index
        %get3A_1053 = tpu.vector_load %arg5[%get3A_1051, %get3A_1052] {strides = array<i32>} : memref<64x768xf32, #tpu.memory_space<vmem>>, vector<1x16xf32>,
        %get3A_1054 = vector.shape_cast %get3A_1053 : vector<1x16xf32> to vector<16xf32>
        %add3A_1055 = arith.addf %add3A_1011, %get3A_1054 : vector<16xf32>
        %get3A_1056 = arith.index_cast %add3A_1035 : i32 to index
        %get3A_1057 = arith.constant 192 : index
        %get3A_1058 = tpu.vector_load %arg5[%get3A_1056, %get3A_1057] {strides = array<i32>} : memref<64x768xf32, #tpu.memory_space<vmem>>, vector<1x16xf32>,
        %get3A_1059 = vector.shape_cast %get3A_1058 : vector<1x16xf32> to vector<16xf32>
        %add3A_1060 = arith.addf %add3A_1016, %get3A_1059 : vector<16xf32>
        %get3A_1061 = arith.index_cast %add3A_1035 : i32 to index
        %get3A_1062 = arith.constant 208 : index
        %get3A_1063 = tpu.vector_load %arg5[%get3A_1061, %get3A_1062] {strides = array<i32>} : memref<64x768xf32, #tpu.memory_space<vmem>>, vector<1x16xf32>,
        %get3A_1064 = vector.shape_cast %get3A_1063 : vector<1x16xf32> to vector<16xf32>
        %add3A_1065 = arith.addf %add3A_1021, %get3A_1064 : vector<16xf32>
        %get3A_1066 = arith.index_cast %add3A_1035 : i32 to index
        %get3A_1067 = arith.constant 224 : index
        %get3A_1068 = tpu.vector_load %arg5[%get3A_1066, %get3A_1067] {strides = array<i32>} : memref<64x768xf32, #tpu.memory_space<vmem>>, vector<1x16xf32>,
        %get3A_1069 = vector.shape_cast %get3A_1068 : vector<1x16xf32> to vector<16xf32>
        %add3A_1070 = arith.addf %add3A_1026, %get3A_1069 : vector<16xf32>
        %get3A_1071 = arith.index_cast %add3A_1035 : i32 to index
        %get3A_1072 = arith.constant 240 : index
        %get3A_1073 = tpu.vector_load %arg5[%get3A_1071, %get3A_1072] {strides = array<i32>} : memref<64x768xf32, #tpu.memory_space<vmem>>, vector<1x16xf32>,
        %get3A_1074 = vector.shape_cast %get3A_1073 : vector<1x16xf32> to vector<16xf32>
        %add3A_1075 = arith.addf %add3A_1031, %get3A_1074 : vector<16xf32>
        %mul3A_1076 = arith.constant 4 : i32
        %mul3A_1077 = arith.muli %scan3A_979, %mul3A_1076 : i32
        %add3A_1078 = arith.constant 2 : i32
        %add3A_1079 = arith.addi %mul3A_1077, %add3A_1078 : i32
        %get3A_1080 = arith.index_cast %add3A_1079 : i32 to index
        %get3A_1081 = arith.constant 128 : index
        %get3A_1082 = tpu.vector_load %arg5[%get3A_1080, %get3A_1081] {strides = array<i32>} : memref<64x768xf32, #tpu.memory_space<vmem>>, vector<1x16xf32>,
        %get3A_1083 = vector.shape_cast %get3A_1082 : vector<1x16xf32> to vector<16xf32>
        %add3A_1084 = arith.addf %add3A_1040, %get3A_1083 : vector<16xf32>
        %get3A_1085 = arith.index_cast %add3A_1079 : i32 to index
        %get3A_1086 = arith.constant 144 : index
        %get3A_1087 = tpu.vector_load %arg5[%get3A_1085, %get3A_1086] {strides = array<i32>} : memref<64x768xf32, #tpu.memory_space<vmem>>, vector<1x16xf32>,
        %get3A_1088 = vector.shape_cast %get3A_1087 : vector<1x16xf32> to vector<16xf32>
        %add3A_1089 = arith.addf %add3A_1045, %get3A_1088 : vector<16xf32>
        %get3A_1090 = arith.index_cast %add3A_1079 : i32 to index
        %get3A_1091 = arith.constant 160 : index
        %get3A_1092 = tpu.vector_load %arg5[%get3A_1090, %get3A_1091] {strides = array<i32>} : memref<64x768xf32, #tpu.memory_space<vmem>>, vector<1x16xf32>,
        %get3A_1093 = vector.shape_cast %get3A_1092 : vector<1x16xf32> to vector<16xf32>
        %add3A_1094 = arith.addf %add3A_1050, %get3A_1093 : vector<16xf32>
        %get3A_1095 = arith.index_cast %add3A_1079 : i32 to index
        %get3A_1096 = arith.constant 176 : index
        %get3A_1097 = tpu.vector_load %arg5[%get3A_1095, %get3A_1096] {strides = array<i32>} : memref<64x768xf32, #tpu.memory_space<vmem>>, vector<1x16xf32>,
        %get3A_1098 = vector.shape_cast %get3A_1097 : vector<1x16xf32> to vector<16xf32>
        %add3A_1099 = arith.addf %add3A_1055, %get3A_1098 : vector<16xf32>
        %get3A_1100 = arith.index_cast %add3A_1079 : i32 to index
        %get3A_1101 = arith.constant 192 : index
        %get3A_1102 = tpu.vector_load %arg5[%get3A_1100, %get3A_1101] {strides = array<i32>} : memref<64x768xf32, #tpu.memory_space<vmem>>, vector<1x16xf32>,
        %get3A_1103 = vector.shape_cast %get3A_1102 : vector<1x16xf32> to vector<16xf32>
        %add3A_1104 = arith.addf %add3A_1060, %get3A_1103 : vector<16xf32>
        %get3A_1105 = arith.index_cast %add3A_1079 : i32 to index
        %get3A_1106 = arith.constant 208 : index
        %get3A_1107 = tpu.vector_load %arg5[%get3A_1105, %get3A_1106] {strides = array<i32>} : memref<64x768xf32, #tpu.memory_space<vmem>>, vector<1x16xf32>,
        %get3A_1108 = vector.shape_cast %get3A_1107 : vector<1x16xf32> to vector<16xf32>
        %add3A_1109 = arith.addf %add3A_1065, %get3A_1108 : vector<16xf32>
        %get3A_1110 = arith.index_cast %add3A_1079 : i32 to index
        %get3A_1111 = arith.constant 224 : index
        %get3A_1112 = tpu.vector_load %arg5[%get3A_1110, %get3A_1111] {strides = array<i32>} : memref<64x768xf32, #tpu.memory_space<vmem>>, vector<1x16xf32>,
        %get3A_1113 = vector.shape_cast %get3A_1112 : vector<1x16xf32> to vector<16xf32>
        %add3A_1114 = arith.addf %add3A_1070, %get3A_1113 : vector<16xf32>
        %get3A_1115 = arith.index_cast %add3A_1079 : i32 to index
        %get3A_1116 = arith.constant 240 : index
        %get3A_1117 = tpu.vector_load %arg5[%get3A_1115, %get3A_1116] {strides = array<i32>} : memref<64x768xf32, #tpu.memory_space<vmem>>, vector<1x16xf32>,
        %get3A_1118 = vector.shape_cast %get3A_1117 : vector<1x16xf32> to vector<16xf32>
        %add3A_1119 = arith.addf %add3A_1075, %get3A_1118 : vector<16xf32>
        %mul3A_1120 = arith.constant 4 : i32
        %mul3A_1121 = arith.muli %scan3A_979, %mul3A_1120 : i32
        %add3A_1122 = arith.constant 3 : i32
        %add3A_1123 = arith.addi %mul3A_1121, %add3A_1122 : i32
        %get3A_1124 = arith.index_cast %add3A_1123 : i32 to index
        %get3A_1125 = arith.constant 128 : index
        %get3A_1126 = tpu.vector_load %arg5[%get3A_1124, %get3A_1125] {strides = array<i32>} : memref<64x768xf32, #tpu.memory_space<vmem>>, vector<1x16xf32>,
        %get3A_1127 = vector.shape_cast %get3A_1126 : vector<1x16xf32> to vector<16xf32>
        %add3A_1128 = arith.addf %add3A_1084, %get3A_1127 : vector<16xf32>
        %get3A_1129 = arith.index_cast %add3A_1123 : i32 to index
        %get3A_1130 = arith.constant 144 : index
        %get3A_1131 = tpu.vector_load %arg5[%get3A_1129, %get3A_1130] {strides = array<i32>} : memref<64x768xf32, #tpu.memory_space<vmem>>, vector<1x16xf32>,
        %get3A_1132 = vector.shape_cast %get3A_1131 : vector<1x16xf32> to vector<16xf32>
        %add3A_1133 = arith.addf %add3A_1089, %get3A_1132 : vector<16xf32>
        %get3A_1134 = arith.index_cast %add3A_1123 : i32 to index
        %get3A_1135 = arith.constant 160 : index
        %get3A_1136 = tpu.vector_load %arg5[%get3A_1134, %get3A_1135] {strides = array<i32>} : memref<64x768xf32, #tpu.memory_space<vmem>>, vector<1x16xf32>,
        %get3A_1137 = vector.shape_cast %get3A_1136 : vector<1x16xf32> to vector<16xf32>
        %add3A_1138 = arith.addf %add3A_1094, %get3A_1137 : vector<16xf32>
        %get3A_1139 = arith.index_cast %add3A_1123 : i32 to index
        %get3A_1140 = arith.constant 176 : index
        %get3A_1141 = tpu.vector_load %arg5[%get3A_1139, %get3A_1140] {strides = array<i32>} : memref<64x768xf32, #tpu.memory_space<vmem>>, vector<1x16xf32>,
        %get3A_1142 = vector.shape_cast %get3A_1141 : vector<1x16xf32> to vector<16xf32>
        %add3A_1143 = arith.addf %add3A_1099, %get3A_1142 : vector<16xf32>
        %get3A_1144 = arith.index_cast %add3A_1123 : i32 to index
        %get3A_1145 = arith.constant 192 : index
        %get3A_1146 = tpu.vector_load %arg5[%get3A_1144, %get3A_1145] {strides = array<i32>} : memref<64x768xf32, #tpu.memory_space<vmem>>, vector<1x16xf32>,
        %get3A_1147 = vector.shape_cast %get3A_1146 : vector<1x16xf32> to vector<16xf32>
        %add3A_1148 = arith.addf %add3A_1104, %get3A_1147 : vector<16xf32>
        %get3A_1149 = arith.index_cast %add3A_1123 : i32 to index
        %get3A_1150 = arith.constant 208 : index
        %get3A_1151 = tpu.vector_load %arg5[%get3A_1149, %get3A_1150] {strides = array<i32>} : memref<64x768xf32, #tpu.memory_space<vmem>>, vector<1x16xf32>,
        %get3A_1152 = vector.shape_cast %get3A_1151 : vector<1x16xf32> to vector<16xf32>
        %add3A_1153 = arith.addf %add3A_1109, %get3A_1152 : vector<16xf32>
        %get3A_1154 = arith.index_cast %add3A_1123 : i32 to index
        %get3A_1155 = arith.constant 224 : index
        %get3A_1156 = tpu.vector_load %arg5[%get3A_1154, %get3A_1155] {strides = array<i32>} : memref<64x768xf32, #tpu.memory_space<vmem>>, vector<1x16xf32>,
        %get3A_1157 = vector.shape_cast %get3A_1156 : vector<1x16xf32> to vector<16xf32>
        %add3A_1158 = arith.addf %add3A_1114, %get3A_1157 : vector<16xf32>
        %get3A_1159 = arith.index_cast %add3A_1123 : i32 to index
        %get3A_1160 = arith.constant 240 : index
        %get3A_1161 = tpu.vector_load %arg5[%get3A_1159, %get3A_1160] {strides = array<i32>} : memref<64x768xf32, #tpu.memory_space<vmem>>, vector<1x16xf32>,
        %get3A_1162 = vector.shape_cast %get3A_1161 : vector<1x16xf32> to vector<16xf32>
        %add3A_1163 = arith.addf %add3A_1119, %get3A_1162 : vector<16xf32>
        scf.yield %add3A_1128, %add3A_1133, %add3A_1138, %add3A_1143, %add3A_1148, %add3A_1153, %add3A_1158, %add3A_1163 : vector<16xf32>, vector<16xf32>, vector<16xf32>, vector<16xf32>, vector<16xf32>, vector<16xf32>, vector<16xf32>, vector<16xf32>
      }
      %scan3A_698 = arith.constant 16 : i32
      %swap3A_699 = arith.constant 128 : index
      %swap3A_700 = tpu.vector_load %arg6[%swap3A_699] {strides = array<i32>} : memref<768xf32, #tpu.memory_space<vmem>>, vector<16xf32>,
      %swap3A_701 = vector.shape_cast %swap3A_700 : vector<16xf32> to vector<16xf32>
      %swap3A_702 = vector.shape_cast %scan3A_697#0 : vector<16xf32> to vector<16xf32>
      tpu.vector_store %arg6[%swap3A_699], %swap3A_702 {strides = array<i32>} : memref<768xf32, #tpu.memory_space<vmem>>, vector<16xf32>,
      %swap3A_703 = arith.constant 144 : index
      %swap3A_704 = tpu.vector_load %arg6[%swap3A_703] {strides = array<i32>} : memref<768xf32, #tpu.memory_space<vmem>>, vector<16xf32>,
      %swap3A_705 = vector.shape_cast %swap3A_704 : vector<16xf32> to vector<16xf32>
      %swap3A_706 = vector.shape_cast %scan3A_697#1 : vector<16xf32> to vector<16xf32>
      tpu.vector_store %arg6[%swap3A_703], %swap3A_706 {strides = array<i32>} : memref<768xf32, #tpu.memory_space<vmem>>, vector<16xf32>,
      %swap3A_707 = arith.constant 160 : index
      %swap3A_708 = tpu.vector_load %arg6[%swap3A_707] {strides = array<i32>} : memref<768xf32, #tpu.memory_space<vmem>>, vector<16xf32>,
      %swap3A_709 = vector.shape_cast %swap3A_708 : vector<16xf32> to vector<16xf32>
      %swap3A_710 = vector.shape_cast %scan3A_697#2 : vector<16xf32> to vector<16xf32>
      tpu.vector_store %arg6[%swap3A_707], %swap3A_710 {strides = array<i32>} : memref<768xf32, #tpu.memory_space<vmem>>, vector<16xf32>,
      %swap3A_711 = arith.constant 176 : index
      %swap3A_712 = tpu.vector_load %arg6[%swap3A_711] {strides = array<i32>} : memref<768xf32, #tpu.memory_space<vmem>>, vector<16xf32>,
      %swap3A_713 = vector.shape_cast %swap3A_712 : vector<16xf32> to vector<16xf32>
      %swap3A_714 = vector.shape_cast %scan3A_697#3 : vector<16xf32> to vector<16xf32>
      tpu.vector_store %arg6[%swap3A_711], %swap3A_714 {strides = array<i32>} : memref<768xf32, #tpu.memory_space<vmem>>, vector<16xf32>,
      %swap3A_715 = arith.constant 192 : index
      %swap3A_716 = tpu.vector_load %arg6[%swap3A_715] {strides = array<i32>} : memref<768xf32, #tpu.memory_space<vmem>>, vector<16xf32>,
      %swap3A_717 = vector.shape_cast %swap3A_716 : vector<16xf32> to vector<16xf32>
      %swap3A_718 = vector.shape_cast %scan3A_697#4 : vector<16xf32> to vector<16xf32>
      tpu.vector_store %arg6[%swap3A_715], %swap3A_718 {strides = array<i32>} : memref<768xf32, #tpu.memory_space<vmem>>, vector<16xf32>,
      %swap3A_719 = arith.constant 208 : index
      %swap3A_720 = tpu.vector_load %arg6[%swap3A_719] {strides = array<i32>} : memref<768xf32, #tpu.memory_space<vmem>>, vector<16xf32>,
      %swap3A_721 = vector.shape_cast %swap3A_720 : vector<16xf32> to vector<16xf32>
      %swap3A_722 = vector.shape_cast %scan3A_697#5 : vector<16xf32> to vector<16xf32>
      tpu.vector_store %arg6[%swap3A_719], %swap3A_722 {strides = array<i32>} : memref<768xf32, #tpu.memory_space<vmem>>, vector<16xf32>,
      %swap3A_723 = arith.constant 224 : index
      %swap3A_724 = tpu.vector_load %arg6[%swap3A_723] {strides = array<i32>} : memref<768xf32, #tpu.memory_space<vmem>>, vector<16xf32>,
      %swap3A_725 = vector.shape_cast %swap3A_724 : vector<16xf32> to vector<16xf32>
      %swap3A_726 = vector.shape_cast %scan3A_697#6 : vector<16xf32> to vector<16xf32>
      tpu.vector_store %arg6[%swap3A_723], %swap3A_726 {strides = array<i32>} : memref<768xf32, #tpu.memory_space<vmem>>, vector<16xf32>,
      %swap3A_727 = arith.constant 240 : index
      %swap3A_728 = tpu.vector_load %arg6[%swap3A_727] {strides = array<i32>} : memref<768xf32, #tpu.memory_space<vmem>>, vector<16xf32>,
      %swap3A_729 = vector.shape_cast %swap3A_728 : vector<16xf32> to vector<16xf32>
      %swap3A_730 = vector.shape_cast %scan3A_697#7 : vector<16xf32> to vector<16xf32>
      tpu.vector_store %arg6[%swap3A_727], %swap3A_730 {strides = array<i32>} : memref<768xf32, #tpu.memory_space<vmem>>, vector<16xf32>,
      %get3A_731 = arith.constant 256 : index
      %get3A_732 = tpu.vector_load %arg6[%get3A_731] {strides = array<i32>} : memref<768xf32, #tpu.memory_space<vmem>>, vector<16xf32>,
      %get3A_733 = vector.shape_cast %get3A_732 : vector<16xf32> to vector<16xf32>
      %get3A_734 = arith.constant 272 : index
      %get3A_735 = tpu.vector_load %arg6[%get3A_734] {strides = array<i32>} : memref<768xf32, #tpu.memory_space<vmem>>, vector<16xf32>,
      %get3A_736 = vector.shape_cast %get3A_735 : vector<16xf32> to vector<16xf32>
      %get3A_737 = arith.constant 288 : index
      %get3A_738 = tpu.vector_load %arg6[%get3A_737] {strides = array<i32>} : memref<768xf32, #tpu.memory_space<vmem>>, vector<16xf32>,
      %get3A_739 = vector.shape_cast %get3A_738 : vector<16xf32> to vector<16xf32>
      %get3A_740 = arith.constant 304 : index
      %get3A_741 = tpu.vector_load %arg6[%get3A_740] {strides = array<i32>} : memref<768xf32, #tpu.memory_space<vmem>>, vector<16xf32>,
      %get3A_742 = vector.shape_cast %get3A_741 : vector<16xf32> to vector<16xf32>
      %get3A_743 = arith.constant 320 : index
      %get3A_744 = tpu.vector_load %arg6[%get3A_743] {strides = array<i32>} : memref<768xf32, #tpu.memory_space<vmem>>, vector<16xf32>,
      %get3A_745 = vector.shape_cast %get3A_744 : vector<16xf32> to vector<16xf32>
      %get3A_746 = arith.constant 336 : index
      %get3A_747 = tpu.vector_load %arg6[%get3A_746] {strides = array<i32>} : memref<768xf32, #tpu.memory_space<vmem>>, vector<16xf32>,
      %get3A_748 = vector.shape_cast %get3A_747 : vector<16xf32> to vector<16xf32>
      %get3A_749 = arith.constant 352 : index
      %get3A_750 = tpu.vector_load %arg6[%get3A_749] {strides = array<i32>} : memref<768xf32, #tpu.memory_space<vmem>>, vector<16xf32>,
      %get3A_751 = vector.shape_cast %get3A_750 : vector<16xf32> to vector<16xf32>
      %get3A_752 = arith.constant 368 : index
      %get3A_753 = tpu.vector_load %arg6[%get3A_752] {strides = array<i32>} : memref<768xf32, #tpu.memory_space<vmem>>, vector<16xf32>,
      %get3A_754 = vector.shape_cast %get3A_753 : vector<16xf32> to vector<16xf32>
      %scan3A_755 = arith.constant 0 : i32
      %scan3A_756 = arith.constant 16 : i32
      %scan3A_757 = arith.addi %scan3A_755, %scan3A_756 : i32
      %scan3A_758 = arith.constant 1 : i32
      %scan3A_759:8 = scf.for %scan3A_979 = %scan3A_755 to %scan3A_757 step %scan3A_758 iter_args(%scan3A_980 = %get3A_733, %scan3A_981 = %get3A_736, %scan3A_982 = %get3A_739, %scan3A_983 = %get3A_742, %scan3A_984 = %get3A_745, %scan3A_985 = %get3A_748, %scan3A_986 = %get3A_751, %scan3A_987 = %get3A_754) -> (vector<16xf32>, vector<16xf32>, vector<16xf32>, vector<16xf32>, vector<16xf32>, vector<16xf32>, vector<16xf32>, vector<16xf32>)  : i32 {
        %mul3A_988 = arith.constant 4 : i32
        %mul3A_989 = arith.muli %scan3A_979, %mul3A_988 : i32
        %add3A_990 = arith.constant 0 : i32
        %add3A_991 = arith.addi %mul3A_989, %add3A_990 : i32
        %get3A_992 = arith.index_cast %add3A_991 : i32 to index
        %get3A_993 = arith.constant 256 : index
        %get3A_994 = tpu.vector_load %arg5[%get3A_992, %get3A_993] {strides = array<i32>} : memref<64x768xf32, #tpu.memory_space<vmem>>, vector<1x16xf32>,
        %get3A_995 = vector.shape_cast %get3A_994 : vector<1x16xf32> to vector<16xf32>
        %add3A_996 = arith.addf %scan3A_980, %get3A_995 : vector<16xf32>
        %get3A_997 = arith.index_cast %add3A_991 : i32 to index
        %get3A_998 = arith.constant 272 : index
        %get3A_999 = tpu.vector_load %arg5[%get3A_997, %get3A_998] {strides = array<i32>} : memref<64x768xf32, #tpu.memory_space<vmem>>, vector<1x16xf32>,
        %get3A_1000 = vector.shape_cast %get3A_999 : vector<1x16xf32> to vector<16xf32>
        %add3A_1001 = arith.addf %scan3A_981, %get3A_1000 : vector<16xf32>
        %get3A_1002 = arith.index_cast %add3A_991 : i32 to index
        %get3A_1003 = arith.constant 288 : index
        %get3A_1004 = tpu.vector_load %arg5[%get3A_1002, %get3A_1003] {strides = array<i32>} : memref<64x768xf32, #tpu.memory_space<vmem>>, vector<1x16xf32>,
        %get3A_1005 = vector.shape_cast %get3A_1004 : vector<1x16xf32> to vector<16xf32>
        %add3A_1006 = arith.addf %scan3A_982, %get3A_1005 : vector<16xf32>
        %get3A_1007 = arith.index_cast %add3A_991 : i32 to index
        %get3A_1008 = arith.constant 304 : index
        %get3A_1009 = tpu.vector_load %arg5[%get3A_1007, %get3A_1008] {strides = array<i32>} : memref<64x768xf32, #tpu.memory_space<vmem>>, vector<1x16xf32>,
        %get3A_1010 = vector.shape_cast %get3A_1009 : vector<1x16xf32> to vector<16xf32>
        %add3A_1011 = arith.addf %scan3A_983, %get3A_1010 : vector<16xf32>
        %get3A_1012 = arith.index_cast %add3A_991 : i32 to index
        %get3A_1013 = arith.constant 320 : index
        %get3A_1014 = tpu.vector_load %arg5[%get3A_1012, %get3A_1013] {strides = array<i32>} : memref<64x768xf32, #tpu.memory_space<vmem>>, vector<1x16xf32>,
        %get3A_1015 = vector.shape_cast %get3A_1014 : vector<1x16xf32> to vector<16xf32>
        %add3A_1016 = arith.addf %scan3A_984, %get3A_1015 : vector<16xf32>
        %get3A_1017 = arith.index_cast %add3A_991 : i32 to index
        %get3A_1018 = arith.constant 336 : index
        %get3A_1019 = tpu.vector_load %arg5[%get3A_1017, %get3A_1018] {strides = array<i32>} : memref<64x768xf32, #tpu.memory_space<vmem>>, vector<1x16xf32>,
        %get3A_1020 = vector.shape_cast %get3A_1019 : vector<1x16xf32> to vector<16xf32>
        %add3A_1021 = arith.addf %scan3A_985, %get3A_1020 : vector<16xf32>
        %get3A_1022 = arith.index_cast %add3A_991 : i32 to index
        %get3A_1023 = arith.constant 352 : index
        %get3A_1024 = tpu.vector_load %arg5[%get3A_1022, %get3A_1023] {strides = array<i32>} : memref<64x768xf32, #tpu.memory_space<vmem>>, vector<1x16xf32>,
        %get3A_1025 = vector.shape_cast %get3A_1024 : vector<1x16xf32> to vector<16xf32>
        %add3A_1026 = arith.addf %scan3A_986, %get3A_1025 : vector<16xf32>
        %get3A_1027 = arith.index_cast %add3A_991 : i32 to index
        %get3A_1028 = arith.constant 368 : index
        %get3A_1029 = tpu.vector_load %arg5[%get3A_1027, %get3A_1028] {strides = array<i32>} : memref<64x768xf32, #tpu.memory_space<vmem>>, vector<1x16xf32>,
        %get3A_1030 = vector.shape_cast %get3A_1029 : vector<1x16xf32> to vector<16xf32>
        %add3A_1031 = arith.addf %scan3A_987, %get3A_1030 : vector<16xf32>
        %mul3A_1032 = arith.constant 4 : i32
        %mul3A_1033 = arith.muli %scan3A_979, %mul3A_1032 : i32
        %add3A_1034 = arith.constant 1 : i32
        %add3A_1035 = arith.addi %mul3A_1033, %add3A_1034 : i32
        %get3A_1036 = arith.index_cast %add3A_1035 : i32 to index
        %get3A_1037 = arith.constant 256 : index
        %get3A_1038 = tpu.vector_load %arg5[%get3A_1036, %get3A_1037] {strides = array<i32>} : memref<64x768xf32, #tpu.memory_space<vmem>>, vector<1x16xf32>,
        %get3A_1039 = vector.shape_cast %get3A_1038 : vector<1x16xf32> to vector<16xf32>
        %add3A_1040 = arith.addf %add3A_996, %get3A_1039 : vector<16xf32>
        %get3A_1041 = arith.index_cast %add3A_1035 : i32 to index
        %get3A_1042 = arith.constant 272 : index
        %get3A_1043 = tpu.vector_load %arg5[%get3A_1041, %get3A_1042] {strides = array<i32>} : memref<64x768xf32, #tpu.memory_space<vmem>>, vector<1x16xf32>,
        %get3A_1044 = vector.shape_cast %get3A_1043 : vector<1x16xf32> to vector<16xf32>
        %add3A_1045 = arith.addf %add3A_1001, %get3A_1044 : vector<16xf32>
        %get3A_1046 = arith.index_cast %add3A_1035 : i32 to index
        %get3A_1047 = arith.constant 288 : index
        %get3A_1048 = tpu.vector_load %arg5[%get3A_1046, %get3A_1047] {strides = array<i32>} : memref<64x768xf32, #tpu.memory_space<vmem>>, vector<1x16xf32>,
        %get3A_1049 = vector.shape_cast %get3A_1048 : vector<1x16xf32> to vector<16xf32>
        %add3A_1050 = arith.addf %add3A_1006, %get3A_1049 : vector<16xf32>
        %get3A_1051 = arith.index_cast %add3A_1035 : i32 to index
        %get3A_1052 = arith.constant 304 : index
        %get3A_1053 = tpu.vector_load %arg5[%get3A_1051, %get3A_1052] {strides = array<i32>} : memref<64x768xf32, #tpu.memory_space<vmem>>, vector<1x16xf32>,
        %get3A_1054 = vector.shape_cast %get3A_1053 : vector<1x16xf32> to vector<16xf32>
        %add3A_1055 = arith.addf %add3A_1011, %get3A_1054 : vector<16xf32>
        %get3A_1056 = arith.index_cast %add3A_1035 : i32 to index
        %get3A_1057 = arith.constant 320 : index
        %get3A_1058 = tpu.vector_load %arg5[%get3A_1056, %get3A_1057] {strides = array<i32>} : memref<64x768xf32, #tpu.memory_space<vmem>>, vector<1x16xf32>,
        %get3A_1059 = vector.shape_cast %get3A_1058 : vector<1x16xf32> to vector<16xf32>
        %add3A_1060 = arith.addf %add3A_1016, %get3A_1059 : vector<16xf32>
        %get3A_1061 = arith.index_cast %add3A_1035 : i32 to index
        %get3A_1062 = arith.constant 336 : index
        %get3A_1063 = tpu.vector_load %arg5[%get3A_1061, %get3A_1062] {strides = array<i32>} : memref<64x768xf32, #tpu.memory_space<vmem>>, vector<1x16xf32>,
        %get3A_1064 = vector.shape_cast %get3A_1063 : vector<1x16xf32> to vector<16xf32>
        %add3A_1065 = arith.addf %add3A_1021, %get3A_1064 : vector<16xf32>
        %get3A_1066 = arith.index_cast %add3A_1035 : i32 to index
        %get3A_1067 = arith.constant 352 : index
        %get3A_1068 = tpu.vector_load %arg5[%get3A_1066, %get3A_1067] {strides = array<i32>} : memref<64x768xf32, #tpu.memory_space<vmem>>, vector<1x16xf32>,
        %get3A_1069 = vector.shape_cast %get3A_1068 : vector<1x16xf32> to vector<16xf32>
        %add3A_1070 = arith.addf %add3A_1026, %get3A_1069 : vector<16xf32>
        %get3A_1071 = arith.index_cast %add3A_1035 : i32 to index
        %get3A_1072 = arith.constant 368 : index
        %get3A_1073 = tpu.vector_load %arg5[%get3A_1071, %get3A_1072] {strides = array<i32>} : memref<64x768xf32, #tpu.memory_space<vmem>>, vector<1x16xf32>,
        %get3A_1074 = vector.shape_cast %get3A_1073 : vector<1x16xf32> to vector<16xf32>
        %add3A_1075 = arith.addf %add3A_1031, %get3A_1074 : vector<16xf32>
        %mul3A_1076 = arith.constant 4 : i32
        %mul3A_1077 = arith.muli %scan3A_979, %mul3A_1076 : i32
        %add3A_1078 = arith.constant 2 : i32
        %add3A_1079 = arith.addi %mul3A_1077, %add3A_1078 : i32
        %get3A_1080 = arith.index_cast %add3A_1079 : i32 to index
        %get3A_1081 = arith.constant 256 : index
        %get3A_1082 = tpu.vector_load %arg5[%get3A_1080, %get3A_1081] {strides = array<i32>} : memref<64x768xf32, #tpu.memory_space<vmem>>, vector<1x16xf32>,
        %get3A_1083 = vector.shape_cast %get3A_1082 : vector<1x16xf32> to vector<16xf32>
        %add3A_1084 = arith.addf %add3A_1040, %get3A_1083 : vector<16xf32>
        %get3A_1085 = arith.index_cast %add3A_1079 : i32 to index
        %get3A_1086 = arith.constant 272 : index
        %get3A_1087 = tpu.vector_load %arg5[%get3A_1085, %get3A_1086] {strides = array<i32>} : memref<64x768xf32, #tpu.memory_space<vmem>>, vector<1x16xf32>,
        %get3A_1088 = vector.shape_cast %get3A_1087 : vector<1x16xf32> to vector<16xf32>
        %add3A_1089 = arith.addf %add3A_1045, %get3A_1088 : vector<16xf32>
        %get3A_1090 = arith.index_cast %add3A_1079 : i32 to index
        %get3A_1091 = arith.constant 288 : index
        %get3A_1092 = tpu.vector_load %arg5[%get3A_1090, %get3A_1091] {strides = array<i32>} : memref<64x768xf32, #tpu.memory_space<vmem>>, vector<1x16xf32>,
        %get3A_1093 = vector.shape_cast %get3A_1092 : vector<1x16xf32> to vector<16xf32>
        %add3A_1094 = arith.addf %add3A_1050, %get3A_1093 : vector<16xf32>
        %get3A_1095 = arith.index_cast %add3A_1079 : i32 to index
        %get3A_1096 = arith.constant 304 : index
        %get3A_1097 = tpu.vector_load %arg5[%get3A_1095, %get3A_1096] {strides = array<i32>} : memref<64x768xf32, #tpu.memory_space<vmem>>, vector<1x16xf32>,
        %get3A_1098 = vector.shape_cast %get3A_1097 : vector<1x16xf32> to vector<16xf32>
        %add3A_1099 = arith.addf %add3A_1055, %get3A_1098 : vector<16xf32>
        %get3A_1100 = arith.index_cast %add3A_1079 : i32 to index
        %get3A_1101 = arith.constant 320 : index
        %get3A_1102 = tpu.vector_load %arg5[%get3A_1100, %get3A_1101] {strides = array<i32>} : memref<64x768xf32, #tpu.memory_space<vmem>>, vector<1x16xf32>,
        %get3A_1103 = vector.shape_cast %get3A_1102 : vector<1x16xf32> to vector<16xf32>
        %add3A_1104 = arith.addf %add3A_1060, %get3A_1103 : vector<16xf32>
        %get3A_1105 = arith.index_cast %add3A_1079 : i32 to index
        %get3A_1106 = arith.constant 336 : index
        %get3A_1107 = tpu.vector_load %arg5[%get3A_1105, %get3A_1106] {strides = array<i32>} : memref<64x768xf32, #tpu.memory_space<vmem>>, vector<1x16xf32>,
        %get3A_1108 = vector.shape_cast %get3A_1107 : vector<1x16xf32> to vector<16xf32>
        %add3A_1109 = arith.addf %add3A_1065, %get3A_1108 : vector<16xf32>
        %get3A_1110 = arith.index_cast %add3A_1079 : i32 to index
        %get3A_1111 = arith.constant 352 : index
        %get3A_1112 = tpu.vector_load %arg5[%get3A_1110, %get3A_1111] {strides = array<i32>} : memref<64x768xf32, #tpu.memory_space<vmem>>, vector<1x16xf32>,
        %get3A_1113 = vector.shape_cast %get3A_1112 : vector<1x16xf32> to vector<16xf32>
        %add3A_1114 = arith.addf %add3A_1070, %get3A_1113 : vector<16xf32>
        %get3A_1115 = arith.index_cast %add3A_1079 : i32 to index
        %get3A_1116 = arith.constant 368 : index
        %get3A_1117 = tpu.vector_load %arg5[%get3A_1115, %get3A_1116] {strides = array<i32>} : memref<64x768xf32, #tpu.memory_space<vmem>>, vector<1x16xf32>,
        %get3A_1118 = vector.shape_cast %get3A_1117 : vector<1x16xf32> to vector<16xf32>
        %add3A_1119 = arith.addf %add3A_1075, %get3A_1118 : vector<16xf32>
        %mul3A_1120 = arith.constant 4 : i32
        %mul3A_1121 = arith.muli %scan3A_979, %mul3A_1120 : i32
        %add3A_1122 = arith.constant 3 : i32
        %add3A_1123 = arith.addi %mul3A_1121, %add3A_1122 : i32
        %get3A_1124 = arith.index_cast %add3A_1123 : i32 to index
        %get3A_1125 = arith.constant 256 : index
        %get3A_1126 = tpu.vector_load %arg5[%get3A_1124, %get3A_1125] {strides = array<i32>} : memref<64x768xf32, #tpu.memory_space<vmem>>, vector<1x16xf32>,
        %get3A_1127 = vector.shape_cast %get3A_1126 : vector<1x16xf32> to vector<16xf32>
        %add3A_1128 = arith.addf %add3A_1084, %get3A_1127 : vector<16xf32>
        %get3A_1129 = arith.index_cast %add3A_1123 : i32 to index
        %get3A_1130 = arith.constant 272 : index
        %get3A_1131 = tpu.vector_load %arg5[%get3A_1129, %get3A_1130] {strides = array<i32>} : memref<64x768xf32, #tpu.memory_space<vmem>>, vector<1x16xf32>,
        %get3A_1132 = vector.shape_cast %get3A_1131 : vector<1x16xf32> to vector<16xf32>
        %add3A_1133 = arith.addf %add3A_1089, %get3A_1132 : vector<16xf32>
        %get3A_1134 = arith.index_cast %add3A_1123 : i32 to index
        %get3A_1135 = arith.constant 288 : index
        %get3A_1136 = tpu.vector_load %arg5[%get3A_1134, %get3A_1135] {strides = array<i32>} : memref<64x768xf32, #tpu.memory_space<vmem>>, vector<1x16xf32>,
        %get3A_1137 = vector.shape_cast %get3A_1136 : vector<1x16xf32> to vector<16xf32>
        %add3A_1138 = arith.addf %add3A_1094, %get3A_1137 : vector<16xf32>
        %get3A_1139 = arith.index_cast %add3A_1123 : i32 to index
        %get3A_1140 = arith.constant 304 : index
        %get3A_1141 = tpu.vector_load %arg5[%get3A_1139, %get3A_1140] {strides = array<i32>} : memref<64x768xf32, #tpu.memory_space<vmem>>, vector<1x16xf32>,
        %get3A_1142 = vector.shape_cast %get3A_1141 : vector<1x16xf32> to vector<16xf32>
        %add3A_1143 = arith.addf %add3A_1099, %get3A_1142 : vector<16xf32>
        %get3A_1144 = arith.index_cast %add3A_1123 : i32 to index
        %get3A_1145 = arith.constant 320 : index
        %get3A_1146 = tpu.vector_load %arg5[%get3A_1144, %get3A_1145] {strides = array<i32>} : memref<64x768xf32, #tpu.memory_space<vmem>>, vector<1x16xf32>,
        %get3A_1147 = vector.shape_cast %get3A_1146 : vector<1x16xf32> to vector<16xf32>
        %add3A_1148 = arith.addf %add3A_1104, %get3A_1147 : vector<16xf32>
        %get3A_1149 = arith.index_cast %add3A_1123 : i32 to index
        %get3A_1150 = arith.constant 336 : index
        %get3A_1151 = tpu.vector_load %arg5[%get3A_1149, %get3A_1150] {strides = array<i32>} : memref<64x768xf32, #tpu.memory_space<vmem>>, vector<1x16xf32>,
        %get3A_1152 = vector.shape_cast %get3A_1151 : vector<1x16xf32> to vector<16xf32>
        %add3A_1153 = arith.addf %add3A_1109, %get3A_1152 : vector<16xf32>
        %get3A_1154 = arith.index_cast %add3A_1123 : i32 to index
        %get3A_1155 = arith.constant 352 : index
        %get3A_1156 = tpu.vector_load %arg5[%get3A_1154, %get3A_1155] {strides = array<i32>} : memref<64x768xf32, #tpu.memory_space<vmem>>, vector<1x16xf32>,
        %get3A_1157 = vector.shape_cast %get3A_1156 : vector<1x16xf32> to vector<16xf32>
        %add3A_1158 = arith.addf %add3A_1114, %get3A_1157 : vector<16xf32>
        %get3A_1159 = arith.index_cast %add3A_1123 : i32 to index
        %get3A_1160 = arith.constant 368 : index
        %get3A_1161 = tpu.vector_load %arg5[%get3A_1159, %get3A_1160] {strides = array<i32>} : memref<64x768xf32, #tpu.memory_space<vmem>>, vector<1x16xf32>,
        %get3A_1162 = vector.shape_cast %get3A_1161 : vector<1x16xf32> to vector<16xf32>
        %add3A_1163 = arith.addf %add3A_1119, %get3A_1162 : vector<16xf32>
        scf.yield %add3A_1128, %add3A_1133, %add3A_1138, %add3A_1143, %add3A_1148, %add3A_1153, %add3A_1158, %add3A_1163 : vector<16xf32>, vector<16xf32>, vector<16xf32>, vector<16xf32>, vector<16xf32>, vector<16xf32>, vector<16xf32>, vector<16xf32>
      }
      %scan3A_760 = arith.constant 16 : i32
      %swap3A_761 = arith.constant 256 : index
      %swap3A_762 = tpu.vector_load %arg6[%swap3A_761] {strides = array<i32>} : memref<768xf32, #tpu.memory_space<vmem>>, vector<16xf32>,
      %swap3A_763 = vector.shape_cast %swap3A_762 : vector<16xf32> to vector<16xf32>
      %swap3A_764 = vector.shape_cast %scan3A_759#0 : vector<16xf32> to vector<16xf32>
      tpu.vector_store %arg6[%swap3A_761], %swap3A_764 {strides = array<i32>} : memref<768xf32, #tpu.memory_space<vmem>>, vector<16xf32>,
      %swap3A_765 = arith.constant 272 : index
      %swap3A_766 = tpu.vector_load %arg6[%swap3A_765] {strides = array<i32>} : memref<768xf32, #tpu.memory_space<vmem>>, vector<16xf32>,
      %swap3A_767 = vector.shape_cast %swap3A_766 : vector<16xf32> to vector<16xf32>
      %swap3A_768 = vector.shape_cast %scan3A_759#1 : vector<16xf32> to vector<16xf32>
      tpu.vector_store %arg6[%swap3A_765], %swap3A_768 {strides = array<i32>} : memref<768xf32, #tpu.memory_space<vmem>>, vector<16xf32>,
      %swap3A_769 = arith.constant 288 : index
      %swap3A_770 = tpu.vector_load %arg6[%swap3A_769] {strides = array<i32>} : memref<768xf32, #tpu.memory_space<vmem>>, vector<16xf32>,
      %swap3A_771 = vector.shape_cast %swap3A_770 : vector<16xf32> to vector<16xf32>
      %swap3A_772 = vector.shape_cast %scan3A_759#2 : vector<16xf32> to vector<16xf32>
      tpu.vector_store %arg6[%swap3A_769], %swap3A_772 {strides = array<i32>} : memref<768xf32, #tpu.memory_space<vmem>>, vector<16xf32>,
      %swap3A_773 = arith.constant 304 : index
      %swap3A_774 = tpu.vector_load %arg6[%swap3A_773] {strides = array<i32>} : memref<768xf32, #tpu.memory_space<vmem>>, vector<16xf32>,
      %swap3A_775 = vector.shape_cast %swap3A_774 : vector<16xf32> to vector<16xf32>
      %swap3A_776 = vector.shape_cast %scan3A_759#3 : vector<16xf32> to vector<16xf32>
      tpu.vector_store %arg6[%swap3A_773], %swap3A_776 {strides = array<i32>} : memref<768xf32, #tpu.memory_space<vmem>>, vector<16xf32>,
      %swap3A_777 = arith.constant 320 : index
      %swap3A_778 = tpu.vector_load %arg6[%swap3A_777] {strides = array<i32>} : memref<768xf32, #tpu.memory_space<vmem>>, vector<16xf32>,
      %swap3A_779 = vector.shape_cast %swap3A_778 : vector<16xf32> to vector<16xf32>
      %swap3A_780 = vector.shape_cast %scan3A_759#4 : vector<16xf32> to vector<16xf32>
      tpu.vector_store %arg6[%swap3A_777], %swap3A_780 {strides = array<i32>} : memref<768xf32, #tpu.memory_space<vmem>>, vector<16xf32>,
      %swap3A_781 = arith.constant 336 : index
      %swap3A_782 = tpu.vector_load %arg6[%swap3A_781] {strides = array<i32>} : memref<768xf32, #tpu.memory_space<vmem>>, vector<16xf32>,
      %swap3A_783 = vector.shape_cast %swap3A_782 : vector<16xf32> to vector<16xf32>
      %swap3A_784 = vector.shape_cast %scan3A_759#5 : vector<16xf32> to vector<16xf32>
      tpu.vector_store %arg6[%swap3A_781], %swap3A_784 {strides = array<i32>} : memref<768xf32, #tpu.memory_space<vmem>>, vector<16xf32>,
      %swap3A_785 = arith.constant 352 : index
      %swap3A_786 = tpu.vector_load %arg6[%swap3A_785] {strides = array<i32>} : memref<768xf32, #tpu.memory_space<vmem>>, vector<16xf32>,
      %swap3A_787 = vector.shape_cast %swap3A_786 : vector<16xf32> to vector<16xf32>
      %swap3A_788 = vector.shape_cast %scan3A_759#6 : vector<16xf32> to vector<16xf32>
      tpu.vector_store %arg6[%swap3A_785], %swap3A_788 {strides = array<i32>} : memref<768xf32, #tpu.memory_space<vmem>>, vector<16xf32>,
      %swap3A_789 = arith.constant 368 : index
      %swap3A_790 = tpu.vector_load %arg6[%swap3A_789] {strides = array<i32>} : memref<768xf32, #tpu.memory_space<vmem>>, vector<16xf32>,
      %swap3A_791 = vector.shape_cast %swap3A_790 : vector<16xf32> to vector<16xf32>
      %swap3A_792 = vector.shape_cast %scan3A_759#7 : vector<16xf32> to vector<16xf32>
      tpu.vector_store %arg6[%swap3A_789], %swap3A_792 {strides = array<i32>} : memref<768xf32, #tpu.memory_space<vmem>>, vector<16xf32>,
      %get3A_793 = arith.constant 384 : index
      %get3A_794 = tpu.vector_load %arg6[%get3A_793] {strides = array<i32>} : memref<768xf32, #tpu.memory_space<vmem>>, vector<16xf32>,
      %get3A_795 = vector.shape_cast %get3A_794 : vector<16xf32> to vector<16xf32>
      %get3A_796 = arith.constant 400 : index
      %get3A_797 = tpu.vector_load %arg6[%get3A_796] {strides = array<i32>} : memref<768xf32, #tpu.memory_space<vmem>>, vector<16xf32>,
      %get3A_798 = vector.shape_cast %get3A_797 : vector<16xf32> to vector<16xf32>
      %get3A_799 = arith.constant 416 : index
      %get3A_800 = tpu.vector_load %arg6[%get3A_799] {strides = array<i32>} : memref<768xf32, #tpu.memory_space<vmem>>, vector<16xf32>,
      %get3A_801 = vector.shape_cast %get3A_800 : vector<16xf32> to vector<16xf32>
      %get3A_802 = arith.constant 432 : index
      %get3A_803 = tpu.vector_load %arg6[%get3A_802] {strides = array<i32>} : memref<768xf32, #tpu.memory_space<vmem>>, vector<16xf32>,
      %get3A_804 = vector.shape_cast %get3A_803 : vector<16xf32> to vector<16xf32>
      %get3A_805 = arith.constant 448 : index
      %get3A_806 = tpu.vector_load %arg6[%get3A_805] {strides = array<i32>} : memref<768xf32, #tpu.memory_space<vmem>>, vector<16xf32>,
      %get3A_807 = vector.shape_cast %get3A_806 : vector<16xf32> to vector<16xf32>
      %get3A_808 = arith.constant 464 : index
      %get3A_809 = tpu.vector_load %arg6[%get3A_808] {strides = array<i32>} : memref<768xf32, #tpu.memory_space<vmem>>, vector<16xf32>,
      %get3A_810 = vector.shape_cast %get3A_809 : vector<16xf32> to vector<16xf32>
      %get3A_811 = arith.constant 480 : index
      %get3A_812 = tpu.vector_load %arg6[%get3A_811] {strides = array<i32>} : memref<768xf32, #tpu.memory_space<vmem>>, vector<16xf32>,
      %get3A_813 = vector.shape_cast %get3A_812 : vector<16xf32> to vector<16xf32>
      %get3A_814 = arith.constant 496 : index
      %get3A_815 = tpu.vector_load %arg6[%get3A_814] {strides = array<i32>} : memref<768xf32, #tpu.memory_space<vmem>>, vector<16xf32>,
      %get3A_816 = vector.shape_cast %get3A_815 : vector<16xf32> to vector<16xf32>
      %scan3A_817 = arith.constant 0 : i32
      %scan3A_818 = arith.constant 16 : i32
      %scan3A_819 = arith.addi %scan3A_817, %scan3A_818 : i32
      %scan3A_820 = arith.constant 1 : i32
      %scan3A_821:8 = scf.for %scan3A_979 = %scan3A_817 to %scan3A_819 step %scan3A_820 iter_args(%scan3A_980 = %get3A_795, %scan3A_981 = %get3A_798, %scan3A_982 = %get3A_801, %scan3A_983 = %get3A_804, %scan3A_984 = %get3A_807, %scan3A_985 = %get3A_810, %scan3A_986 = %get3A_813, %scan3A_987 = %get3A_816) -> (vector<16xf32>, vector<16xf32>, vector<16xf32>, vector<16xf32>, vector<16xf32>, vector<16xf32>, vector<16xf32>, vector<16xf32>)  : i32 {
        %mul3A_988 = arith.constant 4 : i32
        %mul3A_989 = arith.muli %scan3A_979, %mul3A_988 : i32
        %add3A_990 = arith.constant 0 : i32
        %add3A_991 = arith.addi %mul3A_989, %add3A_990 : i32
        %get3A_992 = arith.index_cast %add3A_991 : i32 to index
        %get3A_993 = arith.constant 384 : index
        %get3A_994 = tpu.vector_load %arg5[%get3A_992, %get3A_993] {strides = array<i32>} : memref<64x768xf32, #tpu.memory_space<vmem>>, vector<1x16xf32>,
        %get3A_995 = vector.shape_cast %get3A_994 : vector<1x16xf32> to vector<16xf32>
        %add3A_996 = arith.addf %scan3A_980, %get3A_995 : vector<16xf32>
        %get3A_997 = arith.index_cast %add3A_991 : i32 to index
        %get3A_998 = arith.constant 400 : index
        %get3A_999 = tpu.vector_load %arg5[%get3A_997, %get3A_998] {strides = array<i32>} : memref<64x768xf32, #tpu.memory_space<vmem>>, vector<1x16xf32>,
        %get3A_1000 = vector.shape_cast %get3A_999 : vector<1x16xf32> to vector<16xf32>
        %add3A_1001 = arith.addf %scan3A_981, %get3A_1000 : vector<16xf32>
        %get3A_1002 = arith.index_cast %add3A_991 : i32 to index
        %get3A_1003 = arith.constant 416 : index
        %get3A_1004 = tpu.vector_load %arg5[%get3A_1002, %get3A_1003] {strides = array<i32>} : memref<64x768xf32, #tpu.memory_space<vmem>>, vector<1x16xf32>,
        %get3A_1005 = vector.shape_cast %get3A_1004 : vector<1x16xf32> to vector<16xf32>
        %add3A_1006 = arith.addf %scan3A_982, %get3A_1005 : vector<16xf32>
        %get3A_1007 = arith.index_cast %add3A_991 : i32 to index
        %get3A_1008 = arith.constant 432 : index
        %get3A_1009 = tpu.vector_load %arg5[%get3A_1007, %get3A_1008] {strides = array<i32>} : memref<64x768xf32, #tpu.memory_space<vmem>>, vector<1x16xf32>,
        %get3A_1010 = vector.shape_cast %get3A_1009 : vector<1x16xf32> to vector<16xf32>
        %add3A_1011 = arith.addf %scan3A_983, %get3A_1010 : vector<16xf32>
        %get3A_1012 = arith.index_cast %add3A_991 : i32 to index
        %get3A_1013 = arith.constant 448 : index
        %get3A_1014 = tpu.vector_load %arg5[%get3A_1012, %get3A_1013] {strides = array<i32>} : memref<64x768xf32, #tpu.memory_space<vmem>>, vector<1x16xf32>,
        %get3A_1015 = vector.shape_cast %get3A_1014 : vector<1x16xf32> to vector<16xf32>
        %add3A_1016 = arith.addf %scan3A_984, %get3A_1015 : vector<16xf32>
        %get3A_1017 = arith.index_cast %add3A_991 : i32 to index
        %get3A_1018 = arith.constant 464 : index
        %get3A_1019 = tpu.vector_load %arg5[%get3A_1017, %get3A_1018] {strides = array<i32>} : memref<64x768xf32, #tpu.memory_space<vmem>>, vector<1x16xf32>,
        %get3A_1020 = vector.shape_cast %get3A_1019 : vector<1x16xf32> to vector<16xf32>
        %add3A_1021 = arith.addf %scan3A_985, %get3A_1020 : vector<16xf32>
        %get3A_1022 = arith.index_cast %add3A_991 : i32 to index
        %get3A_1023 = arith.constant 480 : index
        %get3A_1024 = tpu.vector_load %arg5[%get3A_1022, %get3A_1023] {strides = array<i32>} : memref<64x768xf32, #tpu.memory_space<vmem>>, vector<1x16xf32>,
        %get3A_1025 = vector.shape_cast %get3A_1024 : vector<1x16xf32> to vector<16xf32>
        %add3A_1026 = arith.addf %scan3A_986, %get3A_1025 : vector<16xf32>
        %get3A_1027 = arith.index_cast %add3A_991 : i32 to index
        %get3A_1028 = arith.constant 496 : index
        %get3A_1029 = tpu.vector_load %arg5[%get3A_1027, %get3A_1028] {strides = array<i32>} : memref<64x768xf32, #tpu.memory_space<vmem>>, vector<1x16xf32>,
        %get3A_1030 = vector.shape_cast %get3A_1029 : vector<1x16xf32> to vector<16xf32>
        %add3A_1031 = arith.addf %scan3A_987, %get3A_1030 : vector<16xf32>
        %mul3A_1032 = arith.constant 4 : i32
        %mul3A_1033 = arith.muli %scan3A_979, %mul3A_1032 : i32
        %add3A_1034 = arith.constant 1 : i32
        %add3A_1035 = arith.addi %mul3A_1033, %add3A_1034 : i32
        %get3A_1036 = arith.index_cast %add3A_1035 : i32 to index
        %get3A_1037 = arith.constant 384 : index
        %get3A_1038 = tpu.vector_load %arg5[%get3A_1036, %get3A_1037] {strides = array<i32>} : memref<64x768xf32, #tpu.memory_space<vmem>>, vector<1x16xf32>,
        %get3A_1039 = vector.shape_cast %get3A_1038 : vector<1x16xf32> to vector<16xf32>
        %add3A_1040 = arith.addf %add3A_996, %get3A_1039 : vector<16xf32>
        %get3A_1041 = arith.index_cast %add3A_1035 : i32 to index
        %get3A_1042 = arith.constant 400 : index
        %get3A_1043 = tpu.vector_load %arg5[%get3A_1041, %get3A_1042] {strides = array<i32>} : memref<64x768xf32, #tpu.memory_space<vmem>>, vector<1x16xf32>,
        %get3A_1044 = vector.shape_cast %get3A_1043 : vector<1x16xf32> to vector<16xf32>
        %add3A_1045 = arith.addf %add3A_1001, %get3A_1044 : vector<16xf32>
        %get3A_1046 = arith.index_cast %add3A_1035 : i32 to index
        %get3A_1047 = arith.constant 416 : index
        %get3A_1048 = tpu.vector_load %arg5[%get3A_1046, %get3A_1047] {strides = array<i32>} : memref<64x768xf32, #tpu.memory_space<vmem>>, vector<1x16xf32>,
        %get3A_1049 = vector.shape_cast %get3A_1048 : vector<1x16xf32> to vector<16xf32>
        %add3A_1050 = arith.addf %add3A_1006, %get3A_1049 : vector<16xf32>
        %get3A_1051 = arith.index_cast %add3A_1035 : i32 to index
        %get3A_1052 = arith.constant 432 : index
        %get3A_1053 = tpu.vector_load %arg5[%get3A_1051, %get3A_1052] {strides = array<i32>} : memref<64x768xf32, #tpu.memory_space<vmem>>, vector<1x16xf32>,
        %get3A_1054 = vector.shape_cast %get3A_1053 : vector<1x16xf32> to vector<16xf32>
        %add3A_1055 = arith.addf %add3A_1011, %get3A_1054 : vector<16xf32>
        %get3A_1056 = arith.index_cast %add3A_1035 : i32 to index
        %get3A_1057 = arith.constant 448 : index
        %get3A_1058 = tpu.vector_load %arg5[%get3A_1056, %get3A_1057] {strides = array<i32>} : memref<64x768xf32, #tpu.memory_space<vmem>>, vector<1x16xf32>,
        %get3A_1059 = vector.shape_cast %get3A_1058 : vector<1x16xf32> to vector<16xf32>
        %add3A_1060 = arith.addf %add3A_1016, %get3A_1059 : vector<16xf32>
        %get3A_1061 = arith.index_cast %add3A_1035 : i32 to index
        %get3A_1062 = arith.constant 464 : index
        %get3A_1063 = tpu.vector_load %arg5[%get3A_1061, %get3A_1062] {strides = array<i32>} : memref<64x768xf32, #tpu.memory_space<vmem>>, vector<1x16xf32>,
        %get3A_1064 = vector.shape_cast %get3A_1063 : vector<1x16xf32> to vector<16xf32>
        %add3A_1065 = arith.addf %add3A_1021, %get3A_1064 : vector<16xf32>
        %get3A_1066 = arith.index_cast %add3A_1035 : i32 to index
        %get3A_1067 = arith.constant 480 : index
        %get3A_1068 = tpu.vector_load %arg5[%get3A_1066, %get3A_1067] {strides = array<i32>} : memref<64x768xf32, #tpu.memory_space<vmem>>, vector<1x16xf32>,
        %get3A_1069 = vector.shape_cast %get3A_1068 : vector<1x16xf32> to vector<16xf32>
        %add3A_1070 = arith.addf %add3A_1026, %get3A_1069 : vector<16xf32>
        %get3A_1071 = arith.index_cast %add3A_1035 : i32 to index
        %get3A_1072 = arith.constant 496 : index
        %get3A_1073 = tpu.vector_load %arg5[%get3A_1071, %get3A_1072] {strides = array<i32>} : memref<64x768xf32, #tpu.memory_space<vmem>>, vector<1x16xf32>,
        %get3A_1074 = vector.shape_cast %get3A_1073 : vector<1x16xf32> to vector<16xf32>
        %add3A_1075 = arith.addf %add3A_1031, %get3A_1074 : vector<16xf32>
        %mul3A_1076 = arith.constant 4 : i32
        %mul3A_1077 = arith.muli %scan3A_979, %mul3A_1076 : i32
        %add3A_1078 = arith.constant 2 : i32
        %add3A_1079 = arith.addi %mul3A_1077, %add3A_1078 : i32
        %get3A_1080 = arith.index_cast %add3A_1079 : i32 to index
        %get3A_1081 = arith.constant 384 : index
        %get3A_1082 = tpu.vector_load %arg5[%get3A_1080, %get3A_1081] {strides = array<i32>} : memref<64x768xf32, #tpu.memory_space<vmem>>, vector<1x16xf32>,
        %get3A_1083 = vector.shape_cast %get3A_1082 : vector<1x16xf32> to vector<16xf32>
        %add3A_1084 = arith.addf %add3A_1040, %get3A_1083 : vector<16xf32>
        %get3A_1085 = arith.index_cast %add3A_1079 : i32 to index
        %get3A_1086 = arith.constant 400 : index
        %get3A_1087 = tpu.vector_load %arg5[%get3A_1085, %get3A_1086] {strides = array<i32>} : memref<64x768xf32, #tpu.memory_space<vmem>>, vector<1x16xf32>,
        %get3A_1088 = vector.shape_cast %get3A_1087 : vector<1x16xf32> to vector<16xf32>
        %add3A_1089 = arith.addf %add3A_1045, %get3A_1088 : vector<16xf32>
        %get3A_1090 = arith.index_cast %add3A_1079 : i32 to index
        %get3A_1091 = arith.constant 416 : index
        %get3A_1092 = tpu.vector_load %arg5[%get3A_1090, %get3A_1091] {strides = array<i32>} : memref<64x768xf32, #tpu.memory_space<vmem>>, vector<1x16xf32>,
        %get3A_1093 = vector.shape_cast %get3A_1092 : vector<1x16xf32> to vector<16xf32>
        %add3A_1094 = arith.addf %add3A_1050, %get3A_1093 : vector<16xf32>
        %get3A_1095 = arith.index_cast %add3A_1079 : i32 to index
        %get3A_1096 = arith.constant 432 : index
        %get3A_1097 = tpu.vector_load %arg5[%get3A_1095, %get3A_1096] {strides = array<i32>} : memref<64x768xf32, #tpu.memory_space<vmem>>, vector<1x16xf32>,
        %get3A_1098 = vector.shape_cast %get3A_1097 : vector<1x16xf32> to vector<16xf32>
        %add3A_1099 = arith.addf %add3A_1055, %get3A_1098 : vector<16xf32>
        %get3A_1100 = arith.index_cast %add3A_1079 : i32 to index
        %get3A_1101 = arith.constant 448 : index
        %get3A_1102 = tpu.vector_load %arg5[%get3A_1100, %get3A_1101] {strides = array<i32>} : memref<64x768xf32, #tpu.memory_space<vmem>>, vector<1x16xf32>,
        %get3A_1103 = vector.shape_cast %get3A_1102 : vector<1x16xf32> to vector<16xf32>
        %add3A_1104 = arith.addf %add3A_1060, %get3A_1103 : vector<16xf32>
        %get3A_1105 = arith.index_cast %add3A_1079 : i32 to index
        %get3A_1106 = arith.constant 464 : index
        %get3A_1107 = tpu.vector_load %arg5[%get3A_1105, %get3A_1106] {strides = array<i32>} : memref<64x768xf32, #tpu.memory_space<vmem>>, vector<1x16xf32>,
        %get3A_1108 = vector.shape_cast %get3A_1107 : vector<1x16xf32> to vector<16xf32>
        %add3A_1109 = arith.addf %add3A_1065, %get3A_1108 : vector<16xf32>
        %get3A_1110 = arith.index_cast %add3A_1079 : i32 to index
        %get3A_1111 = arith.constant 480 : index
        %get3A_1112 = tpu.vector_load %arg5[%get3A_1110, %get3A_1111] {strides = array<i32>} : memref<64x768xf32, #tpu.memory_space<vmem>>, vector<1x16xf32>,
        %get3A_1113 = vector.shape_cast %get3A_1112 : vector<1x16xf32> to vector<16xf32>
        %add3A_1114 = arith.addf %add3A_1070, %get3A_1113 : vector<16xf32>
        %get3A_1115 = arith.index_cast %add3A_1079 : i32 to index
        %get3A_1116 = arith.constant 496 : index
        %get3A_1117 = tpu.vector_load %arg5[%get3A_1115, %get3A_1116] {strides = array<i32>} : memref<64x768xf32, #tpu.memory_space<vmem>>, vector<1x16xf32>,
        %get3A_1118 = vector.shape_cast %get3A_1117 : vector<1x16xf32> to vector<16xf32>
        %add3A_1119 = arith.addf %add3A_1075, %get3A_1118 : vector<16xf32>
        %mul3A_1120 = arith.constant 4 : i32
        %mul3A_1121 = arith.muli %scan3A_979, %mul3A_1120 : i32
        %add3A_1122 = arith.constant 3 : i32
        %add3A_1123 = arith.addi %mul3A_1121, %add3A_1122 : i32
        %get3A_1124 = arith.index_cast %add3A_1123 : i32 to index
        %get3A_1125 = arith.constant 384 : index
        %get3A_1126 = tpu.vector_load %arg5[%get3A_1124, %get3A_1125] {strides = array<i32>} : memref<64x768xf32, #tpu.memory_space<vmem>>, vector<1x16xf32>,
        %get3A_1127 = vector.shape_cast %get3A_1126 : vector<1x16xf32> to vector<16xf32>
        %add3A_1128 = arith.addf %add3A_1084, %get3A_1127 : vector<16xf32>
        %get3A_1129 = arith.index_cast %add3A_1123 : i32 to index
        %get3A_1130 = arith.constant 400 : index
        %get3A_1131 = tpu.vector_load %arg5[%get3A_1129, %get3A_1130] {strides = array<i32>} : memref<64x768xf32, #tpu.memory_space<vmem>>, vector<1x16xf32>,
        %get3A_1132 = vector.shape_cast %get3A_1131 : vector<1x16xf32> to vector<16xf32>
        %add3A_1133 = arith.addf %add3A_1089, %get3A_1132 : vector<16xf32>
        %get3A_1134 = arith.index_cast %add3A_1123 : i32 to index
        %get3A_1135 = arith.constant 416 : index
        %get3A_1136 = tpu.vector_load %arg5[%get3A_1134, %get3A_1135] {strides = array<i32>} : memref<64x768xf32, #tpu.memory_space<vmem>>, vector<1x16xf32>,
        %get3A_1137 = vector.shape_cast %get3A_1136 : vector<1x16xf32> to vector<16xf32>
        %add3A_1138 = arith.addf %add3A_1094, %get3A_1137 : vector<16xf32>
        %get3A_1139 = arith.index_cast %add3A_1123 : i32 to index
        %get3A_1140 = arith.constant 432 : index
        %get3A_1141 = tpu.vector_load %arg5[%get3A_1139, %get3A_1140] {strides = array<i32>} : memref<64x768xf32, #tpu.memory_space<vmem>>, vector<1x16xf32>,
        %get3A_1142 = vector.shape_cast %get3A_1141 : vector<1x16xf32> to vector<16xf32>
        %add3A_1143 = arith.addf %add3A_1099, %get3A_1142 : vector<16xf32>
        %get3A_1144 = arith.index_cast %add3A_1123 : i32 to index
        %get3A_1145 = arith.constant 448 : index
        %get3A_1146 = tpu.vector_load %arg5[%get3A_1144, %get3A_1145] {strides = array<i32>} : memref<64x768xf32, #tpu.memory_space<vmem>>, vector<1x16xf32>,
        %get3A_1147 = vector.shape_cast %get3A_1146 : vector<1x16xf32> to vector<16xf32>
        %add3A_1148 = arith.addf %add3A_1104, %get3A_1147 : vector<16xf32>
        %get3A_1149 = arith.index_cast %add3A_1123 : i32 to index
        %get3A_1150 = arith.constant 464 : index
        %get3A_1151 = tpu.vector_load %arg5[%get3A_1149, %get3A_1150] {strides = array<i32>} : memref<64x768xf32, #tpu.memory_space<vmem>>, vector<1x16xf32>,
        %get3A_1152 = vector.shape_cast %get3A_1151 : vector<1x16xf32> to vector<16xf32>
        %add3A_1153 = arith.addf %add3A_1109, %get3A_1152 : vector<16xf32>
        %get3A_1154 = arith.index_cast %add3A_1123 : i32 to index
        %get3A_1155 = arith.constant 480 : index
        %get3A_1156 = tpu.vector_load %arg5[%get3A_1154, %get3A_1155] {strides = array<i32>} : memref<64x768xf32, #tpu.memory_space<vmem>>, vector<1x16xf32>,
        %get3A_1157 = vector.shape_cast %get3A_1156 : vector<1x16xf32> to vector<16xf32>
        %add3A_1158 = arith.addf %add3A_1114, %get3A_1157 : vector<16xf32>
        %get3A_1159 = arith.index_cast %add3A_1123 : i32 to index
        %get3A_1160 = arith.constant 496 : index
        %get3A_1161 = tpu.vector_load %arg5[%get3A_1159, %get3A_1160] {strides = array<i32>} : memref<64x768xf32, #tpu.memory_space<vmem>>, vector<1x16xf32>,
        %get3A_1162 = vector.shape_cast %get3A_1161 : vector<1x16xf32> to vector<16xf32>
        %add3A_1163 = arith.addf %add3A_1119, %get3A_1162 : vector<16xf32>
        scf.yield %add3A_1128, %add3A_1133, %add3A_1138, %add3A_1143, %add3A_1148, %add3A_1153, %add3A_1158, %add3A_1163 : vector<16xf32>, vector<16xf32>, vector<16xf32>, vector<16xf32>, vector<16xf32>, vector<16xf32>, vector<16xf32>, vector<16xf32>
      }
      %scan3A_822 = arith.constant 16 : i32
      %swap3A_823 = arith.constant 384 : index
      %swap3A_824 = tpu.vector_load %arg6[%swap3A_823] {strides = array<i32>} : memref<768xf32, #tpu.memory_space<vmem>>, vector<16xf32>,
      %swap3A_825 = vector.shape_cast %swap3A_824 : vector<16xf32> to vector<16xf32>
      %swap3A_826 = vector.shape_cast %scan3A_821#0 : vector<16xf32> to vector<16xf32>
      tpu.vector_store %arg6[%swap3A_823], %swap3A_826 {strides = array<i32>} : memref<768xf32, #tpu.memory_space<vmem>>, vector<16xf32>,
      %swap3A_827 = arith.constant 400 : index
      %swap3A_828 = tpu.vector_load %arg6[%swap3A_827] {strides = array<i32>} : memref<768xf32, #tpu.memory_space<vmem>>, vector<16xf32>,
      %swap3A_829 = vector.shape_cast %swap3A_828 : vector<16xf32> to vector<16xf32>
      %swap3A_830 = vector.shape_cast %scan3A_821#1 : vector<16xf32> to vector<16xf32>
      tpu.vector_store %arg6[%swap3A_827], %swap3A_830 {strides = array<i32>} : memref<768xf32, #tpu.memory_space<vmem>>, vector<16xf32>,
      %swap3A_831 = arith.constant 416 : index
      %swap3A_832 = tpu.vector_load %arg6[%swap3A_831] {strides = array<i32>} : memref<768xf32, #tpu.memory_space<vmem>>, vector<16xf32>,
      %swap3A_833 = vector.shape_cast %swap3A_832 : vector<16xf32> to vector<16xf32>
      %swap3A_834 = vector.shape_cast %scan3A_821#2 : vector<16xf32> to vector<16xf32>
      tpu.vector_store %arg6[%swap3A_831], %swap3A_834 {strides = array<i32>} : memref<768xf32, #tpu.memory_space<vmem>>, vector<16xf32>,
      %swap3A_835 = arith.constant 432 : index
      %swap3A_836 = tpu.vector_load %arg6[%swap3A_835] {strides = array<i32>} : memref<768xf32, #tpu.memory_space<vmem>>, vector<16xf32>,
      %swap3A_837 = vector.shape_cast %swap3A_836 : vector<16xf32> to vector<16xf32>
      %swap3A_838 = vector.shape_cast %scan3A_821#3 : vector<16xf32> to vector<16xf32>
      tpu.vector_store %arg6[%swap3A_835], %swap3A_838 {strides = array<i32>} : memref<768xf32, #tpu.memory_space<vmem>>, vector<16xf32>,
      %swap3A_839 = arith.constant 448 : index
      %swap3A_840 = tpu.vector_load %arg6[%swap3A_839] {strides = array<i32>} : memref<768xf32, #tpu.memory_space<vmem>>, vector<16xf32>,
      %swap3A_841 = vector.shape_cast %swap3A_840 : vector<16xf32> to vector<16xf32>
      %swap3A_842 = vector.shape_cast %scan3A_821#4 : vector<16xf32> to vector<16xf32>
      tpu.vector_store %arg6[%swap3A_839], %swap3A_842 {strides = array<i32>} : memref<768xf32, #tpu.memory_space<vmem>>, vector<16xf32>,
      %swap3A_843 = arith.constant 464 : index
      %swap3A_844 = tpu.vector_load %arg6[%swap3A_843] {strides = array<i32>} : memref<768xf32, #tpu.memory_space<vmem>>, vector<16xf32>,
      %swap3A_845 = vector.shape_cast %swap3A_844 : vector<16xf32> to vector<16xf32>
      %swap3A_846 = vector.shape_cast %scan3A_821#5 : vector<16xf32> to vector<16xf32>
      tpu.vector_store %arg6[%swap3A_843], %swap3A_846 {strides = array<i32>} : memref<768xf32, #tpu.memory_space<vmem>>, vector<16xf32>,
      %swap3A_847 = arith.constant 480 : index
      %swap3A_848 = tpu.vector_load %arg6[%swap3A_847] {strides = array<i32>} : memref<768xf32, #tpu.memory_space<vmem>>, vector<16xf32>,
      %swap3A_849 = vector.shape_cast %swap3A_848 : vector<16xf32> to vector<16xf32>
      %swap3A_850 = vector.shape_cast %scan3A_821#6 : vector<16xf32> to vector<16xf32>
      tpu.vector_store %arg6[%swap3A_847], %swap3A_850 {strides = array<i32>} : memref<768xf32, #tpu.memory_space<vmem>>, vector<16xf32>,
      %swap3A_851 = arith.constant 496 : index
      %swap3A_852 = tpu.vector_load %arg6[%swap3A_851] {strides = array<i32>} : memref<768xf32, #tpu.memory_space<vmem>>, vector<16xf32>,
      %swap3A_853 = vector.shape_cast %swap3A_852 : vector<16xf32> to vector<16xf32>
      %swap3A_854 = vector.shape_cast %scan3A_821#7 : vector<16xf32> to vector<16xf32>
      tpu.vector_store %arg6[%swap3A_851], %swap3A_854 {strides = array<i32>} : memref<768xf32, #tpu.memory_space<vmem>>, vector<16xf32>,
      %get3A_855 = arith.constant 512 : index
      %get3A_856 = tpu.vector_load %arg6[%get3A_855] {strides = array<i32>} : memref<768xf32, #tpu.memory_space<vmem>>, vector<16xf32>,
      %get3A_857 = vector.shape_cast %get3A_856 : vector<16xf32> to vector<16xf32>
      %get3A_858 = arith.constant 528 : index
      %get3A_859 = tpu.vector_load %arg6[%get3A_858] {strides = array<i32>} : memref<768xf32, #tpu.memory_space<vmem>>, vector<16xf32>,
      %get3A_860 = vector.shape_cast %get3A_859 : vector<16xf32> to vector<16xf32>
      %get3A_861 = arith.constant 544 : index
      %get3A_862 = tpu.vector_load %arg6[%get3A_861] {strides = array<i32>} : memref<768xf32, #tpu.memory_space<vmem>>, vector<16xf32>,
      %get3A_863 = vector.shape_cast %get3A_862 : vector<16xf32> to vector<16xf32>
      %get3A_864 = arith.constant 560 : index
      %get3A_865 = tpu.vector_load %arg6[%get3A_864] {strides = array<i32>} : memref<768xf32, #tpu.memory_space<vmem>>, vector<16xf32>,
      %get3A_866 = vector.shape_cast %get3A_865 : vector<16xf32> to vector<16xf32>
      %get3A_867 = arith.constant 576 : index
      %get3A_868 = tpu.vector_load %arg6[%get3A_867] {strides = array<i32>} : memref<768xf32, #tpu.memory_space<vmem>>, vector<16xf32>,
      %get3A_869 = vector.shape_cast %get3A_868 : vector<16xf32> to vector<16xf32>
      %get3A_870 = arith.constant 592 : index
      %get3A_871 = tpu.vector_load %arg6[%get3A_870] {strides = array<i32>} : memref<768xf32, #tpu.memory_space<vmem>>, vector<16xf32>,
      %get3A_872 = vector.shape_cast %get3A_871 : vector<16xf32> to vector<16xf32>
      %get3A_873 = arith.constant 608 : index
      %get3A_874 = tpu.vector_load %arg6[%get3A_873] {strides = array<i32>} : memref<768xf32, #tpu.memory_space<vmem>>, vector<16xf32>,
      %get3A_875 = vector.shape_cast %get3A_874 : vector<16xf32> to vector<16xf32>
      %get3A_876 = arith.constant 624 : index
      %get3A_877 = tpu.vector_load %arg6[%get3A_876] {strides = array<i32>} : memref<768xf32, #tpu.memory_space<vmem>>, vector<16xf32>,
      %get3A_878 = vector.shape_cast %get3A_877 : vector<16xf32> to vector<16xf32>
      %scan3A_879 = arith.constant 0 : i32
      %scan3A_880 = arith.constant 16 : i32
      %scan3A_881 = arith.addi %scan3A_879, %scan3A_880 : i32
      %scan3A_882 = arith.constant 1 : i32
      %scan3A_883:8 = scf.for %scan3A_979 = %scan3A_879 to %scan3A_881 step %scan3A_882 iter_args(%scan3A_980 = %get3A_857, %scan3A_981 = %get3A_860, %scan3A_982 = %get3A_863, %scan3A_983 = %get3A_866, %scan3A_984 = %get3A_869, %scan3A_985 = %get3A_872, %scan3A_986 = %get3A_875, %scan3A_987 = %get3A_878) -> (vector<16xf32>, vector<16xf32>, vector<16xf32>, vector<16xf32>, vector<16xf32>, vector<16xf32>, vector<16xf32>, vector<16xf32>)  : i32 {
        %mul3A_988 = arith.constant 4 : i32
        %mul3A_989 = arith.muli %scan3A_979, %mul3A_988 : i32
        %add3A_990 = arith.constant 0 : i32
        %add3A_991 = arith.addi %mul3A_989, %add3A_990 : i32
        %get3A_992 = arith.index_cast %add3A_991 : i32 to index
        %get3A_993 = arith.constant 512 : index
        %get3A_994 = tpu.vector_load %arg5[%get3A_992, %get3A_993] {strides = array<i32>} : memref<64x768xf32, #tpu.memory_space<vmem>>, vector<1x16xf32>,
        %get3A_995 = vector.shape_cast %get3A_994 : vector<1x16xf32> to vector<16xf32>
        %add3A_996 = arith.addf %scan3A_980, %get3A_995 : vector<16xf32>
        %get3A_997 = arith.index_cast %add3A_991 : i32 to index
        %get3A_998 = arith.constant 528 : index
        %get3A_999 = tpu.vector_load %arg5[%get3A_997, %get3A_998] {strides = array<i32>} : memref<64x768xf32, #tpu.memory_space<vmem>>, vector<1x16xf32>,
        %get3A_1000 = vector.shape_cast %get3A_999 : vector<1x16xf32> to vector<16xf32>
        %add3A_1001 = arith.addf %scan3A_981, %get3A_1000 : vector<16xf32>
        %get3A_1002 = arith.index_cast %add3A_991 : i32 to index
        %get3A_1003 = arith.constant 544 : index
        %get3A_1004 = tpu.vector_load %arg5[%get3A_1002, %get3A_1003] {strides = array<i32>} : memref<64x768xf32, #tpu.memory_space<vmem>>, vector<1x16xf32>,
        %get3A_1005 = vector.shape_cast %get3A_1004 : vector<1x16xf32> to vector<16xf32>
        %add3A_1006 = arith.addf %scan3A_982, %get3A_1005 : vector<16xf32>
        %get3A_1007 = arith.index_cast %add3A_991 : i32 to index
        %get3A_1008 = arith.constant 560 : index
        %get3A_1009 = tpu.vector_load %arg5[%get3A_1007, %get3A_1008] {strides = array<i32>} : memref<64x768xf32, #tpu.memory_space<vmem>>, vector<1x16xf32>,
        %get3A_1010 = vector.shape_cast %get3A_1009 : vector<1x16xf32> to vector<16xf32>
        %add3A_1011 = arith.addf %scan3A_983, %get3A_1010 : vector<16xf32>
        %get3A_1012 = arith.index_cast %add3A_991 : i32 to index
        %get3A_1013 = arith.constant 576 : index
        %get3A_1014 = tpu.vector_load %arg5[%get3A_1012, %get3A_1013] {strides = array<i32>} : memref<64x768xf32, #tpu.memory_space<vmem>>, vector<1x16xf32>,
        %get3A_1015 = vector.shape_cast %get3A_1014 : vector<1x16xf32> to vector<16xf32>
        %add3A_1016 = arith.addf %scan3A_984, %get3A_1015 : vector<16xf32>
        %get3A_1017 = arith.index_cast %add3A_991 : i32 to index
        %get3A_1018 = arith.constant 592 : index
        %get3A_1019 = tpu.vector_load %arg5[%get3A_1017, %get3A_1018] {strides = array<i32>} : memref<64x768xf32, #tpu.memory_space<vmem>>, vector<1x16xf32>,
        %get3A_1020 = vector.shape_cast %get3A_1019 : vector<1x16xf32> to vector<16xf32>
        %add3A_1021 = arith.addf %scan3A_985, %get3A_1020 : vector<16xf32>
        %get3A_1022 = arith.index_cast %add3A_991 : i32 to index
        %get3A_1023 = arith.constant 608 : index
        %get3A_1024 = tpu.vector_load %arg5[%get3A_1022, %get3A_1023] {strides = array<i32>} : memref<64x768xf32, #tpu.memory_space<vmem>>, vector<1x16xf32>,
        %get3A_1025 = vector.shape_cast %get3A_1024 : vector<1x16xf32> to vector<16xf32>
        %add3A_1026 = arith.addf %scan3A_986, %get3A_1025 : vector<16xf32>
        %get3A_1027 = arith.index_cast %add3A_991 : i32 to index
        %get3A_1028 = arith.constant 624 : index
        %get3A_1029 = tpu.vector_load %arg5[%get3A_1027, %get3A_1028] {strides = array<i32>} : memref<64x768xf32, #tpu.memory_space<vmem>>, vector<1x16xf32>,
        %get3A_1030 = vector.shape_cast %get3A_1029 : vector<1x16xf32> to vector<16xf32>
        %add3A_1031 = arith.addf %scan3A_987, %get3A_1030 : vector<16xf32>
        %mul3A_1032 = arith.constant 4 : i32
        %mul3A_1033 = arith.muli %scan3A_979, %mul3A_1032 : i32
        %add3A_1034 = arith.constant 1 : i32
        %add3A_1035 = arith.addi %mul3A_1033, %add3A_1034 : i32
        %get3A_1036 = arith.index_cast %add3A_1035 : i32 to index
        %get3A_1037 = arith.constant 512 : index
        %get3A_1038 = tpu.vector_load %arg5[%get3A_1036, %get3A_1037] {strides = array<i32>} : memref<64x768xf32, #tpu.memory_space<vmem>>, vector<1x16xf32>,
        %get3A_1039 = vector.shape_cast %get3A_1038 : vector<1x16xf32> to vector<16xf32>
        %add3A_1040 = arith.addf %add3A_996, %get3A_1039 : vector<16xf32>
        %get3A_1041 = arith.index_cast %add3A_1035 : i32 to index
        %get3A_1042 = arith.constant 528 : index
        %get3A_1043 = tpu.vector_load %arg5[%get3A_1041, %get3A_1042] {strides = array<i32>} : memref<64x768xf32, #tpu.memory_space<vmem>>, vector<1x16xf32>,
        %get3A_1044 = vector.shape_cast %get3A_1043 : vector<1x16xf32> to vector<16xf32>
        %add3A_1045 = arith.addf %add3A_1001, %get3A_1044 : vector<16xf32>
        %get3A_1046 = arith.index_cast %add3A_1035 : i32 to index
        %get3A_1047 = arith.constant 544 : index
        %get3A_1048 = tpu.vector_load %arg5[%get3A_1046, %get3A_1047] {strides = array<i32>} : memref<64x768xf32, #tpu.memory_space<vmem>>, vector<1x16xf32>,
        %get3A_1049 = vector.shape_cast %get3A_1048 : vector<1x16xf32> to vector<16xf32>
        %add3A_1050 = arith.addf %add3A_1006, %get3A_1049 : vector<16xf32>
        %get3A_1051 = arith.index_cast %add3A_1035 : i32 to index
        %get3A_1052 = arith.constant 560 : index
        %get3A_1053 = tpu.vector_load %arg5[%get3A_1051, %get3A_1052] {strides = array<i32>} : memref<64x768xf32, #tpu.memory_space<vmem>>, vector<1x16xf32>,
        %get3A_1054 = vector.shape_cast %get3A_1053 : vector<1x16xf32> to vector<16xf32>
        %add3A_1055 = arith.addf %add3A_1011, %get3A_1054 : vector<16xf32>
        %get3A_1056 = arith.index_cast %add3A_1035 : i32 to index
        %get3A_1057 = arith.constant 576 : index
        %get3A_1058 = tpu.vector_load %arg5[%get3A_1056, %get3A_1057] {strides = array<i32>} : memref<64x768xf32, #tpu.memory_space<vmem>>, vector<1x16xf32>,
        %get3A_1059 = vector.shape_cast %get3A_1058 : vector<1x16xf32> to vector<16xf32>
        %add3A_1060 = arith.addf %add3A_1016, %get3A_1059 : vector<16xf32>
        %get3A_1061 = arith.index_cast %add3A_1035 : i32 to index
        %get3A_1062 = arith.constant 592 : index
        %get3A_1063 = tpu.vector_load %arg5[%get3A_1061, %get3A_1062] {strides = array<i32>} : memref<64x768xf32, #tpu.memory_space<vmem>>, vector<1x16xf32>,
        %get3A_1064 = vector.shape_cast %get3A_1063 : vector<1x16xf32> to vector<16xf32>
        %add3A_1065 = arith.addf %add3A_1021, %get3A_1064 : vector<16xf32>
        %get3A_1066 = arith.index_cast %add3A_1035 : i32 to index
        %get3A_1067 = arith.constant 608 : index
        %get3A_1068 = tpu.vector_load %arg5[%get3A_1066, %get3A_1067] {strides = array<i32>} : memref<64x768xf32, #tpu.memory_space<vmem>>, vector<1x16xf32>,
        %get3A_1069 = vector.shape_cast %get3A_1068 : vector<1x16xf32> to vector<16xf32>
        %add3A_1070 = arith.addf %add3A_1026, %get3A_1069 : vector<16xf32>
        %get3A_1071 = arith.index_cast %add3A_1035 : i32 to index
        %get3A_1072 = arith.constant 624 : index
        %get3A_1073 = tpu.vector_load %arg5[%get3A_1071, %get3A_1072] {strides = array<i32>} : memref<64x768xf32, #tpu.memory_space<vmem>>, vector<1x16xf32>,
        %get3A_1074 = vector.shape_cast %get3A_1073 : vector<1x16xf32> to vector<16xf32>
        %add3A_1075 = arith.addf %add3A_1031, %get3A_1074 : vector<16xf32>
        %mul3A_1076 = arith.constant 4 : i32
        %mul3A_1077 = arith.muli %scan3A_979, %mul3A_1076 : i32
        %add3A_1078 = arith.constant 2 : i32
        %add3A_1079 = arith.addi %mul3A_1077, %add3A_1078 : i32
        %get3A_1080 = arith.index_cast %add3A_1079 : i32 to index
        %get3A_1081 = arith.constant 512 : index
        %get3A_1082 = tpu.vector_load %arg5[%get3A_1080, %get3A_1081] {strides = array<i32>} : memref<64x768xf32, #tpu.memory_space<vmem>>, vector<1x16xf32>,
        %get3A_1083 = vector.shape_cast %get3A_1082 : vector<1x16xf32> to vector<16xf32>
        %add3A_1084 = arith.addf %add3A_1040, %get3A_1083 : vector<16xf32>
        %get3A_1085 = arith.index_cast %add3A_1079 : i32 to index
        %get3A_1086 = arith.constant 528 : index
        %get3A_1087 = tpu.vector_load %arg5[%get3A_1085, %get3A_1086] {strides = array<i32>} : memref<64x768xf32, #tpu.memory_space<vmem>>, vector<1x16xf32>,
        %get3A_1088 = vector.shape_cast %get3A_1087 : vector<1x16xf32> to vector<16xf32>
        %add3A_1089 = arith.addf %add3A_1045, %get3A_1088 : vector<16xf32>
        %get3A_1090 = arith.index_cast %add3A_1079 : i32 to index
        %get3A_1091 = arith.constant 544 : index
        %get3A_1092 = tpu.vector_load %arg5[%get3A_1090, %get3A_1091] {strides = array<i32>} : memref<64x768xf32, #tpu.memory_space<vmem>>, vector<1x16xf32>,
        %get3A_1093 = vector.shape_cast %get3A_1092 : vector<1x16xf32> to vector<16xf32>
        %add3A_1094 = arith.addf %add3A_1050, %get3A_1093 : vector<16xf32>
        %get3A_1095 = arith.index_cast %add3A_1079 : i32 to index
        %get3A_1096 = arith.constant 560 : index
        %get3A_1097 = tpu.vector_load %arg5[%get3A_1095, %get3A_1096] {strides = array<i32>} : memref<64x768xf32, #tpu.memory_space<vmem>>, vector<1x16xf32>,
        %get3A_1098 = vector.shape_cast %get3A_1097 : vector<1x16xf32> to vector<16xf32>
        %add3A_1099 = arith.addf %add3A_1055, %get3A_1098 : vector<16xf32>
        %get3A_1100 = arith.index_cast %add3A_1079 : i32 to index
        %get3A_1101 = arith.constant 576 : index
        %get3A_1102 = tpu.vector_load %arg5[%get3A_1100, %get3A_1101] {strides = array<i32>} : memref<64x768xf32, #tpu.memory_space<vmem>>, vector<1x16xf32>,
        %get3A_1103 = vector.shape_cast %get3A_1102 : vector<1x16xf32> to vector<16xf32>
        %add3A_1104 = arith.addf %add3A_1060, %get3A_1103 : vector<16xf32>
        %get3A_1105 = arith.index_cast %add3A_1079 : i32 to index
        %get3A_1106 = arith.constant 592 : index
        %get3A_1107 = tpu.vector_load %arg5[%get3A_1105, %get3A_1106] {strides = array<i32>} : memref<64x768xf32, #tpu.memory_space<vmem>>, vector<1x16xf32>,
        %get3A_1108 = vector.shape_cast %get3A_1107 : vector<1x16xf32> to vector<16xf32>
        %add3A_1109 = arith.addf %add3A_1065, %get3A_1108 : vector<16xf32>
        %get3A_1110 = arith.index_cast %add3A_1079 : i32 to index
        %get3A_1111 = arith.constant 608 : index
        %get3A_1112 = tpu.vector_load %arg5[%get3A_1110, %get3A_1111] {strides = array<i32>} : memref<64x768xf32, #tpu.memory_space<vmem>>, vector<1x16xf32>,
        %get3A_1113 = vector.shape_cast %get3A_1112 : vector<1x16xf32> to vector<16xf32>
        %add3A_1114 = arith.addf %add3A_1070, %get3A_1113 : vector<16xf32>
        %get3A_1115 = arith.index_cast %add3A_1079 : i32 to index
        %get3A_1116 = arith.constant 624 : index
        %get3A_1117 = tpu.vector_load %arg5[%get3A_1115, %get3A_1116] {strides = array<i32>} : memref<64x768xf32, #tpu.memory_space<vmem>>, vector<1x16xf32>,
        %get3A_1118 = vector.shape_cast %get3A_1117 : vector<1x16xf32> to vector<16xf32>
        %add3A_1119 = arith.addf %add3A_1075, %get3A_1118 : vector<16xf32>
        %mul3A_1120 = arith.constant 4 : i32
        %mul3A_1121 = arith.muli %scan3A_979, %mul3A_1120 : i32
        %add3A_1122 = arith.constant 3 : i32
        %add3A_1123 = arith.addi %mul3A_1121, %add3A_1122 : i32
        %get3A_1124 = arith.index_cast %add3A_1123 : i32 to index
        %get3A_1125 = arith.constant 512 : index
        %get3A_1126 = tpu.vector_load %arg5[%get3A_1124, %get3A_1125] {strides = array<i32>} : memref<64x768xf32, #tpu.memory_space<vmem>>, vector<1x16xf32>,
        %get3A_1127 = vector.shape_cast %get3A_1126 : vector<1x16xf32> to vector<16xf32>
        %add3A_1128 = arith.addf %add3A_1084, %get3A_1127 : vector<16xf32>
        %get3A_1129 = arith.index_cast %add3A_1123 : i32 to index
        %get3A_1130 = arith.constant 528 : index
        %get3A_1131 = tpu.vector_load %arg5[%get3A_1129, %get3A_1130] {strides = array<i32>} : memref<64x768xf32, #tpu.memory_space<vmem>>, vector<1x16xf32>,
        %get3A_1132 = vector.shape_cast %get3A_1131 : vector<1x16xf32> to vector<16xf32>
        %add3A_1133 = arith.addf %add3A_1089, %get3A_1132 : vector<16xf32>
        %get3A_1134 = arith.index_cast %add3A_1123 : i32 to index
        %get3A_1135 = arith.constant 544 : index
        %get3A_1136 = tpu.vector_load %arg5[%get3A_1134, %get3A_1135] {strides = array<i32>} : memref<64x768xf32, #tpu.memory_space<vmem>>, vector<1x16xf32>,
        %get3A_1137 = vector.shape_cast %get3A_1136 : vector<1x16xf32> to vector<16xf32>
        %add3A_1138 = arith.addf %add3A_1094, %get3A_1137 : vector<16xf32>
        %get3A_1139 = arith.index_cast %add3A_1123 : i32 to index
        %get3A_1140 = arith.constant 560 : index
        %get3A_1141 = tpu.vector_load %arg5[%get3A_1139, %get3A_1140] {strides = array<i32>} : memref<64x768xf32, #tpu.memory_space<vmem>>, vector<1x16xf32>,
        %get3A_1142 = vector.shape_cast %get3A_1141 : vector<1x16xf32> to vector<16xf32>
        %add3A_1143 = arith.addf %add3A_1099, %get3A_1142 : vector<16xf32>
        %get3A_1144 = arith.index_cast %add3A_1123 : i32 to index
        %get3A_1145 = arith.constant 576 : index
        %get3A_1146 = tpu.vector_load %arg5[%get3A_1144, %get3A_1145] {strides = array<i32>} : memref<64x768xf32, #tpu.memory_space<vmem>>, vector<1x16xf32>,
        %get3A_1147 = vector.shape_cast %get3A_1146 : vector<1x16xf32> to vector<16xf32>
        %add3A_1148 = arith.addf %add3A_1104, %get3A_1147 : vector<16xf32>
        %get3A_1149 = arith.index_cast %add3A_1123 : i32 to index
        %get3A_1150 = arith.constant 592 : index
        %get3A_1151 = tpu.vector_load %arg5[%get3A_1149, %get3A_1150] {strides = array<i32>} : memref<64x768xf32, #tpu.memory_space<vmem>>, vector<1x16xf32>,
        %get3A_1152 = vector.shape_cast %get3A_1151 : vector<1x16xf32> to vector<16xf32>
        %add3A_1153 = arith.addf %add3A_1109, %get3A_1152 : vector<16xf32>
        %get3A_1154 = arith.index_cast %add3A_1123 : i32 to index
        %get3A_1155 = arith.constant 608 : index
        %get3A_1156 = tpu.vector_load %arg5[%get3A_1154, %get3A_1155] {strides = array<i32>} : memref<64x768xf32, #tpu.memory_space<vmem>>, vector<1x16xf32>,
        %get3A_1157 = vector.shape_cast %get3A_1156 : vector<1x16xf32> to vector<16xf32>
        %add3A_1158 = arith.addf %add3A_1114, %get3A_1157 : vector<16xf32>
        %get3A_1159 = arith.index_cast %add3A_1123 : i32 to index
        %get3A_1160 = arith.constant 624 : index
        %get3A_1161 = tpu.vector_load %arg5[%get3A_1159, %get3A_1160] {strides = array<i32>} : memref<64x768xf32, #tpu.memory_space<vmem>>, vector<1x16xf32>,
        %get3A_1162 = vector.shape_cast %get3A_1161 : vector<1x16xf32> to vector<16xf32>
        %add3A_1163 = arith.addf %add3A_1119, %get3A_1162 : vector<16xf32>
        scf.yield %add3A_1128, %add3A_1133, %add3A_1138, %add3A_1143, %add3A_1148, %add3A_1153, %add3A_1158, %add3A_1163 : vector<16xf32>, vector<16xf32>, vector<16xf32>, vector<16xf32>, vector<16xf32>, vector<16xf32>, vector<16xf32>, vector<16xf32>
      }
      %scan3A_884 = arith.constant 16 : i32
      %swap3A_885 = arith.constant 512 : index
      %swap3A_886 = tpu.vector_load %arg6[%swap3A_885] {strides = array<i32>} : memref<768xf32, #tpu.memory_space<vmem>>, vector<16xf32>,
      %swap3A_887 = vector.shape_cast %swap3A_886 : vector<16xf32> to vector<16xf32>
      %swap3A_888 = vector.shape_cast %scan3A_883#0 : vector<16xf32> to vector<16xf32>
      tpu.vector_store %arg6[%swap3A_885], %swap3A_888 {strides = array<i32>} : memref<768xf32, #tpu.memory_space<vmem>>, vector<16xf32>,
      %swap3A_889 = arith.constant 528 : index
      %swap3A_890 = tpu.vector_load %arg6[%swap3A_889] {strides = array<i32>} : memref<768xf32, #tpu.memory_space<vmem>>, vector<16xf32>,
      %swap3A_891 = vector.shape_cast %swap3A_890 : vector<16xf32> to vector<16xf32>
      %swap3A_892 = vector.shape_cast %scan3A_883#1 : vector<16xf32> to vector<16xf32>
      tpu.vector_store %arg6[%swap3A_889], %swap3A_892 {strides = array<i32>} : memref<768xf32, #tpu.memory_space<vmem>>, vector<16xf32>,
      %swap3A_893 = arith.constant 544 : index
      %swap3A_894 = tpu.vector_load %arg6[%swap3A_893] {strides = array<i32>} : memref<768xf32, #tpu.memory_space<vmem>>, vector<16xf32>,
      %swap3A_895 = vector.shape_cast %swap3A_894 : vector<16xf32> to vector<16xf32>
      %swap3A_896 = vector.shape_cast %scan3A_883#2 : vector<16xf32> to vector<16xf32>
      tpu.vector_store %arg6[%swap3A_893], %swap3A_896 {strides = array<i32>} : memref<768xf32, #tpu.memory_space<vmem>>, vector<16xf32>,
      %swap3A_897 = arith.constant 560 : index
      %swap3A_898 = tpu.vector_load %arg6[%swap3A_897] {strides = array<i32>} : memref<768xf32, #tpu.memory_space<vmem>>, vector<16xf32>,
      %swap3A_899 = vector.shape_cast %swap3A_898 : vector<16xf32> to vector<16xf32>
      %swap3A_900 = vector.shape_cast %scan3A_883#3 : vector<16xf32> to vector<16xf32>
      tpu.vector_store %arg6[%swap3A_897], %swap3A_900 {strides = array<i32>} : memref<768xf32, #tpu.memory_space<vmem>>, vector<16xf32>,
      %swap3A_901 = arith.constant 576 : index
      %swap3A_902 = tpu.vector_load %arg6[%swap3A_901] {strides = array<i32>} : memref<768xf32, #tpu.memory_space<vmem>>, vector<16xf32>,
      %swap3A_903 = vector.shape_cast %swap3A_902 : vector<16xf32> to vector<16xf32>
      %swap3A_904 = vector.shape_cast %scan3A_883#4 : vector<16xf32> to vector<16xf32>
      tpu.vector_store %arg6[%swap3A_901], %swap3A_904 {strides = array<i32>} : memref<768xf32, #tpu.memory_space<vmem>>, vector<16xf32>,
      %swap3A_905 = arith.constant 592 : index
      %swap3A_906 = tpu.vector_load %arg6[%swap3A_905] {strides = array<i32>} : memref<768xf32, #tpu.memory_space<vmem>>, vector<16xf32>,
      %swap3A_907 = vector.shape_cast %swap3A_906 : vector<16xf32> to vector<16xf32>
      %swap3A_908 = vector.shape_cast %scan3A_883#5 : vector<16xf32> to vector<16xf32>
      tpu.vector_store %arg6[%swap3A_905], %swap3A_908 {strides = array<i32>} : memref<768xf32, #tpu.memory_space<vmem>>, vector<16xf32>,
      %swap3A_909 = arith.constant 608 : index
      %swap3A_910 = tpu.vector_load %arg6[%swap3A_909] {strides = array<i32>} : memref<768xf32, #tpu.memory_space<vmem>>, vector<16xf32>,
      %swap3A_911 = vector.shape_cast %swap3A_910 : vector<16xf32> to vector<16xf32>
      %swap3A_912 = vector.shape_cast %scan3A_883#6 : vector<16xf32> to vector<16xf32>
      tpu.vector_store %arg6[%swap3A_909], %swap3A_912 {strides = array<i32>} : memref<768xf32, #tpu.memory_space<vmem>>, vector<16xf32>,
      %swap3A_913 = arith.constant 624 : index
      %swap3A_914 = tpu.vector_load %arg6[%swap3A_913] {strides = array<i32>} : memref<768xf32, #tpu.memory_space<vmem>>, vector<16xf32>,
      %swap3A_915 = vector.shape_cast %swap3A_914 : vector<16xf32> to vector<16xf32>
      %swap3A_916 = vector.shape_cast %scan3A_883#7 : vector<16xf32> to vector<16xf32>
      tpu.vector_store %arg6[%swap3A_913], %swap3A_916 {strides = array<i32>} : memref<768xf32, #tpu.memory_space<vmem>>, vector<16xf32>,
      %get3A_917 = arith.constant 640 : index
      %get3A_918 = tpu.vector_load %arg6[%get3A_917] {strides = array<i32>} : memref<768xf32, #tpu.memory_space<vmem>>, vector<16xf32>,
      %get3A_919 = vector.shape_cast %get3A_918 : vector<16xf32> to vector<16xf32>
      %get3A_920 = arith.constant 656 : index
      %get3A_921 = tpu.vector_load %arg6[%get3A_920] {strides = array<i32>} : memref<768xf32, #tpu.memory_space<vmem>>, vector<16xf32>,
      %get3A_922 = vector.shape_cast %get3A_921 : vector<16xf32> to vector<16xf32>
      %get3A_923 = arith.constant 672 : index
      %get3A_924 = tpu.vector_load %arg6[%get3A_923] {strides = array<i32>} : memref<768xf32, #tpu.memory_space<vmem>>, vector<16xf32>,
      %get3A_925 = vector.shape_cast %get3A_924 : vector<16xf32> to vector<16xf32>
      %get3A_926 = arith.constant 688 : index
      %get3A_927 = tpu.vector_load %arg6[%get3A_926] {strides = array<i32>} : memref<768xf32, #tpu.memory_space<vmem>>, vector<16xf32>,
      %get3A_928 = vector.shape_cast %get3A_927 : vector<16xf32> to vector<16xf32>
      %get3A_929 = arith.constant 704 : index
      %get3A_930 = tpu.vector_load %arg6[%get3A_929] {strides = array<i32>} : memref<768xf32, #tpu.memory_space<vmem>>, vector<16xf32>,
      %get3A_931 = vector.shape_cast %get3A_930 : vector<16xf32> to vector<16xf32>
      %get3A_932 = arith.constant 720 : index
      %get3A_933 = tpu.vector_load %arg6[%get3A_932] {strides = array<i32>} : memref<768xf32, #tpu.memory_space<vmem>>, vector<16xf32>,
      %get3A_934 = vector.shape_cast %get3A_933 : vector<16xf32> to vector<16xf32>
      %get3A_935 = arith.constant 736 : index
      %get3A_936 = tpu.vector_load %arg6[%get3A_935] {strides = array<i32>} : memref<768xf32, #tpu.memory_space<vmem>>, vector<16xf32>,
      %get3A_937 = vector.shape_cast %get3A_936 : vector<16xf32> to vector<16xf32>
      %get3A_938 = arith.constant 752 : index
      %get3A_939 = tpu.vector_load %arg6[%get3A_938] {strides = array<i32>} : memref<768xf32, #tpu.memory_space<vmem>>, vector<16xf32>,
      %get3A_940 = vector.shape_cast %get3A_939 : vector<16xf32> to vector<16xf32>
      %scan3A_941 = arith.constant 0 : i32
      %scan3A_942 = arith.constant 16 : i32
      %scan3A_943 = arith.addi %scan3A_941, %scan3A_942 : i32
      %scan3A_944 = arith.constant 1 : i32
      %scan3A_945:8 = scf.for %scan3A_979 = %scan3A_941 to %scan3A_943 step %scan3A_944 iter_args(%scan3A_980 = %get3A_919, %scan3A_981 = %get3A_922, %scan3A_982 = %get3A_925, %scan3A_983 = %get3A_928, %scan3A_984 = %get3A_931, %scan3A_985 = %get3A_934, %scan3A_986 = %get3A_937, %scan3A_987 = %get3A_940) -> (vector<16xf32>, vector<16xf32>, vector<16xf32>, vector<16xf32>, vector<16xf32>, vector<16xf32>, vector<16xf32>, vector<16xf32>)  : i32 {
        %mul3A_988 = arith.constant 4 : i32
        %mul3A_989 = arith.muli %scan3A_979, %mul3A_988 : i32
        %add3A_990 = arith.constant 0 : i32
        %add3A_991 = arith.addi %mul3A_989, %add3A_990 : i32
        %get3A_992 = arith.index_cast %add3A_991 : i32 to index
        %get3A_993 = arith.constant 640 : index
        %get3A_994 = tpu.vector_load %arg5[%get3A_992, %get3A_993] {strides = array<i32>} : memref<64x768xf32, #tpu.memory_space<vmem>>, vector<1x16xf32>,
        %get3A_995 = vector.shape_cast %get3A_994 : vector<1x16xf32> to vector<16xf32>
        %add3A_996 = arith.addf %scan3A_980, %get3A_995 : vector<16xf32>
        %get3A_997 = arith.index_cast %add3A_991 : i32 to index
        %get3A_998 = arith.constant 656 : index
        %get3A_999 = tpu.vector_load %arg5[%get3A_997, %get3A_998] {strides = array<i32>} : memref<64x768xf32, #tpu.memory_space<vmem>>, vector<1x16xf32>,
        %get3A_1000 = vector.shape_cast %get3A_999 : vector<1x16xf32> to vector<16xf32>
        %add3A_1001 = arith.addf %scan3A_981, %get3A_1000 : vector<16xf32>
        %get3A_1002 = arith.index_cast %add3A_991 : i32 to index
        %get3A_1003 = arith.constant 672 : index
        %get3A_1004 = tpu.vector_load %arg5[%get3A_1002, %get3A_1003] {strides = array<i32>} : memref<64x768xf32, #tpu.memory_space<vmem>>, vector<1x16xf32>,
        %get3A_1005 = vector.shape_cast %get3A_1004 : vector<1x16xf32> to vector<16xf32>
        %add3A_1006 = arith.addf %scan3A_982, %get3A_1005 : vector<16xf32>
        %get3A_1007 = arith.index_cast %add3A_991 : i32 to index
        %get3A_1008 = arith.constant 688 : index
        %get3A_1009 = tpu.vector_load %arg5[%get3A_1007, %get3A_1008] {strides = array<i32>} : memref<64x768xf32, #tpu.memory_space<vmem>>, vector<1x16xf32>,
        %get3A_1010 = vector.shape_cast %get3A_1009 : vector<1x16xf32> to vector<16xf32>
        %add3A_1011 = arith.addf %scan3A_983, %get3A_1010 : vector<16xf32>
        %get3A_1012 = arith.index_cast %add3A_991 : i32 to index
        %get3A_1013 = arith.constant 704 : index
        %get3A_1014 = tpu.vector_load %arg5[%get3A_1012, %get3A_1013] {strides = array<i32>} : memref<64x768xf32, #tpu.memory_space<vmem>>, vector<1x16xf32>,
        %get3A_1015 = vector.shape_cast %get3A_1014 : vector<1x16xf32> to vector<16xf32>
        %add3A_1016 = arith.addf %scan3A_984, %get3A_1015 : vector<16xf32>
        %get3A_1017 = arith.index_cast %add3A_991 : i32 to index
        %get3A_1018 = arith.constant 720 : index
        %get3A_1019 = tpu.vector_load %arg5[%get3A_1017, %get3A_1018] {strides = array<i32>} : memref<64x768xf32, #tpu.memory_space<vmem>>, vector<1x16xf32>,
        %get3A_1020 = vector.shape_cast %get3A_1019 : vector<1x16xf32> to vector<16xf32>
        %add3A_1021 = arith.addf %scan3A_985, %get3A_1020 : vector<16xf32>
        %get3A_1022 = arith.index_cast %add3A_991 : i32 to index
        %get3A_1023 = arith.constant 736 : index
        %get3A_1024 = tpu.vector_load %arg5[%get3A_1022, %get3A_1023] {strides = array<i32>} : memref<64x768xf32, #tpu.memory_space<vmem>>, vector<1x16xf32>,
        %get3A_1025 = vector.shape_cast %get3A_1024 : vector<1x16xf32> to vector<16xf32>
        %add3A_1026 = arith.addf %scan3A_986, %get3A_1025 : vector<16xf32>
        %get3A_1027 = arith.index_cast %add3A_991 : i32 to index
        %get3A_1028 = arith.constant 752 : index
        %get3A_1029 = tpu.vector_load %arg5[%get3A_1027, %get3A_1028] {strides = array<i32>} : memref<64x768xf32, #tpu.memory_space<vmem>>, vector<1x16xf32>,
        %get3A_1030 = vector.shape_cast %get3A_1029 : vector<1x16xf32> to vector<16xf32>
        %add3A_1031 = arith.addf %scan3A_987, %get3A_1030 : vector<16xf32>
        %mul3A_1032 = arith.constant 4 : i32
        %mul3A_1033 = arith.muli %scan3A_979, %mul3A_1032 : i32
        %add3A_1034 = arith.constant 1 : i32
        %add3A_1035 = arith.addi %mul3A_1033, %add3A_1034 : i32
        %get3A_1036 = arith.index_cast %add3A_1035 : i32 to index
        %get3A_1037 = arith.constant 640 : index
        %get3A_1038 = tpu.vector_load %arg5[%get3A_1036, %get3A_1037] {strides = array<i32>} : memref<64x768xf32, #tpu.memory_space<vmem>>, vector<1x16xf32>,
        %get3A_1039 = vector.shape_cast %get3A_1038 : vector<1x16xf32> to vector<16xf32>
        %add3A_1040 = arith.addf %add3A_996, %get3A_1039 : vector<16xf32>
        %get3A_1041 = arith.index_cast %add3A_1035 : i32 to index
        %get3A_1042 = arith.constant 656 : index
        %get3A_1043 = tpu.vector_load %arg5[%get3A_1041, %get3A_1042] {strides = array<i32>} : memref<64x768xf32, #tpu.memory_space<vmem>>, vector<1x16xf32>,
        %get3A_1044 = vector.shape_cast %get3A_1043 : vector<1x16xf32> to vector<16xf32>
        %add3A_1045 = arith.addf %add3A_1001, %get3A_1044 : vector<16xf32>
        %get3A_1046 = arith.index_cast %add3A_1035 : i32 to index
        %get3A_1047 = arith.constant 672 : index
        %get3A_1048 = tpu.vector_load %arg5[%get3A_1046, %get3A_1047] {strides = array<i32>} : memref<64x768xf32, #tpu.memory_space<vmem>>, vector<1x16xf32>,
        %get3A_1049 = vector.shape_cast %get3A_1048 : vector<1x16xf32> to vector<16xf32>
        %add3A_1050 = arith.addf %add3A_1006, %get3A_1049 : vector<16xf32>
        %get3A_1051 = arith.index_cast %add3A_1035 : i32 to index
        %get3A_1052 = arith.constant 688 : index
        %get3A_1053 = tpu.vector_load %arg5[%get3A_1051, %get3A_1052] {strides = array<i32>} : memref<64x768xf32, #tpu.memory_space<vmem>>, vector<1x16xf32>,
        %get3A_1054 = vector.shape_cast %get3A_1053 : vector<1x16xf32> to vector<16xf32>
        %add3A_1055 = arith.addf %add3A_1011, %get3A_1054 : vector<16xf32>
        %get3A_1056 = arith.index_cast %add3A_1035 : i32 to index
        %get3A_1057 = arith.constant 704 : index
        %get3A_1058 = tpu.vector_load %arg5[%get3A_1056, %get3A_1057] {strides = array<i32>} : memref<64x768xf32, #tpu.memory_space<vmem>>, vector<1x16xf32>,
        %get3A_1059 = vector.shape_cast %get3A_1058 : vector<1x16xf32> to vector<16xf32>
        %add3A_1060 = arith.addf %add3A_1016, %get3A_1059 : vector<16xf32>
        %get3A_1061 = arith.index_cast %add3A_1035 : i32 to index
        %get3A_1062 = arith.constant 720 : index
        %get3A_1063 = tpu.vector_load %arg5[%get3A_1061, %get3A_1062] {strides = array<i32>} : memref<64x768xf32, #tpu.memory_space<vmem>>, vector<1x16xf32>,
        %get3A_1064 = vector.shape_cast %get3A_1063 : vector<1x16xf32> to vector<16xf32>
        %add3A_1065 = arith.addf %add3A_1021, %get3A_1064 : vector<16xf32>
        %get3A_1066 = arith.index_cast %add3A_1035 : i32 to index
        %get3A_1067 = arith.constant 736 : index
        %get3A_1068 = tpu.vector_load %arg5[%get3A_1066, %get3A_1067] {strides = array<i32>} : memref<64x768xf32, #tpu.memory_space<vmem>>, vector<1x16xf32>,
        %get3A_1069 = vector.shape_cast %get3A_1068 : vector<1x16xf32> to vector<16xf32>
        %add3A_1070 = arith.addf %add3A_1026, %get3A_1069 : vector<16xf32>
        %get3A_1071 = arith.index_cast %add3A_1035 : i32 to index
        %get3A_1072 = arith.constant 752 : index
        %get3A_1073 = tpu.vector_load %arg5[%get3A_1071, %get3A_1072] {strides = array<i32>} : memref<64x768xf32, #tpu.memory_space<vmem>>, vector<1x16xf32>,
        %get3A_1074 = vector.shape_cast %get3A_1073 : vector<1x16xf32> to vector<16xf32>
        %add3A_1075 = arith.addf %add3A_1031, %get3A_1074 : vector<16xf32>
        %mul3A_1076 = arith.constant 4 : i32
        %mul3A_1077 = arith.muli %scan3A_979, %mul3A_1076 : i32
        %add3A_1078 = arith.constant 2 : i32
        %add3A_1079 = arith.addi %mul3A_1077, %add3A_1078 : i32
        %get3A_1080 = arith.index_cast %add3A_1079 : i32 to index
        %get3A_1081 = arith.constant 640 : index
        %get3A_1082 = tpu.vector_load %arg5[%get3A_1080, %get3A_1081] {strides = array<i32>} : memref<64x768xf32, #tpu.memory_space<vmem>>, vector<1x16xf32>,
        %get3A_1083 = vector.shape_cast %get3A_1082 : vector<1x16xf32> to vector<16xf32>
        %add3A_1084 = arith.addf %add3A_1040, %get3A_1083 : vector<16xf32>
        %get3A_1085 = arith.index_cast %add3A_1079 : i32 to index
        %get3A_1086 = arith.constant 656 : index
        %get3A_1087 = tpu.vector_load %arg5[%get3A_1085, %get3A_1086] {strides = array<i32>} : memref<64x768xf32, #tpu.memory_space<vmem>>, vector<1x16xf32>,
        %get3A_1088 = vector.shape_cast %get3A_1087 : vector<1x16xf32> to vector<16xf32>
        %add3A_1089 = arith.addf %add3A_1045, %get3A_1088 : vector<16xf32>
        %get3A_1090 = arith.index_cast %add3A_1079 : i32 to index
        %get3A_1091 = arith.constant 672 : index
        %get3A_1092 = tpu.vector_load %arg5[%get3A_1090, %get3A_1091] {strides = array<i32>} : memref<64x768xf32, #tpu.memory_space<vmem>>, vector<1x16xf32>,
        %get3A_1093 = vector.shape_cast %get3A_1092 : vector<1x16xf32> to vector<16xf32>
        %add3A_1094 = arith.addf %add3A_1050, %get3A_1093 : vector<16xf32>
        %get3A_1095 = arith.index_cast %add3A_1079 : i32 to index
        %get3A_1096 = arith.constant 688 : index
        %get3A_1097 = tpu.vector_load %arg5[%get3A_1095, %get3A_1096] {strides = array<i32>} : memref<64x768xf32, #tpu.memory_space<vmem>>, vector<1x16xf32>,
        %get3A_1098 = vector.shape_cast %get3A_1097 : vector<1x16xf32> to vector<16xf32>
        %add3A_1099 = arith.addf %add3A_1055, %get3A_1098 : vector<16xf32>
        %get3A_1100 = arith.index_cast %add3A_1079 : i32 to index
        %get3A_1101 = arith.constant 704 : index
        %get3A_1102 = tpu.vector_load %arg5[%get3A_1100, %get3A_1101] {strides = array<i32>} : memref<64x768xf32, #tpu.memory_space<vmem>>, vector<1x16xf32>,
        %get3A_1103 = vector.shape_cast %get3A_1102 : vector<1x16xf32> to vector<16xf32>
        %add3A_1104 = arith.addf %add3A_1060, %get3A_1103 : vector<16xf32>
        %get3A_1105 = arith.index_cast %add3A_1079 : i32 to index
        %get3A_1106 = arith.constant 720 : index
        %get3A_1107 = tpu.vector_load %arg5[%get3A_1105, %get3A_1106] {strides = array<i32>} : memref<64x768xf32, #tpu.memory_space<vmem>>, vector<1x16xf32>,
        %get3A_1108 = vector.shape_cast %get3A_1107 : vector<1x16xf32> to vector<16xf32>
        %add3A_1109 = arith.addf %add3A_1065, %get3A_1108 : vector<16xf32>
        %get3A_1110 = arith.index_cast %add3A_1079 : i32 to index
        %get3A_1111 = arith.constant 736 : index
        %get3A_1112 = tpu.vector_load %arg5[%get3A_1110, %get3A_1111] {strides = array<i32>} : memref<64x768xf32, #tpu.memory_space<vmem>>, vector<1x16xf32>,
        %get3A_1113 = vector.shape_cast %get3A_1112 : vector<1x16xf32> to vector<16xf32>
        %add3A_1114 = arith.addf %add3A_1070, %get3A_1113 : vector<16xf32>
        %get3A_1115 = arith.index_cast %add3A_1079 : i32 to index
        %get3A_1116 = arith.constant 752 : index
        %get3A_1117 = tpu.vector_load %arg5[%get3A_1115, %get3A_1116] {strides = array<i32>} : memref<64x768xf32, #tpu.memory_space<vmem>>, vector<1x16xf32>,
        %get3A_1118 = vector.shape_cast %get3A_1117 : vector<1x16xf32> to vector<16xf32>
        %add3A_1119 = arith.addf %add3A_1075, %get3A_1118 : vector<16xf32>
        %mul3A_1120 = arith.constant 4 : i32
        %mul3A_1121 = arith.muli %scan3A_979, %mul3A_1120 : i32
        %add3A_1122 = arith.constant 3 : i32
        %add3A_1123 = arith.addi %mul3A_1121, %add3A_1122 : i32
        %get3A_1124 = arith.index_cast %add3A_1123 : i32 to index
        %get3A_1125 = arith.constant 640 : index
        %get3A_1126 = tpu.vector_load %arg5[%get3A_1124, %get3A_1125] {strides = array<i32>} : memref<64x768xf32, #tpu.memory_space<vmem>>, vector<1x16xf32>,
        %get3A_1127 = vector.shape_cast %get3A_1126 : vector<1x16xf32> to vector<16xf32>
        %add3A_1128 = arith.addf %add3A_1084, %get3A_1127 : vector<16xf32>
        %get3A_1129 = arith.index_cast %add3A_1123 : i32 to index
        %get3A_1130 = arith.constant 656 : index
        %get3A_1131 = tpu.vector_load %arg5[%get3A_1129, %get3A_1130] {strides = array<i32>} : memref<64x768xf32, #tpu.memory_space<vmem>>, vector<1x16xf32>,
        %get3A_1132 = vector.shape_cast %get3A_1131 : vector<1x16xf32> to vector<16xf32>
        %add3A_1133 = arith.addf %add3A_1089, %get3A_1132 : vector<16xf32>
        %get3A_1134 = arith.index_cast %add3A_1123 : i32 to index
        %get3A_1135 = arith.constant 672 : index
        %get3A_1136 = tpu.vector_load %arg5[%get3A_1134, %get3A_1135] {strides = array<i32>} : memref<64x768xf32, #tpu.memory_space<vmem>>, vector<1x16xf32>,
        %get3A_1137 = vector.shape_cast %get3A_1136 : vector<1x16xf32> to vector<16xf32>
        %add3A_1138 = arith.addf %add3A_1094, %get3A_1137 : vector<16xf32>
        %get3A_1139 = arith.index_cast %add3A_1123 : i32 to index
        %get3A_1140 = arith.constant 688 : index
        %get3A_1141 = tpu.vector_load %arg5[%get3A_1139, %get3A_1140] {strides = array<i32>} : memref<64x768xf32, #tpu.memory_space<vmem>>, vector<1x16xf32>,
        %get3A_1142 = vector.shape_cast %get3A_1141 : vector<1x16xf32> to vector<16xf32>
        %add3A_1143 = arith.addf %add3A_1099, %get3A_1142 : vector<16xf32>
        %get3A_1144 = arith.index_cast %add3A_1123 : i32 to index
        %get3A_1145 = arith.constant 704 : index
        %get3A_1146 = tpu.vector_load %arg5[%get3A_1144, %get3A_1145] {strides = array<i32>} : memref<64x768xf32, #tpu.memory_space<vmem>>, vector<1x16xf32>,
        %get3A_1147 = vector.shape_cast %get3A_1146 : vector<1x16xf32> to vector<16xf32>
        %add3A_1148 = arith.addf %add3A_1104, %get3A_1147 : vector<16xf32>
        %get3A_1149 = arith.index_cast %add3A_1123 : i32 to index
        %get3A_1150 = arith.constant 720 : index
        %get3A_1151 = tpu.vector_load %arg5[%get3A_1149, %get3A_1150] {strides = array<i32>} : memref<64x768xf32, #tpu.memory_space<vmem>>, vector<1x16xf32>,
        %get3A_1152 = vector.shape_cast %get3A_1151 : vector<1x16xf32> to vector<16xf32>
        %add3A_1153 = arith.addf %add3A_1109, %get3A_1152 : vector<16xf32>
        %get3A_1154 = arith.index_cast %add3A_1123 : i32 to index
        %get3A_1155 = arith.constant 736 : index
        %get3A_1156 = tpu.vector_load %arg5[%get3A_1154, %get3A_1155] {strides = array<i32>} : memref<64x768xf32, #tpu.memory_space<vmem>>, vector<1x16xf32>,
        %get3A_1157 = vector.shape_cast %get3A_1156 : vector<1x16xf32> to vector<16xf32>
        %add3A_1158 = arith.addf %add3A_1114, %get3A_1157 : vector<16xf32>
        %get3A_1159 = arith.index_cast %add3A_1123 : i32 to index
        %get3A_1160 = arith.constant 752 : index
        %get3A_1161 = tpu.vector_load %arg5[%get3A_1159, %get3A_1160] {strides = array<i32>} : memref<64x768xf32, #tpu.memory_space<vmem>>, vector<1x16xf32>,
        %get3A_1162 = vector.shape_cast %get3A_1161 : vector<1x16xf32> to vector<16xf32>
        %add3A_1163 = arith.addf %add3A_1119, %get3A_1162 : vector<16xf32>
        scf.yield %add3A_1128, %add3A_1133, %add3A_1138, %add3A_1143, %add3A_1148, %add3A_1153, %add3A_1158, %add3A_1163 : vector<16xf32>, vector<16xf32>, vector<16xf32>, vector<16xf32>, vector<16xf32>, vector<16xf32>, vector<16xf32>, vector<16xf32>
      }
      %scan3A_946 = arith.constant 16 : i32
      %swap3A_947 = arith.constant 640 : index
      %swap3A_948 = tpu.vector_load %arg6[%swap3A_947] {strides = array<i32>} : memref<768xf32, #tpu.memory_space<vmem>>, vector<16xf32>,
      %swap3A_949 = vector.shape_cast %swap3A_948 : vector<16xf32> to vector<16xf32>
      %swap3A_950 = vector.shape_cast %scan3A_945#0 : vector<16xf32> to vector<16xf32>
      tpu.vector_store %arg6[%swap3A_947], %swap3A_950 {strides = array<i32>} : memref<768xf32, #tpu.memory_space<vmem>>, vector<16xf32>,
      %swap3A_951 = arith.constant 656 : index
      %swap3A_952 = tpu.vector_load %arg6[%swap3A_951] {strides = array<i32>} : memref<768xf32, #tpu.memory_space<vmem>>, vector<16xf32>,
      %swap3A_953 = vector.shape_cast %swap3A_952 : vector<16xf32> to vector<16xf32>
      %swap3A_954 = vector.shape_cast %scan3A_945#1 : vector<16xf32> to vector<16xf32>
      tpu.vector_store %arg6[%swap3A_951], %swap3A_954 {strides = array<i32>} : memref<768xf32, #tpu.memory_space<vmem>>, vector<16xf32>,
      %swap3A_955 = arith.constant 672 : index
      %swap3A_956 = tpu.vector_load %arg6[%swap3A_955] {strides = array<i32>} : memref<768xf32, #tpu.memory_space<vmem>>, vector<16xf32>,
      %swap3A_957 = vector.shape_cast %swap3A_956 : vector<16xf32> to vector<16xf32>
      %swap3A_958 = vector.shape_cast %scan3A_945#2 : vector<16xf32> to vector<16xf32>
      tpu.vector_store %arg6[%swap3A_955], %swap3A_958 {strides = array<i32>} : memref<768xf32, #tpu.memory_space<vmem>>, vector<16xf32>,
      %swap3A_959 = arith.constant 688 : index
      %swap3A_960 = tpu.vector_load %arg6[%swap3A_959] {strides = array<i32>} : memref<768xf32, #tpu.memory_space<vmem>>, vector<16xf32>,
      %swap3A_961 = vector.shape_cast %swap3A_960 : vector<16xf32> to vector<16xf32>
      %swap3A_962 = vector.shape_cast %scan3A_945#3 : vector<16xf32> to vector<16xf32>
      tpu.vector_store %arg6[%swap3A_959], %swap3A_962 {strides = array<i32>} : memref<768xf32, #tpu.memory_space<vmem>>, vector<16xf32>,
      %swap3A_963 = arith.constant 704 : index
      %swap3A_964 = tpu.vector_load %arg6[%swap3A_963] {strides = array<i32>} : memref<768xf32, #tpu.memory_space<vmem>>, vector<16xf32>,
      %swap3A_965 = vector.shape_cast %swap3A_964 : vector<16xf32> to vector<16xf32>
      %swap3A_966 = vector.shape_cast %scan3A_945#4 : vector<16xf32> to vector<16xf32>
      tpu.vector_store %arg6[%swap3A_963], %swap3A_966 {strides = array<i32>} : memref<768xf32, #tpu.memory_space<vmem>>, vector<16xf32>,
      %swap3A_967 = arith.constant 720 : index
      %swap3A_968 = tpu.vector_load %arg6[%swap3A_967] {strides = array<i32>} : memref<768xf32, #tpu.memory_space<vmem>>, vector<16xf32>,
      %swap3A_969 = vector.shape_cast %swap3A_968 : vector<16xf32> to vector<16xf32>
      %swap3A_970 = vector.shape_cast %scan3A_945#5 : vector<16xf32> to vector<16xf32>
      tpu.vector_store %arg6[%swap3A_967], %swap3A_970 {strides = array<i32>} : memref<768xf32, #tpu.memory_space<vmem>>, vector<16xf32>,
      %swap3A_971 = arith.constant 736 : index
      %swap3A_972 = tpu.vector_load %arg6[%swap3A_971] {strides = array<i32>} : memref<768xf32, #tpu.memory_space<vmem>>, vector<16xf32>,
      %swap3A_973 = vector.shape_cast %swap3A_972 : vector<16xf32> to vector<16xf32>
      %swap3A_974 = vector.shape_cast %scan3A_945#6 : vector<16xf32> to vector<16xf32>
      tpu.vector_store %arg6[%swap3A_971], %swap3A_974 {strides = array<i32>} : memref<768xf32, #tpu.memory_space<vmem>>, vector<16xf32>,
      %swap3A_975 = arith.constant 752 : index
      %swap3A_976 = tpu.vector_load %arg6[%swap3A_975] {strides = array<i32>} : memref<768xf32, #tpu.memory_space<vmem>>, vector<16xf32>,
      %swap3A_977 = vector.shape_cast %swap3A_976 : vector<16xf32> to vector<16xf32>
      %swap3A_978 = vector.shape_cast %scan3A_945#7 : vector<16xf32> to vector<16xf32>
      tpu.vector_store %arg6[%swap3A_975], %swap3A_978 {strides = array<i32>} : memref<768xf32, #tpu.memory_space<vmem>>, vector<16xf32>,
    }
    %scan3A_204 = arith.constant 8 : i32
    "tpu.region"() ({
      %run_scoped3A = tpu.sem_alloc : memref<!tpu.dma_semaphore, #tpu.memory_space<semaphore_mem>>
      %dma_start3A_205 = arith.constant 0 : i32
      %dma_start3A_206 = tpu.memref_slice %arg3[%add3A, %dma_start3A_205] : memref<32x768xf32, #tpu.memory_space<hbm>> -> memref<1x768xf32, #tpu.memory_space<hbm>>
      %dma_start3A_207 = tpu.memref_squeeze %dma_start3A_206 : memref<1x768xf32, #tpu.memory_space<hbm>> -> memref<768xf32, #tpu.memory_space<hbm>>
      %dma_start3A_208 = arith.constant 0 : i32
      %dma_start3A_209 = tpu.memref_slice %arg3[%add3A, %dma_start3A_208] : memref<32x768xf32, #tpu.memory_space<hbm>> -> memref<1x768xf32, #tpu.memory_space<hbm>>
      %dma_start3A_210 = tpu.memref_squeeze %dma_start3A_209 : memref<1x768xf32, #tpu.memory_space<hbm>> -> memref<768xf32, #tpu.memory_space<hbm>>
      tpu.enqueue_dma source(%arg6 : memref<768xf32, #tpu.memory_space<vmem>>) target(%dma_start3A_210 : memref<768xf32, #tpu.memory_space<hbm>>) target_semaphore(%run_scoped3A : memref<!tpu.dma_semaphore, #tpu.memory_space<semaphore_mem>>)
      %dma_wait3A = arith.constant 0 : i32
      %dma_wait3A_211 = tpu.memref_slice %arg3[%add3A, %dma_wait3A] : memref<32x768xf32, #tpu.memory_space<hbm>> -> memref<1x768xf32, #tpu.memory_space<hbm>>
      %dma_wait3A_212 = tpu.memref_squeeze %dma_wait3A_211 : memref<1x768xf32, #tpu.memory_space<hbm>> -> memref<768xf32, #tpu.memory_space<hbm>>
      %dma_wait3A_213 = arith.constant 0 : i32
      %dma_wait3A_214 = tpu.memref_slice %arg3[%add3A, %dma_wait3A_213] : memref<32x768xf32, #tpu.memory_space<hbm>> -> memref<1x768xf32, #tpu.memory_space<hbm>>
      %dma_wait3A_215 = tpu.memref_squeeze %dma_wait3A_214 : memref<1x768xf32, #tpu.memory_space<hbm>> -> memref<768xf32, #tpu.memory_space<hbm>>
      tpu.wait_dma2 semaphore(%run_scoped3A : memref<!tpu.dma_semaphore, #tpu.memory_space<semaphore_mem>>) src(%arg6 : memref<768xf32, #tpu.memory_space<vmem>>) dst(%dma_wait3A_215 : memref<768xf32, #tpu.memory_space<hbm>>)
      tpu.yield
    }) : () -> ()
    return
  }
}

module attributes {stable_mosaic.version = 14 : i64} {
  func.func @_gate_body(%arg0: memref<32x768xf32, #tpu.memory_space<vmem>>, %arg1: memref<64x768xf32, #tpu.memory_space<vmem>>, %arg2: memref<64x1xf32, #tpu.memory_space<vmem>>, %arg3: memref<4x64xf32, #tpu.memory_space<vmem>>, %arg4: memref<4x2xi32, #tpu.memory_space<vmem>>, %arg5: memref<4x2xf32, #tpu.memory_space<vmem>>) attributes {dimension_semantics = [], scalar_prefetch = 0 : i64, scratch_operands = 0 : i64, tpu.core_type = #tpu.core_type<tc>} {
    %get3A = arith.constant 0 : index
    %get3A_0 = arith.constant 0 : index
    %get3A_1 = vector.load %arg0[%get3A, %get3A_0] : memref<32x768xf32, #tpu.memory_space<vmem>>, vector<32x768xf32>
    %iota3A = tpu.iota {dimensions = array<i32: 0>} : vector<4x32xi32>
    %iota3A_2 = tpu.iota {dimensions = array<i32: 1>} : vector<4x32xi32>
    %jit3A = arith.constant 8 : i32
    %div3A = vector.broadcast %jit3A : i32 to vector<4x32xi32>
    %div3A_3 = arith.divsi %iota3A_2, %div3A : vector<4x32xi32>
    %sign3A = arith.constant 0 : i32
    %sign3A_4 = vector.broadcast %sign3A : i32 to vector<4x32xi32>
    %sign3A_5 = arith.cmpi sgt, %iota3A_2, %sign3A_4 : vector<4x32xi32>
    %sign3A_6 = arith.extui %sign3A_5 : vector<4x32xi1> to vector<4x32xi32>
    %sign3A_7 = arith.constant 0 : i32
    %sign3A_8 = vector.broadcast %sign3A_7 : i32 to vector<4x32xi32>
    %sign3A_9 = arith.cmpi slt, %iota3A_2, %sign3A_8 : vector<4x32xi32>
    %sign3A_10 = arith.extui %sign3A_9 : vector<4x32xi1> to vector<4x32xi32>
    %sign3A_11 = arith.subi %sign3A_6, %sign3A_10 : vector<4x32xi32>
    %sign3A_12 = arith.constant 0 : i32
    %sign3A_13 = arith.cmpi sgt, %jit3A, %sign3A_12 : i32
    %sign3A_14 = arith.extui %sign3A_13 : i1 to i32
    %sign3A_15 = arith.constant 0 : i32
    %sign3A_16 = arith.cmpi slt, %jit3A, %sign3A_15 : i32
    %sign3A_17 = arith.extui %sign3A_16 : i1 to i32
    %sign3A_18 = arith.subi %sign3A_14, %sign3A_17 : i32
    %ne3A = vector.broadcast %sign3A_18 : i32 to vector<4x32xi32>
    %ne3A_19 = arith.cmpi ne, %sign3A_11, %ne3A : vector<4x32xi32>
    %rem3A = vector.broadcast %jit3A : i32 to vector<4x32xi32>
    %rem3A_20 = arith.remsi %iota3A_2, %rem3A : vector<4x32xi32>
    %ne3A_21 = arith.constant 0 : i32
    %ne3A_22 = vector.broadcast %ne3A_21 : i32 to vector<4x32xi32>
    %ne3A_23 = arith.cmpi ne, %rem3A_20, %ne3A_22 : vector<4x32xi32>
    %and3A = arith.andi %ne3A_19, %ne3A_23 : vector<4x32xi1>
    %sub3A = arith.constant 1 : i32
    %sub3A_24 = vector.broadcast %sub3A : i32 to vector<4x32xi32>
    %sub3A_25 = arith.subi %div3A_3, %sub3A_24 : vector<4x32xi32>
    %select_n3A = arith.select %and3A, %sub3A_25, %div3A_3 : vector<4x32xi1>, vector<4x32xi32>
    %eq3A = arith.cmpi eq, %select_n3A, %iota3A : vector<4x32xi32>
    %jit3A_26 = arith.constant 1.000000e+00 : f32
    %jit3A_27 = arith.constant 0.000000e+00 : f32
    %broadcast_in_dim3A = vector.broadcast %jit3A_26 : f32 to vector<4x32xf32>
    %broadcast_in_dim3A_28 = vector.broadcast %jit3A_27 : f32 to vector<4x32xf32>
    %select_n3A_29 = arith.select %eq3A, %broadcast_in_dim3A, %broadcast_in_dim3A_28 : vector<4x32xi1>, vector<4x32xf32>
    %dot_general3A = arith.constant dense<0.000000e+00> : vector<4x768xf32>
    %dot_general3A_30 = tpu.matmul %select_n3A_29, %get3A_1, %dot_general3A {dimension_numbers = #tpu.dot_dimension_numbers<[1], [0], [0], [1], [0, 0, 1, 1], [], []>, transpose_lhs_hint = false} : vector<4x32xf32>, vector<32x768xf32>, vector<4x768xf32> -> vector<4x768xf32>
    %mul3A = arith.constant 1.22070313E-4 : f32
    %mul3A_31 = vector.broadcast %mul3A : f32 to vector<4x768xf32>
    %mul3A_32 = arith.mulf %dot_general3A_30, %mul3A_31 : vector<4x768xf32>
    %get3A_33 = arith.constant 0 : index
    %get3A_34 = arith.constant 0 : index
    %get3A_35 = vector.load %arg1[%get3A_33, %get3A_34] : memref<64x768xf32, #tpu.memory_space<vmem>>, vector<64x768xf32>
    %get3A_36 = arith.constant 0 : index
    %get3A_37 = arith.constant 0 : index
    %get3A_38 = vector.load %arg2[%get3A_36, %get3A_37] : memref<64x1xf32, #tpu.memory_space<vmem>>, vector<64x1xf32>
    %reduce_sum3A = arith.constant dense<0.000000e+00> : vector<64xf32>
    %reduce_sum3A_39 = vector.multi_reduction <add>, %get3A_35, %reduce_sum3A [1] : vector<64x768xf32> to vector<64xf32>
    %broadcast_in_dim3A_40 = vector.shape_cast %reduce_sum3A_39 : vector<64xf32> to vector<64x1xf32>
    %div3A_41 = arith.constant 7.680000e+02 : f32
    %div3A_42 = vector.broadcast %div3A_41 : f32 to vector<64x1xf32>
    %div3A_43 = arith.divf %broadcast_in_dim3A_40, %div3A_42 : vector<64x1xf32>
    %sub3A_44 = vector.broadcast %div3A_43 : vector<64x1xf32> to vector<64x768xf32>
    %sub3A_45 = arith.subf %get3A_35, %sub3A_44 : vector<64x768xf32>
    %mul3A_46 = vector.broadcast %get3A_38 : vector<64x1xf32> to vector<64x768xf32>
    %mul3A_47 = arith.mulf %sub3A_45, %mul3A_46 : vector<64x768xf32>
    %dot_general3A_48 = arith.constant dense<0.000000e+00> : vector<4x64xf32>
    %dot_general3A_49 = tpu.matmul %mul3A_32, %mul3A_47, %dot_general3A_48 {dimension_numbers = #tpu.dot_dimension_numbers<[1], [1], [0], [0], [0, 0, 1, 0], [], []>, transpose_lhs_hint = false} : vector<4x768xf32>, vector<64x768xf32>, vector<4x64xf32> -> vector<4x64xf32>
    %reduce_max3A = arith.constant dense<0xFF800000> : vector<4xf32>
    %reduce_max3A_50 = vector.multi_reduction <maximumf>, %dot_general3A_49, %reduce_max3A [1] : vector<4x64xf32> to vector<4xf32>
    %broadcast_in_dim3A_51 = vector.shape_cast %reduce_max3A_50 : vector<4xf32> to vector<4x1xf32>
    %sub3A_52 = vector.broadcast %broadcast_in_dim3A_51 : vector<4x1xf32> to vector<4x64xf32>
    %sub3A_53 = arith.subf %dot_general3A_49, %sub3A_52 : vector<4x64xf32>
    %exp3A = math.exp %sub3A_53 : vector<4x64xf32>
    %reduce_sum3A_54 = arith.constant dense<0.000000e+00> : vector<4xf32>
    %reduce_sum3A_55 = vector.multi_reduction <add>, %exp3A, %reduce_sum3A_54 [1] : vector<4x64xf32> to vector<4xf32>
    %broadcast_in_dim3A_56 = vector.shape_cast %reduce_sum3A_55 : vector<4xf32> to vector<4x1xf32>
    %div3A_57 = vector.broadcast %broadcast_in_dim3A_56 : vector<4x1xf32> to vector<4x64xf32>
    %div3A_58 = arith.divf %exp3A, %div3A_57 : vector<4x64xf32>
    %iota3A_59 = tpu.iota {dimensions = array<i32: 1>} : vector<4x64xi32>
    %reduce_max3A_60 = arith.constant dense<0xFF800000> : vector<4xf32>
    %reduce_max3A_61 = vector.multi_reduction <maximumf>, %div3A_58, %reduce_max3A_60 [1] : vector<4x64xf32> to vector<4xf32>
    %broadcast_in_dim3A_62 = vector.shape_cast %reduce_max3A_61 : vector<4xf32> to vector<4x1xf32>
    %eq3A_63 = vector.broadcast %broadcast_in_dim3A_62 : vector<4x1xf32> to vector<4x64xf32>
    %eq3A_64 = arith.cmpf oeq, %div3A_58, %eq3A_63 : vector<4x64xf32>
    %jit3A_65 = arith.constant 1073741824 : i32
    %broadcast_in_dim3A_66 = vector.broadcast %jit3A_65 : i32 to vector<4x64xi32>
    %select_n3A_67 = arith.select %eq3A_64, %iota3A_59, %broadcast_in_dim3A_66 : vector<4x64xi1>, vector<4x64xi32>
    %reduce_min3A = arith.constant dense<2147483647> : vector<4xi32>
    %reduce_min3A_68 = vector.multi_reduction <minsi>, %select_n3A_67, %reduce_min3A [1] : vector<4x64xi32> to vector<4xi32>
    %broadcast_in_dim3A_69 = vector.shape_cast %reduce_min3A_68 : vector<4xi32> to vector<4x1xi32>
    %eq3A_70 = vector.broadcast %broadcast_in_dim3A_69 : vector<4x1xi32> to vector<4x64xi32>
    %eq3A_71 = arith.cmpi eq, %iota3A_59, %eq3A_70 : vector<4x64xi32>
    %jit3A_72 = arith.constant 0xFF800000 : f32
    %broadcast_in_dim3A_73 = vector.broadcast %jit3A_72 : f32 to vector<4x64xf32>
    %select_n3A_74 = arith.select %eq3A_71, %broadcast_in_dim3A_73, %div3A_58 : vector<4x64xi1>, vector<4x64xf32>
    %reduce_max3A_75 = arith.constant dense<0xFF800000> : vector<4xf32>
    %reduce_max3A_76 = vector.multi_reduction <maximumf>, %select_n3A_74, %reduce_max3A_75 [1] : vector<4x64xf32> to vector<4xf32>
    %broadcast_in_dim3A_77 = vector.shape_cast %reduce_max3A_76 : vector<4xf32> to vector<4x1xf32>
    %eq3A_78 = vector.broadcast %broadcast_in_dim3A_77 : vector<4x1xf32> to vector<4x64xf32>
    %eq3A_79 = arith.cmpf oeq, %select_n3A_74, %eq3A_78 : vector<4x64xf32>
    %jit3A_80 = arith.constant 1073741824 : i32
    %broadcast_in_dim3A_81 = vector.broadcast %jit3A_80 : i32 to vector<4x64xi32>
    %select_n3A_82 = arith.select %eq3A_79, %iota3A_59, %broadcast_in_dim3A_81 : vector<4x64xi1>, vector<4x64xi32>
    %reduce_min3A_83 = arith.constant dense<2147483647> : vector<4xi32>
    %reduce_min3A_84 = vector.multi_reduction <minsi>, %select_n3A_82, %reduce_min3A_83 [1] : vector<4x64xi32> to vector<4xi32>
    %broadcast_in_dim3A_85 = vector.shape_cast %reduce_min3A_84 : vector<4xi32> to vector<4x1xi32>
    %add3A = arith.addf %broadcast_in_dim3A_62, %broadcast_in_dim3A_77 : vector<4x1xf32>
    %add3A_86 = arith.constant 9.99999971E-10 : f32
    %add3A_87 = vector.broadcast %add3A_86 : f32 to vector<4x1xf32>
    %add3A_88 = arith.addf %add3A, %add3A_87 : vector<4x1xf32>
    %eq3A_89 = vector.broadcast %broadcast_in_dim3A_69 : vector<4x1xi32> to vector<4x64xi32>
    %eq3A_90 = arith.cmpi eq, %iota3A_59, %eq3A_89 : vector<4x64xi32>
    %div3A_91 = arith.divf %broadcast_in_dim3A_62, %add3A_88 : vector<4x1xf32>
    %jit3A_92 = arith.constant 0.000000e+00 : f32
    %broadcast_in_dim3A_93 = vector.shape_cast %div3A_91 : vector<4x1xf32> to vector<4x1xf32>
    %broadcast_in_dim3A_94 = vector.broadcast %broadcast_in_dim3A_93 : vector<4x1xf32> to vector<4x64xf32>
    %broadcast_in_dim3A_95 = vector.broadcast %jit3A_92 : f32 to vector<4x64xf32>
    %select_n3A_96 = arith.select %eq3A_90, %broadcast_in_dim3A_94, %broadcast_in_dim3A_95 : vector<4x64xi1>, vector<4x64xf32>
    %eq3A_97 = vector.broadcast %broadcast_in_dim3A_85 : vector<4x1xi32> to vector<4x64xi32>
    %eq3A_98 = arith.cmpi eq, %iota3A_59, %eq3A_97 : vector<4x64xi32>
    %div3A_99 = arith.divf %broadcast_in_dim3A_77, %add3A_88 : vector<4x1xf32>
    %jit3A_100 = arith.constant 0.000000e+00 : f32
    %broadcast_in_dim3A_101 = vector.shape_cast %div3A_99 : vector<4x1xf32> to vector<4x1xf32>
    %broadcast_in_dim3A_102 = vector.broadcast %broadcast_in_dim3A_101 : vector<4x1xf32> to vector<4x64xf32>
    %broadcast_in_dim3A_103 = vector.broadcast %jit3A_100 : f32 to vector<4x64xf32>
    %select_n3A_104 = arith.select %eq3A_98, %broadcast_in_dim3A_102, %broadcast_in_dim3A_103 : vector<4x64xi1>, vector<4x64xf32>
    %add3A_105 = arith.addf %select_n3A_96, %select_n3A_104 : vector<4x64xf32>
    %swap3A = arith.constant 0 : index
    %swap3A_106 = arith.constant 0 : index
    %swap3A_107 = vector.load %arg3[%swap3A, %swap3A_106] : memref<4x64xf32, #tpu.memory_space<vmem>>, vector<4x64xf32>
    tpu.vector_store %arg3[%swap3A, %swap3A_106], %add3A_105 {strides = array<i32>} : memref<4x64xf32, #tpu.memory_space<vmem>>, vector<4x64xf32>,
    %iota3A_108 = tpu.iota {dimensions = array<i32: 1>} : vector<4x2xi32>
    %eq3A_109 = arith.constant 0 : i32
    %eq3A_110 = vector.broadcast %eq3A_109 : i32 to vector<4x2xi32>
    %eq3A_111 = arith.cmpi eq, %iota3A_108, %eq3A_110 : vector<4x2xi32>
    %broadcast_in_dim3A_112 = vector.shape_cast %broadcast_in_dim3A_69 : vector<4x1xi32> to vector<4x1xi32>
    %broadcast_in_dim3A_113 = vector.broadcast %broadcast_in_dim3A_112 : vector<4x1xi32> to vector<4x2xi32>
    %broadcast_in_dim3A_114 = vector.shape_cast %broadcast_in_dim3A_85 : vector<4x1xi32> to vector<4x1xi32>
    %broadcast_in_dim3A_115 = vector.broadcast %broadcast_in_dim3A_114 : vector<4x1xi32> to vector<4x2xi32>
    %select_n3A_116 = arith.select %eq3A_111, %broadcast_in_dim3A_113, %broadcast_in_dim3A_115 : vector<4x2xi1>, vector<4x2xi32>
    %swap3A_117 = arith.constant 0 : index
    %swap3A_118 = arith.constant 0 : index
    %swap3A_119 = vector.load %arg4[%swap3A_117, %swap3A_118] : memref<4x2xi32, #tpu.memory_space<vmem>>, vector<4x2xi32>
    tpu.vector_store %arg4[%swap3A_117, %swap3A_118], %select_n3A_116 {strides = array<i32>} : memref<4x2xi32, #tpu.memory_space<vmem>>, vector<4x2xi32>,
    %eq3A_120 = arith.constant 0 : i32
    %eq3A_121 = vector.broadcast %eq3A_120 : i32 to vector<4x2xi32>
    %eq3A_122 = arith.cmpi eq, %iota3A_108, %eq3A_121 : vector<4x2xi32>
    %broadcast_in_dim3A_123 = vector.shape_cast %broadcast_in_dim3A_62 : vector<4x1xf32> to vector<4x1xf32>
    %broadcast_in_dim3A_124 = vector.broadcast %broadcast_in_dim3A_123 : vector<4x1xf32> to vector<4x2xf32>
    %broadcast_in_dim3A_125 = vector.shape_cast %broadcast_in_dim3A_77 : vector<4x1xf32> to vector<4x1xf32>
    %broadcast_in_dim3A_126 = vector.broadcast %broadcast_in_dim3A_125 : vector<4x1xf32> to vector<4x2xf32>
    %select_n3A_127 = arith.select %eq3A_122, %broadcast_in_dim3A_124, %broadcast_in_dim3A_126 : vector<4x2xi1>, vector<4x2xf32>
    %swap3A_128 = arith.constant 0 : index
    %swap3A_129 = arith.constant 0 : index
    %swap3A_130 = vector.load %arg5[%swap3A_128, %swap3A_129] : memref<4x2xf32, #tpu.memory_space<vmem>>, vector<4x2xf32>
    tpu.vector_store %arg5[%swap3A_128, %swap3A_129], %select_n3A_127 {strides = array<i32>} : memref<4x2xf32, #tpu.memory_space<vmem>>, vector<4x2xf32>,
    return
  }
}

</mosaic_0001>

<sc_bundles>
// kernel: kernel.4.cloned.1.call-start
scs
__scs_entry_jumppad:
0x0: {  	(pc) =	sbr.rel $0x88, $3  }
0x1: {  	(tag) =	ssettag $0x0;
	lr =	simm.s32 $0x1  }
0x2: {  	[smem:$0x3F9E] =	sst lr;
	_ =	strace $0xD0000000  }
0x3: {  	_ = 	snop  }
0x4: {  	_ = 	snop  }
0x5: {  	_ = 	snop  }
0x6: {  	_ = 	snop  }
0x7: {  	_ = 	snop  }
__scs_overlays_trampoline_lowered:
0x8: {  	[smem:$0x3FAD] =	sst s0  }
0x9: {  	[smem:$0x3FAE] =	sst s1  }
0xa: {  	[smem:$0x3FAF] =	sst s2  }
0xb: {  	[smem:$0x3FB0] =	sst s3  }
0xc: {  	[smem:$0x3FB1] =	sst s4  }
0xd: {  	[smem:$0x3FB2] =	sst s5  }
0xe: {  	[smem:$0x3FB3] =	sst s6  }
0xf: {  	[smem:$0x3FB4] =	sst s7  }
0x10: {  	[smem:$0x3FB5] =	sst s8  }
0x11: {  	[smem:$0x3FB6] =	sst s9;
	s0 =	simm.s32 @!p0 $0x0  }
0x12: {  	s1 =	sld [smem:$0x3F9C];
	s0 =	simm.s32 @p0 $0x1  }
0x13: {  	[smem:$0x3FB7] =	sst s0;
	s0 =	simm.s32 @!p1 $0x0  }
0x14: {  	s2 =	sld [smem:$0x3F9B];
	s0 =	simm.s32 @p1 $0x1  }
0x15: {  	[smem:$0x3FB8] =	sst s0;
	s0 =	simm.s32 @!p2 $0x0  }
0x16: {  	s3 =	sld [smem:$0x3FDB];
	s0 =	simm.s32 @p2 $0x1  }
0x17: {  	s4 =	simm.s32 $0x1BF5;
	[smem:$0x3FBA] =	sst s0  }
0x18: {  	s0 =	sld [smem:$0x3F9D];
	_ =	swait.ge [sflag:s4], $0x0  }
0x19: {  	s7 =	sld [smem:$0x3F9E]  }
0x1a: {  	s8 =	sadd.s32 $0xFFFFE003, lr  }
0x1b: {  	s9 =	sadd.s32 $0xFFFFFEF7, lr;
	s5 =	simm.s32 $0xFFFFFFFF;
	p2 =	slt.u32 s8, $0xFFFFF086  }
0x1c: {  	p1 =	slt.u32 s9, $0xF7A;
	s5 =	simm.s32 @!p2 $0x0  }
0x1d: {  	s5 =	simm.s32 @p1 $0x1;
	p0 =	seq.s32 s7, s2  }
0x1e: {  	s7 =	smul.u32 @!p0 $0xF7A, s2;
	p2 =	seq.s32 @!p0 s5, $0x0  }
0x1f: {  	s9 =	smul.u32 $0xF7A, s1;
	s8 =	simm.s32 @!p0 $0x1BF5;
	p2 =	por !p2, p0  }
0x20: {  	[sflag:s8] =	ssyncset.s32 @!p0 $0xFFFFF086;
	s6 =	sadd.s32 @!p0 s3, s7;
	s7 =	simm.s32 @!p0 $0x108  }
0x21: {  	s3 =	sadd.s32 s3, s9;
	s6 =	sadd.s32 @!p0 $0x88, s6;
	s7 =	simm.s32 @p2 $0x1082  }
0x22: {  	[simem:s7], [sflag:s8] =	dma.local @!p0 [hbm:s6], $0xF7A  }
0x23: {  	s9 =	sor.u32 $0xD0000000, s2;
	s6 =	simm.s32 $0x108;
	_ =	swait.ge @!p0 [sflag:s8], $0x0  }
0x24: {  	s3 =	sadd.s32 $0x88, s3;
	s6 =	simm.s32 @!p1 $0x1082;
	[sflag:s4] =	ssyncset.s32 $0xFFFFF086  }
0x25: {  	[simem:s6], [sflag:s4] =	dma.local [hbm:s3], $0xF7A  }
0x26: {  	[smem:$0x3F9E] =	sst s1;
	(tag) =	ssettag s2;
	_ =	strace s9  }
0x27: {  	s1 =	sld [smem:$0x3FAE]  }
0x28: {  	s2 =	sld [smem:$0x3FAF]  }
0x29: {  	s4 =	sld [smem:$0x3FB1]  }
0x2a: {  	p0 =	seq.s32 s5, $0x0;
	s5 =	sld [smem:$0x3FB2]  }
0x2b: {  	s6 =	sld [smem:$0x3FB3]  }
0x2c: {  	s7 =	sld [smem:$0x3FB4]  }
0x2d: {  	s3 =	simm.s32 $0x108;
	s8 =	sld [smem:$0x3FB5]  }
0x2e: {  	s3 =	simm.s32 @!p0 $0x1082;
	s9 =	sld [smem:$0x3FB6]  }
0x2f: {  	lr =	sadd.s32 s0, s3;
	s0 =	sld [smem:$0x3FAD]  }
0x30: {  	s3 =	sld [smem:$0x3FB0]  }
0x31: {  	[smem:$0x3FB9] =	sst s10  }
0x32: {  	s10 =	sld [smem:$0x3FB7];
	_ =	sdelay $0x3  }
0x33: {  	p0 =	seq.s32 s10, $0x1;
	s10 =	sld [smem:$0x3FB9];
	_ =	sdelay $0x3  }
0x34: {  	[smem:$0x3FB9] =	sst s10  }
0x35: {  	s10 =	sld [smem:$0x3FB8];
	_ =	sdelay $0x3  }
0x36: {  	p1 =	seq.s32 s10, $0x1;
	s10 =	sld [smem:$0x3FB9];
	_ =	sdelay $0x3  }
0x37: {  	[smem:$0x3FB9] =	sst s10  }
0x38: {  	s10 =	sld [smem:$0x3FBA]  }
0x39: {  	_ = 	snop;
	(pc) =	sbr.ind lr, $3  }
0x3a: {  	_ = 	snop  }
0x3b: {  	_ = 	snop  }
0x3c: {  	p2 =	seq.s32 s10, $0x1;
	s10 =	sld [smem:$0x3FB9]  }
0x3d: {  	_ =	shalt  }
0x3e: {  	_ =	shalt  }
0x3f: {  	_ =	shalt  }
0x40: {  	_ =	shalt  }
0x41: {  	_ =	shalt  }
0x42: {  	_ =	shalt  }
0x43: {  	_ =	shalt  }
0x44: {  	_ =	shalt  }
0x45: {  	_ =	shalt  }
0x46: {  	_ =	shalt  }
0x47: {  	_ =	shalt  }
0x48: {  	_ =	shalt  }
0x49: {  	_ =	shalt  }
0x4a: {  	_ =	shalt  }
0x4b: {  	_ =	shalt  }
0x4c: {  	_ =	shalt  }
0x4d: {  	_ =	shalt  }
0x4e: {  	_ =	shalt  }
0x4f: {  	_ =	shalt  }
0x50: {  	_ =	shalt  }
0x51: {  	_ =	shalt  }
0x52: {  	_ =	shalt  }
0x53: {  	_ =	shalt  }
0x54: {  	_ =	shalt  }
0x55: {  	_ =	shalt  }
0x56: {  	_ =	shalt  }
0x57: {  	_ =	shalt  }
0x58: {  	_ =	shalt  }
0x59: {  	_ =	shalt  }
0x5a: {  	_ =	shalt  }
0x5b: {  	_ =	shalt  }
0x5c: {  	_ =	shalt  }
0x5d: {  	_ =	shalt  }
0x5e: {  	_ =	shalt  }
0x5f: {  	_ =	shalt  }
0x60: {  	_ =	shalt  }
0x61: {  	_ =	shalt  }
0x62: {  	_ =	shalt  }
0x63: {  	_ =	shalt  }
0x64: {  	_ =	shalt  }
0x65: {  	_ =	shalt  }
0x66: {  	_ =	shalt  }
0x67: {  	_ =	shalt  }
0x68: {  	_ =	shalt  }
0x69: {  	_ =	shalt  }
0x6a: {  	_ =	shalt  }
0x6b: {  	_ =	shalt  }
0x6c: {  	_ =	shalt  }
0x6d: {  	_ =	shalt  }
0x6e: {  	_ =	shalt  }
0x6f: {  	_ =	shalt  }
0x70: {  	_ =	shalt  }
0x71: {  	_ =	shalt  }
0x72: {  	_ =	shalt  }
0x73: {  	_ =	shalt  }
0x74: {  	_ =	shalt  }
0x75: {  	_ =	shalt  }
0x76: {  	_ =	shalt  }
0x77: {  	_ =	shalt  }
0x78: {  	_ =	shalt  }
0x79: {  	_ =	shalt  }
0x7a: {  	_ =	shalt  }
0x7b: {  	_ =	shalt  }
0x7c: {  	_ =	shalt  }
0x7d: {  	_ =	shalt  }
0x7e: {  	_ =	shalt  }
0x7f: {  	_ =	shalt  }
0x80: {  	_ =	shalt  }
0x81: {  	_ =	shalt  }
0x82: {  	_ =	shalt  }
0x83: {  	_ =	shalt  }
0x84: {  	_ =	shalt  }
0x85: {  	_ =	shalt  }
0x86: {  	_ =	shalt  }
0x87: {  	_ =	shalt  }
.Lfunc_end0:
.L_simem_size_0:
called_computation_lowered:
.L_overlay_start_0:
0x88: {  	s2 =	sld [smem:$0x3FD9]  }
0x89: {  	s3 =	sld [smem:$0x3FFE];
	_ =	sdelay $0x1  }
0x8a: {  	s1 =	srdreg.scid  }
0x8b: {  	s0 =	sand.u32 $0x1, s1  }
0x8c: {  	s17 =	sshll.u32 s0, $0xA;
	s2 =	sadd.s32 s3, s2  }
0x8d: {  	s2 =	sadd.s32 s2, s17  }
0x8e: {  	[smem:$0x3FC5] =	sst s2  }
0x8f: {  	_ = 	snop  }
0x90: {  	s2 =	sld [smem:$0x3FC9];
	(tm) =	ssettm $0x1  }
0x91: {  	s18 =	sld [smem:$0x3FFB];
	_ =	sdelay $0x3  }
0x92: {  	_ =	strace s18  }
0x93: {  	s3 =	sld [smem:$0x3FFC];
	_ =	sdelay $0x3  }
0x94: {  	_ =	strace s3  }
0x95: {  	s3 =	sld [smem:$0x3FFD];
	_ =	sdelay $0x3  }
0x96: {  	_ =	strace s3  }
0x97: {  	_ =	strace $0x8FFFFFFF  }
0x98: {  	s19 =	sld [smem:$0x3FDB];
	_ =	sdelay $0x1  }
0x99: {  	s4 =	simm.s32 $_scs_section_size  }
0x9a: {  	s5 =	simm.s32 $_size__tile_overlayer_lowered;
	s6 =	simm.s32 $_tile_overlayer_lowered  }
0x9b: {  	s22 =	simm.s32 $0x1BFF;
	s21 =	sshll.u32 s6, $0x1;
	s3 =	sadd.s32 s4, s19  }
0x9c: {  	s7 =	simm.s32 $0x0;
	s20 =	sshll.u32 s5, $0x1;
	s5 =	sadd.s32 s21, s3  }
0x9d: {  	[timem:s7], [sflag:s22] =	dma.local [hbm:s5], s20  }
0x9e: {  	_ =	swait.ge [sflag:s22], s20  }
0x9f: {  	s4 =	ssub.s32 $0x0, s20;
	[sflag:s22] =	ssyncset.done $0x0  }
0xa0: {  	[sflag:s22] =	ssyncadd.s32 s4;
	_ =	sdelay $0x1  }
0xa1: {  	s23 =	simm.s32 $0x1B8B  }
0xa2: {  	_ =	swait.ge [sflag:s23], $0x1  }
0xa3: {  	[sflag:s23] =	ssyncset.done $0x0  }
0xa4: {  	s25 =	simm.s32 $0x1B8E;
	s24 =	sld [smem:$0x3FFE];
	[sflag:s23] =	ssyncadd.s32 $0xFFFFFFFF  }
0xa5: {  	s26 =	simm.s32 $execute0_lowered;
	[smem:$0x3FD2] =	sst s25  }
0xa6: {  	s5 =	sshll.u32 s26, $0x1;
	_ =	strace $0x80000046;
	[dreg:$0x1] =	wrdreg $0xFFFFFFFF  }
0xa7: {  	s28 =	simm.s32 $_size_execute0_lowered;
	s3 =	sadd.s32 s3, s5;
	[dreg:$0x0] =	wrdreg $0x0  }
0xa8: {  	s5 =	sshll.u32 s28, $0x1;
	[dreg:$0x2] =	wrdreg s3  }
0xa9: {  	[dreg:$0x3] =	wrdreg s5  }
0xaa: {  	[dreg:$0x4] =	wrdreg $0xC0  }
0xab: {  	_ =	task [dreg:s7], $0x5FFFF  }
0xac: {  	[dreg:$0x1] =	wrdreg $0xFFFFFFFF  }
0xad: {  	[dreg:$0x0] =	wrdreg $0x60  }
0xae: {  	[dreg:$0x2] =	wrdreg s2  }
0xaf: {  	[dreg:$0x3] =	wrdreg s24  }
0xb0: {  	[dreg:$0x4] =	wrdreg $0x9  }
0xb1: {  	_ =	task.clear_ibuf [dreg:s7], $0x5FFFF;
	_ =	strace $0x90000046  }
0xb2: {  	s29 =	simm.s32 $0x9;
	_ =	strace $0x80000048  }
0xb3: {  	_ =	swait.ge [sflag:s29], $0x1  }
0xb4: {  	[sflag:s29] =	ssyncadd.s32 $0xFFFFFFFF  }
0xb5: {  	_ =	strace $0x90000048  }
0xb6: {  	_ =	sfence  }
0xb7: {  	s30 =	sld [smem:$0x0];
	_ =	sdelay $0x2  }
0xb8: {  	s31 =	sshll.u32 s1, $0xD;
	s1 =	sshrl.u32 s1, $0x2  }
0xb9: {  	s3 =	sand.u32 $0x4000, s31;
	s1 =	sadd.s32 s1, s30  }
0xba: {  	s0 =	sor.u32 s3, s0;
	s1 =	sshll.u32 s1, $0x11  }
0xbb: {  	s0 =	sor.u32 s1, s0  }
0xbc: {  	s0 =	sadd.s32 $0x8F2B, s0  }
0xbd: {  	[sflag:s0] =	ssyncadd.remote.s32 $0x1  }
0xbe: {  	_ =	sfence.sel $0xFFFF  }
0xbf: {  	[dreg:$0x0] =	wrdreg $0xFFFFFFFF;
	(pc) =	sbr.abs _section_cstart, $3  }
0xc0: {  	[dreg:$0x1] =	wrdreg $0xFFFFFFFF  }
0xc1: {  	_ =	task.clear_ibuf [dreg:s7], $0x2FFFF;
	_ =	strace $0x9FFFFFFF  }
0xc2: {  	(tm) =	ssettm $0x7FFFFFFF  }
0xc3: {  	_ =	shalt  }
tec
execute0_lowered:
.L_overlay_start_1:
0x0: {  	(tag) =	ssettag $0x1  }
0x1: {  	s1 =	srdreg.scid  }
0x2: {  	s0 =	stileid.u32;
	s2 =	rddreg [dreg:$0x0]  }
0x3: {  	s6 =	rddreg [dreg:$0x1];
	s3 =	simm.s32 $0x0;
	s10 =	simm.s32 $0xC000  }
0x4: {  	s11 =	simm.s32 $0x1;
	s12 =	simm.s32 $0x2;
	s13 =	simm.s32 $0x80  }
0x5: {  	s14 =	simm.s32 $0x400;
	s15 =	simm.s32 $0x18000;
	s16 =	simm.s32 $0x3  }
0x6: {  	s17 =	simm.s32 $0x0;
	s4 =	sand.u32 $0x1, s1;
	s28 =	sshll.u32 s0, $0x1  }
0x7: {  	s29 =	sshrl.u32 s0, $0x2;
	s1 =	rddreg [dreg:$0x2];
	s5 =	sor.u32 s4, s28  }
0x8: {  	[smem:$0x7FF] =	sst s3;
	s7 =	smul.u32 $0x1800, s29;
	s8 =	sshll.u32 s5, $0x7  }
0x9: {  	s4 =	ssub.s32 $0x2, s4;
	_ =	strace $0x80000047;
	s8 =	sand.u32 $0x380, s8  }
0xa: {  	s30 =	smul.u32 $0x18000, s5;
	s31 =	sshrl.u32 s4, $0x1;
	s7 =	sor.u32 s7, s8  }
0xb: {  	s9 =	ssub.s32 s4, s31;
	s4 =	sshll.u32 s5, $0xA;
	s7 =	sshrl.u32 s7, $0x3  }
0xc: {  	s5 =	sadd.s32 s2, s30;
	s8 =	smax.u32 s9, $0x1;
	s7 =	sadd.s32 s7, s6  }
0xd: {  	v0 =	vimm.f32 $0.0e+00;
	s9 =	sadd.s32 $0x1800, s2;
	s6 =	sor.u32 $0x80, s4;
	s7 =	sadd.s32 $0xC00, s7  }
.LBB2_1:
0xe: {  	[tilespmem:$0x18000] =	vst v0  }
0xf: {  	[tilespmem:$0x18010] =	vst v0  }
0x10: {  	[tilespmem:$0x18020] =	vst v0  }
0x11: {  	[tilespmem:$0x18030] =	vst v0  }
0x12: {  	[tilespmem:$0x18040] =	vst v0  }
0x13: {  	[tilespmem:$0x18050] =	vst v0  }
0x14: {  	[tilespmem:$0x18060] =	vst v0  }
0x15: {  	[tilespmem:$0x18070] =	vst v0  }
0x16: {  	[tilespmem:$0x18080] =	vst v0  }
0x17: {  	[tilespmem:$0x18090] =	vst v0  }
0x18: {  	[tilespmem:$0x180A0] =	vst v0  }
0x19: {  	[tilespmem:$0x180B0] =	vst v0  }
0x1a: {  	[tilespmem:$0x180C0] =	vst v0  }
0x1b: {  	[tilespmem:$0x180D0] =	vst v0  }
0x1c: {  	[tilespmem:$0x180E0] =	vst v0  }
0x1d: {  	[tilespmem:$0x180F0] =	vst v0  }
0x1e: {  	[tilespmem:$0x18100] =	vst v0  }
0x1f: {  	[tilespmem:$0x18110] =	vst v0  }
0x20: {  	[tilespmem:$0x18120] =	vst v0  }
0x21: {  	[tilespmem:$0x18130] =	vst v0  }
0x22: {  	[tilespmem:$0x18140] =	vst v0  }
0x23: {  	[tilespmem:$0x18150] =	vst v0  }
0x24: {  	[tilespmem:$0x18160] =	vst v0  }
0x25: {  	[tilespmem:$0x18170] =	vst v0  }
0x26: {  	[tilespmem:$0x18180] =	vst v0  }
0x27: {  	[tilespmem:$0x18190] =	vst v0  }
0x28: {  	[tilespmem:$0x181A0] =	vst v0  }
0x29: {  	[tilespmem:$0x181B0] =	vst v0  }
0x2a: {  	[tilespmem:$0x181C0] =	vst v0  }
0x2b: {  	[tilespmem:$0x181D0] =	vst v0  }
0x2c: {  	[tilespmem:$0x181E0] =	vst v0  }
0x2d: {  	[tilespmem:$0x181F0] =	vst v0  }
0x2e: {  	[tilespmem:$0x18200] =	vst v0  }
0x2f: {  	[tilespmem:$0x18210] =	vst v0  }
0x30: {  	[tilespmem:$0x18220] =	vst v0  }
0x31: {  	[tilespmem:$0x18230] =	vst v0  }
0x32: {  	[tilespmem:$0x18240] =	vst v0  }
0x33: {  	[tilespmem:$0x18250] =	vst v0  }
0x34: {  	[tilespmem:$0x18260] =	vst v0  }
0x35: {  	[tilespmem:$0x18270] =	vst v0  }
0x36: {  	[tilespmem:$0x18280] =	vst v0  }
0x37: {  	[tilespmem:$0x18290] =	vst v0  }
0x38: {  	[tilespmem:$0x182A0] =	vst v0  }
0x39: {  	[tilespmem:$0x182B0] =	vst v0  }
0x3a: {  	[tilespmem:$0x182C0] =	vst v0  }
0x3b: {  	[tilespmem:$0x182D0] =	vst v0  }
0x3c: {  	[tilespmem:$0x182E0] =	vst v0  }
0x3d: {  	[tilespmem:$0x182F0] =	vst v0;
	s18 =	simm.s32 $0x0  }
0x3e: {  	[tilespmem:s3], [sflag:$0x1] =	stream.linear.gather [hbm4b:s5+s3], $0xC000, $0x38;
	[tilespmem:$0x18300] =	vst v63  }
.LBB2_2:
0x3f: {  	s19 =	sshll.u32 s18, $0x7  }
0x40: {  	s20 =	sor.u32 s19, s4  }
0x41: {  	s20 =	sshrl.u32 s20, $0x3  }
0x42: {  	s20 =	smul.u32 $0x300, s20;
	_ =	sdelay $0x1  }
0x43: {  	s21 =	simm.s32 $0x0;
	s20 =	sadd.s32 s9, s20  }
0x44: {  	[tilespmem:s10], [sflag:$0x2] =	stream.linear.gather [hbm4b:s20+s21], $0xC000, $0x38;
	[tilespmem:$0x18300] =	vst v63  }
0x45: {  	_ =	swait.ge [sflag:s11], $0xC000  }
0x46: {  	[sflag:s11] =	ssyncset.done $0x0  }
0x47: {  	[sflag:s11] =	ssyncadd.s32 $0xFFFF4000  }
0x48: {  	v13 =	vld [tilespmem:$0x18000]  }
0x49: {  	v14 =	vld [tilespmem:$0x18010]  }
0x4a: {  	v15 =	vld [tilespmem:$0x18020]  }
0x4b: {  	s31 =	simm.s32 $0x0;
	v16 =	vld [tilespmem:$0x18030]  }
0x4c: {  	s20 =	smul.u32 $0x6000, s31;
	v5 =	vld [tilespmem:$0x18040]  }
0x4d: {  	v6 =	vld [tilespmem:$0x18050]  }
0x4e: {  	s22 =	sand.u32 $0x200, s21;
	s20 =	sshra.s32 s20, $0x2;
	v3 =	vld [tilespmem:$0x18060]  }
0x4f: {  	s20 =	sor.u32 s22, s20;
	v4 =	vld [tilespmem:$0x18070]  }
0x50: {  	v9 =	vld [tilespmem:s20+$0x180]  }
0x51: {  	v11 =	vld [tilespmem:s20+$0x190]  }
0x52: {  	v10 =	vld [tilespmem:s20+$0x1A0]  }
0x53: {  	v12 =	vld [tilespmem:s20+$0x1B0]  }
0x54: {  	v1 =	vld [tilespmem:s20+$0x1C0]  }
0x55: {  	v2 =	vld [tilespmem:s20+$0x1D0]  }
0x56: {  	v19 =	vld [tilespmem:s20+$0x100]  }
0x57: {  	v21 =	vld [tilespmem:s20+$0x110]  }
0x58: {  	v18 =	vld [tilespmem:s20+$0x120]  }
0x59: {  	v20 =	vld [tilespmem:s20+$0x130]  }
0x5a: {  	v7 =	vld [tilespmem:s20+$0x140]  }
0x5b: {  	v8 =	vld [tilespmem:s20+$0x150]  }
0x5c: {  	v22 =	vld [tilespmem:s20+$0x80]  }
0x5d: {  	v23 =	vld [tilespmem:s20+$0x90]  }
0x5e: {  	v27 =	vld [tilespmem:s20+$0x0]  }
0x5f: {  	v29 =	vld [tilespmem:s20+$0x10]  }
0x60: {  	v26 =	vld [tilespmem:s20+$0x20]  }
0x61: {  	v28 =	vld [tilespmem:s20+$0x30]  }
0x62: {  	v24 =	vld [tilespmem:s20+$0xA0]  }
0x63: {  	v25 =	vld [tilespmem:s20+$0xB0]  }
0x64: {  	s22 =	simm.s32 $0x1;
	v17 =	vld [tilespmem:s20+$0xC0]  }
.LBB2_3:
0x65: {  	p0 =	sne.s32 s22, $0xF;
	v13 =	vadd.f32 v27, v13;
	v14 =	vadd.f32 v29, v14;
	v27 =	vld [tilespmem:s20+$0xD0]  }
0x66: {  	v15 =	vadd.f32 v26, v15;
	v16 =	vadd.f32 v28, v16;
	v26 =	vld [tilespmem:s20+$0x40]  }
0x67: {  	v28 =	vld [tilespmem:s20+$0x50];
	v13 =	vadd.f32 v22, v13;
	v14 =	vadd.f32 v23, v14  }
0x68: {  	v15 =	vadd.f32 v24, v15;
	v22 =	vld [tilespmem:s20+$0x60];
	v16 =	vadd.f32 v25, v16  }
0x69: {  	v23 =	vld [tilespmem:s20+$0x70];
	v13 =	vadd.f32 v19, v13;
	v14 =	vadd.f32 v21, v14  }
0x6a: {  	v15 =	vadd.f32 v18, v15;
	v19 =	vld [tilespmem:s20+$0xE0];
	v16 =	vadd.f32 v20, v16  }
0x6b: {  	s23 =	sshrl.u32 s22, $0x1;
	v18 =	vld [tilespmem:s20+$0xF0];
	v13 =	vadd.f32 v9, v13;
	v14 =	vadd.f32 v11, v14  }
0x6c: {  	s23 =	smul.u32 $0x6000, s23;
	v15 =	vadd.f32 v10, v15;
	v20 =	vld [tilespmem:s20+$0x160];
	v16 =	vadd.f32 v12, v16  }
0x6d: {  	s21 =	sadd.s32 $0x200, s21;
	v5 =	vadd.f32 v26, v5;
	v6 =	vadd.f32 v28, v6;
	v12 =	vld [tilespmem:s20+$0x170]  }
0x6e: {  	s24 =	sand.u32 $0x200, s21;
	s23 =	sshra.s32 s23, $0x2;
	v3 =	vadd.f32 v22, v3;
	v4 =	vadd.f32 v23, v4;
	v21 =	vld [tilespmem:s20+$0x1E0]  }
0x6f: {  	v5 =	vadd.f32 v17, v5;
	v6 =	vadd.f32 v27, v6;
	v17 =	vld [tilespmem:s20+$0x1F0];
	s20 =	sor.u32 s24, s23  }
0x70: {  	v3 =	vadd.f32 v19, v3;
	v9 =	vld [tilespmem:s20+$0x180];
	v4 =	vadd.f32 v18, v4  }
0x71: {  	v5 =	vadd.f32 v7, v5;
	v6 =	vadd.f32 v8, v6;
	v11 =	vld [tilespmem:s20+$0x190]  }
0x72: {  	v3 =	vadd.f32 v20, v3;
	v10 =	vld [tilespmem:s20+$0x1A0];
	v4 =	vadd.f32 v12, v4  }
0x73: {  	v5 =	vadd.f32 v1, v5;
	v6 =	vadd.f32 v2, v6;
	v12 =	vld [tilespmem:s20+$0x1B0]  }
0x74: {  	v3 =	vadd.f32 v21, v3;
	v1 =	vld [tilespmem:s20+$0x1C0];
	v4 =	vadd.f32 v17, v4  }
0x75: {  	v2 =	vld [tilespmem:s20+$0x1D0]  }
0x76: {  	v19 =	vld [tilespmem:s20+$0x100]  }
0x77: {  	v21 =	vld [tilespmem:s20+$0x110]  }
0x78: {  	v18 =	vld [tilespmem:s20+$0x120]  }
0x79: {  	v20 =	vld [tilespmem:s20+$0x130]  }
0x7a: {  	v7 =	vld [tilespmem:s20+$0x140]  }
0x7b: {  	v8 =	vld [tilespmem:s20+$0x150]  }
0x7c: {  	v22 =	vld [tilespmem:s20+$0x80]  }
0x7d: {  	v23 =	vld [tilespmem:s20+$0x90]  }
0x7e: {  	v27 =	vld [tilespmem:s20+$0x0]  }
0x7f: {  	v29 =	vld [tilespmem:s20+$0x10]  }
.Ltmp0:
0x80: {  	v26 =	vld [tilespmem:s20+$0x20];
	(pc) =	sbr.rel @p0 .LBB2_3-.Ltmp0, $4  }
0x81: {  	v28 =	vld [tilespmem:s20+$0x30]  }
0x82: {  	v24 =	vld [tilespmem:s20+$0xA0]  }
0x83: {  	v25 =	vld [tilespmem:s20+$0xB0]  }
0x84: {  	s22 =	sadd.s32 $0x1, s22;
	v17 =	vld [tilespmem:s20+$0xC0]  }
0x85: {  	v13 =	vadd.f32 v27, v13;
	v14 =	vadd.f32 v29, v14;
	v27 =	vld [tilespmem:s20+$0xD0]  }
0x86: {  	v15 =	vadd.f32 v26, v15;
	v26 =	vld [tilespmem:s20+$0x40];
	v16 =	vadd.f32 v28, v16  }
0x87: {  	v28 =	vld [tilespmem:s20+$0x50];
	v13 =	vadd.f32 v22, v13;
	v14 =	vadd.f32 v23, v14  }
0x88: {  	v22 =	vld [tilespmem:s20+$0x60];
	v15 =	vadd.f32 v24, v15;
	v16 =	vadd.f32 v25, v16  }
0x89: {  	v23 =	vld [tilespmem:s20+$0x70];
	v13 =	vadd.f32 v19, v13;
	v14 =	vadd.f32 v21, v14  }
0x8a: {  	v19 =	vld [tilespmem:s20+$0xE0];
	v15 =	vadd.f32 v18, v15;
	v16 =	vadd.f32 v20, v16  }
0x8b: {  	v18 =	vld [tilespmem:s20+$0xF0];
	v5 =	vadd.f32 v26, v5;
	v9 =	vadd.f32 v9, v13  }
0x8c: {  	v11 =	vadd.f32 v11, v14;
	v13 =	vld [tilespmem:s20+$0x160];
	v10 =	vadd.f32 v10, v15  }
0x8d: {  	v6 =	vadd.f32 v28, v6;
	v14 =	vld [tilespmem:s20+$0x170];
	v12 =	vadd.f32 v12, v16  }
0x8e: {  	v15 =	vld [tilespmem:s20+$0x1E0];
	v3 =	vadd.f32 v22, v3;
	v5 =	vadd.f32 v17, v5  }
0x8f: {  	v4 =	vadd.f32 v23, v4;
	v16 =	vld [tilespmem:s20+$0x1F0];
	v6 =	vadd.f32 v27, v6  }
0x90: {  	[tilespmem:$0x18000] =	vst v9;
	v9 =	vld [tilespmem:$0x18090];
	v3 =	vadd.f32 v19, v3;
	v5 =	vadd.f32 v7, v5  }
0x91: {  	[tilespmem:$0x18010] =	vst v11;
	v11 =	vld [tilespmem:$0x180A0];
	v4 =	vadd.f32 v18, v4;
	v6 =	vadd.f32 v8, v6  }
0x92: {  	[tilespmem:$0x18020] =	vst v10;
	v7 =	vld [tilespmem:$0x18080];
	v3 =	vadd.f32 v13, v3;
	v1 =	vadd.f32 v1, v5  }
0x93: {  	s31 =	simm.s32 $0x0;
	[tilespmem:$0x18030] =	vst v12;
	v4 =	vadd.f32 v14, v4;
	v13 =	vld [tilespmem:$0x180B0];
	v2 =	vadd.f32 v2, v6  }
0x94: {  	s20 =	smul.u32 $0x6000, s31;
	v6 =	vld [tilespmem:$0x180D0];
	v5 =	vadd.f32 v15, v3;
	[tilespmem:$0x18040] =	vst v1  }
0x95: {  	s21 =	simm.s32 $0x0;
	v3 =	vld [tilespmem:$0x180C0];
	v1 =	vadd.f32 v16, v4;
	[tilespmem:$0x18050] =	vst v2  }
0x96: {  	s22 =	sand.u32 $0x200, s21;
	s20 =	sshra.s32 s20, $0x2;
	v4 =	vld [tilespmem:$0x180E0];
	[tilespmem:$0x18060] =	vst v5  }
0x97: {  	s20 =	sor.u32 s22, s20;
	[tilespmem:$0x18070] =	vst v1;
	v5 =	vld [tilespmem:$0x180F0]  }
0x98: {  	v12 =	vld [tilespmem:s20+$0x580]  }
0x99: {  	v15 =	vld [tilespmem:s20+$0x590]  }
0x9a: {  	v14 =	vld [tilespmem:s20+$0x5A0]  }
0x9b: {  	v16 =	vld [tilespmem:s20+$0x5B0]  }
0x9c: {  	v1 =	vld [tilespmem:s20+$0x5C0]  }
0x9d: {  	v2 =	vld [tilespmem:s20+$0x5D0]  }
0x9e: {  	v19 =	vld [tilespmem:s20+$0x500]  }
0x9f: {  	v21 =	vld [tilespmem:s20+$0x510]  }
0xa0: {  	v18 =	vld [tilespmem:s20+$0x520]  }
0xa1: {  	v20 =	vld [tilespmem:s20+$0x530]  }
0xa2: {  	v10 =	vld [tilespmem:s20+$0x540]  }
0xa3: {  	v8 =	vld [tilespmem:s20+$0x550]  }
0xa4: {  	v22 =	vld [tilespmem:s20+$0x480]  }
0xa5: {  	v23 =	vld [tilespmem:s20+$0x490]  }
0xa6: {  	v27 =	vld [tilespmem:s20+$0x400]  }
0xa7: {  	v29 =	vld [tilespmem:s20+$0x410]  }
0xa8: {  	v26 =	vld [tilespmem:s20+$0x420]  }
0xa9: {  	v28 =	vld [tilespmem:s20+$0x430]  }
0xaa: {  	v24 =	vld [tilespmem:s20+$0x4A0]  }
0xab: {  	v25 =	vld [tilespmem:s20+$0x4B0]  }
0xac: {  	s22 =	simm.s32 $0x1;
	v17 =	vld [tilespmem:s20+$0x4C0]  }
.LBB2_5:
0xad: {  	p0 =	sne.s32 s22, $0xF;
	v7 =	vadd.f32 v27, v7;
	v9 =	vadd.f32 v29, v9;
	v27 =	vld [tilespmem:s20+$0x4D0]  }
0xae: {  	v11 =	vadd.f32 v26, v11;
	v13 =	vadd.f32 v28, v13;
	v26 =	vld [tilespmem:s20+$0x440]  }
0xaf: {  	v28 =	vld [tilespmem:s20+$0x450];
	v7 =	vadd.f32 v22, v7;
	v9 =	vadd.f32 v23, v9  }
0xb0: {  	v11 =	vadd.f32 v24, v11;
	v22 =	vld [tilespmem:s20+$0x460];
	v13 =	vadd.f32 v25, v13  }
0xb1: {  	v23 =	vld [tilespmem:s20+$0x470];
	v7 =	vadd.f32 v19, v7;
	v9 =	vadd.f32 v21, v9  }
0xb2: {  	v11 =	vadd.f32 v18, v11;
	v19 =	vld [tilespmem:s20+$0x4E0];
	v13 =	vadd.f32 v20, v13  }
0xb3: {  	s23 =	sshrl.u32 s22, $0x1;
	v18 =	vld [tilespmem:s20+$0x4F0];
	v7 =	vadd.f32 v12, v7;
	v9 =	vadd.f32 v15, v9  }
0xb4: {  	s23 =	smul.u32 $0x6000, s23;
	v11 =	vadd.f32 v14, v11;
	v20 =	vld [tilespmem:s20+$0x560];
	v13 =	vadd.f32 v16, v13  }
0xb5: {  	s21 =	sadd.s32 $0x200, s21;
	v3 =	vadd.f32 v26, v3;
	v6 =	vadd.f32 v28, v6;
	v16 =	vld [tilespmem:s20+$0x570]  }
0xb6: {  	s24 =	sand.u32 $0x200, s21;
	s23 =	sshra.s32 s23, $0x2;
	v4 =	vadd.f32 v22, v4;
	v5 =	vadd.f32 v23, v5;
	v21 =	vld [tilespmem:s20+$0x5E0]  }
0xb7: {  	v3 =	vadd.f32 v17, v3;
	v6 =	vadd.f32 v27, v6;
	v17 =	vld [tilespmem:s20+$0x5F0];
	s20 =	sor.u32 s24, s23  }
0xb8: {  	v4 =	vadd.f32 v19, v4;
	v12 =	vld [tilespmem:s20+$0x580];
	v5 =	vadd.f32 v18, v5  }
0xb9: {  	v3 =	vadd.f32 v10, v3;
	v6 =	vadd.f32 v8, v6;
	v15 =	vld [tilespmem:s20+$0x590]  }
0xba: {  	v4 =	vadd.f32 v20, v4;
	v14 =	vld [tilespmem:s20+$0x5A0];
	v5 =	vadd.f32 v16, v5  }
0xbb: {  	v3 =	vadd.f32 v1, v3;
	v6 =	vadd.f32 v2, v6;
	v16 =	vld [tilespmem:s20+$0x5B0]  }
0xbc: {  	v4 =	vadd.f32 v21, v4;
	v1 =	vld [tilespmem:s20+$0x5C0];
	v5 =	vadd.f32 v17, v5  }
0xbd: {  	v2 =	vld [tilespmem:s20+$0x5D0]  }
0xbe: {  	v19 =	vld [tilespmem:s20+$0x500]  }
0xbf: {  	v21 =	vld [tilespmem:s20+$0x510]  }
0xc0: {  	v18 =	vld [tilespmem:s20+$0x520]  }
0xc1: {  	v20 =	vld [tilespmem:s20+$0x530]  }
0xc2: {  	v10 =	vld [tilespmem:s20+$0x540]  }
0xc3: {  	v8 =	vld [tilespmem:s20+$0x550]  }
0xc4: {  	v22 =	vld [tilespmem:s20+$0x480]  }
0xc5: {  	v23 =	vld [tilespmem:s20+$0x490]  }
0xc6: {  	v27 =	vld [tilespmem:s20+$0x400]  }
0xc7: {  	v29 =	vld [tilespmem:s20+$0x410]  }
.Ltmp1:
0xc8: {  	v26 =	vld [tilespmem:s20+$0x420];
	(pc) =	sbr.rel @p0 .LBB2_5-.Ltmp1, $4  }
0xc9: {  	v28 =	vld [tilespmem:s20+$0x430]  }
0xca: {  	v24 =	vld [tilespmem:s20+$0x4A0]  }
0xcb: {  	v25 =	vld [tilespmem:s20+$0x4B0]  }
0xcc: {  	s22 =	sadd.s32 $0x1, s22;
	v17 =	vld [tilespmem:s20+$0x4C0]  }
0xcd: {  	v7 =	vadd.f32 v27, v7;
	v9 =	vadd.f32 v29, v9;
	v27 =	vld [tilespmem:s20+$0x4D0]  }
0xce: {  	v11 =	vadd.f32 v26, v11;
	v26 =	vld [tilespmem:s20+$0x440];
	v13 =	vadd.f32 v28, v13  }
0xcf: {  	v28 =	vld [tilespmem:s20+$0x450];
	v7 =	vadd.f32 v22, v7;
	v9 =	vadd.f32 v23, v9  }
0xd0: {  	v22 =	vld [tilespmem:s20+$0x460];
	v11 =	vadd.f32 v24, v11;
	v13 =	vadd.f32 v25, v13  }
0xd1: {  	v23 =	vld [tilespmem:s20+$0x470];
	v7 =	vadd.f32 v19, v7;
	v9 =	vadd.f32 v21, v9  }
0xd2: {  	v19 =	vld [tilespmem:s20+$0x4E0];
	v11 =	vadd.f32 v18, v11;
	v13 =	vadd.f32 v20, v13  }
0xd3: {  	v18 =	vld [tilespmem:s20+$0x4F0];
	v3 =	vadd.f32 v26, v3;
	v7 =	vadd.f32 v12, v7  }
0xd4: {  	v9 =	vadd.f32 v15, v9;
	v12 =	vld [tilespmem:s20+$0x560];
	v11 =	vadd.f32 v14, v11  }
0xd5: {  	v6 =	vadd.f32 v28, v6;
	v14 =	vld [tilespmem:s20+$0x570];
	v13 =	vadd.f32 v16, v13  }
0xd6: {  	v15 =	vld [tilespmem:s20+$0x5E0];
	v4 =	vadd.f32 v22, v4;
	v3 =	vadd.f32 v17, v3  }
0xd7: {  	v5 =	vadd.f32 v23, v5;
	v16 =	vld [tilespmem:s20+$0x5F0];
	v6 =	vadd.f32 v27, v6  }
0xd8: {  	[tilespmem:$0x18080] =	vst v7;
	v7 =	vld [tilespmem:$0x18100];
	v4 =	vadd.f32 v19, v4;
	v3 =	vadd.f32 v10, v3  }
0xd9: {  	[tilespmem:$0x18090] =	vst v9;
	v9 =	vld [tilespmem:$0x18110];
	v5 =	vadd.f32 v18, v5;
	v6 =	vadd.f32 v8, v6  }
0xda: {  	[tilespmem:$0x180A0] =	vst v11;
	v11 =	vld [tilespmem:$0x18120];
	v4 =	vadd.f32 v12, v4;
	v1 =	vadd.f32 v1, v3  }
0xdb: {  	s31 =	simm.s32 $0x0;
	[tilespmem:$0x180B0] =	vst v13;
	v13 =	vld [tilespmem:$0x18130];
	v5 =	vadd.f32 v14, v5;
	v2 =	vadd.f32 v2, v6  }
0xdc: {  	s20 =	smul.u32 $0x6000, s31;
	v3 =	vld [tilespmem:$0x18140];
	v4 =	vadd.f32 v15, v4;
	[tilespmem:$0x180C0] =	vst v1  }
0xdd: {  	s21 =	simm.s32 $0x0;
	v6 =	vld [tilespmem:$0x18150];
	v1 =	vadd.f32 v16, v5;
	[tilespmem:$0x180D0] =	vst v2  }
0xde: {  	s22 =	sand.u32 $0x200, s21;
	s20 =	sshra.s32 s20, $0x2;
	v5 =	vld [tilespmem:$0x18170];
	[tilespmem:$0x180E0] =	vst v4  }
0xdf: {  	s20 =	sor.u32 s22, s20;
	v4 =	vld [tilespmem:$0x18160];
	[tilespmem:$0x180F0] =	vst v1  }
0xe0: {  	v12 =	vld [tilespmem:s20+$0x980]  }
0xe1: {  	v15 =	vld [tilespmem:s20+$0x990]  }
0xe2: {  	v14 =	vld [tilespmem:s20+$0x9A0]  }
0xe3: {  	v16 =	vld [tilespmem:s20+$0x9B0]  }
0xe4: {  	v1 =	vld [tilespmem:s20+$0x9C0]  }
0xe5: {  	v2 =	vld [tilespmem:s20+$0x9D0]  }
0xe6: {  	v19 =	vld [tilespmem:s20+$0x900]  }
0xe7: {  	v21 =	vld [tilespmem:s20+$0x910]  }
0xe8: {  	v18 =	vld [tilespmem:s20+$0x920]  }
0xe9: {  	v20 =	vld [tilespmem:s20+$0x930]  }
0xea: {  	v10 =	vld [tilespmem:s20+$0x940]  }
0xeb: {  	v8 =	vld [tilespmem:s20+$0x950]  }
0xec: {  	v22 =	vld [tilespmem:s20+$0x880]  }
0xed: {  	v23 =	vld [tilespmem:s20+$0x890]  }
0xee: {  	v27 =	vld [tilespmem:s20+$0x800]  }
0xef: {  	v29 =	vld [tilespmem:s20+$0x810]  }
0xf0: {  	v26 =	vld [tilespmem:s20+$0x820]  }
0xf1: {  	v28 =	vld [tilespmem:s20+$0x830]  }
0xf2: {  	v24 =	vld [tilespmem:s20+$0x8A0]  }
0xf3: {  	v25 =	vld [tilespmem:s20+$0x8B0]  }
0xf4: {  	s22 =	simm.s32 $0x1;
	v17 =	vld [tilespmem:s20+$0x8C0]  }
.LBB2_7:
0xf5: {  	p0 =	sne.s32 s22, $0xF;
	v7 =	vadd.f32 v27, v7;
	v9 =	vadd.f32 v29, v9;
	v27 =	vld [tilespmem:s20+$0x8D0]  }
0xf6: {  	v11 =	vadd.f32 v26, v11;
	v13 =	vadd.f32 v28, v13;
	v26 =	vld [tilespmem:s20+$0x840]  }
0xf7: {  	v28 =	vld [tilespmem:s20+$0x850];
	v7 =	vadd.f32 v22, v7;
	v9 =	vadd.f32 v23, v9  }
0xf8: {  	v11 =	vadd.f32 v24, v11;
	v22 =	vld [tilespmem:s20+$0x860];
	v13 =	vadd.f32 v25, v13  }
0xf9: {  	v23 =	vld [tilespmem:s20+$0x870];
	v7 =	vadd.f32 v19, v7;
	v9 =	vadd.f32 v21, v9  }
0xfa: {  	v11 =	vadd.f32 v18, v11;
	v19 =	vld [tilespmem:s20+$0x8E0];
	v13 =	vadd.f32 v20, v13  }
0xfb: {  	s23 =	sshrl.u32 s22, $0x1;
	v18 =	vld [tilespmem:s20+$0x8F0];
	v7 =	vadd.f32 v12, v7;
	v9 =	vadd.f32 v15, v9  }
0xfc: {  	s23 =	smul.u32 $0x6000, s23;
	v11 =	vadd.f32 v14, v11;
	v20 =	vld [tilespmem:s20+$0x960];
	v13 =	vadd.f32 v16, v13  }
0xfd: {  	s21 =	sadd.s32 $0x200, s21;
	v3 =	vadd.f32 v26, v3;
	v6 =	vadd.f32 v28, v6;
	v16 =	vld [tilespmem:s20+$0x970]  }
0xfe: {  	s24 =	sand.u32 $0x200, s21;
	s23 =	sshra.s32 s23, $0x2;
	v4 =	vadd.f32 v22, v4;
	v5 =	vadd.f32 v23, v5;
	v21 =	vld [tilespmem:s20+$0x9E0]  }
0xff: {  	v3 =	vadd.f32 v17, v3;
	v6 =	vadd.f32 v27, v6;
	v17 =	vld [tilespmem:s20+$0x9F0];
	s20 =	sor.u32 s24, s23  }
0x100: {  	v4 =	vadd.f32 v19, v4;
	v12 =	vld [tilespmem:s20+$0x980];
	v5 =	vadd.f32 v18, v5  }
0x101: {  	v3 =	vadd.f32 v10, v3;
	v6 =	vadd.f32 v8, v6;
	v15 =	vld [tilespmem:s20+$0x990]  }
0x102: {  	v4 =	vadd.f32 v20, v4;
	v14 =	vld [tilespmem:s20+$0x9A0];
	v5 =	vadd.f32 v16, v5  }
0x103: {  	v3 =	vadd.f32 v1, v3;
	v6 =	vadd.f32 v2, v6;
	v16 =	vld [tilespmem:s20+$0x9B0]  }
0x104: {  	v4 =	vadd.f32 v21, v4;
	v1 =	vld [tilespmem:s20+$0x9C0];
	v5 =	vadd.f32 v17, v5  }
0x105: {  	v2 =	vld [tilespmem:s20+$0x9D0]  }
0x106: {  	v19 =	vld [tilespmem:s20+$0x900]  }
0x107: {  	v21 =	vld [tilespmem:s20+$0x910]  }
0x108: {  	v18 =	vld [tilespmem:s20+$0x920]  }
0x109: {  	v20 =	vld [tilespmem:s20+$0x930]  }
0x10a: {  	v10 =	vld [tilespmem:s20+$0x940]  }
0x10b: {  	v8 =	vld [tilespmem:s20+$0x950]  }
0x10c: {  	v22 =	vld [tilespmem:s20+$0x880]  }
0x10d: {  	v23 =	vld [tilespmem:s20+$0x890]  }
0x10e: {  	v27 =	vld [tilespmem:s20+$0x800]  }
0x10f: {  	v29 =	vld [tilespmem:s20+$0x810]  }
.Ltmp2:
0x110: {  	v26 =	vld [tilespmem:s20+$0x820];
	(pc) =	sbr.rel @p0 .LBB2_7-.Ltmp2, $4  }
0x111: {  	v28 =	vld [tilespmem:s20+$0x830]  }
0x112: {  	v24 =	vld [tilespmem:s20+$0x8A0]  }
0x113: {  	v25 =	vld [tilespmem:s20+$0x8B0]  }
0x114: {  	s22 =	sadd.s32 $0x1, s22;
	v17 =	vld [tilespmem:s20+$0x8C0]  }
0x115: {  	v7 =	vadd.f32 v27, v7;
	v9 =	vadd.f32 v29, v9;
	v27 =	vld [tilespmem:s20+$0x8D0]  }
0x116: {  	v11 =	vadd.f32 v26, v11;
	v26 =	vld [tilespmem:s20+$0x840];
	v13 =	vadd.f32 v28, v13  }
0x117: {  	v28 =	vld [tilespmem:s20+$0x850];
	v7 =	vadd.f32 v22, v7;
	v9 =	vadd.f32 v23, v9  }
0x118: {  	v22 =	vld [tilespmem:s20+$0x860];
	v11 =	vadd.f32 v24, v11;
	v13 =	vadd.f32 v25, v13  }
0x119: {  	v23 =	vld [tilespmem:s20+$0x870];
	v7 =	vadd.f32 v19, v7;
	v9 =	vadd.f32 v21, v9  }
0x11a: {  	v19 =	vld [tilespmem:s20+$0x8E0];
	v11 =	vadd.f32 v18, v11;
	v13 =	vadd.f32 v20, v13  }
0x11b: {  	v18 =	vld [tilespmem:s20+$0x8F0];
	v3 =	vadd.f32 v26, v3;
	v7 =	vadd.f32 v12, v7  }
0x11c: {  	v9 =	vadd.f32 v15, v9;
	v12 =	vld [tilespmem:s20+$0x960];
	v11 =	vadd.f32 v14, v11  }
0x11d: {  	v6 =	vadd.f32 v28, v6;
	v14 =	vld [tilespmem:s20+$0x970];
	v13 =	vadd.f32 v16, v13  }
0x11e: {  	v15 =	vld [tilespmem:s20+$0x9E0];
	v4 =	vadd.f32 v22, v4;
	v3 =	vadd.f32 v17, v3  }
0x11f: {  	v5 =	vadd.f32 v23, v5;
	v16 =	vld [tilespmem:s20+$0x9F0];
	v6 =	vadd.f32 v27, v6  }
0x120: {  	[tilespmem:$0x18100] =	vst v7;
	v7 =	vld [tilespmem:$0x18180];
	v4 =	vadd.f32 v19, v4;
	v3 =	vadd.f32 v10, v3  }
0x121: {  	[tilespmem:$0x18110] =	vst v9;
	v9 =	vld [tilespmem:$0x18190];
	v5 =	vadd.f32 v18, v5;
	v6 =	vadd.f32 v8, v6  }
0x122: {  	[tilespmem:$0x18120] =	vst v11;
	v11 =	vld [tilespmem:$0x181A0];
	v4 =	vadd.f32 v12, v4;
	v1 =	vadd.f32 v1, v3  }
0x123: {  	s31 =	simm.s32 $0x0;
	[tilespmem:$0x18130] =	vst v13;
	v13 =	vld [tilespmem:$0x181B0];
	v5 =	vadd.f32 v14, v5;
	v2 =	vadd.f32 v2, v6  }
0x124: {  	s20 =	smul.u32 $0x6000, s31;
	v3 =	vld [tilespmem:$0x181C0];
	v4 =	vadd.f32 v15, v4;
	[tilespmem:$0x18140] =	vst v1  }
0x125: {  	s21 =	simm.s32 $0x0;
	v6 =	vld [tilespmem:$0x181D0];
	v1 =	vadd.f32 v16, v5;
	[tilespmem:$0x18150] =	vst v2  }
0x126: {  	s22 =	sand.u32 $0x200, s21;
	s20 =	sshra.s32 s20, $0x2;
	v5 =	vld [tilespmem:$0x181F0];
	[tilespmem:$0x18160] =	vst v4  }
0x127: {  	s20 =	sor.u32 s22, s20;
	v4 =	vld [tilespmem:$0x181E0];
	[tilespmem:$0x18170] =	vst v1  }
0x128: {  	v12 =	vld [tilespmem:s20+$0xD80]  }
0x129: {  	v15 =	vld [tilespmem:s20+$0xD90]  }
0x12a: {  	v14 =	vld [tilespmem:s20+$0xDA0]  }
0x12b: {  	v16 =	vld [tilespmem:s20+$0xDB0]  }
0x12c: {  	v1 =	vld [tilespmem:s20+$0xDC0]  }
0x12d: {  	v2 =	vld [tilespmem:s20+$0xDD0]  }
0x12e: {  	v19 =	vld [tilespmem:s20+$0xD00]  }
0x12f: {  	v21 =	vld [tilespmem:s20+$0xD10]  }
0x130: {  	v18 =	vld [tilespmem:s20+$0xD20]  }
0x131: {  	v20 =	vld [tilespmem:s20+$0xD30]  }
0x132: {  	v10 =	vld [tilespmem:s20+$0xD40]  }
0x133: {  	v8 =	vld [tilespmem:s20+$0xD50]  }
0x134: {  	v22 =	vld [tilespmem:s20+$0xC80]  }
0x135: {  	v23 =	vld [tilespmem:s20+$0xC90]  }
0x136: {  	v27 =	vld [tilespmem:s20+$0xC00]  }
0x137: {  	v29 =	vld [tilespmem:s20+$0xC10]  }
0x138: {  	v26 =	vld [tilespmem:s20+$0xC20]  }
0x139: {  	v28 =	vld [tilespmem:s20+$0xC30]  }
0x13a: {  	v24 =	vld [tilespmem:s20+$0xCA0]  }
0x13b: {  	v25 =	vld [tilespmem:s20+$0xCB0]  }
0x13c: {  	s22 =	simm.s32 $0x1;
	v17 =	vld [tilespmem:s20+$0xCC0]  }
.LBB2_9:
0x13d: {  	p0 =	sne.s32 s22, $0xF;
	v7 =	vadd.f32 v27, v7;
	v9 =	vadd.f32 v29, v9;
	v27 =	vld [tilespmem:s20+$0xCD0]  }
0x13e: {  	v11 =	vadd.f32 v26, v11;
	v13 =	vadd.f32 v28, v13;
	v26 =	vld [tilespmem:s20+$0xC40]  }
0x13f: {  	v28 =	vld [tilespmem:s20+$0xC50];
	v7 =	vadd.f32 v22, v7;
	v9 =	vadd.f32 v23, v9  }
0x140: {  	v11 =	vadd.f32 v24, v11;
	v22 =	vld [tilespmem:s20+$0xC60];
	v13 =	vadd.f32 v25, v13  }
0x141: {  	v23 =	vld [tilespmem:s20+$0xC70];
	v7 =	vadd.f32 v19, v7;
	v9 =	vadd.f32 v21, v9  }
0x142: {  	v11 =	vadd.f32 v18, v11;
	v19 =	vld [tilespmem:s20+$0xCE0];
	v13 =	vadd.f32 v20, v13  }
0x143: {  	s23 =	sshrl.u32 s22, $0x1;
	v18 =	vld [tilespmem:s20+$0xCF0];
	v7 =	vadd.f32 v12, v7;
	v9 =	vadd.f32 v15, v9  }
0x144: {  	s23 =	smul.u32 $0x6000, s23;
	v11 =	vadd.f32 v14, v11;
	v20 =	vld [tilespmem:s20+$0xD60];
	v13 =	vadd.f32 v16, v13  }
0x145: {  	s21 =	sadd.s32 $0x200, s21;
	v3 =	vadd.f32 v26, v3;
	v6 =	vadd.f32 v28, v6;
	v16 =	vld [tilespmem:s20+$0xD70]  }
0x146: {  	s24 =	sand.u32 $0x200, s21;
	s23 =	sshra.s32 s23, $0x2;
	v4 =	vadd.f32 v22, v4;
	v5 =	vadd.f32 v23, v5;
	v21 =	vld [tilespmem:s20+$0xDE0]  }
0x147: {  	v3 =	vadd.f32 v17, v3;
	v6 =	vadd.f32 v27, v6;
	v17 =	vld [tilespmem:s20+$0xDF0];
	s20 =	sor.u32 s24, s23  }
0x148: {  	v4 =	vadd.f32 v19, v4;
	v12 =	vld [tilespmem:s20+$0xD80];
	v5 =	vadd.f32 v18, v5  }
0x149: {  	v3 =	vadd.f32 v10, v3;
	v6 =	vadd.f32 v8, v6;
	v15 =	vld [tilespmem:s20+$0xD90]  }
0x14a: {  	v4 =	vadd.f32 v20, v4;
	v14 =	vld [tilespmem:s20+$0xDA0];
	v5 =	vadd.f32 v16, v5  }
0x14b: {  	v3 =	vadd.f32 v1, v3;
	v6 =	vadd.f32 v2, v6;
	v16 =	vld [tilespmem:s20+$0xDB0]  }
0x14c: {  	v4 =	vadd.f32 v21, v4;
	v1 =	vld [tilespmem:s20+$0xDC0];
	v5 =	vadd.f32 v17, v5  }
0x14d: {  	v2 =	vld [tilespmem:s20+$0xDD0]  }
0x14e: {  	v19 =	vld [tilespmem:s20+$0xD00]  }
0x14f: {  	v21 =	vld [tilespmem:s20+$0xD10]  }
0x150: {  	v18 =	vld [tilespmem:s20+$0xD20]  }
0x151: {  	v20 =	vld [tilespmem:s20+$0xD30]  }
0x152: {  	v10 =	vld [tilespmem:s20+$0xD40]  }
0x153: {  	v8 =	vld [tilespmem:s20+$0xD50]  }
0x154: {  	v22 =	vld [tilespmem:s20+$0xC80]  }
0x155: {  	v23 =	vld [tilespmem:s20+$0xC90]  }
0x156: {  	v27 =	vld [tilespmem:s20+$0xC00]  }
0x157: {  	v29 =	vld [tilespmem:s20+$0xC10]  }
.Ltmp3:
0x158: {  	v26 =	vld [tilespmem:s20+$0xC20];
	(pc) =	sbr.rel @p0 .LBB2_9-.Ltmp3, $4  }
0x159: {  	v28 =	vld [tilespmem:s20+$0xC30]  }
0x15a: {  	v24 =	vld [tilespmem:s20+$0xCA0]  }
0x15b: {  	v25 =	vld [tilespmem:s20+$0xCB0]  }
0x15c: {  	s22 =	sadd.s32 $0x1, s22;
	v17 =	vld [tilespmem:s20+$0xCC0]  }
0x15d: {  	v7 =	vadd.f32 v27, v7;
	v9 =	vadd.f32 v29, v9;
	v27 =	vld [tilespmem:s20+$0xCD0]  }
0x15e: {  	v11 =	vadd.f32 v26, v11;
	v26 =	vld [tilespmem:s20+$0xC40];
	v13 =	vadd.f32 v28, v13  }
0x15f: {  	v28 =	vld [tilespmem:s20+$0xC50];
	v7 =	vadd.f32 v22, v7;
	v9 =	vadd.f32 v23, v9  }
0x160: {  	v22 =	vld [tilespmem:s20+$0xC60];
	v11 =	vadd.f32 v24, v11;
	v13 =	vadd.f32 v25, v13  }
0x161: {  	v23 =	vld [tilespmem:s20+$0xC70];
	v7 =	vadd.f32 v19, v7;
	v9 =	vadd.f32 v21, v9  }
0x162: {  	v19 =	vld [tilespmem:s20+$0xCE0];
	v11 =	vadd.f32 v18, v11;
	v13 =	vadd.f32 v20, v13  }
0x163: {  	v18 =	vld [tilespmem:s20+$0xCF0];
	v3 =	vadd.f32 v26, v3;
	v7 =	vadd.f32 v12, v7  }
0x164: {  	v9 =	vadd.f32 v15, v9;
	v12 =	vld [tilespmem:s20+$0xD60];
	v11 =	vadd.f32 v14, v11  }
0x165: {  	v6 =	vadd.f32 v28, v6;
	v14 =	vld [tilespmem:s20+$0xD70];
	v13 =	vadd.f32 v16, v13  }
0x166: {  	v15 =	vld [tilespmem:s20+$0xDE0];
	v4 =	vadd.f32 v22, v4;
	v3 =	vadd.f32 v17, v3  }
0x167: {  	v5 =	vadd.f32 v23, v5;
	v16 =	vld [tilespmem:s20+$0xDF0];
	v6 =	vadd.f32 v27, v6  }
0x168: {  	[tilespmem:$0x18180] =	vst v7;
	v7 =	vld [tilespmem:$0x18200];
	v4 =	vadd.f32 v19, v4;
	v3 =	vadd.f32 v10, v3  }
0x169: {  	[tilespmem:$0x18190] =	vst v9;
	v9 =	vld [tilespmem:$0x18210];
	v5 =	vadd.f32 v18, v5;
	v6 =	vadd.f32 v8, v6  }
0x16a: {  	[tilespmem:$0x181A0] =	vst v11;
	v11 =	vld [tilespmem:$0x18220];
	v4 =	vadd.f32 v12, v4;
	v1 =	vadd.f32 v1, v3  }
0x16b: {  	s31 =	simm.s32 $0x0;
	[tilespmem:$0x181B0] =	vst v13;
	v13 =	vld [tilespmem:$0x18230];
	v5 =	vadd.f32 v14, v5;
	v2 =	vadd.f32 v2, v6  }
0x16c: {  	s20 =	smul.u32 $0x6000, s31;
	v3 =	vld [tilespmem:$0x18240];
	v4 =	vadd.f32 v15, v4;
	[tilespmem:$0x181C0] =	vst v1  }
0x16d: {  	s21 =	simm.s32 $0x0;
	v6 =	vld [tilespmem:$0x18250];
	v1 =	vadd.f32 v16, v5;
	[tilespmem:$0x181D0] =	vst v2  }
0x16e: {  	s22 =	sand.u32 $0x200, s21;
	s20 =	sshra.s32 s20, $0x2;
	v5 =	vld [tilespmem:$0x18270];
	[tilespmem:$0x181E0] =	vst v4  }
0x16f: {  	s20 =	sor.u32 s22, s20;
	v4 =	vld [tilespmem:$0x18260];
	[tilespmem:$0x181F0] =	vst v1  }
0x170: {  	v12 =	vld [tilespmem:s20+$0x1180]  }
0x171: {  	v15 =	vld [tilespmem:s20+$0x1190]  }
0x172: {  	v14 =	vld [tilespmem:s20+$0x11A0]  }
0x173: {  	v16 =	vld [tilespmem:s20+$0x11B0]  }
0x174: {  	v1 =	vld [tilespmem:s20+$0x11C0]  }
0x175: {  	v2 =	vld [tilespmem:s20+$0x11D0]  }
0x176: {  	v19 =	vld [tilespmem:s20+$0x1100]  }
0x177: {  	v21 =	vld [tilespmem:s20+$0x1110]  }
0x178: {  	v18 =	vld [tilespmem:s20+$0x1120]  }
0x179: {  	v20 =	vld [tilespmem:s20+$0x1130]  }
0x17a: {  	v10 =	vld [tilespmem:s20+$0x1140]  }
0x17b: {  	v8 =	vld [tilespmem:s20+$0x1150]  }
0x17c: {  	v22 =	vld [tilespmem:s20+$0x1080]  }
0x17d: {  	v23 =	vld [tilespmem:s20+$0x1090]  }
0x17e: {  	v27 =	vld [tilespmem:s20+$0x1000]  }
0x17f: {  	v29 =	vld [tilespmem:s20+$0x1010]  }
0x180: {  	v26 =	vld [tilespmem:s20+$0x1020]  }
0x181: {  	v28 =	vld [tilespmem:s20+$0x1030]  }
0x182: {  	v24 =	vld [tilespmem:s20+$0x10A0]  }
0x183: {  	v25 =	vld [tilespmem:s20+$0x10B0]  }
0x184: {  	s22 =	simm.s32 $0x1;
	v17 =	vld [tilespmem:s20+$0x10C0]  }
.LBB2_11:
0x185: {  	p0 =	sne.s32 s22, $0xF;
	v7 =	vadd.f32 v27, v7;
	v9 =	vadd.f32 v29, v9;
	v27 =	vld [tilespmem:s20+$0x10D0]  }
0x186: {  	v11 =	vadd.f32 v26, v11;
	v13 =	vadd.f32 v28, v13;
	v26 =	vld [tilespmem:s20+$0x1040]  }
0x187: {  	v28 =	vld [tilespmem:s20+$0x1050];
	v7 =	vadd.f32 v22, v7;
	v9 =	vadd.f32 v23, v9  }
0x188: {  	v11 =	vadd.f32 v24, v11;
	v22 =	vld [tilespmem:s20+$0x1060];
	v13 =	vadd.f32 v25, v13  }
0x189: {  	v23 =	vld [tilespmem:s20+$0x1070];
	v7 =	vadd.f32 v19, v7;
	v9 =	vadd.f32 v21, v9  }
0x18a: {  	v11 =	vadd.f32 v18, v11;
	v19 =	vld [tilespmem:s20+$0x10E0];
	v13 =	vadd.f32 v20, v13  }
0x18b: {  	s23 =	sshrl.u32 s22, $0x1;
	v18 =	vld [tilespmem:s20+$0x10F0];
	v7 =	vadd.f32 v12, v7;
	v9 =	vadd.f32 v15, v9  }
0x18c: {  	s23 =	smul.u32 $0x6000, s23;
	v11 =	vadd.f32 v14, v11;
	v20 =	vld [tilespmem:s20+$0x1160];
	v13 =	vadd.f32 v16, v13  }
0x18d: {  	s21 =	sadd.s32 $0x200, s21;
	v3 =	vadd.f32 v26, v3;
	v6 =	vadd.f32 v28, v6;
	v16 =	vld [tilespmem:s20+$0x1170]  }
0x18e: {  	s24 =	sand.u32 $0x200, s21;
	s23 =	sshra.s32 s23, $0x2;
	v4 =	vadd.f32 v22, v4;
	v5 =	vadd.f32 v23, v5;
	v21 =	vld [tilespmem:s20+$0x11E0]  }
0x18f: {  	v3 =	vadd.f32 v17, v3;
	v6 =	vadd.f32 v27, v6;
	v17 =	vld [tilespmem:s20+$0x11F0];
	s20 =	sor.u32 s24, s23  }
0x190: {  	v4 =	vadd.f32 v19, v4;
	v12 =	vld [tilespmem:s20+$0x1180];
	v5 =	vadd.f32 v18, v5  }
0x191: {  	v3 =	vadd.f32 v10, v3;
	v6 =	vadd.f32 v8, v6;
	v15 =	vld [tilespmem:s20+$0x1190]  }
0x192: {  	v4 =	vadd.f32 v20, v4;
	v14 =	vld [tilespmem:s20+$0x11A0];
	v5 =	vadd.f32 v16, v5  }
0x193: {  	v3 =	vadd.f32 v1, v3;
	v6 =	vadd.f32 v2, v6;
	v16 =	vld [tilespmem:s20+$0x11B0]  }
0x194: {  	v4 =	vadd.f32 v21, v4;
	v1 =	vld [tilespmem:s20+$0x11C0];
	v5 =	vadd.f32 v17, v5  }
0x195: {  	v2 =	vld [tilespmem:s20+$0x11D0]  }
0x196: {  	v19 =	vld [tilespmem:s20+$0x1100]  }
0x197: {  	v21 =	vld [tilespmem:s20+$0x1110]  }
0x198: {  	v18 =	vld [tilespmem:s20+$0x1120]  }
0x199: {  	v20 =	vld [tilespmem:s20+$0x1130]  }
0x19a: {  	v10 =	vld [tilespmem:s20+$0x1140]  }
0x19b: {  	v8 =	vld [tilespmem:s20+$0x1150]  }
0x19c: {  	v22 =	vld [tilespmem:s20+$0x1080]  }
0x19d: {  	v23 =	vld [tilespmem:s20+$0x1090]  }
0x19e: {  	v27 =	vld [tilespmem:s20+$0x1000]  }
0x19f: {  	v29 =	vld [tilespmem:s20+$0x1010]  }
.Ltmp4:
0x1a0: {  	v26 =	vld [tilespmem:s20+$0x1020];
	(pc) =	sbr.rel @p0 .LBB2_11-.Ltmp4, $4  }
0x1a1: {  	v28 =	vld [tilespmem:s20+$0x1030]  }
0x1a2: {  	v24 =	vld [tilespmem:s20+$0x10A0]  }
0x1a3: {  	v25 =	vld [tilespmem:s20+$0x10B0]  }
0x1a4: {  	s22 =	sadd.s32 $0x1, s22;
	v17 =	vld [tilespmem:s20+$0x10C0]  }
0x1a5: {  	v7 =	vadd.f32 v27, v7;
	v9 =	vadd.f32 v29, v9;
	v27 =	vld [tilespmem:s20+$0x10D0]  }
0x1a6: {  	v11 =	vadd.f32 v26, v11;
	v26 =	vld [tilespmem:s20+$0x1040];
	v13 =	vadd.f32 v28, v13  }
0x1a7: {  	v28 =	vld [tilespmem:s20+$0x1050];
	v7 =	vadd.f32 v22, v7;
	v9 =	vadd.f32 v23, v9  }
0x1a8: {  	v22 =	vld [tilespmem:s20+$0x1060];
	v11 =	vadd.f32 v24, v11;
	v13 =	vadd.f32 v25, v13  }
0x1a9: {  	v23 =	vld [tilespmem:s20+$0x1070];
	v7 =	vadd.f32 v19, v7;
	v9 =	vadd.f32 v21, v9  }
0x1aa: {  	v19 =	vld [tilespmem:s20+$0x10E0];
	v11 =	vadd.f32 v18, v11;
	v13 =	vadd.f32 v20, v13  }
0x1ab: {  	v18 =	vld [tilespmem:s20+$0x10F0];
	v3 =	vadd.f32 v26, v3;
	v7 =	vadd.f32 v12, v7  }
0x1ac: {  	v9 =	vadd.f32 v15, v9;
	v12 =	vld [tilespmem:s20+$0x1160];
	v11 =	vadd.f32 v14, v11  }
0x1ad: {  	v6 =	vadd.f32 v28, v6;
	v14 =	vld [tilespmem:s20+$0x1170];
	v13 =	vadd.f32 v16, v13  }
0x1ae: {  	v15 =	vld [tilespmem:s20+$0x11E0];
	v4 =	vadd.f32 v22, v4;
	v3 =	vadd.f32 v17, v3  }
0x1af: {  	v5 =	vadd.f32 v23, v5;
	v16 =	vld [tilespmem:s20+$0x11F0];
	v6 =	vadd.f32 v27, v6  }
0x1b0: {  	[tilespmem:$0x18200] =	vst v7;
	v7 =	vld [tilespmem:$0x18280];
	v4 =	vadd.f32 v19, v4;
	v3 =	vadd.f32 v10, v3  }
0x1b1: {  	[tilespmem:$0x18220] =	vst v11;
	v11 =	vld [tilespmem:$0x182A0];
	v5 =	vadd.f32 v18, v5;
	v6 =	vadd.f32 v8, v6  }
0x1b2: {  	[tilespmem:$0x18230] =	vst v13;
	v13 =	vld [tilespmem:$0x182B0];
	v4 =	vadd.f32 v12, v4;
	v1 =	vadd.f32 v1, v3  }
0x1b3: {  	s31 =	simm.s32 $0x0;
	[tilespmem:$0x18210] =	vst v9;
	v8 =	vld [tilespmem:$0x18290];
	v5 =	vadd.f32 v14, v5;
	v2 =	vadd.f32 v2, v6  }
0x1b4: {  	s20 =	smul.u32 $0x6000, s31;
	v3 =	vld [tilespmem:$0x182C0];
	v4 =	vadd.f32 v15, v4;
	[tilespmem:$0x18240] =	vst v1  }
0x1b5: {  	s21 =	simm.s32 $0x0;
	v6 =	vld [tilespmem:$0x182D0];
	v1 =	vadd.f32 v16, v5;
	[tilespmem:$0x18250] =	vst v2  }
0x1b6: {  	s22 =	sand.u32 $0x200, s21;
	s20 =	sshra.s32 s20, $0x2;
	v5 =	vld [tilespmem:$0x182F0];
	[tilespmem:$0x18260] =	vst v4  }
0x1b7: {  	s20 =	sor.u32 s22, s20;
	v4 =	vld [tilespmem:$0x182E0];
	[tilespmem:$0x18270] =	vst v1  }
0x1b8: {  	v12 =	vld [tilespmem:s20+$0x1580]  }
0x1b9: {  	v15 =	vld [tilespmem:s20+$0x1590]  }
0x1ba: {  	v14 =	vld [tilespmem:s20+$0x15A0]  }
0x1bb: {  	v16 =	vld [tilespmem:s20+$0x15B0]  }
0x1bc: {  	v1 =	vld [tilespmem:s20+$0x15C0]  }
0x1bd: {  	v2 =	vld [tilespmem:s20+$0x15D0]  }
0x1be: {  	v19 =	vld [tilespmem:s20+$0x1500]  }
0x1bf: {  	v21 =	vld [tilespmem:s20+$0x1510]  }
0x1c0: {  	v18 =	vld [tilespmem:s20+$0x1520]  }
0x1c1: {  	v20 =	vld [tilespmem:s20+$0x1530]  }
0x1c2: {  	v10 =	vld [tilespmem:s20+$0x1540]  }
0x1c3: {  	v9 =	vld [tilespmem:s20+$0x1550]  }
0x1c4: {  	v22 =	vld [tilespmem:s20+$0x1480]  }
0x1c5: {  	v23 =	vld [tilespmem:s20+$0x1490]  }
0x1c6: {  	v27 =	vld [tilespmem:s20+$0x1400]  }
0x1c7: {  	v29 =	vld [tilespmem:s20+$0x1410]  }
0x1c8: {  	v26 =	vld [tilespmem:s20+$0x1420]  }
0x1c9: {  	v28 =	vld [tilespmem:s20+$0x1430]  }
0x1ca: {  	v24 =	vld [tilespmem:s20+$0x14A0]  }
0x1cb: {  	v25 =	vld [tilespmem:s20+$0x14B0]  }
0x1cc: {  	s22 =	simm.s32 $0x1;
	v17 =	vld [tilespmem:s20+$0x14C0]  }
.LBB2_13:
0x1cd: {  	p0 =	sne.s32 s22, $0xF;
	v7 =	vadd.f32 v27, v7;
	v8 =	vadd.f32 v29, v8;
	v27 =	vld [tilespmem:s20+$0x14D0]  }
0x1ce: {  	v11 =	vadd.f32 v26, v11;
	v13 =	vadd.f32 v28, v13;
	v26 =	vld [tilespmem:s20+$0x1440]  }
0x1cf: {  	v28 =	vld [tilespmem:s20+$0x1450];
	v7 =	vadd.f32 v22, v7;
	v8 =	vadd.f32 v23, v8  }
0x1d0: {  	v11 =	vadd.f32 v24, v11;
	v22 =	vld [tilespmem:s20+$0x1460];
	v13 =	vadd.f32 v25, v13  }
0x1d1: {  	v23 =	vld [tilespmem:s20+$0x1470];
	v7 =	vadd.f32 v19, v7;
	v8 =	vadd.f32 v21, v8  }
0x1d2: {  	v11 =	vadd.f32 v18, v11;
	v19 =	vld [tilespmem:s20+$0x14E0];
	v13 =	vadd.f32 v20, v13  }
0x1d3: {  	s23 =	sshrl.u32 s22, $0x1;
	v18 =	vld [tilespmem:s20+$0x14F0];
	v7 =	vadd.f32 v12, v7;
	v8 =	vadd.f32 v15, v8  }
0x1d4: {  	s23 =	smul.u32 $0x6000, s23;
	v11 =	vadd.f32 v14, v11;
	v20 =	vld [tilespmem:s20+$0x1560];
	v13 =	vadd.f32 v16, v13  }
0x1d5: {  	s21 =	sadd.s32 $0x200, s21;
	v3 =	vadd.f32 v26, v3;
	v6 =	vadd.f32 v28, v6;
	v16 =	vld [tilespmem:s20+$0x1570]  }
0x1d6: {  	s24 =	sand.u32 $0x200, s21;
	s23 =	sshra.s32 s23, $0x2;
	v4 =	vadd.f32 v22, v4;
	v5 =	vadd.f32 v23, v5;
	v21 =	vld [tilespmem:s20+$0x15E0]  }
0x1d7: {  	v3 =	vadd.f32 v17, v3;
	v6 =	vadd.f32 v27, v6;
	v17 =	vld [tilespmem:s20+$0x15F0];
	s20 =	sor.u32 s24, s23  }
0x1d8: {  	v4 =	vadd.f32 v19, v4;
	v12 =	vld [tilespmem:s20+$0x1580];
	v5 =	vadd.f32 v18, v5  }
0x1d9: {  	v3 =	vadd.f32 v10, v3;
	v6 =	vadd.f32 v9, v6;
	v15 =	vld [tilespmem:s20+$0x1590]  }
0x1da: {  	v4 =	vadd.f32 v20, v4;
	v14 =	vld [tilespmem:s20+$0x15A0];
	v5 =	vadd.f32 v16, v5  }
0x1db: {  	v3 =	vadd.f32 v1, v3;
	v6 =	vadd.f32 v2, v6;
	v16 =	vld [tilespmem:s20+$0x15B0]  }
0x1dc: {  	v4 =	vadd.f32 v21, v4;
	v1 =	vld [tilespmem:s20+$0x15C0];
	v5 =	vadd.f32 v17, v5  }
0x1dd: {  	v2 =	vld [tilespmem:s20+$0x15D0]  }
0x1de: {  	v19 =	vld [tilespmem:s20+$0x1500]  }
0x1df: {  	v21 =	vld [tilespmem:s20+$0x1510]  }
0x1e0: {  	v18 =	vld [tilespmem:s20+$0x1520]  }
0x1e1: {  	v20 =	vld [tilespmem:s20+$0x1530]  }
0x1e2: {  	v10 =	vld [tilespmem:s20+$0x1540]  }
0x1e3: {  	v9 =	vld [tilespmem:s20+$0x1550]  }
0x1e4: {  	v22 =	vld [tilespmem:s20+$0x1480]  }
0x1e5: {  	v23 =	vld [tilespmem:s20+$0x1490]  }
0x1e6: {  	v27 =	vld [tilespmem:s20+$0x1400]  }
0x1e7: {  	v29 =	vld [tilespmem:s20+$0x1410]  }
.Ltmp5:
0x1e8: {  	v26 =	vld [tilespmem:s20+$0x1420];
	(pc) =	sbr.rel @p0 .LBB2_13-.Ltmp5, $4  }
0x1e9: {  	v28 =	vld [tilespmem:s20+$0x1430]  }
0x1ea: {  	v24 =	vld [tilespmem:s20+$0x14A0]  }
0x1eb: {  	v25 =	vld [tilespmem:s20+$0x14B0]  }
0x1ec: {  	s22 =	sadd.s32 $0x1, s22;
	v17 =	vld [tilespmem:s20+$0x14C0]  }
0x1ed: {  	v7 =	vadd.f32 v27, v7;
	v8 =	vadd.f32 v29, v8  }
0x1ee: {  	v11 =	vadd.f32 v26, v11;
	v26 =	vld [tilespmem:s20+$0x1440];
	v13 =	vadd.f32 v28, v13  }
0x1ef: {  	v27 =	vld [tilespmem:s20+$0x14D0];
	v7 =	vadd.f32 v22, v7;
	v8 =	vadd.f32 v23, v8  }
0x1f0: {  	v28 =	vld [tilespmem:s20+$0x1450];
	v11 =	vadd.f32 v24, v11;
	v13 =	vadd.f32 v25, v13  }
0x1f1: {  	v22 =	vld [tilespmem:s20+$0x1460];
	v7 =	vadd.f32 v19, v7;
	v8 =	vadd.f32 v21, v8  }
0x1f2: {  	v23 =	vld [tilespmem:s20+$0x1470];
	v11 =	vadd.f32 v18, v11;
	v13 =	vadd.f32 v20, v13  }
0x1f3: {  	v19 =	vld [tilespmem:s20+$0x14E0];
	v3 =	vadd.f32 v26, v3;
	v7 =	vadd.f32 v12, v7  }
0x1f4: {  	v18 =	vld [tilespmem:s20+$0x14F0];
	v8 =	vadd.f32 v15, v8;
	v11 =	vadd.f32 v14, v11  }
0x1f5: {  	v12 =	vld [tilespmem:s20+$0x1560];
	v6 =	vadd.f32 v28, v6;
	v13 =	vadd.f32 v16, v13  }
0x1f6: {  	v14 =	vld [tilespmem:s20+$0x1570];
	v4 =	vadd.f32 v22, v4;
	v3 =	vadd.f32 v17, v3  }
0x1f7: {  	v15 =	vld [tilespmem:s20+$0x15E0];
	v5 =	vadd.f32 v23, v5;
	v6 =	vadd.f32 v27, v6  }
0x1f8: {  	v16 =	vld [tilespmem:s20+$0x15F0];
	[tilespmem:$0x18280] =	vst v7;
	v4 =	vadd.f32 v19, v4;
	v3 =	vadd.f32 v10, v3  }
0x1f9: {  	[tilespmem:$0x18290] =	vst v8;
	v5 =	vadd.f32 v18, v5;
	v6 =	vadd.f32 v9, v6  }
0x1fa: {  	p0 =	seq.s32 s18, $0x7;
	[tilespmem:$0x182A0] =	vst v11;
	v4 =	vadd.f32 v12, v4;
	v1 =	vadd.f32 v1, v3  }
0x1fb: {  	s19 =	sadd.s32 @!p0 s19, s6;
	[tilespmem:$0x182B0] =	vst v13;
	v3 =	vadd.f32 v14, v5;
	v2 =	vadd.f32 v2, v6  }
0x1fc: {  	s19 =	sshrl.u32 @!p0 s19, $0x3;
	v4 =	vadd.f32 v15, v4;
	[tilespmem:$0x182C0] =	vst v1  }
0x1fd: {  	s19 =	smul.u32 @!p0 $0x300, s19;
	v1 =	vadd.f32 v16, v3;
	[tilespmem:$0x182D0] =	vst v2  }
0x1fe: {  	[tilespmem:$0x182E0] =	vst v4  }
0x1ff: {  	s19 =	sadd.s32 @!p0 s2, s19;
	s20 =	simm.s32 @!p0 $0x0;
	[tilespmem:$0x182F0] =	vst v1  }
0x200: {  	[tilespmem:s20], [sflag:$0x1] =	stream.linear.gather @!p0 [hbm4b:s19+s20], $0xC000, $0x38;
	[tilespmem:$0x18300] =	vst v63  }
0x201: {  	_ =	swait.ge [sflag:s12], $0xC000  }
0x202: {  	[sflag:s12] =	ssyncset.done $0x0  }
0x203: {  	[sflag:s12] =	ssyncadd.s32 $0xFFFF4000  }
0x204: {  	v13 =	vld [tilespmem:$0x18000]  }
0x205: {  	v14 =	vld [tilespmem:$0x18010]  }
0x206: {  	v15 =	vld [tilespmem:$0x18020]  }
0x207: {  	s31 =	simm.s32 $0x0;
	v16 =	vld [tilespmem:$0x18030]  }
0x208: {  	s19 =	smul.u32 $0x6000, s31;
	v5 =	vld [tilespmem:$0x18040]  }
0x209: {  	s20 =	simm.s32 $0x0;
	v6 =	vld [tilespmem:$0x18050]  }
0x20a: {  	s21 =	sand.u32 $0x200, s20;
	s19 =	sshra.s32 s19, $0x2;
	v3 =	vld [tilespmem:$0x18060]  }
0x20b: {  	s19 =	sor.u32 s21, s19;
	v4 =	vld [tilespmem:$0x18070]  }
0x20c: {  	v9 =	vld [tilespmem:s19+$0xC180]  }
0x20d: {  	v11 =	vld [tilespmem:s19+$0xC190]  }
0x20e: {  	v10 =	vld [tilespmem:s19+$0xC1A0]  }
0x20f: {  	v12 =	vld [tilespmem:s19+$0xC1B0]  }
0x210: {  	v1 =	vld [tilespmem:s19+$0xC1C0]  }
0x211: {  	v2 =	vld [tilespmem:s19+$0xC1D0]  }
0x212: {  	v19 =	vld [tilespmem:s19+$0xC100]  }
0x213: {  	v21 =	vld [tilespmem:s19+$0xC110]  }
0x214: {  	v18 =	vld [tilespmem:s19+$0xC120]  }
0x215: {  	v20 =	vld [tilespmem:s19+$0xC130]  }
0x216: {  	v7 =	vld [tilespmem:s19+$0xC140]  }
0x217: {  	v8 =	vld [tilespmem:s19+$0xC150]  }
0x218: {  	v22 =	vld [tilespmem:s19+$0xC080]  }
0x219: {  	v23 =	vld [tilespmem:s19+$0xC090]  }
0x21a: {  	v27 =	vld [tilespmem:s19+$0xC000]  }
0x21b: {  	v29 =	vld [tilespmem:s19+$0xC010]  }
0x21c: {  	v26 =	vld [tilespmem:s19+$0xC020]  }
0x21d: {  	v28 =	vld [tilespmem:s19+$0xC030]  }
0x21e: {  	v24 =	vld [tilespmem:s19+$0xC0A0]  }
0x21f: {  	v25 =	vld [tilespmem:s19+$0xC0B0]  }
0x220: {  	s21 =	simm.s32 $0x1;
	v17 =	vld [tilespmem:s19+$0xC0C0]  }
.LBB2_15:
0x221: {  	p0 =	sne.s32 s21, $0xF;
	v13 =	vadd.f32 v27, v13;
	v14 =	vadd.f32 v29, v14;
	v27 =	vld [tilespmem:s19+$0xC0D0]  }
0x222: {  	v15 =	vadd.f32 v26, v15;
	v16 =	vadd.f32 v28, v16;
	v26 =	vld [tilespmem:s19+$0xC040]  }
0x223: {  	v28 =	vld [tilespmem:s19+$0xC050];
	v13 =	vadd.f32 v22, v13;
	v14 =	vadd.f32 v23, v14  }
0x224: {  	v15 =	vadd.f32 v24, v15;
	v22 =	vld [tilespmem:s19+$0xC060];
	v16 =	vadd.f32 v25, v16  }
0x225: {  	v23 =	vld [tilespmem:s19+$0xC070];
	v13 =	vadd.f32 v19, v13;
	v14 =	vadd.f32 v21, v14  }
0x226: {  	v15 =	vadd.f32 v18, v15;
	v19 =	vld [tilespmem:s19+$0xC0E0];
	v16 =	vadd.f32 v20, v16  }
0x227: {  	s22 =	sshrl.u32 s21, $0x1;
	v18 =	vld [tilespmem:s19+$0xC0F0];
	v13 =	vadd.f32 v9, v13;
	v14 =	vadd.f32 v11, v14  }
0x228: {  	s22 =	smul.u32 $0x6000, s22;
	v15 =	vadd.f32 v10, v15;
	v20 =	vld [tilespmem:s19+$0xC160];
	v16 =	vadd.f32 v12, v16  }
0x229: {  	s20 =	sadd.s32 $0x200, s20;
	v5 =	vadd.f32 v26, v5;
	v6 =	vadd.f32 v28, v6;
	v12 =	vld [tilespmem:s19+$0xC170]  }
0x22a: {  	s23 =	sand.u32 $0x200, s20;
	s22 =	sshra.s32 s22, $0x2;
	v3 =	vadd.f32 v22, v3;
	v4 =	vadd.f32 v23, v4;
	v21 =	vld [tilespmem:s19+$0xC1E0]  }
0x22b: {  	v5 =	vadd.f32 v17, v5;
	v6 =	vadd.f32 v27, v6;
	v17 =	vld [tilespmem:s19+$0xC1F0];
	s19 =	sor.u32 s23, s22  }
0x22c: {  	v3 =	vadd.f32 v19, v3;
	v9 =	vld [tilespmem:s19+$0xC180];
	v4 =	vadd.f32 v18, v4  }
0x22d: {  	v5 =	vadd.f32 v7, v5;
	v6 =	vadd.f32 v8, v6;
	v11 =	vld [tilespmem:s19+$0xC190]  }
0x22e: {  	v3 =	vadd.f32 v20, v3;
	v10 =	vld [tilespmem:s19+$0xC1A0];
	v4 =	vadd.f32 v12, v4  }
0x22f: {  	v5 =	vadd.f32 v1, v5;
	v6 =	vadd.f32 v2, v6;
	v12 =	vld [tilespmem:s19+$0xC1B0]  }
0x230: {  	v3 =	vadd.f32 v21, v3;
	v1 =	vld [tilespmem:s19+$0xC1C0];
	v4 =	vadd.f32 v17, v4  }
0x231: {  	v2 =	vld [tilespmem:s19+$0xC1D0]  }
0x232: {  	v19 =	vld [tilespmem:s19+$0xC100]  }
0x233: {  	v21 =	vld [tilespmem:s19+$0xC110]  }
0x234: {  	v18 =	vld [tilespmem:s19+$0xC120]  }
0x235: {  	v20 =	vld [tilespmem:s19+$0xC130]  }
0x236: {  	v7 =	vld [tilespmem:s19+$0xC140]  }
0x237: {  	v8 =	vld [tilespmem:s19+$0xC150]  }
0x238: {  	v22 =	vld [tilespmem:s19+$0xC080]  }
0x239: {  	v23 =	vld [tilespmem:s19+$0xC090]  }
0x23a: {  	v27 =	vld [tilespmem:s19+$0xC000]  }
0x23b: {  	v29 =	vld [tilespmem:s19+$0xC010]  }
.Ltmp6:
0x23c: {  	v26 =	vld [tilespmem:s19+$0xC020];
	(pc) =	sbr.rel @p0 .LBB2_15-.Ltmp6, $4  }
0x23d: {  	v28 =	vld [tilespmem:s19+$0xC030]  }
0x23e: {  	v24 =	vld [tilespmem:s19+$0xC0A0]  }
0x23f: {  	v25 =	vld [tilespmem:s19+$0xC0B0]  }
0x240: {  	s21 =	sadd.s32 $0x1, s21;
	v17 =	vld [tilespmem:s19+$0xC0C0]  }
0x241: {  	v13 =	vadd.f32 v27, v13;
	v14 =	vadd.f32 v29, v14;
	v27 =	vld [tilespmem:s19+$0xC0D0]  }
0x242: {  	v15 =	vadd.f32 v26, v15;
	v26 =	vld [tilespmem:s19+$0xC040];
	v16 =	vadd.f32 v28, v16  }
0x243: {  	v28 =	vld [tilespmem:s19+$0xC050];
	v13 =	vadd.f32 v22, v13;
	v14 =	vadd.f32 v23, v14  }
0x244: {  	v22 =	vld [tilespmem:s19+$0xC060];
	v15 =	vadd.f32 v24, v15;
	v16 =	vadd.f32 v25, v16  }
0x245: {  	v23 =	vld [tilespmem:s19+$0xC070];
	v13 =	vadd.f32 v19, v13;
	v14 =	vadd.f32 v21, v14  }
0x246: {  	v19 =	vld [tilespmem:s19+$0xC0E0];
	v15 =	vadd.f32 v18, v15;
	v16 =	vadd.f32 v20, v16  }
0x247: {  	v18 =	vld [tilespmem:s19+$0xC0F0];
	v5 =	vadd.f32 v26, v5;
	v9 =	vadd.f32 v9, v13  }
0x248: {  	v11 =	vadd.f32 v11, v14;
	v13 =	vld [tilespmem:s19+$0xC160];
	v10 =	vadd.f32 v10, v15  }
0x249: {  	v6 =	vadd.f32 v28, v6;
	v14 =	vld [tilespmem:s19+$0xC170];
	v12 =	vadd.f32 v12, v16  }
0x24a: {  	v15 =	vld [tilespmem:s19+$0xC1E0];
	v3 =	vadd.f32 v22, v3;
	v5 =	vadd.f32 v17, v5  }
0x24b: {  	v4 =	vadd.f32 v23, v4;
	v16 =	vld [tilespmem:s19+$0xC1F0];
	v6 =	vadd.f32 v27, v6  }
0x24c: {  	[tilespmem:$0x18000] =	vst v9;
	v9 =	vld [tilespmem:$0x18090];
	v3 =	vadd.f32 v19, v3;
	v5 =	vadd.f32 v7, v5  }
0x24d: {  	[tilespmem:$0x18010] =	vst v11;
	v11 =	vld [tilespmem:$0x180A0];
	v4 =	vadd.f32 v18, v4;
	v6 =	vadd.f32 v8, v6  }
0x24e: {  	[tilespmem:$0x18020] =	vst v10;
	v7 =	vld [tilespmem:$0x18080];
	v3 =	vadd.f32 v13, v3;
	v1 =	vadd.f32 v1, v5  }
0x24f: {  	s31 =	simm.s32 $0x0;
	[tilespmem:$0x18030] =	vst v12;
	v4 =	vadd.f32 v14, v4;
	v13 =	vld [tilespmem:$0x180B0];
	v2 =	vadd.f32 v2, v6  }
0x250: {  	s19 =	smul.u32 $0x6000, s31;
	v6 =	vld [tilespmem:$0x180D0];
	v5 =	vadd.f32 v15, v3;
	[tilespmem:$0x18040] =	vst v1  }
0x251: {  	s20 =	simm.s32 $0x0;
	v3 =	vld [tilespmem:$0x180C0];
	v1 =	vadd.f32 v16, v4;
	[tilespmem:$0x18050] =	vst v2  }
0x252: {  	s21 =	sand.u32 $0x200, s20;
	s19 =	sshra.s32 s19, $0x2;
	v4 =	vld [tilespmem:$0x180E0];
	[tilespmem:$0x18060] =	vst v5  }
0x253: {  	s19 =	sor.u32 s21, s19;
	[tilespmem:$0x18070] =	vst v1;
	v5 =	vld [tilespmem:$0x180F0]  }
0x254: {  	v12 =	vld [tilespmem:s19+$0xC580]  }
0x255: {  	v15 =	vld [tilespmem:s19+$0xC590]  }
0x256: {  	v14 =	vld [tilespmem:s19+$0xC5A0]  }
0x257: {  	v16 =	vld [tilespmem:s19+$0xC5B0]  }
0x258: {  	v1 =	vld [tilespmem:s19+$0xC5C0]  }
0x259: {  	v2 =	vld [tilespmem:s19+$0xC5D0]  }
0x25a: {  	v19 =	vld [tilespmem:s19+$0xC500]  }
0x25b: {  	v21 =	vld [tilespmem:s19+$0xC510]  }
0x25c: {  	v18 =	vld [tilespmem:s19+$0xC520]  }
0x25d: {  	v20 =	vld [tilespmem:s19+$0xC530]  }
0x25e: {  	v10 =	vld [tilespmem:s19+$0xC540]  }
0x25f: {  	v8 =	vld [tilespmem:s19+$0xC550]  }
0x260: {  	v22 =	vld [tilespmem:s19+$0xC480]  }
0x261: {  	v23 =	vld [tilespmem:s19+$0xC490]  }
0x262: {  	v27 =	vld [tilespmem:s19+$0xC400]  }
0x263: {  	v29 =	vld [tilespmem:s19+$0xC410]  }
0x264: {  	v26 =	vld [tilespmem:s19+$0xC420]  }
0x265: {  	v28 =	vld [tilespmem:s19+$0xC430]  }
0x266: {  	v24 =	vld [tilespmem:s19+$0xC4A0]  }
0x267: {  	v25 =	vld [tilespmem:s19+$0xC4B0]  }
0x268: {  	s21 =	simm.s32 $0x1;
	v17 =	vld [tilespmem:s19+$0xC4C0]  }
.LBB2_17:
0x269: {  	p0 =	sne.s32 s21, $0xF;
	v7 =	vadd.f32 v27, v7;
	v9 =	vadd.f32 v29, v9;
	v27 =	vld [tilespmem:s19+$0xC4D0]  }
0x26a: {  	v11 =	vadd.f32 v26, v11;
	v13 =	vadd.f32 v28, v13;
	v26 =	vld [tilespmem:s19+$0xC440]  }
0x26b: {  	v28 =	vld [tilespmem:s19+$0xC450];
	v7 =	vadd.f32 v22, v7;
	v9 =	vadd.f32 v23, v9  }
0x26c: {  	v11 =	vadd.f32 v24, v11;
	v22 =	vld [tilespmem:s19+$0xC460];
	v13 =	vadd.f32 v25, v13  }
0x26d: {  	v23 =	vld [tilespmem:s19+$0xC470];
	v7 =	vadd.f32 v19, v7;
	v9 =	vadd.f32 v21, v9  }
0x26e: {  	v11 =	vadd.f32 v18, v11;
	v19 =	vld [tilespmem:s19+$0xC4E0];
	v13 =	vadd.f32 v20, v13  }
0x26f: {  	s22 =	sshrl.u32 s21, $0x1;
	v18 =	vld [tilespmem:s19+$0xC4F0];
	v7 =	vadd.f32 v12, v7;
	v9 =	vadd.f32 v15, v9  }
0x270: {  	s22 =	smul.u32 $0x6000, s22;
	v11 =	vadd.f32 v14, v11;
	v20 =	vld [tilespmem:s19+$0xC560];
	v13 =	vadd.f32 v16, v13  }
0x271: {  	s20 =	sadd.s32 $0x200, s20;
	v3 =	vadd.f32 v26, v3;
	v6 =	vadd.f32 v28, v6;
	v16 =	vld [tilespmem:s19+$0xC570]  }
0x272: {  	s23 =	sand.u32 $0x200, s20;
	s22 =	sshra.s32 s22, $0x2;
	v4 =	vadd.f32 v22, v4;
	v5 =	vadd.f32 v23, v5;
	v21 =	vld [tilespmem:s19+$0xC5E0]  }
0x273: {  	v3 =	vadd.f32 v17, v3;
	v6 =	vadd.f32 v27, v6;
	v17 =	vld [tilespmem:s19+$0xC5F0];
	s19 =	sor.u32 s23, s22  }
0x274: {  	v4 =	vadd.f32 v19, v4;
	v12 =	vld [tilespmem:s19+$0xC580];
	v5 =	vadd.f32 v18, v5  }
0x275: {  	v3 =	vadd.f32 v10, v3;
	v6 =	vadd.f32 v8, v6;
	v15 =	vld [tilespmem:s19+$0xC590]  }
0x276: {  	v4 =	vadd.f32 v20, v4;
	v14 =	vld [tilespmem:s19+$0xC5A0];
	v5 =	vadd.f32 v16, v5  }
0x277: {  	v3 =	vadd.f32 v1, v3;
	v6 =	vadd.f32 v2, v6;
	v16 =	vld [tilespmem:s19+$0xC5B0]  }
0x278: {  	v4 =	vadd.f32 v21, v4;
	v1 =	vld [tilespmem:s19+$0xC5C0];
	v5 =	vadd.f32 v17, v5  }
0x279: {  	v2 =	vld [tilespmem:s19+$0xC5D0]  }
0x27a: {  	v19 =	vld [tilespmem:s19+$0xC500]  }
0x27b: {  	v21 =	vld [tilespmem:s19+$0xC510]  }
0x27c: {  	v18 =	vld [tilespmem:s19+$0xC520]  }
0x27d: {  	v20 =	vld [tilespmem:s19+$0xC530]  }
0x27e: {  	v10 =	vld [tilespmem:s19+$0xC540]  }
0x27f: {  	v8 =	vld [tilespmem:s19+$0xC550]  }
0x280: {  	v22 =	vld [tilespmem:s19+$0xC480]  }
0x281: {  	v23 =	vld [tilespmem:s19+$0xC490]  }
0x282: {  	v27 =	vld [tilespmem:s19+$0xC400]  }
0x283: {  	v29 =	vld [tilespmem:s19+$0xC410]  }
.Ltmp7:
0x284: {  	v26 =	vld [tilespmem:s19+$0xC420];
	(pc) =	sbr.rel @p0 .LBB2_17-.Ltmp7, $4  }
0x285: {  	v28 =	vld [tilespmem:s19+$0xC430]  }
0x286: {  	v24 =	vld [tilespmem:s19+$0xC4A0]  }
0x287: {  	v25 =	vld [tilespmem:s19+$0xC4B0]  }
0x288: {  	s21 =	sadd.s32 $0x1, s21;
	v17 =	vld [tilespmem:s19+$0xC4C0]  }
0x289: {  	v7 =	vadd.f32 v27, v7;
	v9 =	vadd.f32 v29, v9;
	v27 =	vld [tilespmem:s19+$0xC4D0]  }
0x28a: {  	v11 =	vadd.f32 v26, v11;
	v26 =	vld [tilespmem:s19+$0xC440];
	v13 =	vadd.f32 v28, v13  }
0x28b: {  	v28 =	vld [tilespmem:s19+$0xC450];
	v7 =	vadd.f32 v22, v7;
	v9 =	vadd.f32 v23, v9  }
0x28c: {  	v22 =	vld [tilespmem:s19+$0xC460];
	v11 =	vadd.f32 v24, v11;
	v13 =	vadd.f32 v25, v13  }
0x28d: {  	v23 =	vld [tilespmem:s19+$0xC470];
	v7 =	vadd.f32 v19, v7;
	v9 =	vadd.f32 v21, v9  }
0x28e: {  	v19 =	vld [tilespmem:s19+$0xC4E0];
	v11 =	vadd.f32 v18, v11;
	v13 =	vadd.f32 v20, v13  }
0x28f: {  	v18 =	vld [tilespmem:s19+$0xC4F0];
	v3 =	vadd.f32 v26, v3;
	v7 =	vadd.f32 v12, v7  }
0x290: {  	v9 =	vadd.f32 v15, v9;
	v12 =	vld [tilespmem:s19+$0xC560];
	v11 =	vadd.f32 v14, v11  }
0x291: {  	v6 =	vadd.f32 v28, v6;
	v14 =	vld [tilespmem:s19+$0xC570];
	v13 =	vadd.f32 v16, v13  }
0x292: {  	v15 =	vld [tilespmem:s19+$0xC5E0];
	v4 =	vadd.f32 v22, v4;
	v3 =	vadd.f32 v17, v3  }
0x293: {  	v5 =	vadd.f32 v23, v5;
	v16 =	vld [tilespmem:s19+$0xC5F0];
	v6 =	vadd.f32 v27, v6  }
0x294: {  	[tilespmem:$0x18080] =	vst v7;
	v7 =	vld [tilespmem:$0x18100];
	v4 =	vadd.f32 v19, v4;
	v3 =	vadd.f32 v10, v3  }
0x295: {  	[tilespmem:$0x18090] =	vst v9;
	v9 =	vld [tilespmem:$0x18110];
	v5 =	vadd.f32 v18, v5;
	v6 =	vadd.f32 v8, v6  }
0x296: {  	[tilespmem:$0x180A0] =	vst v11;
	v11 =	vld [tilespmem:$0x18120];
	v4 =	vadd.f32 v12, v4;
	v1 =	vadd.f32 v1, v3  }
0x297: {  	s31 =	simm.s32 $0x0;
	[tilespmem:$0x180B0] =	vst v13;
	v13 =	vld [tilespmem:$0x18130];
	v5 =	vadd.f32 v14, v5;
	v2 =	vadd.f32 v2, v6  }
0x298: {  	s19 =	smul.u32 $0x6000, s31;
	v3 =	vld [tilespmem:$0x18140];
	v4 =	vadd.f32 v15, v4;
	[tilespmem:$0x180C0] =	vst v1  }
0x299: {  	s20 =	simm.s32 $0x0;
	v6 =	vld [tilespmem:$0x18150];
	v1 =	vadd.f32 v16, v5;
	[tilespmem:$0x180D0] =	vst v2  }
0x29a: {  	s21 =	sand.u32 $0x200, s20;
	s19 =	sshra.s32 s19, $0x2;
	v5 =	vld [tilespmem:$0x18170];
	[tilespmem:$0x180E0] =	vst v4  }
0x29b: {  	s19 =	sor.u32 s21, s19;
	v4 =	vld [tilespmem:$0x18160];
	[tilespmem:$0x180F0] =	vst v1  }
0x29c: {  	v12 =	vld [tilespmem:s19+$0xC980]  }
0x29d: {  	v15 =	vld [tilespmem:s19+$0xC990]  }
0x29e: {  	v14 =	vld [tilespmem:s19+$0xC9A0]  }
0x29f: {  	v16 =	vld [tilespmem:s19+$0xC9B0]  }
0x2a0: {  	v1 =	vld [tilespmem:s19+$0xC9C0]  }
0x2a1: {  	v2 =	vld [tilespmem:s19+$0xC9D0]  }
0x2a2: {  	v19 =	vld [tilespmem:s19+$0xC900]  }
0x2a3: {  	v21 =	vld [tilespmem:s19+$0xC910]  }
0x2a4: {  	v18 =	vld [tilespmem:s19+$0xC920]  }
0x2a5: {  	v20 =	vld [tilespmem:s19+$0xC930]  }
0x2a6: {  	v10 =	vld [tilespmem:s19+$0xC940]  }
0x2a7: {  	v8 =	vld [tilespmem:s19+$0xC950]  }
0x2a8: {  	v22 =	vld [tilespmem:s19+$0xC880]  }
0x2a9: {  	v23 =	vld [tilespmem:s19+$0xC890]  }
0x2aa: {  	v27 =	vld [tilespmem:s19+$0xC800]  }
0x2ab: {  	v29 =	vld [tilespmem:s19+$0xC810]  }
0x2ac: {  	v26 =	vld [tilespmem:s19+$0xC820]  }
0x2ad: {  	v28 =	vld [tilespmem:s19+$0xC830]  }
0x2ae: {  	v24 =	vld [tilespmem:s19+$0xC8A0]  }
0x2af: {  	v25 =	vld [tilespmem:s19+$0xC8B0]  }
0x2b0: {  	s21 =	simm.s32 $0x1;
	v17 =	vld [tilespmem:s19+$0xC8C0]  }
.LBB2_19:
0x2b1: {  	p0 =	sne.s32 s21, $0xF;
	v7 =	vadd.f32 v27, v7;
	v9 =	vadd.f32 v29, v9;
	v27 =	vld [tilespmem:s19+$0xC8D0]  }
0x2b2: {  	v11 =	vadd.f32 v26, v11;
	v13 =	vadd.f32 v28, v13;
	v26 =	vld [tilespmem:s19+$0xC840]  }
0x2b3: {  	v28 =	vld [tilespmem:s19+$0xC850];
	v7 =	vadd.f32 v22, v7;
	v9 =	vadd.f32 v23, v9  }
0x2b4: {  	v11 =	vadd.f32 v24, v11;
	v22 =	vld [tilespmem:s19+$0xC860];
	v13 =	vadd.f32 v25, v13  }
0x2b5: {  	v23 =	vld [tilespmem:s19+$0xC870];
	v7 =	vadd.f32 v19, v7;
	v9 =	vadd.f32 v21, v9  }
0x2b6: {  	v11 =	vadd.f32 v18, v11;
	v19 =	vld [tilespmem:s19+$0xC8E0];
	v13 =	vadd.f32 v20, v13  }
0x2b7: {  	s22 =	sshrl.u32 s21, $0x1;
	v18 =	vld [tilespmem:s19+$0xC8F0];
	v7 =	vadd.f32 v12, v7;
	v9 =	vadd.f32 v15, v9  }
0x2b8: {  	s22 =	smul.u32 $0x6000, s22;
	v11 =	vadd.f32 v14, v11;
	v20 =	vld [tilespmem:s19+$0xC960];
	v13 =	vadd.f32 v16, v13  }
0x2b9: {  	s20 =	sadd.s32 $0x200, s20;
	v3 =	vadd.f32 v26, v3;
	v6 =	vadd.f32 v28, v6;
	v16 =	vld [tilespmem:s19+$0xC970]  }
0x2ba: {  	s23 =	sand.u32 $0x200, s20;
	s22 =	sshra.s32 s22, $0x2;
	v4 =	vadd.f32 v22, v4;
	v5 =	vadd.f32 v23, v5;
	v21 =	vld [tilespmem:s19+$0xC9E0]  }
0x2bb: {  	v3 =	vadd.f32 v17, v3;
	v6 =	vadd.f32 v27, v6;
	v17 =	vld [tilespmem:s19+$0xC9F0];
	s19 =	sor.u32 s23, s22  }
0x2bc: {  	v4 =	vadd.f32 v19, v4;
	v12 =	vld [tilespmem:s19+$0xC980];
	v5 =	vadd.f32 v18, v5  }
0x2bd: {  	v3 =	vadd.f32 v10, v3;
	v6 =	vadd.f32 v8, v6;
	v15 =	vld [tilespmem:s19+$0xC990]  }
0x2be: {  	v4 =	vadd.f32 v20, v4;
	v14 =	vld [tilespmem:s19+$0xC9A0];
	v5 =	vadd.f32 v16, v5  }
0x2bf: {  	v3 =	vadd.f32 v1, v3;
	v6 =	vadd.f32 v2, v6;
	v16 =	vld [tilespmem:s19+$0xC9B0]  }
0x2c0: {  	v4 =	vadd.f32 v21, v4;
	v1 =	vld [tilespmem:s19+$0xC9C0];
	v5 =	vadd.f32 v17, v5  }
0x2c1: {  	v2 =	vld [tilespmem:s19+$0xC9D0]  }
0x2c2: {  	v19 =	vld [tilespmem:s19+$0xC900]  }
0x2c3: {  	v21 =	vld [tilespmem:s19+$0xC910]  }
0x2c4: {  	v18 =	vld [tilespmem:s19+$0xC920]  }
0x2c5: {  	v20 =	vld [tilespmem:s19+$0xC930]  }
0x2c6: {  	v10 =	vld [tilespmem:s19+$0xC940]  }
0x2c7: {  	v8 =	vld [tilespmem:s19+$0xC950]  }
0x2c8: {  	v22 =	vld [tilespmem:s19+$0xC880]  }
0x2c9: {  	v23 =	vld [tilespmem:s19+$0xC890]  }
0x2ca: {  	v27 =	vld [tilespmem:s19+$0xC800]  }
0x2cb: {  	v29 =	vld [tilespmem:s19+$0xC810]  }
.Ltmp8:
0x2cc: {  	v26 =	vld [tilespmem:s19+$0xC820];
	(pc) =	sbr.rel @p0 .LBB2_19-.Ltmp8, $4  }
0x2cd: {  	v28 =	vld [tilespmem:s19+$0xC830]  }
0x2ce: {  	v24 =	vld [tilespmem:s19+$0xC8A0]  }
0x2cf: {  	v25 =	vld [tilespmem:s19+$0xC8B0]  }
0x2d0: {  	s21 =	sadd.s32 $0x1, s21;
	v17 =	vld [tilespmem:s19+$0xC8C0]  }
0x2d1: {  	v7 =	vadd.f32 v27, v7;
	v9 =	vadd.f32 v29, v9;
	v27 =	vld [tilespmem:s19+$0xC8D0]  }
0x2d2: {  	v11 =	vadd.f32 v26, v11;
	v26 =	vld [tilespmem:s19+$0xC840];
	v13 =	vadd.f32 v28, v13  }
0x2d3: {  	v28 =	vld [tilespmem:s19+$0xC850];
	v7 =	vadd.f32 v22, v7;
	v9 =	vadd.f32 v23, v9  }
0x2d4: {  	v22 =	vld [tilespmem:s19+$0xC860];
	v11 =	vadd.f32 v24, v11;
	v13 =	vadd.f32 v25, v13  }
0x2d5: {  	v23 =	vld [tilespmem:s19+$0xC870];
	v7 =	vadd.f32 v19, v7;
	v9 =	vadd.f32 v21, v9  }
0x2d6: {  	v19 =	vld [tilespmem:s19+$0xC8E0];
	v11 =	vadd.f32 v18, v11;
	v13 =	vadd.f32 v20, v13  }
0x2d7: {  	v18 =	vld [tilespmem:s19+$0xC8F0];
	v3 =	vadd.f32 v26, v3;
	v7 =	vadd.f32 v12, v7  }
0x2d8: {  	v9 =	vadd.f32 v15, v9;
	v12 =	vld [tilespmem:s19+$0xC960];
	v11 =	vadd.f32 v14, v11  }
0x2d9: {  	v6 =	vadd.f32 v28, v6;
	v14 =	vld [tilespmem:s19+$0xC970];
	v13 =	vadd.f32 v16, v13  }
0x2da: {  	v15 =	vld [tilespmem:s19+$0xC9E0];
	v4 =	vadd.f32 v22, v4;
	v3 =	vadd.f32 v17, v3  }
0x2db: {  	v5 =	vadd.f32 v23, v5;
	v16 =	vld [tilespmem:s19+$0xC9F0];
	v6 =	vadd.f32 v27, v6  }
0x2dc: {  	[tilespmem:$0x18100] =	vst v7;
	v7 =	vld [tilespmem:$0x18180];
	v4 =	vadd.f32 v19, v4;
	v3 =	vadd.f32 v10, v3  }
0x2dd: {  	[tilespmem:$0x18110] =	vst v9;
	v9 =	vld [tilespmem:$0x18190];
	v5 =	vadd.f32 v18, v5;
	v6 =	vadd.f32 v8, v6  }
0x2de: {  	[tilespmem:$0x18120] =	vst v11;
	v11 =	vld [tilespmem:$0x181A0];
	v4 =	vadd.f32 v12, v4;
	v1 =	vadd.f32 v1, v3  }
0x2df: {  	s31 =	simm.s32 $0x0;
	[tilespmem:$0x18130] =	vst v13;
	v13 =	vld [tilespmem:$0x181B0];
	v5 =	vadd.f32 v14, v5;
	v2 =	vadd.f32 v2, v6  }
0x2e0: {  	s19 =	smul.u32 $0x6000, s31;
	v3 =	vld [tilespmem:$0x181C0];
	v4 =	vadd.f32 v15, v4;
	[tilespmem:$0x18140] =	vst v1  }
0x2e1: {  	s20 =	simm.s32 $0x0;
	v6 =	vld [tilespmem:$0x181D0];
	v1 =	vadd.f32 v16, v5;
	[tilespmem:$0x18150] =	vst v2  }
0x2e2: {  	s21 =	sand.u32 $0x200, s20;
	s19 =	sshra.s32 s19, $0x2;
	v5 =	vld [tilespmem:$0x181F0];
	[tilespmem:$0x18160] =	vst v4  }
0x2e3: {  	s19 =	sor.u32 s21, s19;
	v4 =	vld [tilespmem:$0x181E0];
	[tilespmem:$0x18170] =	vst v1  }
0x2e4: {  	v12 =	vld [tilespmem:s19+$0xCD80]  }
0x2e5: {  	v15 =	vld [tilespmem:s19+$0xCD90]  }
0x2e6: {  	v14 =	vld [tilespmem:s19+$0xCDA0]  }
0x2e7: {  	v16 =	vld [tilespmem:s19+$0xCDB0]  }
0x2e8: {  	v1 =	vld [tilespmem:s19+$0xCDC0]  }
0x2e9: {  	v2 =	vld [tilespmem:s19+$0xCDD0]  }
0x2ea: {  	v19 =	vld [tilespmem:s19+$0xCD00]  }
0x2eb: {  	v21 =	vld [tilespmem:s19+$0xCD10]  }
0x2ec: {  	v18 =	vld [tilespmem:s19+$0xCD20]  }
0x2ed: {  	v20 =	vld [tilespmem:s19+$0xCD30]  }
0x2ee: {  	v10 =	vld [tilespmem:s19+$0xCD40]  }
0x2ef: {  	v8 =	vld [tilespmem:s19+$0xCD50]  }
0x2f0: {  	v22 =	vld [tilespmem:s19+$0xCC80]  }
0x2f1: {  	v23 =	vld [tilespmem:s19+$0xCC90]  }
0x2f2: {  	v27 =	vld [tilespmem:s19+$0xCC00]  }
0x2f3: {  	v29 =	vld [tilespmem:s19+$0xCC10]  }
0x2f4: {  	v26 =	vld [tilespmem:s19+$0xCC20]  }
0x2f5: {  	v28 =	vld [tilespmem:s19+$0xCC30]  }
0x2f6: {  	v24 =	vld [tilespmem:s19+$0xCCA0]  }
0x2f7: {  	v25 =	vld [tilespmem:s19+$0xCCB0]  }
0x2f8: {  	s21 =	simm.s32 $0x1;
	v17 =	vld [tilespmem:s19+$0xCCC0]  }
.LBB2_21:
0x2f9: {  	p0 =	sne.s32 s21, $0xF;
	v7 =	vadd.f32 v27, v7;
	v9 =	vadd.f32 v29, v9;
	v27 =	vld [tilespmem:s19+$0xCCD0]  }
0x2fa: {  	v11 =	vadd.f32 v26, v11;
	v13 =	vadd.f32 v28, v13;
	v26 =	vld [tilespmem:s19+$0xCC40]  }
0x2fb: {  	v28 =	vld [tilespmem:s19+$0xCC50];
	v7 =	vadd.f32 v22, v7;
	v9 =	vadd.f32 v23, v9  }
0x2fc: {  	v11 =	vadd.f32 v24, v11;
	v22 =	vld [tilespmem:s19+$0xCC60];
	v13 =	vadd.f32 v25, v13  }
0x2fd: {  	v23 =	vld [tilespmem:s19+$0xCC70];
	v7 =	vadd.f32 v19, v7;
	v9 =	vadd.f32 v21, v9  }
0x2fe: {  	v11 =	vadd.f32 v18, v11;
	v19 =	vld [tilespmem:s19+$0xCCE0];
	v13 =	vadd.f32 v20, v13  }
0x2ff: {  	s22 =	sshrl.u32 s21, $0x1;
	v18 =	vld [tilespmem:s19+$0xCCF0];
	v7 =	vadd.f32 v12, v7;
	v9 =	vadd.f32 v15, v9  }
0x300: {  	s22 =	smul.u32 $0x6000, s22;
	v11 =	vadd.f32 v14, v11;
	v20 =	vld [tilespmem:s19+$0xCD60];
	v13 =	vadd.f32 v16, v13  }
0x301: {  	s20 =	sadd.s32 $0x200, s20;
	v3 =	vadd.f32 v26, v3;
	v6 =	vadd.f32 v28, v6;
	v16 =	vld [tilespmem:s19+$0xCD70]  }
0x302: {  	s23 =	sand.u32 $0x200, s20;
	s22 =	sshra.s32 s22, $0x2;
	v4 =	vadd.f32 v22, v4;
	v5 =	vadd.f32 v23, v5;
	v21 =	vld [tilespmem:s19+$0xCDE0]  }
0x303: {  	v3 =	vadd.f32 v17, v3;
	v6 =	vadd.f32 v27, v6;
	v17 =	vld [tilespmem:s19+$0xCDF0];
	s19 =	sor.u32 s23, s22  }
0x304: {  	v4 =	vadd.f32 v19, v4;
	v12 =	vld [tilespmem:s19+$0xCD80];
	v5 =	vadd.f32 v18, v5  }
0x305: {  	v3 =	vadd.f32 v10, v3;
	v6 =	vadd.f32 v8, v6;
	v15 =	vld [tilespmem:s19+$0xCD90]  }
0x306: {  	v4 =	vadd.f32 v20, v4;
	v14 =	vld [tilespmem:s19+$0xCDA0];
	v5 =	vadd.f32 v16, v5  }
0x307: {  	v3 =	vadd.f32 v1, v3;
	v6 =	vadd.f32 v2, v6;
	v16 =	vld [tilespmem:s19+$0xCDB0]  }
0x308: {  	v4 =	vadd.f32 v21, v4;
	v1 =	vld [tilespmem:s19+$0xCDC0];
	v5 =	vadd.f32 v17, v5  }
0x309: {  	v2 =	vld [tilespmem:s19+$0xCDD0]  }
0x30a: {  	v19 =	vld [tilespmem:s19+$0xCD00]  }
0x30b: {  	v21 =	vld [tilespmem:s19+$0xCD10]  }
0x30c: {  	v18 =	vld [tilespmem:s19+$0xCD20]  }
0x30d: {  	v20 =	vld [tilespmem:s19+$0xCD30]  }
0x30e: {  	v10 =	vld [tilespmem:s19+$0xCD40]  }
0x30f: {  	v8 =	vld [tilespmem:s19+$0xCD50]  }
0x310: {  	v22 =	vld [tilespmem:s19+$0xCC80]  }
0x311: {  	v23 =	vld [tilespmem:s19+$0xCC90]  }
0x312: {  	v27 =	vld [tilespmem:s19+$0xCC00]  }
0x313: {  	v29 =	vld [tilespmem:s19+$0xCC10]  }
.Ltmp9:
0x314: {  	v26 =	vld [tilespmem:s19+$0xCC20];
	(pc) =	sbr.rel @p0 .LBB2_21-.Ltmp9, $4  }
0x315: {  	v28 =	vld [tilespmem:s19+$0xCC30]  }
0x316: {  	v24 =	vld [tilespmem:s19+$0xCCA0]  }
0x317: {  	v25 =	vld [tilespmem:s19+$0xCCB0]  }
0x318: {  	s21 =	sadd.s32 $0x1, s21;
	v17 =	vld [tilespmem:s19+$0xCCC0]  }
0x319: {  	v7 =	vadd.f32 v27, v7;
	v9 =	vadd.f32 v29, v9;
	v27 =	vld [tilespmem:s19+$0xCCD0]  }
0x31a: {  	v11 =	vadd.f32 v26, v11;
	v26 =	vld [tilespmem:s19+$0xCC40];
	v13 =	vadd.f32 v28, v13  }
0x31b: {  	v28 =	vld [tilespmem:s19+$0xCC50];
	v7 =	vadd.f32 v22, v7;
	v9 =	vadd.f32 v23, v9  }
0x31c: {  	v22 =	vld [tilespmem:s19+$0xCC60];
	v11 =	vadd.f32 v24, v11;
	v13 =	vadd.f32 v25, v13  }
0x31d: {  	v23 =	vld [tilespmem:s19+$0xCC70];
	v7 =	vadd.f32 v19, v7;
	v9 =	vadd.f32 v21, v9  }
0x31e: {  	v19 =	vld [tilespmem:s19+$0xCCE0];
	v11 =	vadd.f32 v18, v11;
	v13 =	vadd.f32 v20, v13  }
0x31f: {  	v18 =	vld [tilespmem:s19+$0xCCF0];
	v3 =	vadd.f32 v26, v3;
	v7 =	vadd.f32 v12, v7  }
0x320: {  	v9 =	vadd.f32 v15, v9;
	v12 =	vld [tilespmem:s19+$0xCD60];
	v11 =	vadd.f32 v14, v11  }
0x321: {  	v6 =	vadd.f32 v28, v6;
	v14 =	vld [tilespmem:s19+$0xCD70];
	v13 =	vadd.f32 v16, v13  }
0x322: {  	v15 =	vld [tilespmem:s19+$0xCDE0];
	v4 =	vadd.f32 v22, v4;
	v3 =	vadd.f32 v17, v3  }
0x323: {  	v5 =	vadd.f32 v23, v5;
	v16 =	vld [tilespmem:s19+$0xCDF0];
	v6 =	vadd.f32 v27, v6  }
0x324: {  	[tilespmem:$0x18180] =	vst v7;
	v7 =	vld [tilespmem:$0x18200];
	v4 =	vadd.f32 v19, v4;
	v3 =	vadd.f32 v10, v3  }
0x325: {  	[tilespmem:$0x18190] =	vst v9;
	v9 =	vld [tilespmem:$0x18210];
	v5 =	vadd.f32 v18, v5;
	v6 =	vadd.f32 v8, v6  }
0x326: {  	[tilespmem:$0x181A0] =	vst v11;
	v11 =	vld [tilespmem:$0x18220];
	v4 =	vadd.f32 v12, v4;
	v1 =	vadd.f32 v1, v3  }
0x327: {  	s31 =	simm.s32 $0x0;
	[tilespmem:$0x181B0] =	vst v13;
	v13 =	vld [tilespmem:$0x18230];
	v5 =	vadd.f32 v14, v5;
	v2 =	vadd.f32 v2, v6  }
0x328: {  	s19 =	smul.u32 $0x6000, s31;
	v3 =	vld [tilespmem:$0x18240];
	v4 =	vadd.f32 v15, v4;
	[tilespmem:$0x181C0] =	vst v1  }
0x329: {  	s20 =	simm.s32 $0x0;
	v6 =	vld [tilespmem:$0x18250];
	v1 =	vadd.f32 v16, v5;
	[tilespmem:$0x181D0] =	vst v2  }
0x32a: {  	s21 =	sand.u32 $0x200, s20;
	s19 =	sshra.s32 s19, $0x2;
	v5 =	vld [tilespmem:$0x18270];
	[tilespmem:$0x181E0] =	vst v4  }
0x32b: {  	s19 =	sor.u32 s21, s19;
	v4 =	vld [tilespmem:$0x18260];
	[tilespmem:$0x181F0] =	vst v1  }
0x32c: {  	v12 =	vld [tilespmem:s19+$0xD180]  }
0x32d: {  	v15 =	vld [tilespmem:s19+$0xD190]  }
0x32e: {  	v14 =	vld [tilespmem:s19+$0xD1A0]  }
0x32f: {  	v16 =	vld [tilespmem:s19+$0xD1B0]  }
0x330: {  	v1 =	vld [tilespmem:s19+$0xD1C0]  }
0x331: {  	v2 =	vld [tilespmem:s19+$0xD1D0]  }
0x332: {  	v19 =	vld [tilespmem:s19+$0xD100]  }
0x333: {  	v21 =	vld [tilespmem:s19+$0xD110]  }
0x334: {  	v18 =	vld [tilespmem:s19+$0xD120]  }
0x335: {  	v20 =	vld [tilespmem:s19+$0xD130]  }
0x336: {  	v10 =	vld [tilespmem:s19+$0xD140]  }
0x337: {  	v8 =	vld [tilespmem:s19+$0xD150]  }
0x338: {  	v22 =	vld [tilespmem:s19+$0xD080]  }
0x339: {  	v23 =	vld [tilespmem:s19+$0xD090]  }
0x33a: {  	v27 =	vld [tilespmem:s19+$0xD000]  }
0x33b: {  	v29 =	vld [tilespmem:s19+$0xD010]  }
0x33c: {  	v26 =	vld [tilespmem:s19+$0xD020]  }
0x33d: {  	v28 =	vld [tilespmem:s19+$0xD030]  }
0x33e: {  	v24 =	vld [tilespmem:s19+$0xD0A0]  }
0x33f: {  	v25 =	vld [tilespmem:s19+$0xD0B0]  }
0x340: {  	s21 =	simm.s32 $0x1;
	v17 =	vld [tilespmem:s19+$0xD0C0]  }
.LBB2_23:
0x341: {  	p0 =	sne.s32 s21, $0xF;
	v7 =	vadd.f32 v27, v7;
	v9 =	vadd.f32 v29, v9;
	v27 =	vld [tilespmem:s19+$0xD0D0]  }
0x342: {  	v11 =	vadd.f32 v26, v11;
	v13 =	vadd.f32 v28, v13;
	v26 =	vld [tilespmem:s19+$0xD040]  }
0x343: {  	v28 =	vld [tilespmem:s19+$0xD050];
	v7 =	vadd.f32 v22, v7;
	v9 =	vadd.f32 v23, v9  }
0x344: {  	v11 =	vadd.f32 v24, v11;
	v22 =	vld [tilespmem:s19+$0xD060];
	v13 =	vadd.f32 v25, v13  }
0x345: {  	v23 =	vld [tilespmem:s19+$0xD070];
	v7 =	vadd.f32 v19, v7;
	v9 =	vadd.f32 v21, v9  }
0x346: {  	v11 =	vadd.f32 v18, v11;
	v19 =	vld [tilespmem:s19+$0xD0E0];
	v13 =	vadd.f32 v20, v13  }
0x347: {  	s22 =	sshrl.u32 s21, $0x1;
	v18 =	vld [tilespmem:s19+$0xD0F0];
	v7 =	vadd.f32 v12, v7;
	v9 =	vadd.f32 v15, v9  }
0x348: {  	s22 =	smul.u32 $0x6000, s22;
	v11 =	vadd.f32 v14, v11;
	v20 =	vld [tilespmem:s19+$0xD160];
	v13 =	vadd.f32 v16, v13  }
0x349: {  	s20 =	sadd.s32 $0x200, s20;
	v3 =	vadd.f32 v26, v3;
	v6 =	vadd.f32 v28, v6;
	v16 =	vld [tilespmem:s19+$0xD170]  }
0x34a: {  	s23 =	sand.u32 $0x200, s20;
	s22 =	sshra.s32 s22, $0x2;
	v4 =	vadd.f32 v22, v4;
	v5 =	vadd.f32 v23, v5;
	v21 =	vld [tilespmem:s19+$0xD1E0]  }
0x34b: {  	v3 =	vadd.f32 v17, v3;
	v6 =	vadd.f32 v27, v6;
	v17 =	vld [tilespmem:s19+$0xD1F0];
	s19 =	sor.u32 s23, s22  }
0x34c: {  	v4 =	vadd.f32 v19, v4;
	v12 =	vld [tilespmem:s19+$0xD180];
	v5 =	vadd.f32 v18, v5  }
0x34d: {  	v3 =	vadd.f32 v10, v3;
	v6 =	vadd.f32 v8, v6;
	v15 =	vld [tilespmem:s19+$0xD190]  }
0x34e: {  	v4 =	vadd.f32 v20, v4;
	v14 =	vld [tilespmem:s19+$0xD1A0];
	v5 =	vadd.f32 v16, v5  }
0x34f: {  	v3 =	vadd.f32 v1, v3;
	v6 =	vadd.f32 v2, v6;
	v16 =	vld [tilespmem:s19+$0xD1B0]  }
0x350: {  	v4 =	vadd.f32 v21, v4;
	v1 =	vld [tilespmem:s19+$0xD1C0];
	v5 =	vadd.f32 v17, v5  }
0x351: {  	v2 =	vld [tilespmem:s19+$0xD1D0]  }
0x352: {  	v19 =	vld [tilespmem:s19+$0xD100]  }
0x353: {  	v21 =	vld [tilespmem:s19+$0xD110]  }
0x354: {  	v18 =	vld [tilespmem:s19+$0xD120]  }
0x355: {  	v20 =	vld [tilespmem:s19+$0xD130]  }
0x356: {  	v10 =	vld [tilespmem:s19+$0xD140]  }
0x357: {  	v8 =	vld [tilespmem:s19+$0xD150]  }
0x358: {  	v22 =	vld [tilespmem:s19+$0xD080]  }
0x359: {  	v23 =	vld [tilespmem:s19+$0xD090]  }
0x35a: {  	v27 =	vld [tilespmem:s19+$0xD000]  }
0x35b: {  	v29 =	vld [tilespmem:s19+$0xD010]  }
.Ltmp10:
0x35c: {  	v26 =	vld [tilespmem:s19+$0xD020];
	(pc) =	sbr.rel @p0 .LBB2_23-.Ltmp10, $4  }
0x35d: {  	v28 =	vld [tilespmem:s19+$0xD030]  }
0x35e: {  	v24 =	vld [tilespmem:s19+$0xD0A0]  }
0x35f: {  	v25 =	vld [tilespmem:s19+$0xD0B0]  }
0x360: {  	s21 =	sadd.s32 $0x1, s21;
	v17 =	vld [tilespmem:s19+$0xD0C0]  }
0x361: {  	v7 =	vadd.f32 v27, v7;
	v9 =	vadd.f32 v29, v9;
	v27 =	vld [tilespmem:s19+$0xD0D0]  }
0x362: {  	v11 =	vadd.f32 v26, v11;
	v26 =	vld [tilespmem:s19+$0xD040];
	v13 =	vadd.f32 v28, v13  }
0x363: {  	v28 =	vld [tilespmem:s19+$0xD050];
	v7 =	vadd.f32 v22, v7;
	v9 =	vadd.f32 v23, v9  }
0x364: {  	v22 =	vld [tilespmem:s19+$0xD060];
	v11 =	vadd.f32 v24, v11;
	v13 =	vadd.f32 v25, v13  }
0x365: {  	v23 =	vld [tilespmem:s19+$0xD070];
	v7 =	vadd.f32 v19, v7;
	v9 =	vadd.f32 v21, v9  }
0x366: {  	v19 =	vld [tilespmem:s19+$0xD0E0];
	v11 =	vadd.f32 v18, v11;
	v13 =	vadd.f32 v20, v13  }
0x367: {  	v18 =	vld [tilespmem:s19+$0xD0F0];
	v3 =	vadd.f32 v26, v3;
	v7 =	vadd.f32 v12, v7  }
0x368: {  	v9 =	vadd.f32 v15, v9;
	v12 =	vld [tilespmem:s19+$0xD160];
	v11 =	vadd.f32 v14, v11  }
0x369: {  	v6 =	vadd.f32 v28, v6;
	v14 =	vld [tilespmem:s19+$0xD170];
	v13 =	vadd.f32 v16, v13  }
0x36a: {  	v15 =	vld [tilespmem:s19+$0xD1E0];
	v4 =	vadd.f32 v22, v4;
	v3 =	vadd.f32 v17, v3  }
0x36b: {  	v5 =	vadd.f32 v23, v5;
	v16 =	vld [tilespmem:s19+$0xD1F0];
	v6 =	vadd.f32 v27, v6  }
0x36c: {  	[tilespmem:$0x18200] =	vst v7;
	v7 =	vld [tilespmem:$0x18280];
	v4 =	vadd.f32 v19, v4;
	v3 =	vadd.f32 v10, v3  }
0x36d: {  	[tilespmem:$0x18220] =	vst v11;
	v11 =	vld [tilespmem:$0x182A0];
	v5 =	vadd.f32 v18, v5;
	v6 =	vadd.f32 v8, v6  }
0x36e: {  	[tilespmem:$0x18230] =	vst v13;
	v13 =	vld [tilespmem:$0x182B0];
	v4 =	vadd.f32 v12, v4;
	v1 =	vadd.f32 v1, v3  }
0x36f: {  	s31 =	simm.s32 $0x0;
	[tilespmem:$0x18210] =	vst v9;
	v8 =	vld [tilespmem:$0x18290];
	v5 =	vadd.f32 v14, v5;
	v2 =	vadd.f32 v2, v6  }
0x370: {  	s19 =	smul.u32 $0x6000, s31;
	v3 =	vld [tilespmem:$0x182C0];
	v4 =	vadd.f32 v15, v4;
	[tilespmem:$0x18240] =	vst v1  }
0x371: {  	s20 =	simm.s32 $0x0;
	v6 =	vld [tilespmem:$0x182D0];
	v1 =	vadd.f32 v16, v5;
	[tilespmem:$0x18250] =	vst v2  }
0x372: {  	s21 =	sand.u32 $0x200, s20;
	s19 =	sshra.s32 s19, $0x2;
	v5 =	vld [tilespmem:$0x182F0];
	[tilespmem:$0x18260] =	vst v4  }
0x373: {  	s19 =	sor.u32 s21, s19;
	v4 =	vld [tilespmem:$0x182E0];
	[tilespmem:$0x18270] =	vst v1  }
0x374: {  	v12 =	vld [tilespmem:s19+$0xD580]  }
0x375: {  	v15 =	vld [tilespmem:s19+$0xD590]  }
0x376: {  	v14 =	vld [tilespmem:s19+$0xD5A0]  }
0x377: {  	v16 =	vld [tilespmem:s19+$0xD5B0]  }
0x378: {  	v1 =	vld [tilespmem:s19+$0xD5C0]  }
0x379: {  	v2 =	vld [tilespmem:s19+$0xD5D0]  }
0x37a: {  	v19 =	vld [tilespmem:s19+$0xD500]  }
0x37b: {  	v21 =	vld [tilespmem:s19+$0xD510]  }
0x37c: {  	v18 =	vld [tilespmem:s19+$0xD520]  }
0x37d: {  	v20 =	vld [tilespmem:s19+$0xD530]  }
0x37e: {  	v10 =	vld [tilespmem:s19+$0xD540]  }
0x37f: {  	v9 =	vld [tilespmem:s19+$0xD550]  }
0x380: {  	v22 =	vld [tilespmem:s19+$0xD480]  }
0x381: {  	v23 =	vld [tilespmem:s19+$0xD490]  }
0x382: {  	v27 =	vld [tilespmem:s19+$0xD400]  }
0x383: {  	v29 =	vld [tilespmem:s19+$0xD410]  }
0x384: {  	v26 =	vld [tilespmem:s19+$0xD420]  }
0x385: {  	v28 =	vld [tilespmem:s19+$0xD430]  }
0x386: {  	v24 =	vld [tilespmem:s19+$0xD4A0]  }
0x387: {  	v25 =	vld [tilespmem:s19+$0xD4B0]  }
0x388: {  	s21 =	simm.s32 $0x1;
	v17 =	vld [tilespmem:s19+$0xD4C0]  }
.LBB2_25:
0x389: {  	p0 =	sne.s32 s21, $0xF;
	v7 =	vadd.f32 v27, v7;
	v8 =	vadd.f32 v29, v8;
	v27 =	vld [tilespmem:s19+$0xD4D0]  }
0x38a: {  	v11 =	vadd.f32 v26, v11;
	v13 =	vadd.f32 v28, v13;
	v26 =	vld [tilespmem:s19+$0xD440]  }
0x38b: {  	v28 =	vld [tilespmem:s19+$0xD450];
	v7 =	vadd.f32 v22, v7;
	v8 =	vadd.f32 v23, v8  }
0x38c: {  	v11 =	vadd.f32 v24, v11;
	v22 =	vld [tilespmem:s19+$0xD460];
	v13 =	vadd.f32 v25, v13  }
0x38d: {  	v23 =	vld [tilespmem:s19+$0xD470];
	v7 =	vadd.f32 v19, v7;
	v8 =	vadd.f32 v21, v8  }
0x38e: {  	v11 =	vadd.f32 v18, v11;
	v19 =	vld [tilespmem:s19+$0xD4E0];
	v13 =	vadd.f32 v20, v13  }
0x38f: {  	s22 =	sshrl.u32 s21, $0x1;
	v18 =	vld [tilespmem:s19+$0xD4F0];
	v7 =	vadd.f32 v12, v7;
	v8 =	vadd.f32 v15, v8  }
0x390: {  	s22 =	smul.u32 $0x6000, s22;
	v11 =	vadd.f32 v14, v11;
	v20 =	vld [tilespmem:s19+$0xD560];
	v13 =	vadd.f32 v16, v13  }
0x391: {  	s20 =	sadd.s32 $0x200, s20;
	v3 =	vadd.f32 v26, v3;
	v6 =	vadd.f32 v28, v6;
	v16 =	vld [tilespmem:s19+$0xD570]  }
0x392: {  	s23 =	sand.u32 $0x200, s20;
	s22 =	sshra.s32 s22, $0x2;
	v4 =	vadd.f32 v22, v4;
	v5 =	vadd.f32 v23, v5;
	v21 =	vld [tilespmem:s19+$0xD5E0]  }
0x393: {  	v3 =	vadd.f32 v17, v3;
	v6 =	vadd.f32 v27, v6;
	v17 =	vld [tilespmem:s19+$0xD5F0];
	s19 =	sor.u32 s23, s22  }
0x394: {  	v4 =	vadd.f32 v19, v4;
	v12 =	vld [tilespmem:s19+$0xD580];
	v5 =	vadd.f32 v18, v5  }
0x395: {  	v3 =	vadd.f32 v10, v3;
	v6 =	vadd.f32 v9, v6;
	v15 =	vld [tilespmem:s19+$0xD590]  }
0x396: {  	v4 =	vadd.f32 v20, v4;
	v14 =	vld [tilespmem:s19+$0xD5A0];
	v5 =	vadd.f32 v16, v5  }
0x397: {  	v3 =	vadd.f32 v1, v3;
	v6 =	vadd.f32 v2, v6;
	v16 =	vld [tilespmem:s19+$0xD5B0]  }
0x398: {  	v4 =	vadd.f32 v21, v4;
	v1 =	vld [tilespmem:s19+$0xD5C0];
	v5 =	vadd.f32 v17, v5  }
0x399: {  	v2 =	vld [tilespmem:s19+$0xD5D0]  }
0x39a: {  	v19 =	vld [tilespmem:s19+$0xD500]  }
0x39b: {  	v21 =	vld [tilespmem:s19+$0xD510]  }
0x39c: {  	v18 =	vld [tilespmem:s19+$0xD520]  }
0x39d: {  	v20 =	vld [tilespmem:s19+$0xD530]  }
0x39e: {  	v10 =	vld [tilespmem:s19+$0xD540]  }
0x39f: {  	v9 =	vld [tilespmem:s19+$0xD550]  }
0x3a0: {  	v22 =	vld [tilespmem:s19+$0xD480]  }
0x3a1: {  	v23 =	vld [tilespmem:s19+$0xD490]  }
0x3a2: {  	v27 =	vld [tilespmem:s19+$0xD400]  }
0x3a3: {  	v29 =	vld [tilespmem:s19+$0xD410]  }
.Ltmp11:
0x3a4: {  	v26 =	vld [tilespmem:s19+$0xD420];
	(pc) =	sbr.rel @p0 .LBB2_25-.Ltmp11, $4  }
0x3a5: {  	v28 =	vld [tilespmem:s19+$0xD430]  }
0x3a6: {  	v24 =	vld [tilespmem:s19+$0xD4A0]  }
0x3a7: {  	v25 =	vld [tilespmem:s19+$0xD4B0]  }
0x3a8: {  	s21 =	sadd.s32 $0x1, s21;
	v17 =	vld [tilespmem:s19+$0xD4C0]  }
0x3a9: {  	v54 =	vld [tilespmem:s19+$0xD440]  }
0x3aa: {  	v7 =	vadd.f32 v27, v7;
	v8 =	vadd.f32 v29, v8;
	v55 =	vld [tilespmem:s19+$0xD450]  }
0x3ab: {  	v11 =	vadd.f32 v26, v11;
	v56 =	vld [tilespmem:s19+$0xD460];
	v13 =	vadd.f32 v28, v13  }
0x3ac: {  	v57 =	vld [tilespmem:s19+$0xD470];
	v7 =	vadd.f32 v22, v7;
	v8 =	vadd.f32 v23, v8  }
0x3ad: {  	v11 =	vadd.f32 v24, v11;
	v13 =	vadd.f32 v25, v13  }
0x3ae: {  	v7 =	vadd.f32 v19, v7;
	v8 =	vadd.f32 v21, v8  }
0x3af: {  	v53 =	vld [tilespmem:s19+$0xD4D0];
	v11 =	vadd.f32 v18, v11;
	v13 =	vadd.f32 v20, v13  }
0x3b0: {  	v58 =	vld [tilespmem:s19+$0xD4E0];
	v3 =	vadd.f32 v54, v3;
	v6 =	vadd.f32 v55, v6  }
0x3b1: {  	v59 =	vld [tilespmem:s19+$0xD4F0];
	v4 =	vadd.f32 v56, v4;
	v5 =	vadd.f32 v57, v5  }
0x3b2: {  	v60 =	vld [tilespmem:s19+$0xD560];
	v7 =	vadd.f32 v12, v7;
	v8 =	vadd.f32 v15, v8  }
0x3b3: {  	v61 =	vld [tilespmem:s19+$0xD570];
	v11 =	vadd.f32 v14, v11;
	v3 =	vadd.f32 v17, v3  }
0x3b4: {  	v62 =	vld [tilespmem:s19+$0xD5E0];
	v13 =	vadd.f32 v16, v13;
	v6 =	vadd.f32 v53, v6  }
0x3b5: {  	v63 =	vld [tilespmem:s19+$0xD5F0];
	v4 =	vadd.f32 v58, v4;
	[tilespmem:$0x18280] =	vst v7;
	v3 =	vadd.f32 v10, v3  }
0x3b6: {  	s18 =	sadd.s32 $0x1, s18;
	v5 =	vadd.f32 v59, v5;
	[tilespmem:$0x18290] =	vst v8;
	v6 =	vadd.f32 v9, v6  }
0x3b7: {  	p0 =	sne.s32 s18, $0x8;
	[tilespmem:$0x182A0] =	vst v11;
	v4 =	vadd.f32 v60, v4;
	v1 =	vadd.f32 v1, v3  }
.Ltmp12:
0x3b8: {  	[tilespmem:$0x182B0] =	vst v13;
	v3 =	vadd.f32 v61, v5;
	v2 =	vadd.f32 v2, v6;
	(pc) =	sbr.rel @p0 .LBB2_2-.Ltmp12, $4  }
0x3b9: {  	v4 =	vadd.f32 v62, v4;
	[tilespmem:$0x182C0] =	vst v1  }
0x3ba: {  	v1 =	vadd.f32 v63, v3;
	[tilespmem:$0x182D0] =	vst v2  }
0x3bb: {  	[tilespmem:$0x182E0] =	vst v4  }
0x3bc: {  	[tilespmem:$0x182F0] =	vst v1  }
0x3bd: {  	s17 =	sadd.s32 $0x1, s17  }
0x3be: {  	p0 =	sne.s32 s17, s8  }
.Ltmp13:
0x3bf: {  	_ = 	snop;
	(pc) =	sbr.rel @p0 .LBB2_1-.Ltmp13, $4  }
0x3c0: {  	[hbm4b:s7+s13] =	stream.strided.scatter [tilespmem:s15], [sflag:$0x3], $0x300, s14, s13, $0x38;
	[tilespmem:$0x18300] =	vst v63  }
0x3c1: {  	_ =	swait.ge [sflag:s16], $0x300  }
0x3c2: {  	[sflag:s16] =	ssyncset.done $0x0  }
0x3c3: {  	[sflag:s16] =	ssyncadd.s32 $0xFFFFFD00  }
0x3c4: {  	_ =	sfence.sel $0x180000  }
0x3c5: {  	[bflag:$0x0] =	sbarrier.arrive $0xFFFF  }
0x3c6: {  	p0 =	sne.s32 s0, $0x0;
	_ =	strace $0x90000047  }
0x3c7: {  	s0 =	sadd.s32 @!p0 $0x100000, s1;
	[bflag:$0x2] =	sbarrier.arrive $0xFFFF  }
0x3c8: {  	[sflag:s0] =	ssyncadd.tile.s32 @!p0 $0x1;
	_ =	shalt  }
.Lfunc_end2:
_tile_overlayer_lowered:
.L_overlay_start_2:
0x3c9: {  	(tag) =	ssettag $0x2  }
0x3ca: {  	s0 =	rddreg [dreg:$0x0];
	s2 =	stileid.u32  }
0x3cb: {  	s1 =	rddreg [dreg:$0x1];
	p0 =	sne.s32 s2, $0x0  }
0x3cc: {  	s3 =	rddreg [dreg:$0x2];
	[bflag:$0x3] =	sbarrier.arrive $0xFFFF;
	s2 =	simm.s32 @!p0 $0x1C03  }
0x3cd: {  	[timem:s3], [sflag:s2] =	dma.local @!p0 [hbm:s0], s1  }
0x3ce: {  	s0 =	simm.s32 @!p0 $0x3  }
0x3cf: {  	_ =	swait.ge @!p0 [sflag:s0], s1  }
0x3d0: {  	s1 =	ssub.s32 @!p0 $0x0, s1;
	[sflag:s0] =	ssyncset.done @!p0 $0x0  }
0x3d1: {  	[sflag:s0] =	ssyncadd.s32 @!p0 s1  }
0x3d2: {  	[bflag:$0x3] =	sbarrier.arrive $0xFFFF  }
0x3d3: {  	_ =	shalt  }

</sc_bundles>
